<compile_context>
chip_gen: v7x
topology: tpu7x:2x2x1
jax: 0.10.2.dev20260603
libtpu: 0.0.44.dev20260713+nightly
codegen_flags: <defaults>
</compile_context>

<pallas_src>
import functools

import jax
import jax.numpy as jnp
from jax import lax
from jax.experimental import pallas as pl
from jax.experimental.pallas import tpu as pltpu
from jax.experimental.pallas import tpu_sc as plsc

_N = 10000
_E = 320000
_NC, _NS, _L = 2, 16, 16
_NW = _NC * _NS
_B = 128
_KB = 8
_TB = 80
_E_PAD = _NW * _TB * _B
_NPAD = 10016
_RPS = _N // _NS
_RB = 5000
_G = _N // _RB

_mesh = plsc.VectorSubcoreMesh(core_axis_name="c", subcore_axis_name="s",
                               num_cores=_NC, num_subcores=_NS)
_sc_params = pltpu.CompilerParams(needs_layout_passes=False,
                                  use_tc_tiling_on_sc=False,
                                  skip_device_barrier=True)


@functools.partial(
    pl.kernel,
    out_type=jax.ShapeDtypeStruct((_NW, _N), jnp.float32),
    mesh=_mesh,
    scratch_types=[
        pltpu.VMEM((_NPAD,), jnp.float32),
        pltpu.VMEM((_KB, _B), jnp.int32),
        pltpu.VMEM((_KB, _B), jnp.int32),
        pltpu.SemaphoreType.DMA,
        pltpu.SemaphoreType.DMA,
    ],
    compiler_params=_sc_params,
)
def _deg_sc(dst2d, out, hist, buf0, buf1, isem0, isem1):
    bufs, isems = [buf0, buf1], [isem0, isem1]
    c = lax.axis_index("c")
    s = lax.axis_index("s")
    wid = c * _NS + s
    base = wid * _TB
    nch = _TB // _KB
    zeros16 = jnp.zeros((_L,), jnp.float32)
    ones16 = jnp.ones((_L,), jnp.float32)

    for b in range(2):
        pltpu.async_copy(dst2d.at[pl.ds(base + b * _KB, _KB)], bufs[b],
                         isems[b])

    @pl.loop(0, _NPAD // _L)
    def _zero(i):
        hist[pl.ds(i * _L, _L)] = zeros16

    @pl.loop(0, nch // 2, unroll=1)
    def _chunk(i):
        ch0 = i * 2
        for b in range(2):
            pltpu.make_async_copy(dst2d.at[pl.ds(0, _KB)], bufs[b],
                                  isems[b]).wait()
            for j in range(_KB):
                for v in range(_B // _L):
                    idx = bufs[b][j, pl.ds(v * _L, _L)]
                    plsc.addupdate_scatter(hist, [idx], ones16)

            @pl.when(ch0 + b + 2 < nch)
            def _pref():
                row = base + (ch0 + b + 2) * _KB
                pltpu.async_copy(dst2d.at[pl.ds(row, _KB)], bufs[b], isems[b])

    pltpu.sync_copy(hist.at[pl.ds(0, _N)], out.at[wid])


def _make_agg(d, dtype):
    @functools.partial(
        pl.kernel,
        out_type=jax.ShapeDtypeStruct((_NC, _N, d), dtype),
        mesh=_mesh,
        scratch_types=[
            pltpu.VMEM((_KB, _B), jnp.int32),
            pltpu.VMEM((_KB, _B), jnp.int32),
            pltpu.VMEM((_KB, _B), jnp.int32),
            pltpu.VMEM((_KB, _B), jnp.int32),
            pltpu.VMEM((_KB, _B, d), dtype),
            pltpu.VMEM((_KB, _B, d), dtype),
            pltpu.VMEM_SHARED((_NPAD, d), dtype),
            pltpu.VMEM_SHARED((_N, d), dtype),
            pltpu.SemaphoreType.DMA,
            pltpu.SemaphoreType.DMA,
            pltpu.SemaphoreType.DMA,
            pltpu.SemaphoreType.DMA,
            pltpu.SemaphoreType.DMA,
            pltpu.SemaphoreType.DMA,
        ],
        compiler_params=_sc_params,
    )
    def _agg(table, src2d, dst2d, zeros, out, s0, s1, d0, d1, r0, r1, acc,
             tab_s, is0, is1, gs0, gs1, ss0, ss1):
        sb, db, rb = [s0, s1], [d0, d1], [r0, r1]
        isem, gsem, ssem = [is0, is1], [gs0, gs1], [ss0, ss1]
        c = lax.axis_index("c")
        s = lax.axis_index("s")
        base = (c * _NS + s) * _TB
        nch = _TB // _KB

        for b in range(2):
            row = base + b * _KB
            pltpu.async_copy(src2d.at[pl.ds(row, _KB)], sb[b], isem[b])
            pltpu.async_copy(dst2d.at[pl.ds(row, _KB)], db[b], isem[b])
        pltpu.sync_copy(zeros.at[pl.ds(s * _RPS, _RPS)],
                        acc.at[pl.ds(s * _RPS, _RPS)])
        pltpu.sync_copy(table.at[pl.ds(s * _RPS, _RPS)],
                        tab_s.at[pl.ds(s * _RPS, _RPS)])
        plsc.subcore_barrier()

        @pl.loop(0, nch // 2, unroll=1)
        def _chunk(i):
            ch0 = i * 2
            gets = [None, None]
            puts = [None, None]
            for b in range(2):
                pltpu.make_async_copy(src2d.at[pl.ds(0, _KB)], sb[b],
                                      isem[b]).wait()
                pltpu.make_async_copy(dst2d.at[pl.ds(0, _KB)], db[b],
                                      isem[b]).wait()
                gets[b] = [pltpu.async_copy(tab_s.at[sb[b].at[j]],
                                            rb[b].at[j], gsem[b])
                           for j in range(_KB)]
            for b in range(2):
                for g in gets[b]:
                    g.wait()
                puts[b] = [pltpu.async_copy(rb[b].at[j],
                                            acc.at[db[b].at[j]], ssem[b],
                                            add=True)
                           for j in range(_KB)]
            for b in range(2):
                for p in puts[b]:
                    p.wait()

                @pl.when(ch0 + b + 2 < nch)
                def _pref():
                    row = base + (ch0 + b + 2) * _KB
                    pltpu.async_copy(src2d.at[pl.ds(row, _KB)], sb[b],
                                     isem[b])
                    pltpu.async_copy(dst2d.at[pl.ds(row, _KB)], db[b],
                                     isem[b])

        plsc.subcore_barrier()
        pltpu.sync_copy(acc.at[pl.ds(s * _RPS, _RPS)],
                        out.at[c, pl.ds(s * _RPS, _RPS)])

    return _agg


_agg32 = _make_agg(32, jnp.bfloat16)
_agg16 = _make_agg(16, jnp.bfloat16)


def _tc1_body(xb, w1, partb, h1s_out, dinv_out):
    deg = jnp.sum(partb[...], axis=1, keepdims=True) + 1.0
    dinv = lax.rsqrt(deg)
    h1 = jnp.dot(xb[...], w1[...], preferred_element_type=jnp.float32)
    h1s_out[...] = (h1 * dinv).astype(h1s_out.dtype)
    dinv_out[...] = dinv


def _tc2_body(p0, p1, h1s, dinv, b1, w2, out):
    agg = (p0[...].astype(jnp.float32) + p1[...].astype(jnp.float32)
           + h1s[...].astype(jnp.float32))
    z = agg * dinv[...] + b1[...]
    z = jnp.maximum(z, 0.0)
    h2 = jnp.dot(z, w2[...], preferred_element_type=jnp.float32)
    out[...] = (h2 * dinv[...]).astype(out.dtype)


def _tc3_body(q0, q1, h2s, dinv, b2, out):
    agg = (q0[...].astype(jnp.float32) + q1[...].astype(jnp.float32)
           + h2s[...].astype(jnp.float32))
    z = agg * dinv[...] + b2[...]
    m = jnp.max(z, axis=1, keepdims=True)
    lse = jnp.log(jnp.sum(jnp.exp(z - m), axis=1, keepdims=True)) + m
    out[...] = z - lse


def _row_spec(d):
    return pl.BlockSpec((_RB, d), lambda i: (i, 0))


def _full_spec(r, d):
    return pl.BlockSpec((r, d), lambda i: (0, 0))


def kernel(x, edge_index, W1, b1, W2, b2):
    ei = edge_index.astype(jnp.int32)
    src, dst = ei[0], ei[1]
    npad = _E_PAD - _E
    src2d = jnp.concatenate([src, jnp.zeros((npad,), jnp.int32)])
    src2d = src2d.reshape(_E_PAD // _B, _B)
    dst2d = jnp.concatenate([dst, jnp.full((npad,), _N, jnp.int32)])
    dst2d = dst2d.reshape(_E_PAD // _B, _B)
    zeros32 = jnp.zeros((_N, 32), jnp.bfloat16)
    zeros16 = jnp.zeros((_N, 16), jnp.bfloat16)

    part = _deg_sc(dst2d)
    part_t = part.T

    h1s, dinv = pl.pallas_call(
        _tc1_body,
        grid=(_G,),
        in_specs=[_row_spec(128), _full_spec(128, 32), _row_spec(_NW)],
        out_specs=[_row_spec(32), _row_spec(1)],
        out_shape=[jax.ShapeDtypeStruct((_N, 32), jnp.bfloat16),
                   jax.ShapeDtypeStruct((_N, 1), jnp.float32)],
    )(x, W1, part_t)

    agg1 = _agg32(h1s, src2d, dst2d, zeros32)

    h2s = pl.pallas_call(
        _tc2_body,
        grid=(_G,),
        in_specs=[_row_spec(32), _row_spec(32), _row_spec(32), _row_spec(1),
                  _full_spec(1, 32), _full_spec(32, 16)],
        out_specs=_row_spec(16),
        out_shape=jax.ShapeDtypeStruct((_N, 16), jnp.bfloat16),
    )(agg1[0], agg1[1], h1s, dinv, b1.reshape(1, 32), W2)

    agg2 = _agg16(h2s, src2d, dst2d, zeros16)

    out = pl.pallas_call(
        _tc3_body,
        grid=(_G,),
        in_specs=[_row_spec(16), _row_spec(16), _row_spec(16), _row_spec(1),
                  _full_spec(1, 16)],
        out_specs=_row_spec(16),
        out_shape=jax.ShapeDtypeStruct((_N, 16), jnp.float32),
    )(agg2[0], agg2[1], h2s, dinv, b2.reshape(1, 16))
    return out

# --- scband reference (transcript-rebuilt; emitter-appended) ---
"""Pipeline reference for scband-gcn-77275051590253 (READ-ONLY COPY).

The authoritative reference and input builder live on the scoring server;
editing this copy changes nothing except your own understanding.
"""

import jax, jax.numpy as jnp
import numpy as np

N_NODES = 10000
N_EDGES = 320000
D_IN = 128
D_HID = 32
D_OUT = 16


def setup_inputs(seed: int = 0) -> dict:
    key = jax.random.key(seed)
    k_x, k_e, k_w1, k_w2 = jax.random.split(key, 4)
    x = jax.random.normal(k_x, (N_NODES, D_IN), dtype=jnp.float32)
    edge_index = jax.random.randint(k_e, (2, N_EDGES), 0, N_NODES, dtype=jnp.int64)
    W1 = jax.random.normal(k_w1, (D_IN, D_HID), dtype=jnp.float32) * 0.05
    b1 = jnp.zeros((D_HID,), dtype=jnp.float32)
    W2 = jax.random.normal(k_w2, (D_HID, D_OUT), dtype=jnp.float32) * 0.05
    b2 = jnp.zeros((D_OUT,), dtype=jnp.float32)
    return {"x": x, "edge_index": edge_index, "W1": W1, "b1": b1, "W2": W2, "b2": b2}


def _gcn_conv(x, edge_index, W, b):
    # PyG GCNConv: add self-loops, symmetric normalization D^-1/2 (A+I) D^-1/2, then (A_hat X) W + b
    n = x.shape[0]
    loop = jnp.arange(n, dtype=edge_index.dtype)
    src = jnp.concatenate([edge_index[0], loop])
    dst = jnp.concatenate([edge_index[1], loop])
    ones = jnp.ones(src.shape[0], dtype=x.dtype)
    deg = jax.ops.segment_sum(ones, dst, num_segments=n)
    deg_inv_sqrt = jnp.where(deg > 0, jax.lax.rsqrt(jnp.maximum(deg, 1e-12)), 0.0)
    norm = deg_inv_sqrt[src] * deg_inv_sqrt[dst]
    h = x @ W
    msg = h[src] * norm[:, None]
    out = jax.ops.segment_sum(msg, dst, num_segments=n)
    return out + b


def reference(x, edge_index, W1, b1, W2, b2):
    # layer 1
    h = _gcn_conv(x, edge_index, W1, b1)
    # relu
    h = jax.nn.relu(h)
    # dropout is identity in eval mode
    # layer 2
    h = _gcn_conv(h, edge_index, W2, b2)
    # log_softmax over classes
    out = jax.nn.log_softmax(h, axis=1)
    return out

if __name__ == "__main__":
    import jax
    _d = setup_inputs()
    print(jax.jit(kernel)(*tuple(_d.values())))

</pallas_src>

<mosaic_0001>
#map = affine_map<(d0, d1) -> (0, 0)>
#map1 = affine_map<(d0, d1) -> (0, 0, 0)>
module attributes {stable_mosaic.version = 14 : i64} {
  func.func @_agg(%arg0: i32, %arg1: i32, %arg2: memref<10000x16xbf16, #tpu.memory_space<hbm>>, %arg3: memref<2560x128xi32, #tpu.memory_space<hbm>>, %arg4: memref<2560x128xi32, #tpu.memory_space<hbm>>, %arg5: memref<10000x16xbf16, #tpu.memory_space<hbm>>, %arg6: memref<2x10000x16xbf16, #tpu.memory_space<hbm>>, %arg7: memref<8x128xi32, #tpu.memory_space<vmem>>, %arg8: memref<8x128xi32, #tpu.memory_space<vmem>>, %arg9: memref<8x128xi32, #tpu.memory_space<vmem>>, %arg10: memref<8x128xi32, #tpu.memory_space<vmem>>, %arg11: memref<8x128x16xbf16, #tpu.memory_space<vmem>>, %arg12: memref<8x128x16xbf16, #tpu.memory_space<vmem>>, %arg13: memref<10016x16xbf16, #tpu.memory_space<vmem_shared>>, %arg14: memref<10000x16xbf16, #tpu.memory_space<vmem_shared>>, %arg15: memref<!tpu.dma_semaphore, #tpu.memory_space<semaphore_mem>>, %arg16: memref<!tpu.dma_semaphore, #tpu.memory_space<semaphore_mem>>, %arg17: memref<!tpu.dma_semaphore, #tpu.memory_space<semaphore_mem>>, %arg18: memref<!tpu.dma_semaphore, #tpu.memory_space<semaphore_mem>>, %arg19: memref<!tpu.dma_semaphore, #tpu.memory_space<semaphore_mem>>, %arg20: memref<!tpu.dma_semaphore, #tpu.memory_space<semaphore_mem>>) attributes {dimension_semantics = [#tpu.dimension_semantics<core_parallel>, #tpu.dimension_semantics<subcore_parallel>], iteration_bounds = array<i64: 2, 16>, scalar_prefetch = 0 : i64, scratch_operands = 14 : i64, tpu.core_type = #tpu.core_type<sc_vector_subcore>, window_params = [{transform_indices = #map}, {transform_indices = #map}, {transform_indices = #map}, {transform_indices = #map}, {transform_indices = #map1}]} {
    %mul3A = arith.constant 16 : i32
    %mul3A_0 = arith.muli %arg0, %mul3A : i32
    %add3A = arith.addi %mul3A_0, %arg1 : i32
    %mul3A_1 = arith.constant 80 : i32
    %mul3A_2 = arith.muli %add3A, %mul3A_1 : i32
    %add3A_3 = arith.constant 0 : i32
    %add3A_4 = arith.addi %mul3A_2, %add3A_3 : i32
    %dma_start3A = arith.constant 0 : i32
    %dma_start3A_5 = tpu.memref_slice %arg3[%add3A_4, %dma_start3A] : memref<2560x128xi32, #tpu.memory_space<hbm>> -> memref<8x128xi32, #tpu.memory_space<hbm>>
    %dma_start3A_6 = arith.constant 0 : i32
    %dma_start3A_7 = tpu.memref_slice %arg3[%add3A_4, %dma_start3A_6] : memref<2560x128xi32, #tpu.memory_space<hbm>> -> memref<8x128xi32, #tpu.memory_space<hbm>>
    tpu.enqueue_dma source(%dma_start3A_7 : memref<8x128xi32, #tpu.memory_space<hbm>>) target(%arg7 : memref<8x128xi32, #tpu.memory_space<vmem>>) target_semaphore(%arg15 : memref<!tpu.dma_semaphore, #tpu.memory_space<semaphore_mem>>)
    %dma_start3A_8 = arith.constant 0 : i32
    %dma_start3A_9 = tpu.memref_slice %arg4[%add3A_4, %dma_start3A_8] : memref<2560x128xi32, #tpu.memory_space<hbm>> -> memref<8x128xi32, #tpu.memory_space<hbm>>
    %dma_start3A_10 = arith.constant 0 : i32
    %dma_start3A_11 = tpu.memref_slice %arg4[%add3A_4, %dma_start3A_10] : memref<2560x128xi32, #tpu.memory_space<hbm>> -> memref<8x128xi32, #tpu.memory_space<hbm>>
    tpu.enqueue_dma source(%dma_start3A_11 : memref<8x128xi32, #tpu.memory_space<hbm>>) target(%arg9 : memref<8x128xi32, #tpu.memory_space<vmem>>) target_semaphore(%arg15 : memref<!tpu.dma_semaphore, #tpu.memory_space<semaphore_mem>>)
    %add3A_12 = arith.constant 8 : i32
    %add3A_13 = arith.addi %mul3A_2, %add3A_12 : i32
    %dma_start3A_14 = arith.constant 0 : i32
    %dma_start3A_15 = tpu.memref_slice %arg3[%add3A_13, %dma_start3A_14] : memref<2560x128xi32, #tpu.memory_space<hbm>> -> memref<8x128xi32, #tpu.memory_space<hbm>>
    %dma_start3A_16 = arith.constant 0 : i32
    %dma_start3A_17 = tpu.memref_slice %arg3[%add3A_13, %dma_start3A_16] : memref<2560x128xi32, #tpu.memory_space<hbm>> -> memref<8x128xi32, #tpu.memory_space<hbm>>
    tpu.enqueue_dma source(%dma_start3A_17 : memref<8x128xi32, #tpu.memory_space<hbm>>) target(%arg8 : memref<8x128xi32, #tpu.memory_space<vmem>>) target_semaphore(%arg16 : memref<!tpu.dma_semaphore, #tpu.memory_space<semaphore_mem>>)
    %dma_start3A_18 = arith.constant 0 : i32
    %dma_start3A_19 = tpu.memref_slice %arg4[%add3A_13, %dma_start3A_18] : memref<2560x128xi32, #tpu.memory_space<hbm>> -> memref<8x128xi32, #tpu.memory_space<hbm>>
    %dma_start3A_20 = arith.constant 0 : i32
    %dma_start3A_21 = tpu.memref_slice %arg4[%add3A_13, %dma_start3A_20] : memref<2560x128xi32, #tpu.memory_space<hbm>> -> memref<8x128xi32, #tpu.memory_space<hbm>>
    tpu.enqueue_dma source(%dma_start3A_21 : memref<8x128xi32, #tpu.memory_space<hbm>>) target(%arg10 : memref<8x128xi32, #tpu.memory_space<vmem>>) target_semaphore(%arg16 : memref<!tpu.dma_semaphore, #tpu.memory_space<semaphore_mem>>)
    %mul3A_22 = arith.constant 625 : i32
    %mul3A_23 = arith.muli %arg1, %mul3A_22 : i32
    %mul3A_24 = arith.constant 625 : i32
    %mul3A_25 = arith.muli %arg1, %mul3A_24 : i32
    "tpu.region"() ({
      %run_scoped3A = tpu.sem_alloc : memref<!tpu.dma_semaphore, #tpu.memory_space<semaphore_mem>>
      %dma_start3A_39 = arith.constant 0 : i32
      %dma_start3A_40 = tpu.memref_slice %arg13[%mul3A_25, %dma_start3A_39] : memref<10016x16xbf16, #tpu.memory_space<vmem_shared>> -> memref<625x16xbf16, #tpu.memory_space<vmem_shared>>
      %dma_start3A_41 = arith.constant 0 : i32
      %dma_start3A_42 = tpu.memref_slice %arg5[%mul3A_23, %dma_start3A_41] : memref<10000x16xbf16, #tpu.memory_space<hbm>> -> memref<625x16xbf16, #tpu.memory_space<hbm>>
      tpu.enqueue_dma source(%dma_start3A_42 : memref<625x16xbf16, #tpu.memory_space<hbm>>) target(%dma_start3A_40 : memref<625x16xbf16, #tpu.memory_space<vmem_shared>>) target_semaphore(%run_scoped3A : memref<!tpu.dma_semaphore, #tpu.memory_space<semaphore_mem>>)
      %dma_wait3A = arith.constant 0 : i32
      %dma_wait3A_43 = tpu.memref_slice %arg13[%mul3A_25, %dma_wait3A] : memref<10016x16xbf16, #tpu.memory_space<vmem_shared>> -> memref<625x16xbf16, #tpu.memory_space<vmem_shared>>
      %dma_wait3A_44 = arith.constant 0 : i32
      %dma_wait3A_45 = tpu.memref_slice %arg5[%mul3A_23, %dma_wait3A_44] : memref<10000x16xbf16, #tpu.memory_space<hbm>> -> memref<625x16xbf16, #tpu.memory_space<hbm>>
      tpu.wait_dma2 semaphore(%run_scoped3A : memref<!tpu.dma_semaphore, #tpu.memory_space<semaphore_mem>>) src(%dma_wait3A_45 : memref<625x16xbf16, #tpu.memory_space<hbm>>) dst(%dma_wait3A_43 : memref<625x16xbf16, #tpu.memory_space<vmem_shared>>)
      tpu.yield
    }) : () -> ()
    %mul3A_26 = arith.constant 625 : i32
    %mul3A_27 = arith.muli %arg1, %mul3A_26 : i32
    %mul3A_28 = arith.constant 625 : i32
    %mul3A_29 = arith.muli %arg1, %mul3A_28 : i32
    "tpu.region"() ({
      %run_scoped3A = tpu.sem_alloc : memref<!tpu.dma_semaphore, #tpu.memory_space<semaphore_mem>>
      %dma_start3A_39 = arith.constant 0 : i32
      %dma_start3A_40 = tpu.memref_slice %arg14[%mul3A_29, %dma_start3A_39] : memref<10000x16xbf16, #tpu.memory_space<vmem_shared>> -> memref<625x16xbf16, #tpu.memory_space<vmem_shared>>
      %dma_start3A_41 = arith.constant 0 : i32
      %dma_start3A_42 = tpu.memref_slice %arg2[%mul3A_27, %dma_start3A_41] : memref<10000x16xbf16, #tpu.memory_space<hbm>> -> memref<625x16xbf16, #tpu.memory_space<hbm>>
      tpu.enqueue_dma source(%dma_start3A_42 : memref<625x16xbf16, #tpu.memory_space<hbm>>) target(%dma_start3A_40 : memref<625x16xbf16, #tpu.memory_space<vmem_shared>>) target_semaphore(%run_scoped3A : memref<!tpu.dma_semaphore, #tpu.memory_space<semaphore_mem>>)
      %dma_wait3A = arith.constant 0 : i32
      %dma_wait3A_43 = tpu.memref_slice %arg14[%mul3A_29, %dma_wait3A] : memref<10000x16xbf16, #tpu.memory_space<vmem_shared>> -> memref<625x16xbf16, #tpu.memory_space<vmem_shared>>
      %dma_wait3A_44 = arith.constant 0 : i32
      %dma_wait3A_45 = tpu.memref_slice %arg2[%mul3A_27, %dma_wait3A_44] : memref<10000x16xbf16, #tpu.memory_space<hbm>> -> memref<625x16xbf16, #tpu.memory_space<hbm>>
      tpu.wait_dma2 semaphore(%run_scoped3A : memref<!tpu.dma_semaphore, #tpu.memory_space<semaphore_mem>>) src(%dma_wait3A_45 : memref<625x16xbf16, #tpu.memory_space<hbm>>) dst(%dma_wait3A_43 : memref<625x16xbf16, #tpu.memory_space<vmem_shared>>)
      tpu.yield
    }) : () -> ()
    %barrier3A = arith.constant 0 : index
    tpu.barrier barrier_id(%barrier3A)
    %scan3A = arith.constant 0 : i32
    %scan3A_30 = arith.constant 5 : i32
    %scan3A_31 = arith.addi %scan3A, %scan3A_30 : i32
    %scan3A_32 = arith.constant 1 : i32
    scf.for %scan3A_39 = %scan3A to %scan3A_31 step %scan3A_32  : i32 {
      %mul3A_40 = arith.constant 1 : i32
      %mul3A_41 = arith.muli %scan3A_39, %mul3A_40 : i32
      %add3A_42 = arith.constant 0 : i32
      %add3A_43 = arith.addi %add3A_42, %mul3A_41 : i32
      %mul3A_44 = arith.constant 2 : i32
      %mul3A_45 = arith.muli %add3A_43, %mul3A_44 : i32
      %dma_wait3A = arith.constant 0 : i32
      %dma_wait3A_46 = arith.constant 0 : i32
      %dma_wait3A_47 = tpu.memref_slice %arg3[%dma_wait3A, %dma_wait3A_46] : memref<2560x128xi32, #tpu.memory_space<hbm>> -> memref<8x128xi32, #tpu.memory_space<hbm>>
      %dma_wait3A_48 = arith.constant 0 : i32
      %dma_wait3A_49 = arith.constant 0 : i32
      %dma_wait3A_50 = tpu.memref_slice %arg3[%dma_wait3A_48, %dma_wait3A_49] : memref<2560x128xi32, #tpu.memory_space<hbm>> -> memref<8x128xi32, #tpu.memory_space<hbm>>
      tpu.wait_dma2 semaphore(%arg15 : memref<!tpu.dma_semaphore, #tpu.memory_space<semaphore_mem>>) src(%dma_wait3A_50 : memref<8x128xi32, #tpu.memory_space<hbm>>) dst(%arg7 : memref<8x128xi32, #tpu.memory_space<vmem>>)
      %dma_wait3A_51 = arith.constant 0 : i32
      %dma_wait3A_52 = arith.constant 0 : i32
      %dma_wait3A_53 = tpu.memref_slice %arg4[%dma_wait3A_51, %dma_wait3A_52] : memref<2560x128xi32, #tpu.memory_space<hbm>> -> memref<8x128xi32, #tpu.memory_space<hbm>>
      %dma_wait3A_54 = arith.constant 0 : i32
      %dma_wait3A_55 = arith.constant 0 : i32
      %dma_wait3A_56 = tpu.memref_slice %arg4[%dma_wait3A_54, %dma_wait3A_55] : memref<2560x128xi32, #tpu.memory_space<hbm>> -> memref<8x128xi32, #tpu.memory_space<hbm>>
      tpu.wait_dma2 semaphore(%arg15 : memref<!tpu.dma_semaphore, #tpu.memory_space<semaphore_mem>>) src(%dma_wait3A_56 : memref<8x128xi32, #tpu.memory_space<hbm>>) dst(%arg9 : memref<8x128xi32, #tpu.memory_space<vmem>>)
      %dma_start3A_57 = arith.constant 0 : i32
      %dma_start3A_58 = arith.constant 0 : i32
      %dma_start3A_59 = arith.constant 0 : i32
      %dma_start3A_60 = arith.constant 0 : i32
      %dma_start3A_61 = tpu.memref_slice %arg11[%dma_start3A_58, %dma_start3A_59, %dma_start3A_60] : memref<8x128x16xbf16, #tpu.memory_space<vmem>> -> memref<1x128x16xbf16, #tpu.memory_space<vmem>>
      %dma_start3A_62 = tpu.memref_squeeze %dma_start3A_61 : memref<1x128x16xbf16, #tpu.memory_space<vmem>> -> memref<128x16xbf16, #tpu.memory_space<vmem>>
      %dma_start3A_63 = arith.constant 0 : i32
      %dma_start3A_64 = tpu.memref_slice %arg7[%dma_start3A_57, %dma_start3A_63] : memref<8x128xi32, #tpu.memory_space<vmem>> -> memref<1x128xi32, #tpu.memory_space<vmem>>
      %dma_start3A_65 = tpu.memref_squeeze %dma_start3A_64 : memref<1x128xi32, #tpu.memory_space<vmem>> -> memref<128xi32, #tpu.memory_space<vmem>>
      %dma_start3A_66 = arith.constant 0 : i32
      %dma_start3A_67 = arith.constant 0 : i32
      %dma_start3A_68 = tpu.memref_slice %arg14[%dma_start3A_66, %dma_start3A_67] : memref<10000x16xbf16, #tpu.memory_space<vmem_shared>> -> memref<10000x16xbf16, #tpu.memory_space<vmem_shared>>
      tpu.enqueue_indirect_dma source(%dma_start3A_68 : memref<10000x16xbf16, #tpu.memory_space<vmem_shared>>) target(%dma_start3A_62 : memref<128x16xbf16, #tpu.memory_space<vmem>>) offsets(%dma_start3A_65 : memref<128xi32, #tpu.memory_space<vmem>>) semaphore(%arg17 : memref<!tpu.dma_semaphore, #tpu.memory_space<semaphore_mem>>)
      %dma_start3A_69 = arith.constant 1 : i32
      %dma_start3A_70 = arith.constant 1 : i32
      %dma_start3A_71 = arith.constant 0 : i32
      %dma_start3A_72 = arith.constant 0 : i32
      %dma_start3A_73 = tpu.memref_slice %arg11[%dma_start3A_70, %dma_start3A_71, %dma_start3A_72] : memref<8x128x16xbf16, #tpu.memory_space<vmem>> -> memref<1x128x16xbf16, #tpu.memory_space<vmem>>
      %dma_start3A_74 = tpu.memref_squeeze %dma_start3A_73 : memref<1x128x16xbf16, #tpu.memory_space<vmem>> -> memref<128x16xbf16, #tpu.memory_space<vmem>>
      %dma_start3A_75 = arith.constant 0 : i32
      %dma_start3A_76 = tpu.memref_slice %arg7[%dma_start3A_69, %dma_start3A_75] : memref<8x128xi32, #tpu.memory_space<vmem>> -> memref<1x128xi32, #tpu.memory_space<vmem>>
      %dma_start3A_77 = tpu.memref_squeeze %dma_start3A_76 : memref<1x128xi32, #tpu.memory_space<vmem>> -> memref<128xi32, #tpu.memory_space<vmem>>
      %dma_start3A_78 = arith.constant 0 : i32
      %dma_start3A_79 = arith.constant 0 : i32
      %dma_start3A_80 = tpu.memref_slice %arg14[%dma_start3A_78, %dma_start3A_79] : memref<10000x16xbf16, #tpu.memory_space<vmem_shared>> -> memref<10000x16xbf16, #tpu.memory_space<vmem_shared>>
      tpu.enqueue_indirect_dma source(%dma_start3A_80 : memref<10000x16xbf16, #tpu.memory_space<vmem_shared>>) target(%dma_start3A_74 : memref<128x16xbf16, #tpu.memory_space<vmem>>) offsets(%dma_start3A_77 : memref<128xi32, #tpu.memory_space<vmem>>) semaphore(%arg17 : memref<!tpu.dma_semaphore, #tpu.memory_space<semaphore_mem>>)
      %dma_start3A_81 = arith.constant 2 : i32
      %dma_start3A_82 = arith.constant 2 : i32
      %dma_start3A_83 = arith.constant 0 : i32
      %dma_start3A_84 = arith.constant 0 : i32
      %dma_start3A_85 = tpu.memref_slice %arg11[%dma_start3A_82, %dma_start3A_83, %dma_start3A_84] : memref<8x128x16xbf16, #tpu.memory_space<vmem>> -> memref<1x128x16xbf16, #tpu.memory_space<vmem>>
      %dma_start3A_86 = tpu.memref_squeeze %dma_start3A_85 : memref<1x128x16xbf16, #tpu.memory_space<vmem>> -> memref<128x16xbf16, #tpu.memory_space<vmem>>
      %dma_start3A_87 = arith.constant 0 : i32
      %dma_start3A_88 = tpu.memref_slice %arg7[%dma_start3A_81, %dma_start3A_87] : memref<8x128xi32, #tpu.memory_space<vmem>> -> memref<1x128xi32, #tpu.memory_space<vmem>>
      %dma_start3A_89 = tpu.memref_squeeze %dma_start3A_88 : memref<1x128xi32, #tpu.memory_space<vmem>> -> memref<128xi32, #tpu.memory_space<vmem>>
      %dma_start3A_90 = arith.constant 0 : i32
      %dma_start3A_91 = arith.constant 0 : i32
      %dma_start3A_92 = tpu.memref_slice %arg14[%dma_start3A_90, %dma_start3A_91] : memref<10000x16xbf16, #tpu.memory_space<vmem_shared>> -> memref<10000x16xbf16, #tpu.memory_space<vmem_shared>>
      tpu.enqueue_indirect_dma source(%dma_start3A_92 : memref<10000x16xbf16, #tpu.memory_space<vmem_shared>>) target(%dma_start3A_86 : memref<128x16xbf16, #tpu.memory_space<vmem>>) offsets(%dma_start3A_89 : memref<128xi32, #tpu.memory_space<vmem>>) semaphore(%arg17 : memref<!tpu.dma_semaphore, #tpu.memory_space<semaphore_mem>>)
      %dma_start3A_93 = arith.constant 3 : i32
      %dma_start3A_94 = arith.constant 3 : i32
      %dma_start3A_95 = arith.constant 0 : i32
      %dma_start3A_96 = arith.constant 0 : i32
      %dma_start3A_97 = tpu.memref_slice %arg11[%dma_start3A_94, %dma_start3A_95, %dma_start3A_96] : memref<8x128x16xbf16, #tpu.memory_space<vmem>> -> memref<1x128x16xbf16, #tpu.memory_space<vmem>>
      %dma_start3A_98 = tpu.memref_squeeze %dma_start3A_97 : memref<1x128x16xbf16, #tpu.memory_space<vmem>> -> memref<128x16xbf16, #tpu.memory_space<vmem>>
      %dma_start3A_99 = arith.constant 0 : i32
      %dma_start3A_100 = tpu.memref_slice %arg7[%dma_start3A_93, %dma_start3A_99] : memref<8x128xi32, #tpu.memory_space<vmem>> -> memref<1x128xi32, #tpu.memory_space<vmem>>
      %dma_start3A_101 = tpu.memref_squeeze %dma_start3A_100 : memref<1x128xi32, #tpu.memory_space<vmem>> -> memref<128xi32, #tpu.memory_space<vmem>>
      %dma_start3A_102 = arith.constant 0 : i32
      %dma_start3A_103 = arith.constant 0 : i32
      %dma_start3A_104 = tpu.memref_slice %arg14[%dma_start3A_102, %dma_start3A_103] : memref<10000x16xbf16, #tpu.memory_space<vmem_shared>> -> memref<10000x16xbf16, #tpu.memory_space<vmem_shared>>
      tpu.enqueue_indirect_dma source(%dma_start3A_104 : memref<10000x16xbf16, #tpu.memory_space<vmem_shared>>) target(%dma_start3A_98 : memref<128x16xbf16, #tpu.memory_space<vmem>>) offsets(%dma_start3A_101 : memref<128xi32, #tpu.memory_space<vmem>>) semaphore(%arg17 : memref<!tpu.dma_semaphore, #tpu.memory_space<semaphore_mem>>)
      %dma_start3A_105 = arith.constant 4 : i32
      %dma_start3A_106 = arith.constant 4 : i32
      %dma_start3A_107 = arith.constant 0 : i32
      %dma_start3A_108 = arith.constant 0 : i32
      %dma_start3A_109 = tpu.memref_slice %arg11[%dma_start3A_106, %dma_start3A_107, %dma_start3A_108] : memref<8x128x16xbf16, #tpu.memory_space<vmem>> -> memref<1x128x16xbf16, #tpu.memory_space<vmem>>
      %dma_start3A_110 = tpu.memref_squeeze %dma_start3A_109 : memref<1x128x16xbf16, #tpu.memory_space<vmem>> -> memref<128x16xbf16, #tpu.memory_space<vmem>>
      %dma_start3A_111 = arith.constant 0 : i32
      %dma_start3A_112 = tpu.memref_slice %arg7[%dma_start3A_105, %dma_start3A_111] : memref<8x128xi32, #tpu.memory_space<vmem>> -> memref<1x128xi32, #tpu.memory_space<vmem>>
      %dma_start3A_113 = tpu.memref_squeeze %dma_start3A_112 : memref<1x128xi32, #tpu.memory_space<vmem>> -> memref<128xi32, #tpu.memory_space<vmem>>
      %dma_start3A_114 = arith.constant 0 : i32
      %dma_start3A_115 = arith.constant 0 : i32
      %dma_start3A_116 = tpu.memref_slice %arg14[%dma_start3A_114, %dma_start3A_115] : memref<10000x16xbf16, #tpu.memory_space<vmem_shared>> -> memref<10000x16xbf16, #tpu.memory_space<vmem_shared>>
      tpu.enqueue_indirect_dma source(%dma_start3A_116 : memref<10000x16xbf16, #tpu.memory_space<vmem_shared>>) target(%dma_start3A_110 : memref<128x16xbf16, #tpu.memory_space<vmem>>) offsets(%dma_start3A_113 : memref<128xi32, #tpu.memory_space<vmem>>) semaphore(%arg17 : memref<!tpu.dma_semaphore, #tpu.memory_space<semaphore_mem>>)
      %dma_start3A_117 = arith.constant 5 : i32
      %dma_start3A_118 = arith.constant 5 : i32
      %dma_start3A_119 = arith.constant 0 : i32
      %dma_start3A_120 = arith.constant 0 : i32
      %dma_start3A_121 = tpu.memref_slice %arg11[%dma_start3A_118, %dma_start3A_119, %dma_start3A_120] : memref<8x128x16xbf16, #tpu.memory_space<vmem>> -> memref<1x128x16xbf16, #tpu.memory_space<vmem>>
      %dma_start3A_122 = tpu.memref_squeeze %dma_start3A_121 : memref<1x128x16xbf16, #tpu.memory_space<vmem>> -> memref<128x16xbf16, #tpu.memory_space<vmem>>
      %dma_start3A_123 = arith.constant 0 : i32
      %dma_start3A_124 = tpu.memref_slice %arg7[%dma_start3A_117, %dma_start3A_123] : memref<8x128xi32, #tpu.memory_space<vmem>> -> memref<1x128xi32, #tpu.memory_space<vmem>>
      %dma_start3A_125 = tpu.memref_squeeze %dma_start3A_124 : memref<1x128xi32, #tpu.memory_space<vmem>> -> memref<128xi32, #tpu.memory_space<vmem>>
      %dma_start3A_126 = arith.constant 0 : i32
      %dma_start3A_127 = arith.constant 0 : i32
      %dma_start3A_128 = tpu.memref_slice %arg14[%dma_start3A_126, %dma_start3A_127] : memref<10000x16xbf16, #tpu.memory_space<vmem_shared>> -> memref<10000x16xbf16, #tpu.memory_space<vmem_shared>>
      tpu.enqueue_indirect_dma source(%dma_start3A_128 : memref<10000x16xbf16, #tpu.memory_space<vmem_shared>>) target(%dma_start3A_122 : memref<128x16xbf16, #tpu.memory_space<vmem>>) offsets(%dma_start3A_125 : memref<128xi32, #tpu.memory_space<vmem>>) semaphore(%arg17 : memref<!tpu.dma_semaphore, #tpu.memory_space<semaphore_mem>>)
      %dma_start3A_129 = arith.constant 6 : i32
      %dma_start3A_130 = arith.constant 6 : i32
      %dma_start3A_131 = arith.constant 0 : i32
      %dma_start3A_132 = arith.constant 0 : i32
      %dma_start3A_133 = tpu.memref_slice %arg11[%dma_start3A_130, %dma_start3A_131, %dma_start3A_132] : memref<8x128x16xbf16, #tpu.memory_space<vmem>> -> memref<1x128x16xbf16, #tpu.memory_space<vmem>>
      %dma_start3A_134 = tpu.memref_squeeze %dma_start3A_133 : memref<1x128x16xbf16, #tpu.memory_space<vmem>> -> memref<128x16xbf16, #tpu.memory_space<vmem>>
      %dma_start3A_135 = arith.constant 0 : i32
      %dma_start3A_136 = tpu.memref_slice %arg7[%dma_start3A_129, %dma_start3A_135] : memref<8x128xi32, #tpu.memory_space<vmem>> -> memref<1x128xi32, #tpu.memory_space<vmem>>
      %dma_start3A_137 = tpu.memref_squeeze %dma_start3A_136 : memref<1x128xi32, #tpu.memory_space<vmem>> -> memref<128xi32, #tpu.memory_space<vmem>>
      %dma_start3A_138 = arith.constant 0 : i32
      %dma_start3A_139 = arith.constant 0 : i32
      %dma_start3A_140 = tpu.memref_slice %arg14[%dma_start3A_138, %dma_start3A_139] : memref<10000x16xbf16, #tpu.memory_space<vmem_shared>> -> memref<10000x16xbf16, #tpu.memory_space<vmem_shared>>
      tpu.enqueue_indirect_dma source(%dma_start3A_140 : memref<10000x16xbf16, #tpu.memory_space<vmem_shared>>) target(%dma_start3A_134 : memref<128x16xbf16, #tpu.memory_space<vmem>>) offsets(%dma_start3A_137 : memref<128xi32, #tpu.memory_space<vmem>>) semaphore(%arg17 : memref<!tpu.dma_semaphore, #tpu.memory_space<semaphore_mem>>)
      %dma_start3A_141 = arith.constant 7 : i32
      %dma_start3A_142 = arith.constant 7 : i32
      %dma_start3A_143 = arith.constant 0 : i32
      %dma_start3A_144 = arith.constant 0 : i32
      %dma_start3A_145 = tpu.memref_slice %arg11[%dma_start3A_142, %dma_start3A_143, %dma_start3A_144] : memref<8x128x16xbf16, #tpu.memory_space<vmem>> -> memref<1x128x16xbf16, #tpu.memory_space<vmem>>
      %dma_start3A_146 = tpu.memref_squeeze %dma_start3A_145 : memref<1x128x16xbf16, #tpu.memory_space<vmem>> -> memref<128x16xbf16, #tpu.memory_space<vmem>>
      %dma_start3A_147 = arith.constant 0 : i32
      %dma_start3A_148 = tpu.memref_slice %arg7[%dma_start3A_141, %dma_start3A_147] : memref<8x128xi32, #tpu.memory_space<vmem>> -> memref<1x128xi32, #tpu.memory_space<vmem>>
      %dma_start3A_149 = tpu.memref_squeeze %dma_start3A_148 : memref<1x128xi32, #tpu.memory_space<vmem>> -> memref<128xi32, #tpu.memory_space<vmem>>
      %dma_start3A_150 = arith.constant 0 : i32
      %dma_start3A_151 = arith.constant 0 : i32
      %dma_start3A_152 = tpu.memref_slice %arg14[%dma_start3A_150, %dma_start3A_151] : memref<10000x16xbf16, #tpu.memory_space<vmem_shared>> -> memref<10000x16xbf16, #tpu.memory_space<vmem_shared>>
      tpu.enqueue_indirect_dma source(%dma_start3A_152 : memref<10000x16xbf16, #tpu.memory_space<vmem_shared>>) target(%dma_start3A_146 : memref<128x16xbf16, #tpu.memory_space<vmem>>) offsets(%dma_start3A_149 : memref<128xi32, #tpu.memory_space<vmem>>) semaphore(%arg17 : memref<!tpu.dma_semaphore, #tpu.memory_space<semaphore_mem>>)
      %dma_wait3A_153 = arith.constant 0 : i32
      %dma_wait3A_154 = arith.constant 0 : i32
      %dma_wait3A_155 = tpu.memref_slice %arg3[%dma_wait3A_153, %dma_wait3A_154] : memref<2560x128xi32, #tpu.memory_space<hbm>> -> memref<8x128xi32, #tpu.memory_space<hbm>>
      %dma_wait3A_156 = arith.constant 0 : i32
      %dma_wait3A_157 = arith.constant 0 : i32
      %dma_wait3A_158 = tpu.memref_slice %arg3[%dma_wait3A_156, %dma_wait3A_157] : memref<2560x128xi32, #tpu.memory_space<hbm>> -> memref<8x128xi32, #tpu.memory_space<hbm>>
      tpu.wait_dma2 semaphore(%arg16 : memref<!tpu.dma_semaphore, #tpu.memory_space<semaphore_mem>>) src(%dma_wait3A_158 : memref<8x128xi32, #tpu.memory_space<hbm>>) dst(%arg8 : memref<8x128xi32, #tpu.memory_space<vmem>>)
      %dma_wait3A_159 = arith.constant 0 : i32
      %dma_wait3A_160 = arith.constant 0 : i32
      %dma_wait3A_161 = tpu.memref_slice %arg4[%dma_wait3A_159, %dma_wait3A_160] : memref<2560x128xi32, #tpu.memory_space<hbm>> -> memref<8x128xi32, #tpu.memory_space<hbm>>
      %dma_wait3A_162 = arith.constant 0 : i32
      %dma_wait3A_163 = arith.constant 0 : i32
      %dma_wait3A_164 = tpu.memref_slice %arg4[%dma_wait3A_162, %dma_wait3A_163] : memref<2560x128xi32, #tpu.memory_space<hbm>> -> memref<8x128xi32, #tpu.memory_space<hbm>>
      tpu.wait_dma2 semaphore(%arg16 : memref<!tpu.dma_semaphore, #tpu.memory_space<semaphore_mem>>) src(%dma_wait3A_164 : memref<8x128xi32, #tpu.memory_space<hbm>>) dst(%arg10 : memref<8x128xi32, #tpu.memory_space<vmem>>)
      %dma_start3A_165 = arith.constant 0 : i32
      %dma_start3A_166 = arith.constant 0 : i32
      %dma_start3A_167 = arith.constant 0 : i32
      %dma_start3A_168 = arith.constant 0 : i32
      %dma_start3A_169 = tpu.memref_slice %arg12[%dma_start3A_166, %dma_start3A_167, %dma_start3A_168] : memref<8x128x16xbf16, #tpu.memory_space<vmem>> -> memref<1x128x16xbf16, #tpu.memory_space<vmem>>
      %dma_start3A_170 = tpu.memref_squeeze %dma_start3A_169 : memref<1x128x16xbf16, #tpu.memory_space<vmem>> -> memref<128x16xbf16, #tpu.memory_space<vmem>>
      %dma_start3A_171 = arith.constant 0 : i32
      %dma_start3A_172 = tpu.memref_slice %arg8[%dma_start3A_165, %dma_start3A_171] : memref<8x128xi32, #tpu.memory_space<vmem>> -> memref<1x128xi32, #tpu.memory_space<vmem>>
      %dma_start3A_173 = tpu.memref_squeeze %dma_start3A_172 : memref<1x128xi32, #tpu.memory_space<vmem>> -> memref<128xi32, #tpu.memory_space<vmem>>
      %dma_start3A_174 = arith.constant 0 : i32
      %dma_start3A_175 = arith.constant 0 : i32
      %dma_start3A_176 = tpu.memref_slice %arg14[%dma_start3A_174, %dma_start3A_175] : memref<10000x16xbf16, #tpu.memory_space<vmem_shared>> -> memref<10000x16xbf16, #tpu.memory_space<vmem_shared>>
      tpu.enqueue_indirect_dma source(%dma_start3A_176 : memref<10000x16xbf16, #tpu.memory_space<vmem_shared>>) target(%dma_start3A_170 : memref<128x16xbf16, #tpu.memory_space<vmem>>) offsets(%dma_start3A_173 : memref<128xi32, #tpu.memory_space<vmem>>) semaphore(%arg18 : memref<!tpu.dma_semaphore, #tpu.memory_space<semaphore_mem>>)
      %dma_start3A_177 = arith.constant 1 : i32
      %dma_start3A_178 = arith.constant 1 : i32
      %dma_start3A_179 = arith.constant 0 : i32
      %dma_start3A_180 = arith.constant 0 : i32
      %dma_start3A_181 = tpu.memref_slice %arg12[%dma_start3A_178, %dma_start3A_179, %dma_start3A_180] : memref<8x128x16xbf16, #tpu.memory_space<vmem>> -> memref<1x128x16xbf16, #tpu.memory_space<vmem>>
      %dma_start3A_182 = tpu.memref_squeeze %dma_start3A_181 : memref<1x128x16xbf16, #tpu.memory_space<vmem>> -> memref<128x16xbf16, #tpu.memory_space<vmem>>
      %dma_start3A_183 = arith.constant 0 : i32
      %dma_start3A_184 = tpu.memref_slice %arg8[%dma_start3A_177, %dma_start3A_183] : memref<8x128xi32, #tpu.memory_space<vmem>> -> memref<1x128xi32, #tpu.memory_space<vmem>>
      %dma_start3A_185 = tpu.memref_squeeze %dma_start3A_184 : memref<1x128xi32, #tpu.memory_space<vmem>> -> memref<128xi32, #tpu.memory_space<vmem>>
      %dma_start3A_186 = arith.constant 0 : i32
      %dma_start3A_187 = arith.constant 0 : i32
      %dma_start3A_188 = tpu.memref_slice %arg14[%dma_start3A_186, %dma_start3A_187] : memref<10000x16xbf16, #tpu.memory_space<vmem_shared>> -> memref<10000x16xbf16, #tpu.memory_space<vmem_shared>>
      tpu.enqueue_indirect_dma source(%dma_start3A_188 : memref<10000x16xbf16, #tpu.memory_space<vmem_shared>>) target(%dma_start3A_182 : memref<128x16xbf16, #tpu.memory_space<vmem>>) offsets(%dma_start3A_185 : memref<128xi32, #tpu.memory_space<vmem>>) semaphore(%arg18 : memref<!tpu.dma_semaphore, #tpu.memory_space<semaphore_mem>>)
      %dma_start3A_189 = arith.constant 2 : i32
      %dma_start3A_190 = arith.constant 2 : i32
      %dma_start3A_191 = arith.constant 0 : i32
      %dma_start3A_192 = arith.constant 0 : i32
      %dma_start3A_193 = tpu.memref_slice %arg12[%dma_start3A_190, %dma_start3A_191, %dma_start3A_192] : memref<8x128x16xbf16, #tpu.memory_space<vmem>> -> memref<1x128x16xbf16, #tpu.memory_space<vmem>>
      %dma_start3A_194 = tpu.memref_squeeze %dma_start3A_193 : memref<1x128x16xbf16, #tpu.memory_space<vmem>> -> memref<128x16xbf16, #tpu.memory_space<vmem>>
      %dma_start3A_195 = arith.constant 0 : i32
      %dma_start3A_196 = tpu.memref_slice %arg8[%dma_start3A_189, %dma_start3A_195] : memref<8x128xi32, #tpu.memory_space<vmem>> -> memref<1x128xi32, #tpu.memory_space<vmem>>
      %dma_start3A_197 = tpu.memref_squeeze %dma_start3A_196 : memref<1x128xi32, #tpu.memory_space<vmem>> -> memref<128xi32, #tpu.memory_space<vmem>>
      %dma_start3A_198 = arith.constant 0 : i32
      %dma_start3A_199 = arith.constant 0 : i32
      %dma_start3A_200 = tpu.memref_slice %arg14[%dma_start3A_198, %dma_start3A_199] : memref<10000x16xbf16, #tpu.memory_space<vmem_shared>> -> memref<10000x16xbf16, #tpu.memory_space<vmem_shared>>
      tpu.enqueue_indirect_dma source(%dma_start3A_200 : memref<10000x16xbf16, #tpu.memory_space<vmem_shared>>) target(%dma_start3A_194 : memref<128x16xbf16, #tpu.memory_space<vmem>>) offsets(%dma_start3A_197 : memref<128xi32, #tpu.memory_space<vmem>>) semaphore(%arg18 : memref<!tpu.dma_semaphore, #tpu.memory_space<semaphore_mem>>)
      %dma_start3A_201 = arith.constant 3 : i32
      %dma_start3A_202 = arith.constant 3 : i32
      %dma_start3A_203 = arith.constant 0 : i32
      %dma_start3A_204 = arith.constant 0 : i32
      %dma_start3A_205 = tpu.memref_slice %arg12[%dma_start3A_202, %dma_start3A_203, %dma_start3A_204] : memref<8x128x16xbf16, #tpu.memory_space<vmem>> -> memref<1x128x16xbf16, #tpu.memory_space<vmem>>
      %dma_start3A_206 = tpu.memref_squeeze %dma_start3A_205 : memref<1x128x16xbf16, #tpu.memory_space<vmem>> -> memref<128x16xbf16, #tpu.memory_space<vmem>>
      %dma_start3A_207 = arith.constant 0 : i32
      %dma_start3A_208 = tpu.memref_slice %arg8[%dma_start3A_201, %dma_start3A_207] : memref<8x128xi32, #tpu.memory_space<vmem>> -> memref<1x128xi32, #tpu.memory_space<vmem>>
      %dma_start3A_209 = tpu.memref_squeeze %dma_start3A_208 : memref<1x128xi32, #tpu.memory_space<vmem>> -> memref<128xi32, #tpu.memory_space<vmem>>
      %dma_start3A_210 = arith.constant 0 : i32
      %dma_start3A_211 = arith.constant 0 : i32
      %dma_start3A_212 = tpu.memref_slice %arg14[%dma_start3A_210, %dma_start3A_211] : memref<10000x16xbf16, #tpu.memory_space<vmem_shared>> -> memref<10000x16xbf16, #tpu.memory_space<vmem_shared>>
      tpu.enqueue_indirect_dma source(%dma_start3A_212 : memref<10000x16xbf16, #tpu.memory_space<vmem_shared>>) target(%dma_start3A_206 : memref<128x16xbf16, #tpu.memory_space<vmem>>) offsets(%dma_start3A_209 : memref<128xi32, #tpu.memory_space<vmem>>) semaphore(%arg18 : memref<!tpu.dma_semaphore, #tpu.memory_space<semaphore_mem>>)
      %dma_start3A_213 = arith.constant 4 : i32
      %dma_start3A_214 = arith.constant 4 : i32
      %dma_start3A_215 = arith.constant 0 : i32
      %dma_start3A_216 = arith.constant 0 : i32
      %dma_start3A_217 = tpu.memref_slice %arg12[%dma_start3A_214, %dma_start3A_215, %dma_start3A_216] : memref<8x128x16xbf16, #tpu.memory_space<vmem>> -> memref<1x128x16xbf16, #tpu.memory_space<vmem>>
      %dma_start3A_218 = tpu.memref_squeeze %dma_start3A_217 : memref<1x128x16xbf16, #tpu.memory_space<vmem>> -> memref<128x16xbf16, #tpu.memory_space<vmem>>
      %dma_start3A_219 = arith.constant 0 : i32
      %dma_start3A_220 = tpu.memref_slice %arg8[%dma_start3A_213, %dma_start3A_219] : memref<8x128xi32, #tpu.memory_space<vmem>> -> memref<1x128xi32, #tpu.memory_space<vmem>>
      %dma_start3A_221 = tpu.memref_squeeze %dma_start3A_220 : memref<1x128xi32, #tpu.memory_space<vmem>> -> memref<128xi32, #tpu.memory_space<vmem>>
      %dma_start3A_222 = arith.constant 0 : i32
      %dma_start3A_223 = arith.constant 0 : i32
      %dma_start3A_224 = tpu.memref_slice %arg14[%dma_start3A_222, %dma_start3A_223] : memref<10000x16xbf16, #tpu.memory_space<vmem_shared>> -> memref<10000x16xbf16, #tpu.memory_space<vmem_shared>>
      tpu.enqueue_indirect_dma source(%dma_start3A_224 : memref<10000x16xbf16, #tpu.memory_space<vmem_shared>>) target(%dma_start3A_218 : memref<128x16xbf16, #tpu.memory_space<vmem>>) offsets(%dma_start3A_221 : memref<128xi32, #tpu.memory_space<vmem>>) semaphore(%arg18 : memref<!tpu.dma_semaphore, #tpu.memory_space<semaphore_mem>>)
      %dma_start3A_225 = arith.constant 5 : i32
      %dma_start3A_226 = arith.constant 5 : i32
      %dma_start3A_227 = arith.constant 0 : i32
      %dma_start3A_228 = arith.constant 0 : i32
      %dma_start3A_229 = tpu.memref_slice %arg12[%dma_start3A_226, %dma_start3A_227, %dma_start3A_228] : memref<8x128x16xbf16, #tpu.memory_space<vmem>> -> memref<1x128x16xbf16, #tpu.memory_space<vmem>>
      %dma_start3A_230 = tpu.memref_squeeze %dma_start3A_229 : memref<1x128x16xbf16, #tpu.memory_space<vmem>> -> memref<128x16xbf16, #tpu.memory_space<vmem>>
      %dma_start3A_231 = arith.constant 0 : i32
      %dma_start3A_232 = tpu.memref_slice %arg8[%dma_start3A_225, %dma_start3A_231] : memref<8x128xi32, #tpu.memory_space<vmem>> -> memref<1x128xi32, #tpu.memory_space<vmem>>
      %dma_start3A_233 = tpu.memref_squeeze %dma_start3A_232 : memref<1x128xi32, #tpu.memory_space<vmem>> -> memref<128xi32, #tpu.memory_space<vmem>>
      %dma_start3A_234 = arith.constant 0 : i32
      %dma_start3A_235 = arith.constant 0 : i32
      %dma_start3A_236 = tpu.memref_slice %arg14[%dma_start3A_234, %dma_start3A_235] : memref<10000x16xbf16, #tpu.memory_space<vmem_shared>> -> memref<10000x16xbf16, #tpu.memory_space<vmem_shared>>
      tpu.enqueue_indirect_dma source(%dma_start3A_236 : memref<10000x16xbf16, #tpu.memory_space<vmem_shared>>) target(%dma_start3A_230 : memref<128x16xbf16, #tpu.memory_space<vmem>>) offsets(%dma_start3A_233 : memref<128xi32, #tpu.memory_space<vmem>>) semaphore(%arg18 : memref<!tpu.dma_semaphore, #tpu.memory_space<semaphore_mem>>)
      %dma_start3A_237 = arith.constant 6 : i32
      %dma_start3A_238 = arith.constant 6 : i32
      %dma_start3A_239 = arith.constant 0 : i32
      %dma_start3A_240 = arith.constant 0 : i32
      %dma_start3A_241 = tpu.memref_slice %arg12[%dma_start3A_238, %dma_start3A_239, %dma_start3A_240] : memref<8x128x16xbf16, #tpu.memory_space<vmem>> -> memref<1x128x16xbf16, #tpu.memory_space<vmem>>
      %dma_start3A_242 = tpu.memref_squeeze %dma_start3A_241 : memref<1x128x16xbf16, #tpu.memory_space<vmem>> -> memref<128x16xbf16, #tpu.memory_space<vmem>>
      %dma_start3A_243 = arith.constant 0 : i32
      %dma_start3A_244 = tpu.memref_slice %arg8[%dma_start3A_237, %dma_start3A_243] : memref<8x128xi32, #tpu.memory_space<vmem>> -> memref<1x128xi32, #tpu.memory_space<vmem>>
      %dma_start3A_245 = tpu.memref_squeeze %dma_start3A_244 : memref<1x128xi32, #tpu.memory_space<vmem>> -> memref<128xi32, #tpu.memory_space<vmem>>
      %dma_start3A_246 = arith.constant 0 : i32
      %dma_start3A_247 = arith.constant 0 : i32
      %dma_start3A_248 = tpu.memref_slice %arg14[%dma_start3A_246, %dma_start3A_247] : memref<10000x16xbf16, #tpu.memory_space<vmem_shared>> -> memref<10000x16xbf16, #tpu.memory_space<vmem_shared>>
      tpu.enqueue_indirect_dma source(%dma_start3A_248 : memref<10000x16xbf16, #tpu.memory_space<vmem_shared>>) target(%dma_start3A_242 : memref<128x16xbf16, #tpu.memory_space<vmem>>) offsets(%dma_start3A_245 : memref<128xi32, #tpu.memory_space<vmem>>) semaphore(%arg18 : memref<!tpu.dma_semaphore, #tpu.memory_space<semaphore_mem>>)
      %dma_start3A_249 = arith.constant 7 : i32
      %dma_start3A_250 = arith.constant 7 : i32
      %dma_start3A_251 = arith.constant 0 : i32
      %dma_start3A_252 = arith.constant 0 : i32
      %dma_start3A_253 = tpu.memref_slice %arg12[%dma_start3A_250, %dma_start3A_251, %dma_start3A_252] : memref<8x128x16xbf16, #tpu.memory_space<vmem>> -> memref<1x128x16xbf16, #tpu.memory_space<vmem>>
      %dma_start3A_254 = tpu.memref_squeeze %dma_start3A_253 : memref<1x128x16xbf16, #tpu.memory_space<vmem>> -> memref<128x16xbf16, #tpu.memory_space<vmem>>
      %dma_start3A_255 = arith.constant 0 : i32
      %dma_start3A_256 = tpu.memref_slice %arg8[%dma_start3A_249, %dma_start3A_255] : memref<8x128xi32, #tpu.memory_space<vmem>> -> memref<1x128xi32, #tpu.memory_space<vmem>>
      %dma_start3A_257 = tpu.memref_squeeze %dma_start3A_256 : memref<1x128xi32, #tpu.memory_space<vmem>> -> memref<128xi32, #tpu.memory_space<vmem>>
      %dma_start3A_258 = arith.constant 0 : i32
      %dma_start3A_259 = arith.constant 0 : i32
      %dma_start3A_260 = tpu.memref_slice %arg14[%dma_start3A_258, %dma_start3A_259] : memref<10000x16xbf16, #tpu.memory_space<vmem_shared>> -> memref<10000x16xbf16, #tpu.memory_space<vmem_shared>>
      tpu.enqueue_indirect_dma source(%dma_start3A_260 : memref<10000x16xbf16, #tpu.memory_space<vmem_shared>>) target(%dma_start3A_254 : memref<128x16xbf16, #tpu.memory_space<vmem>>) offsets(%dma_start3A_257 : memref<128xi32, #tpu.memory_space<vmem>>) semaphore(%arg18 : memref<!tpu.dma_semaphore, #tpu.memory_space<semaphore_mem>>)
      %dma_wait3A_261 = arith.constant 0 : i32
      %dma_wait3A_262 = arith.constant 0 : i32
      %dma_wait3A_263 = arith.constant 0 : i32
      %dma_wait3A_264 = arith.constant 0 : i32
      %dma_wait3A_265 = tpu.memref_slice %arg11[%dma_wait3A_262, %dma_wait3A_263, %dma_wait3A_264] : memref<8x128x16xbf16, #tpu.memory_space<vmem>> -> memref<1x128x16xbf16, #tpu.memory_space<vmem>>
      %dma_wait3A_266 = tpu.memref_squeeze %dma_wait3A_265 : memref<1x128x16xbf16, #tpu.memory_space<vmem>> -> memref<128x16xbf16, #tpu.memory_space<vmem>>
      %dma_wait3A_267 = arith.constant 0 : i32
      %dma_wait3A_268 = tpu.memref_slice %arg7[%dma_wait3A_261, %dma_wait3A_267] : memref<8x128xi32, #tpu.memory_space<vmem>> -> memref<1x128xi32, #tpu.memory_space<vmem>>
      %dma_wait3A_269 = tpu.memref_squeeze %dma_wait3A_268 : memref<1x128xi32, #tpu.memory_space<vmem>> -> memref<128xi32, #tpu.memory_space<vmem>>
      %dma_wait3A_270 = arith.constant 0 : i32
      %dma_wait3A_271 = arith.constant 0 : i32
      %dma_wait3A_272 = tpu.memref_slice %arg14[%dma_wait3A_270, %dma_wait3A_271] : memref<10000x16xbf16, #tpu.memory_space<vmem_shared>> -> memref<10000x16xbf16, #tpu.memory_space<vmem_shared>>
      tpu.wait_indirect_dma semaphore(%arg17 : memref<!tpu.dma_semaphore, #tpu.memory_space<semaphore_mem>>) src(%dma_wait3A_272 : memref<10000x16xbf16, #tpu.memory_space<vmem_shared>>) dst(%dma_wait3A_266 : memref<128x16xbf16, #tpu.memory_space<vmem>>)
      %dma_wait3A_273 = arith.constant 1 : i32
      %dma_wait3A_274 = arith.constant 1 : i32
      %dma_wait3A_275 = arith.constant 0 : i32
      %dma_wait3A_276 = arith.constant 0 : i32
      %dma_wait3A_277 = tpu.memref_slice %arg11[%dma_wait3A_274, %dma_wait3A_275, %dma_wait3A_276] : memref<8x128x16xbf16, #tpu.memory_space<vmem>> -> memref<1x128x16xbf16, #tpu.memory_space<vmem>>
      %dma_wait3A_278 = tpu.memref_squeeze %dma_wait3A_277 : memref<1x128x16xbf16, #tpu.memory_space<vmem>> -> memref<128x16xbf16, #tpu.memory_space<vmem>>
      %dma_wait3A_279 = arith.constant 0 : i32
      %dma_wait3A_280 = tpu.memref_slice %arg7[%dma_wait3A_273, %dma_wait3A_279] : memref<8x128xi32, #tpu.memory_space<vmem>> -> memref<1x128xi32, #tpu.memory_space<vmem>>
      %dma_wait3A_281 = tpu.memref_squeeze %dma_wait3A_280 : memref<1x128xi32, #tpu.memory_space<vmem>> -> memref<128xi32, #tpu.memory_space<vmem>>
      %dma_wait3A_282 = arith.constant 0 : i32
      %dma_wait3A_283 = arith.constant 0 : i32
      %dma_wait3A_284 = tpu.memref_slice %arg14[%dma_wait3A_282, %dma_wait3A_283] : memref<10000x16xbf16, #tpu.memory_space<vmem_shared>> -> memref<10000x16xbf16, #tpu.memory_space<vmem_shared>>
      tpu.wait_indirect_dma semaphore(%arg17 : memref<!tpu.dma_semaphore, #tpu.memory_space<semaphore_mem>>) src(%dma_wait3A_284 : memref<10000x16xbf16, #tpu.memory_space<vmem_shared>>) dst(%dma_wait3A_278 : memref<128x16xbf16, #tpu.memory_space<vmem>>)
      %dma_wait3A_285 = arith.constant 2 : i32
      %dma_wait3A_286 = arith.constant 2 : i32
      %dma_wait3A_287 = arith.constant 0 : i32
      %dma_wait3A_288 = arith.constant 0 : i32
      %dma_wait3A_289 = tpu.memref_slice %arg11[%dma_wait3A_286, %dma_wait3A_287, %dma_wait3A_288] : memref<8x128x16xbf16, #tpu.memory_space<vmem>> -> memref<1x128x16xbf16, #tpu.memory_space<vmem>>
      %dma_wait3A_290 = tpu.memref_squeeze %dma_wait3A_289 : memref<1x128x16xbf16, #tpu.memory_space<vmem>> -> memref<128x16xbf16, #tpu.memory_space<vmem>>
      %dma_wait3A_291 = arith.constant 0 : i32
      %dma_wait3A_292 = tpu.memref_slice %arg7[%dma_wait3A_285, %dma_wait3A_291] : memref<8x128xi32, #tpu.memory_space<vmem>> -> memref<1x128xi32, #tpu.memory_space<vmem>>
      %dma_wait3A_293 = tpu.memref_squeeze %dma_wait3A_292 : memref<1x128xi32, #tpu.memory_space<vmem>> -> memref<128xi32, #tpu.memory_space<vmem>>
      %dma_wait3A_294 = arith.constant 0 : i32
      %dma_wait3A_295 = arith.constant 0 : i32
      %dma_wait3A_296 = tpu.memref_slice %arg14[%dma_wait3A_294, %dma_wait3A_295] : memref<10000x16xbf16, #tpu.memory_space<vmem_shared>> -> memref<10000x16xbf16, #tpu.memory_space<vmem_shared>>
      tpu.wait_indirect_dma semaphore(%arg17 : memref<!tpu.dma_semaphore, #tpu.memory_space<semaphore_mem>>) src(%dma_wait3A_296 : memref<10000x16xbf16, #tpu.memory_space<vmem_shared>>) dst(%dma_wait3A_290 : memref<128x16xbf16, #tpu.memory_space<vmem>>)
      %dma_wait3A_297 = arith.constant 3 : i32
      %dma_wait3A_298 = arith.constant 3 : i32
      %dma_wait3A_299 = arith.constant 0 : i32
      %dma_wait3A_300 = arith.constant 0 : i32
      %dma_wait3A_301 = tpu.memref_slice %arg11[%dma_wait3A_298, %dma_wait3A_299, %dma_wait3A_300] : memref<8x128x16xbf16, #tpu.memory_space<vmem>> -> memref<1x128x16xbf16, #tpu.memory_space<vmem>>
      %dma_wait3A_302 = tpu.memref_squeeze %dma_wait3A_301 : memref<1x128x16xbf16, #tpu.memory_space<vmem>> -> memref<128x16xbf16, #tpu.memory_space<vmem>>
      %dma_wait3A_303 = arith.constant 0 : i32
      %dma_wait3A_304 = tpu.memref_slice %arg7[%dma_wait3A_297, %dma_wait3A_303] : memref<8x128xi32, #tpu.memory_space<vmem>> -> memref<1x128xi32, #tpu.memory_space<vmem>>
      %dma_wait3A_305 = tpu.memref_squeeze %dma_wait3A_304 : memref<1x128xi32, #tpu.memory_space<vmem>> -> memref<128xi32, #tpu.memory_space<vmem>>
      %dma_wait3A_306 = arith.constant 0 : i32
      %dma_wait3A_307 = arith.constant 0 : i32
      %dma_wait3A_308 = tpu.memref_slice %arg14[%dma_wait3A_306, %dma_wait3A_307] : memref<10000x16xbf16, #tpu.memory_space<vmem_shared>> -> memref<10000x16xbf16, #tpu.memory_space<vmem_shared>>
      tpu.wait_indirect_dma semaphore(%arg17 : memref<!tpu.dma_semaphore, #tpu.memory_space<semaphore_mem>>) src(%dma_wait3A_308 : memref<10000x16xbf16, #tpu.memory_space<vmem_shared>>) dst(%dma_wait3A_302 : memref<128x16xbf16, #tpu.memory_space<vmem>>)
      %dma_wait3A_309 = arith.constant 4 : i32
      %dma_wait3A_310 = arith.constant 4 : i32
      %dma_wait3A_311 = arith.constant 0 : i32
      %dma_wait3A_312 = arith.constant 0 : i32
      %dma_wait3A_313 = tpu.memref_slice %arg11[%dma_wait3A_310, %dma_wait3A_311, %dma_wait3A_312] : memref<8x128x16xbf16, #tpu.memory_space<vmem>> -> memref<1x128x16xbf16, #tpu.memory_space<vmem>>
      %dma_wait3A_314 = tpu.memref_squeeze %dma_wait3A_313 : memref<1x128x16xbf16, #tpu.memory_space<vmem>> -> memref<128x16xbf16, #tpu.memory_space<vmem>>
      %dma_wait3A_315 = arith.constant 0 : i32
      %dma_wait3A_316 = tpu.memref_slice %arg7[%dma_wait3A_309, %dma_wait3A_315] : memref<8x128xi32, #tpu.memory_space<vmem>> -> memref<1x128xi32, #tpu.memory_space<vmem>>
      %dma_wait3A_317 = tpu.memref_squeeze %dma_wait3A_316 : memref<1x128xi32, #tpu.memory_space<vmem>> -> memref<128xi32, #tpu.memory_space<vmem>>
      %dma_wait3A_318 = arith.constant 0 : i32
      %dma_wait3A_319 = arith.constant 0 : i32
      %dma_wait3A_320 = tpu.memref_slice %arg14[%dma_wait3A_318, %dma_wait3A_319] : memref<10000x16xbf16, #tpu.memory_space<vmem_shared>> -> memref<10000x16xbf16, #tpu.memory_space<vmem_shared>>
      tpu.wait_indirect_dma semaphore(%arg17 : memref<!tpu.dma_semaphore, #tpu.memory_space<semaphore_mem>>) src(%dma_wait3A_320 : memref<10000x16xbf16, #tpu.memory_space<vmem_shared>>) dst(%dma_wait3A_314 : memref<128x16xbf16, #tpu.memory_space<vmem>>)
      %dma_wait3A_321 = arith.constant 5 : i32
      %dma_wait3A_322 = arith.constant 5 : i32
      %dma_wait3A_323 = arith.constant 0 : i32
      %dma_wait3A_324 = arith.constant 0 : i32
      %dma_wait3A_325 = tpu.memref_slice %arg11[%dma_wait3A_322, %dma_wait3A_323, %dma_wait3A_324] : memref<8x128x16xbf16, #tpu.memory_space<vmem>> -> memref<1x128x16xbf16, #tpu.memory_space<vmem>>
      %dma_wait3A_326 = tpu.memref_squeeze %dma_wait3A_325 : memref<1x128x16xbf16, #tpu.memory_space<vmem>> -> memref<128x16xbf16, #tpu.memory_space<vmem>>
      %dma_wait3A_327 = arith.constant 0 : i32
      %dma_wait3A_328 = tpu.memref_slice %arg7[%dma_wait3A_321, %dma_wait3A_327] : memref<8x128xi32, #tpu.memory_space<vmem>> -> memref<1x128xi32, #tpu.memory_space<vmem>>
      %dma_wait3A_329 = tpu.memref_squeeze %dma_wait3A_328 : memref<1x128xi32, #tpu.memory_space<vmem>> -> memref<128xi32, #tpu.memory_space<vmem>>
      %dma_wait3A_330 = arith.constant 0 : i32
      %dma_wait3A_331 = arith.constant 0 : i32
      %dma_wait3A_332 = tpu.memref_slice %arg14[%dma_wait3A_330, %dma_wait3A_331] : memref<10000x16xbf16, #tpu.memory_space<vmem_shared>> -> memref<10000x16xbf16, #tpu.memory_space<vmem_shared>>
      tpu.wait_indirect_dma semaphore(%arg17 : memref<!tpu.dma_semaphore, #tpu.memory_space<semaphore_mem>>) src(%dma_wait3A_332 : memref<10000x16xbf16, #tpu.memory_space<vmem_shared>>) dst(%dma_wait3A_326 : memref<128x16xbf16, #tpu.memory_space<vmem>>)
      %dma_wait3A_333 = arith.constant 6 : i32
      %dma_wait3A_334 = arith.constant 6 : i32
      %dma_wait3A_335 = arith.constant 0 : i32
      %dma_wait3A_336 = arith.constant 0 : i32
      %dma_wait3A_337 = tpu.memref_slice %arg11[%dma_wait3A_334, %dma_wait3A_335, %dma_wait3A_336] : memref<8x128x16xbf16, #tpu.memory_space<vmem>> -> memref<1x128x16xbf16, #tpu.memory_space<vmem>>
      %dma_wait3A_338 = tpu.memref_squeeze %dma_wait3A_337 : memref<1x128x16xbf16, #tpu.memory_space<vmem>> -> memref<128x16xbf16, #tpu.memory_space<vmem>>
      %dma_wait3A_339 = arith.constant 0 : i32
      %dma_wait3A_340 = tpu.memref_slice %arg7[%dma_wait3A_333, %dma_wait3A_339] : memref<8x128xi32, #tpu.memory_space<vmem>> -> memref<1x128xi32, #tpu.memory_space<vmem>>
      %dma_wait3A_341 = tpu.memref_squeeze %dma_wait3A_340 : memref<1x128xi32, #tpu.memory_space<vmem>> -> memref<128xi32, #tpu.memory_space<vmem>>
      %dma_wait3A_342 = arith.constant 0 : i32
      %dma_wait3A_343 = arith.constant 0 : i32
      %dma_wait3A_344 = tpu.memref_slice %arg14[%dma_wait3A_342, %dma_wait3A_343] : memref<10000x16xbf16, #tpu.memory_space<vmem_shared>> -> memref<10000x16xbf16, #tpu.memory_space<vmem_shared>>
      tpu.wait_indirect_dma semaphore(%arg17 : memref<!tpu.dma_semaphore, #tpu.memory_space<semaphore_mem>>) src(%dma_wait3A_344 : memref<10000x16xbf16, #tpu.memory_space<vmem_shared>>) dst(%dma_wait3A_338 : memref<128x16xbf16, #tpu.memory_space<vmem>>)
      %dma_wait3A_345 = arith.constant 7 : i32
      %dma_wait3A_346 = arith.constant 7 : i32
      %dma_wait3A_347 = arith.constant 0 : i32
      %dma_wait3A_348 = arith.constant 0 : i32
      %dma_wait3A_349 = tpu.memref_slice %arg11[%dma_wait3A_346, %dma_wait3A_347, %dma_wait3A_348] : memref<8x128x16xbf16, #tpu.memory_space<vmem>> -> memref<1x128x16xbf16, #tpu.memory_space<vmem>>
      %dma_wait3A_350 = tpu.memref_squeeze %dma_wait3A_349 : memref<1x128x16xbf16, #tpu.memory_space<vmem>> -> memref<128x16xbf16, #tpu.memory_space<vmem>>
      %dma_wait3A_351 = arith.constant 0 : i32
      %dma_wait3A_352 = tpu.memref_slice %arg7[%dma_wait3A_345, %dma_wait3A_351] : memref<8x128xi32, #tpu.memory_space<vmem>> -> memref<1x128xi32, #tpu.memory_space<vmem>>
      %dma_wait3A_353 = tpu.memref_squeeze %dma_wait3A_352 : memref<1x128xi32, #tpu.memory_space<vmem>> -> memref<128xi32, #tpu.memory_space<vmem>>
      %dma_wait3A_354 = arith.constant 0 : i32
      %dma_wait3A_355 = arith.constant 0 : i32
      %dma_wait3A_356 = tpu.memref_slice %arg14[%dma_wait3A_354, %dma_wait3A_355] : memref<10000x16xbf16, #tpu.memory_space<vmem_shared>> -> memref<10000x16xbf16, #tpu.memory_space<vmem_shared>>
      tpu.wait_indirect_dma semaphore(%arg17 : memref<!tpu.dma_semaphore, #tpu.memory_space<semaphore_mem>>) src(%dma_wait3A_356 : memref<10000x16xbf16, #tpu.memory_space<vmem_shared>>) dst(%dma_wait3A_350 : memref<128x16xbf16, #tpu.memory_space<vmem>>)
      %dma_start3A_357 = arith.constant 0 : i32
      %dma_start3A_358 = arith.constant 0 : i32
      %dma_start3A_359 = arith.constant 0 : i32
      %dma_start3A_360 = arith.constant 0 : i32
      %dma_start3A_361 = tpu.memref_slice %arg11[%dma_start3A_357, %dma_start3A_359, %dma_start3A_360] : memref<8x128x16xbf16, #tpu.memory_space<vmem>> -> memref<1x128x16xbf16, #tpu.memory_space<vmem>>
      %dma_start3A_362 = tpu.memref_squeeze %dma_start3A_361 : memref<1x128x16xbf16, #tpu.memory_space<vmem>> -> memref<128x16xbf16, #tpu.memory_space<vmem>>
      %dma_start3A_363 = arith.constant 0 : i32
      %dma_start3A_364 = tpu.memref_slice %arg9[%dma_start3A_358, %dma_start3A_363] : memref<8x128xi32, #tpu.memory_space<vmem>> -> memref<1x128xi32, #tpu.memory_space<vmem>>
      %dma_start3A_365 = tpu.memref_squeeze %dma_start3A_364 : memref<1x128xi32, #tpu.memory_space<vmem>> -> memref<128xi32, #tpu.memory_space<vmem>>
      %dma_start3A_366 = arith.constant 0 : i32
      %dma_start3A_367 = arith.constant 0 : i32
      %dma_start3A_368 = tpu.memref_slice %arg13[%dma_start3A_366, %dma_start3A_367] : memref<10016x16xbf16, #tpu.memory_space<vmem_shared>> -> memref<10016x16xbf16, #tpu.memory_space<vmem_shared>>
      tpu.enqueue_indirect_dma source(%dma_start3A_362 : memref<128x16xbf16, #tpu.memory_space<vmem>>) target(%dma_start3A_368 : memref<10016x16xbf16, #tpu.memory_space<vmem_shared>>) offsets(%dma_start3A_365 : memref<128xi32, #tpu.memory_space<vmem>>) semaphore(%arg19 : memref<!tpu.dma_semaphore, #tpu.memory_space<semaphore_mem>>) {add = true}
      %dma_start3A_369 = arith.constant 1 : i32
      %dma_start3A_370 = arith.constant 1 : i32
      %dma_start3A_371 = arith.constant 0 : i32
      %dma_start3A_372 = arith.constant 0 : i32
      %dma_start3A_373 = tpu.memref_slice %arg11[%dma_start3A_369, %dma_start3A_371, %dma_start3A_372] : memref<8x128x16xbf16, #tpu.memory_space<vmem>> -> memref<1x128x16xbf16, #tpu.memory_space<vmem>>
      %dma_start3A_374 = tpu.memref_squeeze %dma_start3A_373 : memref<1x128x16xbf16, #tpu.memory_space<vmem>> -> memref<128x16xbf16, #tpu.memory_space<vmem>>
      %dma_start3A_375 = arith.constant 0 : i32
      %dma_start3A_376 = tpu.memref_slice %arg9[%dma_start3A_370, %dma_start3A_375] : memref<8x128xi32, #tpu.memory_space<vmem>> -> memref<1x128xi32, #tpu.memory_space<vmem>>
      %dma_start3A_377 = tpu.memref_squeeze %dma_start3A_376 : memref<1x128xi32, #tpu.memory_space<vmem>> -> memref<128xi32, #tpu.memory_space<vmem>>
      %dma_start3A_378 = arith.constant 0 : i32
      %dma_start3A_379 = arith.constant 0 : i32
      %dma_start3A_380 = tpu.memref_slice %arg13[%dma_start3A_378, %dma_start3A_379] : memref<10016x16xbf16, #tpu.memory_space<vmem_shared>> -> memref<10016x16xbf16, #tpu.memory_space<vmem_shared>>
      tpu.enqueue_indirect_dma source(%dma_start3A_374 : memref<128x16xbf16, #tpu.memory_space<vmem>>) target(%dma_start3A_380 : memref<10016x16xbf16, #tpu.memory_space<vmem_shared>>) offsets(%dma_start3A_377 : memref<128xi32, #tpu.memory_space<vmem>>) semaphore(%arg19 : memref<!tpu.dma_semaphore, #tpu.memory_space<semaphore_mem>>) {add = true}
      %dma_start3A_381 = arith.constant 2 : i32
      %dma_start3A_382 = arith.constant 2 : i32
      %dma_start3A_383 = arith.constant 0 : i32
      %dma_start3A_384 = arith.constant 0 : i32
      %dma_start3A_385 = tpu.memref_slice %arg11[%dma_start3A_381, %dma_start3A_383, %dma_start3A_384] : memref<8x128x16xbf16, #tpu.memory_space<vmem>> -> memref<1x128x16xbf16, #tpu.memory_space<vmem>>
      %dma_start3A_386 = tpu.memref_squeeze %dma_start3A_385 : memref<1x128x16xbf16, #tpu.memory_space<vmem>> -> memref<128x16xbf16, #tpu.memory_space<vmem>>
      %dma_start3A_387 = arith.constant 0 : i32
      %dma_start3A_388 = tpu.memref_slice %arg9[%dma_start3A_382, %dma_start3A_387] : memref<8x128xi32, #tpu.memory_space<vmem>> -> memref<1x128xi32, #tpu.memory_space<vmem>>
      %dma_start3A_389 = tpu.memref_squeeze %dma_start3A_388 : memref<1x128xi32, #tpu.memory_space<vmem>> -> memref<128xi32, #tpu.memory_space<vmem>>
      %dma_start3A_390 = arith.constant 0 : i32
      %dma_start3A_391 = arith.constant 0 : i32
      %dma_start3A_392 = tpu.memref_slice %arg13[%dma_start3A_390, %dma_start3A_391] : memref<10016x16xbf16, #tpu.memory_space<vmem_shared>> -> memref<10016x16xbf16, #tpu.memory_space<vmem_shared>>
      tpu.enqueue_indirect_dma source(%dma_start3A_386 : memref<128x16xbf16, #tpu.memory_space<vmem>>) target(%dma_start3A_392 : memref<10016x16xbf16, #tpu.memory_space<vmem_shared>>) offsets(%dma_start3A_389 : memref<128xi32, #tpu.memory_space<vmem>>) semaphore(%arg19 : memref<!tpu.dma_semaphore, #tpu.memory_space<semaphore_mem>>) {add = true}
      %dma_start3A_393 = arith.constant 3 : i32
      %dma_start3A_394 = arith.constant 3 : i32
      %dma_start3A_395 = arith.constant 0 : i32
      %dma_start3A_396 = arith.constant 0 : i32
      %dma_start3A_397 = tpu.memref_slice %arg11[%dma_start3A_393, %dma_start3A_395, %dma_start3A_396] : memref<8x128x16xbf16, #tpu.memory_space<vmem>> -> memref<1x128x16xbf16, #tpu.memory_space<vmem>>
      %dma_start3A_398 = tpu.memref_squeeze %dma_start3A_397 : memref<1x128x16xbf16, #tpu.memory_space<vmem>> -> memref<128x16xbf16, #tpu.memory_space<vmem>>
      %dma_start3A_399 = arith.constant 0 : i32
      %dma_start3A_400 = tpu.memref_slice %arg9[%dma_start3A_394, %dma_start3A_399] : memref<8x128xi32, #tpu.memory_space<vmem>> -> memref<1x128xi32, #tpu.memory_space<vmem>>
      %dma_start3A_401 = tpu.memref_squeeze %dma_start3A_400 : memref<1x128xi32, #tpu.memory_space<vmem>> -> memref<128xi32, #tpu.memory_space<vmem>>
      %dma_start3A_402 = arith.constant 0 : i32
      %dma_start3A_403 = arith.constant 0 : i32
      %dma_start3A_404 = tpu.memref_slice %arg13[%dma_start3A_402, %dma_start3A_403] : memref<10016x16xbf16, #tpu.memory_space<vmem_shared>> -> memref<10016x16xbf16, #tpu.memory_space<vmem_shared>>
      tpu.enqueue_indirect_dma source(%dma_start3A_398 : memref<128x16xbf16, #tpu.memory_space<vmem>>) target(%dma_start3A_404 : memref<10016x16xbf16, #tpu.memory_space<vmem_shared>>) offsets(%dma_start3A_401 : memref<128xi32, #tpu.memory_space<vmem>>) semaphore(%arg19 : memref<!tpu.dma_semaphore, #tpu.memory_space<semaphore_mem>>) {add = true}
      %dma_start3A_405 = arith.constant 4 : i32
      %dma_start3A_406 = arith.constant 4 : i32
      %dma_start3A_407 = arith.constant 0 : i32
      %dma_start3A_408 = arith.constant 0 : i32
      %dma_start3A_409 = tpu.memref_slice %arg11[%dma_start3A_405, %dma_start3A_407, %dma_start3A_408] : memref<8x128x16xbf16, #tpu.memory_space<vmem>> -> memref<1x128x16xbf16, #tpu.memory_space<vmem>>
      %dma_start3A_410 = tpu.memref_squeeze %dma_start3A_409 : memref<1x128x16xbf16, #tpu.memory_space<vmem>> -> memref<128x16xbf16, #tpu.memory_space<vmem>>
      %dma_start3A_411 = arith.constant 0 : i32
      %dma_start3A_412 = tpu.memref_slice %arg9[%dma_start3A_406, %dma_start3A_411] : memref<8x128xi32, #tpu.memory_space<vmem>> -> memref<1x128xi32, #tpu.memory_space<vmem>>
      %dma_start3A_413 = tpu.memref_squeeze %dma_start3A_412 : memref<1x128xi32, #tpu.memory_space<vmem>> -> memref<128xi32, #tpu.memory_space<vmem>>
      %dma_start3A_414 = arith.constant 0 : i32
      %dma_start3A_415 = arith.constant 0 : i32
      %dma_start3A_416 = tpu.memref_slice %arg13[%dma_start3A_414, %dma_start3A_415] : memref<10016x16xbf16, #tpu.memory_space<vmem_shared>> -> memref<10016x16xbf16, #tpu.memory_space<vmem_shared>>
      tpu.enqueue_indirect_dma source(%dma_start3A_410 : memref<128x16xbf16, #tpu.memory_space<vmem>>) target(%dma_start3A_416 : memref<10016x16xbf16, #tpu.memory_space<vmem_shared>>) offsets(%dma_start3A_413 : memref<128xi32, #tpu.memory_space<vmem>>) semaphore(%arg19 : memref<!tpu.dma_semaphore, #tpu.memory_space<semaphore_mem>>) {add = true}
      %dma_start3A_417 = arith.constant 5 : i32
      %dma_start3A_418 = arith.constant 5 : i32
      %dma_start3A_419 = arith.constant 0 : i32
      %dma_start3A_420 = arith.constant 0 : i32
      %dma_start3A_421 = tpu.memref_slice %arg11[%dma_start3A_417, %dma_start3A_419, %dma_start3A_420] : memref<8x128x16xbf16, #tpu.memory_space<vmem>> -> memref<1x128x16xbf16, #tpu.memory_space<vmem>>
      %dma_start3A_422 = tpu.memref_squeeze %dma_start3A_421 : memref<1x128x16xbf16, #tpu.memory_space<vmem>> -> memref<128x16xbf16, #tpu.memory_space<vmem>>
      %dma_start3A_423 = arith.constant 0 : i32
      %dma_start3A_424 = tpu.memref_slice %arg9[%dma_start3A_418, %dma_start3A_423] : memref<8x128xi32, #tpu.memory_space<vmem>> -> memref<1x128xi32, #tpu.memory_space<vmem>>
      %dma_start3A_425 = tpu.memref_squeeze %dma_start3A_424 : memref<1x128xi32, #tpu.memory_space<vmem>> -> memref<128xi32, #tpu.memory_space<vmem>>
      %dma_start3A_426 = arith.constant 0 : i32
      %dma_start3A_427 = arith.constant 0 : i32
      %dma_start3A_428 = tpu.memref_slice %arg13[%dma_start3A_426, %dma_start3A_427] : memref<10016x16xbf16, #tpu.memory_space<vmem_shared>> -> memref<10016x16xbf16, #tpu.memory_space<vmem_shared>>
      tpu.enqueue_indirect_dma source(%dma_start3A_422 : memref<128x16xbf16, #tpu.memory_space<vmem>>) target(%dma_start3A_428 : memref<10016x16xbf16, #tpu.memory_space<vmem_shared>>) offsets(%dma_start3A_425 : memref<128xi32, #tpu.memory_space<vmem>>) semaphore(%arg19 : memref<!tpu.dma_semaphore, #tpu.memory_space<semaphore_mem>>) {add = true}
      %dma_start3A_429 = arith.constant 6 : i32
      %dma_start3A_430 = arith.constant 6 : i32
      %dma_start3A_431 = arith.constant 0 : i32
      %dma_start3A_432 = arith.constant 0 : i32
      %dma_start3A_433 = tpu.memref_slice %arg11[%dma_start3A_429, %dma_start3A_431, %dma_start3A_432] : memref<8x128x16xbf16, #tpu.memory_space<vmem>> -> memref<1x128x16xbf16, #tpu.memory_space<vmem>>
      %dma_start3A_434 = tpu.memref_squeeze %dma_start3A_433 : memref<1x128x16xbf16, #tpu.memory_space<vmem>> -> memref<128x16xbf16, #tpu.memory_space<vmem>>
      %dma_start3A_435 = arith.constant 0 : i32
      %dma_start3A_436 = tpu.memref_slice %arg9[%dma_start3A_430, %dma_start3A_435] : memref<8x128xi32, #tpu.memory_space<vmem>> -> memref<1x128xi32, #tpu.memory_space<vmem>>
      %dma_start3A_437 = tpu.memref_squeeze %dma_start3A_436 : memref<1x128xi32, #tpu.memory_space<vmem>> -> memref<128xi32, #tpu.memory_space<vmem>>
      %dma_start3A_438 = arith.constant 0 : i32
      %dma_start3A_439 = arith.constant 0 : i32
      %dma_start3A_440 = tpu.memref_slice %arg13[%dma_start3A_438, %dma_start3A_439] : memref<10016x16xbf16, #tpu.memory_space<vmem_shared>> -> memref<10016x16xbf16, #tpu.memory_space<vmem_shared>>
      tpu.enqueue_indirect_dma source(%dma_start3A_434 : memref<128x16xbf16, #tpu.memory_space<vmem>>) target(%dma_start3A_440 : memref<10016x16xbf16, #tpu.memory_space<vmem_shared>>) offsets(%dma_start3A_437 : memref<128xi32, #tpu.memory_space<vmem>>) semaphore(%arg19 : memref<!tpu.dma_semaphore, #tpu.memory_space<semaphore_mem>>) {add = true}
      %dma_start3A_441 = arith.constant 7 : i32
      %dma_start3A_442 = arith.constant 7 : i32
      %dma_start3A_443 = arith.constant 0 : i32
      %dma_start3A_444 = arith.constant 0 : i32
      %dma_start3A_445 = tpu.memref_slice %arg11[%dma_start3A_441, %dma_start3A_443, %dma_start3A_444] : memref<8x128x16xbf16, #tpu.memory_space<vmem>> -> memref<1x128x16xbf16, #tpu.memory_space<vmem>>
      %dma_start3A_446 = tpu.memref_squeeze %dma_start3A_445 : memref<1x128x16xbf16, #tpu.memory_space<vmem>> -> memref<128x16xbf16, #tpu.memory_space<vmem>>
      %dma_start3A_447 = arith.constant 0 : i32
      %dma_start3A_448 = tpu.memref_slice %arg9[%dma_start3A_442, %dma_start3A_447] : memref<8x128xi32, #tpu.memory_space<vmem>> -> memref<1x128xi32, #tpu.memory_space<vmem>>
      %dma_start3A_449 = tpu.memref_squeeze %dma_start3A_448 : memref<1x128xi32, #tpu.memory_space<vmem>> -> memref<128xi32, #tpu.memory_space<vmem>>
      %dma_start3A_450 = arith.constant 0 : i32
      %dma_start3A_451 = arith.constant 0 : i32
      %dma_start3A_452 = tpu.memref_slice %arg13[%dma_start3A_450, %dma_start3A_451] : memref<10016x16xbf16, #tpu.memory_space<vmem_shared>> -> memref<10016x16xbf16, #tpu.memory_space<vmem_shared>>
      tpu.enqueue_indirect_dma source(%dma_start3A_446 : memref<128x16xbf16, #tpu.memory_space<vmem>>) target(%dma_start3A_452 : memref<10016x16xbf16, #tpu.memory_space<vmem_shared>>) offsets(%dma_start3A_449 : memref<128xi32, #tpu.memory_space<vmem>>) semaphore(%arg19 : memref<!tpu.dma_semaphore, #tpu.memory_space<semaphore_mem>>) {add = true}
      %dma_wait3A_453 = arith.constant 0 : i32
      %dma_wait3A_454 = arith.constant 0 : i32
      %dma_wait3A_455 = arith.constant 0 : i32
      %dma_wait3A_456 = arith.constant 0 : i32
      %dma_wait3A_457 = tpu.memref_slice %arg12[%dma_wait3A_454, %dma_wait3A_455, %dma_wait3A_456] : memref<8x128x16xbf16, #tpu.memory_space<vmem>> -> memref<1x128x16xbf16, #tpu.memory_space<vmem>>
      %dma_wait3A_458 = tpu.memref_squeeze %dma_wait3A_457 : memref<1x128x16xbf16, #tpu.memory_space<vmem>> -> memref<128x16xbf16, #tpu.memory_space<vmem>>
      %dma_wait3A_459 = arith.constant 0 : i32
      %dma_wait3A_460 = tpu.memref_slice %arg8[%dma_wait3A_453, %dma_wait3A_459] : memref<8x128xi32, #tpu.memory_space<vmem>> -> memref<1x128xi32, #tpu.memory_space<vmem>>
      %dma_wait3A_461 = tpu.memref_squeeze %dma_wait3A_460 : memref<1x128xi32, #tpu.memory_space<vmem>> -> memref<128xi32, #tpu.memory_space<vmem>>
      %dma_wait3A_462 = arith.constant 0 : i32
      %dma_wait3A_463 = arith.constant 0 : i32
      %dma_wait3A_464 = tpu.memref_slice %arg14[%dma_wait3A_462, %dma_wait3A_463] : memref<10000x16xbf16, #tpu.memory_space<vmem_shared>> -> memref<10000x16xbf16, #tpu.memory_space<vmem_shared>>
      tpu.wait_indirect_dma semaphore(%arg18 : memref<!tpu.dma_semaphore, #tpu.memory_space<semaphore_mem>>) src(%dma_wait3A_464 : memref<10000x16xbf16, #tpu.memory_space<vmem_shared>>) dst(%dma_wait3A_458 : memref<128x16xbf16, #tpu.memory_space<vmem>>)
      %dma_wait3A_465 = arith.constant 1 : i32
      %dma_wait3A_466 = arith.constant 1 : i32
      %dma_wait3A_467 = arith.constant 0 : i32
      %dma_wait3A_468 = arith.constant 0 : i32
      %dma_wait3A_469 = tpu.memref_slice %arg12[%dma_wait3A_466, %dma_wait3A_467, %dma_wait3A_468] : memref<8x128x16xbf16, #tpu.memory_space<vmem>> -> memref<1x128x16xbf16, #tpu.memory_space<vmem>>
      %dma_wait3A_470 = tpu.memref_squeeze %dma_wait3A_469 : memref<1x128x16xbf16, #tpu.memory_space<vmem>> -> memref<128x16xbf16, #tpu.memory_space<vmem>>
      %dma_wait3A_471 = arith.constant 0 : i32
      %dma_wait3A_472 = tpu.memref_slice %arg8[%dma_wait3A_465, %dma_wait3A_471] : memref<8x128xi32, #tpu.memory_space<vmem>> -> memref<1x128xi32, #tpu.memory_space<vmem>>
      %dma_wait3A_473 = tpu.memref_squeeze %dma_wait3A_472 : memref<1x128xi32, #tpu.memory_space<vmem>> -> memref<128xi32, #tpu.memory_space<vmem>>
      %dma_wait3A_474 = arith.constant 0 : i32
      %dma_wait3A_475 = arith.constant 0 : i32
      %dma_wait3A_476 = tpu.memref_slice %arg14[%dma_wait3A_474, %dma_wait3A_475] : memref<10000x16xbf16, #tpu.memory_space<vmem_shared>> -> memref<10000x16xbf16, #tpu.memory_space<vmem_shared>>
      tpu.wait_indirect_dma semaphore(%arg18 : memref<!tpu.dma_semaphore, #tpu.memory_space<semaphore_mem>>) src(%dma_wait3A_476 : memref<10000x16xbf16, #tpu.memory_space<vmem_shared>>) dst(%dma_wait3A_470 : memref<128x16xbf16, #tpu.memory_space<vmem>>)
      %dma_wait3A_477 = arith.constant 2 : i32
      %dma_wait3A_478 = arith.constant 2 : i32
      %dma_wait3A_479 = arith.constant 0 : i32
      %dma_wait3A_480 = arith.constant 0 : i32
      %dma_wait3A_481 = tpu.memref_slice %arg12[%dma_wait3A_478, %dma_wait3A_479, %dma_wait3A_480] : memref<8x128x16xbf16, #tpu.memory_space<vmem>> -> memref<1x128x16xbf16, #tpu.memory_space<vmem>>
      %dma_wait3A_482 = tpu.memref_squeeze %dma_wait3A_481 : memref<1x128x16xbf16, #tpu.memory_space<vmem>> -> memref<128x16xbf16, #tpu.memory_space<vmem>>
      %dma_wait3A_483 = arith.constant 0 : i32
      %dma_wait3A_484 = tpu.memref_slice %arg8[%dma_wait3A_477, %dma_wait3A_483] : memref<8x128xi32, #tpu.memory_space<vmem>> -> memref<1x128xi32, #tpu.memory_space<vmem>>
      %dma_wait3A_485 = tpu.memref_squeeze %dma_wait3A_484 : memref<1x128xi32, #tpu.memory_space<vmem>> -> memref<128xi32, #tpu.memory_space<vmem>>
      %dma_wait3A_486 = arith.constant 0 : i32
      %dma_wait3A_487 = arith.constant 0 : i32
      %dma_wait3A_488 = tpu.memref_slice %arg14[%dma_wait3A_486, %dma_wait3A_487] : memref<10000x16xbf16, #tpu.memory_space<vmem_shared>> -> memref<10000x16xbf16, #tpu.memory_space<vmem_shared>>
      tpu.wait_indirect_dma semaphore(%arg18 : memref<!tpu.dma_semaphore, #tpu.memory_space<semaphore_mem>>) src(%dma_wait3A_488 : memref<10000x16xbf16, #tpu.memory_space<vmem_shared>>) dst(%dma_wait3A_482 : memref<128x16xbf16, #tpu.memory_space<vmem>>)
      %dma_wait3A_489 = arith.constant 3 : i32
      %dma_wait3A_490 = arith.constant 3 : i32
      %dma_wait3A_491 = arith.constant 0 : i32
      %dma_wait3A_492 = arith.constant 0 : i32
      %dma_wait3A_493 = tpu.memref_slice %arg12[%dma_wait3A_490, %dma_wait3A_491, %dma_wait3A_492] : memref<8x128x16xbf16, #tpu.memory_space<vmem>> -> memref<1x128x16xbf16, #tpu.memory_space<vmem>>
      %dma_wait3A_494 = tpu.memref_squeeze %dma_wait3A_493 : memref<1x128x16xbf16, #tpu.memory_space<vmem>> -> memref<128x16xbf16, #tpu.memory_space<vmem>>
      %dma_wait3A_495 = arith.constant 0 : i32
      %dma_wait3A_496 = tpu.memref_slice %arg8[%dma_wait3A_489, %dma_wait3A_495] : memref<8x128xi32, #tpu.memory_space<vmem>> -> memref<1x128xi32, #tpu.memory_space<vmem>>
      %dma_wait3A_497 = tpu.memref_squeeze %dma_wait3A_496 : memref<1x128xi32, #tpu.memory_space<vmem>> -> memref<128xi32, #tpu.memory_space<vmem>>
      %dma_wait3A_498 = arith.constant 0 : i32
      %dma_wait3A_499 = arith.constant 0 : i32
      %dma_wait3A_500 = tpu.memref_slice %arg14[%dma_wait3A_498, %dma_wait3A_499] : memref<10000x16xbf16, #tpu.memory_space<vmem_shared>> -> memref<10000x16xbf16, #tpu.memory_space<vmem_shared>>
      tpu.wait_indirect_dma semaphore(%arg18 : memref<!tpu.dma_semaphore, #tpu.memory_space<semaphore_mem>>) src(%dma_wait3A_500 : memref<10000x16xbf16, #tpu.memory_space<vmem_shared>>) dst(%dma_wait3A_494 : memref<128x16xbf16, #tpu.memory_space<vmem>>)
      %dma_wait3A_501 = arith.constant 4 : i32
      %dma_wait3A_502 = arith.constant 4 : i32
      %dma_wait3A_503 = arith.constant 0 : i32
      %dma_wait3A_504 = arith.constant 0 : i32
      %dma_wait3A_505 = tpu.memref_slice %arg12[%dma_wait3A_502, %dma_wait3A_503, %dma_wait3A_504] : memref<8x128x16xbf16, #tpu.memory_space<vmem>> -> memref<1x128x16xbf16, #tpu.memory_space<vmem>>
      %dma_wait3A_506 = tpu.memref_squeeze %dma_wait3A_505 : memref<1x128x16xbf16, #tpu.memory_space<vmem>> -> memref<128x16xbf16, #tpu.memory_space<vmem>>
      %dma_wait3A_507 = arith.constant 0 : i32
      %dma_wait3A_508 = tpu.memref_slice %arg8[%dma_wait3A_501, %dma_wait3A_507] : memref<8x128xi32, #tpu.memory_space<vmem>> -> memref<1x128xi32, #tpu.memory_space<vmem>>
      %dma_wait3A_509 = tpu.memref_squeeze %dma_wait3A_508 : memref<1x128xi32, #tpu.memory_space<vmem>> -> memref<128xi32, #tpu.memory_space<vmem>>
      %dma_wait3A_510 = arith.constant 0 : i32
      %dma_wait3A_511 = arith.constant 0 : i32
      %dma_wait3A_512 = tpu.memref_slice %arg14[%dma_wait3A_510, %dma_wait3A_511] : memref<10000x16xbf16, #tpu.memory_space<vmem_shared>> -> memref<10000x16xbf16, #tpu.memory_space<vmem_shared>>
      tpu.wait_indirect_dma semaphore(%arg18 : memref<!tpu.dma_semaphore, #tpu.memory_space<semaphore_mem>>) src(%dma_wait3A_512 : memref<10000x16xbf16, #tpu.memory_space<vmem_shared>>) dst(%dma_wait3A_506 : memref<128x16xbf16, #tpu.memory_space<vmem>>)
      %dma_wait3A_513 = arith.constant 5 : i32
      %dma_wait3A_514 = arith.constant 5 : i32
      %dma_wait3A_515 = arith.constant 0 : i32
      %dma_wait3A_516 = arith.constant 0 : i32
      %dma_wait3A_517 = tpu.memref_slice %arg12[%dma_wait3A_514, %dma_wait3A_515, %dma_wait3A_516] : memref<8x128x16xbf16, #tpu.memory_space<vmem>> -> memref<1x128x16xbf16, #tpu.memory_space<vmem>>
      %dma_wait3A_518 = tpu.memref_squeeze %dma_wait3A_517 : memref<1x128x16xbf16, #tpu.memory_space<vmem>> -> memref<128x16xbf16, #tpu.memory_space<vmem>>
      %dma_wait3A_519 = arith.constant 0 : i32
      %dma_wait3A_520 = tpu.memref_slice %arg8[%dma_wait3A_513, %dma_wait3A_519] : memref<8x128xi32, #tpu.memory_space<vmem>> -> memref<1x128xi32, #tpu.memory_space<vmem>>
      %dma_wait3A_521 = tpu.memref_squeeze %dma_wait3A_520 : memref<1x128xi32, #tpu.memory_space<vmem>> -> memref<128xi32, #tpu.memory_space<vmem>>
      %dma_wait3A_522 = arith.constant 0 : i32
      %dma_wait3A_523 = arith.constant 0 : i32
      %dma_wait3A_524 = tpu.memref_slice %arg14[%dma_wait3A_522, %dma_wait3A_523] : memref<10000x16xbf16, #tpu.memory_space<vmem_shared>> -> memref<10000x16xbf16, #tpu.memory_space<vmem_shared>>
      tpu.wait_indirect_dma semaphore(%arg18 : memref<!tpu.dma_semaphore, #tpu.memory_space<semaphore_mem>>) src(%dma_wait3A_524 : memref<10000x16xbf16, #tpu.memory_space<vmem_shared>>) dst(%dma_wait3A_518 : memref<128x16xbf16, #tpu.memory_space<vmem>>)
      %dma_wait3A_525 = arith.constant 6 : i32
      %dma_wait3A_526 = arith.constant 6 : i32
      %dma_wait3A_527 = arith.constant 0 : i32
      %dma_wait3A_528 = arith.constant 0 : i32
      %dma_wait3A_529 = tpu.memref_slice %arg12[%dma_wait3A_526, %dma_wait3A_527, %dma_wait3A_528] : memref<8x128x16xbf16, #tpu.memory_space<vmem>> -> memref<1x128x16xbf16, #tpu.memory_space<vmem>>
      %dma_wait3A_530 = tpu.memref_squeeze %dma_wait3A_529 : memref<1x128x16xbf16, #tpu.memory_space<vmem>> -> memref<128x16xbf16, #tpu.memory_space<vmem>>
      %dma_wait3A_531 = arith.constant 0 : i32
      %dma_wait3A_532 = tpu.memref_slice %arg8[%dma_wait3A_525, %dma_wait3A_531] : memref<8x128xi32, #tpu.memory_space<vmem>> -> memref<1x128xi32, #tpu.memory_space<vmem>>
      %dma_wait3A_533 = tpu.memref_squeeze %dma_wait3A_532 : memref<1x128xi32, #tpu.memory_space<vmem>> -> memref<128xi32, #tpu.memory_space<vmem>>
      %dma_wait3A_534 = arith.constant 0 : i32
      %dma_wait3A_535 = arith.constant 0 : i32
      %dma_wait3A_536 = tpu.memref_slice %arg14[%dma_wait3A_534, %dma_wait3A_535] : memref<10000x16xbf16, #tpu.memory_space<vmem_shared>> -> memref<10000x16xbf16, #tpu.memory_space<vmem_shared>>
      tpu.wait_indirect_dma semaphore(%arg18 : memref<!tpu.dma_semaphore, #tpu.memory_space<semaphore_mem>>) src(%dma_wait3A_536 : memref<10000x16xbf16, #tpu.memory_space<vmem_shared>>) dst(%dma_wait3A_530 : memref<128x16xbf16, #tpu.memory_space<vmem>>)
      %dma_wait3A_537 = arith.constant 7 : i32
      %dma_wait3A_538 = arith.constant 7 : i32
      %dma_wait3A_539 = arith.constant 0 : i32
      %dma_wait3A_540 = arith.constant 0 : i32
      %dma_wait3A_541 = tpu.memref_slice %arg12[%dma_wait3A_538, %dma_wait3A_539, %dma_wait3A_540] : memref<8x128x16xbf16, #tpu.memory_space<vmem>> -> memref<1x128x16xbf16, #tpu.memory_space<vmem>>
      %dma_wait3A_542 = tpu.memref_squeeze %dma_wait3A_541 : memref<1x128x16xbf16, #tpu.memory_space<vmem>> -> memref<128x16xbf16, #tpu.memory_space<vmem>>
      %dma_wait3A_543 = arith.constant 0 : i32
      %dma_wait3A_544 = tpu.memref_slice %arg8[%dma_wait3A_537, %dma_wait3A_543] : memref<8x128xi32, #tpu.memory_space<vmem>> -> memref<1x128xi32, #tpu.memory_space<vmem>>
      %dma_wait3A_545 = tpu.memref_squeeze %dma_wait3A_544 : memref<1x128xi32, #tpu.memory_space<vmem>> -> memref<128xi32, #tpu.memory_space<vmem>>
      %dma_wait3A_546 = arith.constant 0 : i32
      %dma_wait3A_547 = arith.constant 0 : i32
      %dma_wait3A_548 = tpu.memref_slice %arg14[%dma_wait3A_546, %dma_wait3A_547] : memref<10000x16xbf16, #tpu.memory_space<vmem_shared>> -> memref<10000x16xbf16, #tpu.memory_space<vmem_shared>>
      tpu.wait_indirect_dma semaphore(%arg18 : memref<!tpu.dma_semaphore, #tpu.memory_space<semaphore_mem>>) src(%dma_wait3A_548 : memref<10000x16xbf16, #tpu.memory_space<vmem_shared>>) dst(%dma_wait3A_542 : memref<128x16xbf16, #tpu.memory_space<vmem>>)
      %dma_start3A_549 = arith.constant 0 : i32
      %dma_start3A_550 = arith.constant 0 : i32
      %dma_start3A_551 = arith.constant 0 : i32
      %dma_start3A_552 = arith.constant 0 : i32
      %dma_start3A_553 = tpu.memref_slice %arg12[%dma_start3A_549, %dma_start3A_551, %dma_start3A_552] : memref<8x128x16xbf16, #tpu.memory_space<vmem>> -> memref<1x128x16xbf16, #tpu.memory_space<vmem>>
      %dma_start3A_554 = tpu.memref_squeeze %dma_start3A_553 : memref<1x128x16xbf16, #tpu.memory_space<vmem>> -> memref<128x16xbf16, #tpu.memory_space<vmem>>
      %dma_start3A_555 = arith.constant 0 : i32
      %dma_start3A_556 = tpu.memref_slice %arg10[%dma_start3A_550, %dma_start3A_555] : memref<8x128xi32, #tpu.memory_space<vmem>> -> memref<1x128xi32, #tpu.memory_space<vmem>>
      %dma_start3A_557 = tpu.memref_squeeze %dma_start3A_556 : memref<1x128xi32, #tpu.memory_space<vmem>> -> memref<128xi32, #tpu.memory_space<vmem>>
      %dma_start3A_558 = arith.constant 0 : i32
      %dma_start3A_559 = arith.constant 0 : i32
      %dma_start3A_560 = tpu.memref_slice %arg13[%dma_start3A_558, %dma_start3A_559] : memref<10016x16xbf16, #tpu.memory_space<vmem_shared>> -> memref<10016x16xbf16, #tpu.memory_space<vmem_shared>>
      tpu.enqueue_indirect_dma source(%dma_start3A_554 : memref<128x16xbf16, #tpu.memory_space<vmem>>) target(%dma_start3A_560 : memref<10016x16xbf16, #tpu.memory_space<vmem_shared>>) offsets(%dma_start3A_557 : memref<128xi32, #tpu.memory_space<vmem>>) semaphore(%arg20 : memref<!tpu.dma_semaphore, #tpu.memory_space<semaphore_mem>>) {add = true}
      %dma_start3A_561 = arith.constant 1 : i32
      %dma_start3A_562 = arith.constant 1 : i32
      %dma_start3A_563 = arith.constant 0 : i32
      %dma_start3A_564 = arith.constant 0 : i32
      %dma_start3A_565 = tpu.memref_slice %arg12[%dma_start3A_561, %dma_start3A_563, %dma_start3A_564] : memref<8x128x16xbf16, #tpu.memory_space<vmem>> -> memref<1x128x16xbf16, #tpu.memory_space<vmem>>
      %dma_start3A_566 = tpu.memref_squeeze %dma_start3A_565 : memref<1x128x16xbf16, #tpu.memory_space<vmem>> -> memref<128x16xbf16, #tpu.memory_space<vmem>>
      %dma_start3A_567 = arith.constant 0 : i32
      %dma_start3A_568 = tpu.memref_slice %arg10[%dma_start3A_562, %dma_start3A_567] : memref<8x128xi32, #tpu.memory_space<vmem>> -> memref<1x128xi32, #tpu.memory_space<vmem>>
      %dma_start3A_569 = tpu.memref_squeeze %dma_start3A_568 : memref<1x128xi32, #tpu.memory_space<vmem>> -> memref<128xi32, #tpu.memory_space<vmem>>
      %dma_start3A_570 = arith.constant 0 : i32
      %dma_start3A_571 = arith.constant 0 : i32
      %dma_start3A_572 = tpu.memref_slice %arg13[%dma_start3A_570, %dma_start3A_571] : memref<10016x16xbf16, #tpu.memory_space<vmem_shared>> -> memref<10016x16xbf16, #tpu.memory_space<vmem_shared>>
      tpu.enqueue_indirect_dma source(%dma_start3A_566 : memref<128x16xbf16, #tpu.memory_space<vmem>>) target(%dma_start3A_572 : memref<10016x16xbf16, #tpu.memory_space<vmem_shared>>) offsets(%dma_start3A_569 : memref<128xi32, #tpu.memory_space<vmem>>) semaphore(%arg20 : memref<!tpu.dma_semaphore, #tpu.memory_space<semaphore_mem>>) {add = true}
      %dma_start3A_573 = arith.constant 2 : i32
      %dma_start3A_574 = arith.constant 2 : i32
      %dma_start3A_575 = arith.constant 0 : i32
      %dma_start3A_576 = arith.constant 0 : i32
      %dma_start3A_577 = tpu.memref_slice %arg12[%dma_start3A_573, %dma_start3A_575, %dma_start3A_576] : memref<8x128x16xbf16, #tpu.memory_space<vmem>> -> memref<1x128x16xbf16, #tpu.memory_space<vmem>>
      %dma_start3A_578 = tpu.memref_squeeze %dma_start3A_577 : memref<1x128x16xbf16, #tpu.memory_space<vmem>> -> memref<128x16xbf16, #tpu.memory_space<vmem>>
      %dma_start3A_579 = arith.constant 0 : i32
      %dma_start3A_580 = tpu.memref_slice %arg10[%dma_start3A_574, %dma_start3A_579] : memref<8x128xi32, #tpu.memory_space<vmem>> -> memref<1x128xi32, #tpu.memory_space<vmem>>
      %dma_start3A_581 = tpu.memref_squeeze %dma_start3A_580 : memref<1x128xi32, #tpu.memory_space<vmem>> -> memref<128xi32, #tpu.memory_space<vmem>>
      %dma_start3A_582 = arith.constant 0 : i32
      %dma_start3A_583 = arith.constant 0 : i32
      %dma_start3A_584 = tpu.memref_slice %arg13[%dma_start3A_582, %dma_start3A_583] : memref<10016x16xbf16, #tpu.memory_space<vmem_shared>> -> memref<10016x16xbf16, #tpu.memory_space<vmem_shared>>
      tpu.enqueue_indirect_dma source(%dma_start3A_578 : memref<128x16xbf16, #tpu.memory_space<vmem>>) target(%dma_start3A_584 : memref<10016x16xbf16, #tpu.memory_space<vmem_shared>>) offsets(%dma_start3A_581 : memref<128xi32, #tpu.memory_space<vmem>>) semaphore(%arg20 : memref<!tpu.dma_semaphore, #tpu.memory_space<semaphore_mem>>) {add = true}
      %dma_start3A_585 = arith.constant 3 : i32
      %dma_start3A_586 = arith.constant 3 : i32
      %dma_start3A_587 = arith.constant 0 : i32
      %dma_start3A_588 = arith.constant 0 : i32
      %dma_start3A_589 = tpu.memref_slice %arg12[%dma_start3A_585, %dma_start3A_587, %dma_start3A_588] : memref<8x128x16xbf16, #tpu.memory_space<vmem>> -> memref<1x128x16xbf16, #tpu.memory_space<vmem>>
      %dma_start3A_590 = tpu.memref_squeeze %dma_start3A_589 : memref<1x128x16xbf16, #tpu.memory_space<vmem>> -> memref<128x16xbf16, #tpu.memory_space<vmem>>
      %dma_start3A_591 = arith.constant 0 : i32
      %dma_start3A_592 = tpu.memref_slice %arg10[%dma_start3A_586, %dma_start3A_591] : memref<8x128xi32, #tpu.memory_space<vmem>> -> memref<1x128xi32, #tpu.memory_space<vmem>>
      %dma_start3A_593 = tpu.memref_squeeze %dma_start3A_592 : memref<1x128xi32, #tpu.memory_space<vmem>> -> memref<128xi32, #tpu.memory_space<vmem>>
      %dma_start3A_594 = arith.constant 0 : i32
      %dma_start3A_595 = arith.constant 0 : i32
      %dma_start3A_596 = tpu.memref_slice %arg13[%dma_start3A_594, %dma_start3A_595] : memref<10016x16xbf16, #tpu.memory_space<vmem_shared>> -> memref<10016x16xbf16, #tpu.memory_space<vmem_shared>>
      tpu.enqueue_indirect_dma source(%dma_start3A_590 : memref<128x16xbf16, #tpu.memory_space<vmem>>) target(%dma_start3A_596 : memref<10016x16xbf16, #tpu.memory_space<vmem_shared>>) offsets(%dma_start3A_593 : memref<128xi32, #tpu.memory_space<vmem>>) semaphore(%arg20 : memref<!tpu.dma_semaphore, #tpu.memory_space<semaphore_mem>>) {add = true}
      %dma_start3A_597 = arith.constant 4 : i32
      %dma_start3A_598 = arith.constant 4 : i32
      %dma_start3A_599 = arith.constant 0 : i32
      %dma_start3A_600 = arith.constant 0 : i32
      %dma_start3A_601 = tpu.memref_slice %arg12[%dma_start3A_597, %dma_start3A_599, %dma_start3A_600] : memref<8x128x16xbf16, #tpu.memory_space<vmem>> -> memref<1x128x16xbf16, #tpu.memory_space<vmem>>
      %dma_start3A_602 = tpu.memref_squeeze %dma_start3A_601 : memref<1x128x16xbf16, #tpu.memory_space<vmem>> -> memref<128x16xbf16, #tpu.memory_space<vmem>>
      %dma_start3A_603 = arith.constant 0 : i32
      %dma_start3A_604 = tpu.memref_slice %arg10[%dma_start3A_598, %dma_start3A_603] : memref<8x128xi32, #tpu.memory_space<vmem>> -> memref<1x128xi32, #tpu.memory_space<vmem>>
      %dma_start3A_605 = tpu.memref_squeeze %dma_start3A_604 : memref<1x128xi32, #tpu.memory_space<vmem>> -> memref<128xi32, #tpu.memory_space<vmem>>
      %dma_start3A_606 = arith.constant 0 : i32
      %dma_start3A_607 = arith.constant 0 : i32
      %dma_start3A_608 = tpu.memref_slice %arg13[%dma_start3A_606, %dma_start3A_607] : memref<10016x16xbf16, #tpu.memory_space<vmem_shared>> -> memref<10016x16xbf16, #tpu.memory_space<vmem_shared>>
      tpu.enqueue_indirect_dma source(%dma_start3A_602 : memref<128x16xbf16, #tpu.memory_space<vmem>>) target(%dma_start3A_608 : memref<10016x16xbf16, #tpu.memory_space<vmem_shared>>) offsets(%dma_start3A_605 : memref<128xi32, #tpu.memory_space<vmem>>) semaphore(%arg20 : memref<!tpu.dma_semaphore, #tpu.memory_space<semaphore_mem>>) {add = true}
      %dma_start3A_609 = arith.constant 5 : i32
      %dma_start3A_610 = arith.constant 5 : i32
      %dma_start3A_611 = arith.constant 0 : i32
      %dma_start3A_612 = arith.constant 0 : i32
      %dma_start3A_613 = tpu.memref_slice %arg12[%dma_start3A_609, %dma_start3A_611, %dma_start3A_612] : memref<8x128x16xbf16, #tpu.memory_space<vmem>> -> memref<1x128x16xbf16, #tpu.memory_space<vmem>>
      %dma_start3A_614 = tpu.memref_squeeze %dma_start3A_613 : memref<1x128x16xbf16, #tpu.memory_space<vmem>> -> memref<128x16xbf16, #tpu.memory_space<vmem>>
      %dma_start3A_615 = arith.constant 0 : i32
      %dma_start3A_616 = tpu.memref_slice %arg10[%dma_start3A_610, %dma_start3A_615] : memref<8x128xi32, #tpu.memory_space<vmem>> -> memref<1x128xi32, #tpu.memory_space<vmem>>
      %dma_start3A_617 = tpu.memref_squeeze %dma_start3A_616 : memref<1x128xi32, #tpu.memory_space<vmem>> -> memref<128xi32, #tpu.memory_space<vmem>>
      %dma_start3A_618 = arith.constant 0 : i32
      %dma_start3A_619 = arith.constant 0 : i32
      %dma_start3A_620 = tpu.memref_slice %arg13[%dma_start3A_618, %dma_start3A_619] : memref<10016x16xbf16, #tpu.memory_space<vmem_shared>> -> memref<10016x16xbf16, #tpu.memory_space<vmem_shared>>
      tpu.enqueue_indirect_dma source(%dma_start3A_614 : memref<128x16xbf16, #tpu.memory_space<vmem>>) target(%dma_start3A_620 : memref<10016x16xbf16, #tpu.memory_space<vmem_shared>>) offsets(%dma_start3A_617 : memref<128xi32, #tpu.memory_space<vmem>>) semaphore(%arg20 : memref<!tpu.dma_semaphore, #tpu.memory_space<semaphore_mem>>) {add = true}
      %dma_start3A_621 = arith.constant 6 : i32
      %dma_start3A_622 = arith.constant 6 : i32
      %dma_start3A_623 = arith.constant 0 : i32
      %dma_start3A_624 = arith.constant 0 : i32
      %dma_start3A_625 = tpu.memref_slice %arg12[%dma_start3A_621, %dma_start3A_623, %dma_start3A_624] : memref<8x128x16xbf16, #tpu.memory_space<vmem>> -> memref<1x128x16xbf16, #tpu.memory_space<vmem>>
      %dma_start3A_626 = tpu.memref_squeeze %dma_start3A_625 : memref<1x128x16xbf16, #tpu.memory_space<vmem>> -> memref<128x16xbf16, #tpu.memory_space<vmem>>
      %dma_start3A_627 = arith.constant 0 : i32
      %dma_start3A_628 = tpu.memref_slice %arg10[%dma_start3A_622, %dma_start3A_627] : memref<8x128xi32, #tpu.memory_space<vmem>> -> memref<1x128xi32, #tpu.memory_space<vmem>>
      %dma_start3A_629 = tpu.memref_squeeze %dma_start3A_628 : memref<1x128xi32, #tpu.memory_space<vmem>> -> memref<128xi32, #tpu.memory_space<vmem>>
      %dma_start3A_630 = arith.constant 0 : i32
      %dma_start3A_631 = arith.constant 0 : i32
      %dma_start3A_632 = tpu.memref_slice %arg13[%dma_start3A_630, %dma_start3A_631] : memref<10016x16xbf16, #tpu.memory_space<vmem_shared>> -> memref<10016x16xbf16, #tpu.memory_space<vmem_shared>>
      tpu.enqueue_indirect_dma source(%dma_start3A_626 : memref<128x16xbf16, #tpu.memory_space<vmem>>) target(%dma_start3A_632 : memref<10016x16xbf16, #tpu.memory_space<vmem_shared>>) offsets(%dma_start3A_629 : memref<128xi32, #tpu.memory_space<vmem>>) semaphore(%arg20 : memref<!tpu.dma_semaphore, #tpu.memory_space<semaphore_mem>>) {add = true}
      %dma_start3A_633 = arith.constant 7 : i32
      %dma_start3A_634 = arith.constant 7 : i32
      %dma_start3A_635 = arith.constant 0 : i32
      %dma_start3A_636 = arith.constant 0 : i32
      %dma_start3A_637 = tpu.memref_slice %arg12[%dma_start3A_633, %dma_start3A_635, %dma_start3A_636] : memref<8x128x16xbf16, #tpu.memory_space<vmem>> -> memref<1x128x16xbf16, #tpu.memory_space<vmem>>
      %dma_start3A_638 = tpu.memref_squeeze %dma_start3A_637 : memref<1x128x16xbf16, #tpu.memory_space<vmem>> -> memref<128x16xbf16, #tpu.memory_space<vmem>>
      %dma_start3A_639 = arith.constant 0 : i32
      %dma_start3A_640 = tpu.memref_slice %arg10[%dma_start3A_634, %dma_start3A_639] : memref<8x128xi32, #tpu.memory_space<vmem>> -> memref<1x128xi32, #tpu.memory_space<vmem>>
      %dma_start3A_641 = tpu.memref_squeeze %dma_start3A_640 : memref<1x128xi32, #tpu.memory_space<vmem>> -> memref<128xi32, #tpu.memory_space<vmem>>
      %dma_start3A_642 = arith.constant 0 : i32
      %dma_start3A_643 = arith.constant 0 : i32
      %dma_start3A_644 = tpu.memref_slice %arg13[%dma_start3A_642, %dma_start3A_643] : memref<10016x16xbf16, #tpu.memory_space<vmem_shared>> -> memref<10016x16xbf16, #tpu.memory_space<vmem_shared>>
      tpu.enqueue_indirect_dma source(%dma_start3A_638 : memref<128x16xbf16, #tpu.memory_space<vmem>>) target(%dma_start3A_644 : memref<10016x16xbf16, #tpu.memory_space<vmem_shared>>) offsets(%dma_start3A_641 : memref<128xi32, #tpu.memory_space<vmem>>) semaphore(%arg20 : memref<!tpu.dma_semaphore, #tpu.memory_space<semaphore_mem>>) {add = true}
      %dma_wait3A_645 = arith.constant 0 : i32
      %dma_wait3A_646 = arith.constant 0 : i32
      %dma_wait3A_647 = arith.constant 0 : i32
      %dma_wait3A_648 = arith.constant 0 : i32
      %dma_wait3A_649 = tpu.memref_slice %arg11[%dma_wait3A_645, %dma_wait3A_647, %dma_wait3A_648] : memref<8x128x16xbf16, #tpu.memory_space<vmem>> -> memref<1x128x16xbf16, #tpu.memory_space<vmem>>
      %dma_wait3A_650 = tpu.memref_squeeze %dma_wait3A_649 : memref<1x128x16xbf16, #tpu.memory_space<vmem>> -> memref<128x16xbf16, #tpu.memory_space<vmem>>
      %dma_wait3A_651 = arith.constant 0 : i32
      %dma_wait3A_652 = tpu.memref_slice %arg9[%dma_wait3A_646, %dma_wait3A_651] : memref<8x128xi32, #tpu.memory_space<vmem>> -> memref<1x128xi32, #tpu.memory_space<vmem>>
      %dma_wait3A_653 = tpu.memref_squeeze %dma_wait3A_652 : memref<1x128xi32, #tpu.memory_space<vmem>> -> memref<128xi32, #tpu.memory_space<vmem>>
      %dma_wait3A_654 = arith.constant 0 : i32
      %dma_wait3A_655 = arith.constant 0 : i32
      %dma_wait3A_656 = tpu.memref_slice %arg13[%dma_wait3A_654, %dma_wait3A_655] : memref<10016x16xbf16, #tpu.memory_space<vmem_shared>> -> memref<10016x16xbf16, #tpu.memory_space<vmem_shared>>
      tpu.wait_indirect_dma semaphore(%arg19 : memref<!tpu.dma_semaphore, #tpu.memory_space<semaphore_mem>>) src(%dma_wait3A_650 : memref<128x16xbf16, #tpu.memory_space<vmem>>) dst(%dma_wait3A_656 : memref<10016x16xbf16, #tpu.memory_space<vmem_shared>>)
      %dma_wait3A_657 = arith.constant 1 : i32
      %dma_wait3A_658 = arith.constant 1 : i32
      %dma_wait3A_659 = arith.constant 0 : i32
      %dma_wait3A_660 = arith.constant 0 : i32
      %dma_wait3A_661 = tpu.memref_slice %arg11[%dma_wait3A_657, %dma_wait3A_659, %dma_wait3A_660] : memref<8x128x16xbf16, #tpu.memory_space<vmem>> -> memref<1x128x16xbf16, #tpu.memory_space<vmem>>
      %dma_wait3A_662 = tpu.memref_squeeze %dma_wait3A_661 : memref<1x128x16xbf16, #tpu.memory_space<vmem>> -> memref<128x16xbf16, #tpu.memory_space<vmem>>
      %dma_wait3A_663 = arith.constant 0 : i32
      %dma_wait3A_664 = tpu.memref_slice %arg9[%dma_wait3A_658, %dma_wait3A_663] : memref<8x128xi32, #tpu.memory_space<vmem>> -> memref<1x128xi32, #tpu.memory_space<vmem>>
      %dma_wait3A_665 = tpu.memref_squeeze %dma_wait3A_664 : memref<1x128xi32, #tpu.memory_space<vmem>> -> memref<128xi32, #tpu.memory_space<vmem>>
      %dma_wait3A_666 = arith.constant 0 : i32
      %dma_wait3A_667 = arith.constant 0 : i32
      %dma_wait3A_668 = tpu.memref_slice %arg13[%dma_wait3A_666, %dma_wait3A_667] : memref<10016x16xbf16, #tpu.memory_space<vmem_shared>> -> memref<10016x16xbf16, #tpu.memory_space<vmem_shared>>
      tpu.wait_indirect_dma semaphore(%arg19 : memref<!tpu.dma_semaphore, #tpu.memory_space<semaphore_mem>>) src(%dma_wait3A_662 : memref<128x16xbf16, #tpu.memory_space<vmem>>) dst(%dma_wait3A_668 : memref<10016x16xbf16, #tpu.memory_space<vmem_shared>>)
      %dma_wait3A_669 = arith.constant 2 : i32
      %dma_wait3A_670 = arith.constant 2 : i32
      %dma_wait3A_671 = arith.constant 0 : i32
      %dma_wait3A_672 = arith.constant 0 : i32
      %dma_wait3A_673 = tpu.memref_slice %arg11[%dma_wait3A_669, %dma_wait3A_671, %dma_wait3A_672] : memref<8x128x16xbf16, #tpu.memory_space<vmem>> -> memref<1x128x16xbf16, #tpu.memory_space<vmem>>
      %dma_wait3A_674 = tpu.memref_squeeze %dma_wait3A_673 : memref<1x128x16xbf16, #tpu.memory_space<vmem>> -> memref<128x16xbf16, #tpu.memory_space<vmem>>
      %dma_wait3A_675 = arith.constant 0 : i32
      %dma_wait3A_676 = tpu.memref_slice %arg9[%dma_wait3A_670, %dma_wait3A_675] : memref<8x128xi32, #tpu.memory_space<vmem>> -> memref<1x128xi32, #tpu.memory_space<vmem>>
      %dma_wait3A_677 = tpu.memref_squeeze %dma_wait3A_676 : memref<1x128xi32, #tpu.memory_space<vmem>> -> memref<128xi32, #tpu.memory_space<vmem>>
      %dma_wait3A_678 = arith.constant 0 : i32
      %dma_wait3A_679 = arith.constant 0 : i32
      %dma_wait3A_680 = tpu.memref_slice %arg13[%dma_wait3A_678, %dma_wait3A_679] : memref<10016x16xbf16, #tpu.memory_space<vmem_shared>> -> memref<10016x16xbf16, #tpu.memory_space<vmem_shared>>
      tpu.wait_indirect_dma semaphore(%arg19 : memref<!tpu.dma_semaphore, #tpu.memory_space<semaphore_mem>>) src(%dma_wait3A_674 : memref<128x16xbf16, #tpu.memory_space<vmem>>) dst(%dma_wait3A_680 : memref<10016x16xbf16, #tpu.memory_space<vmem_shared>>)
      %dma_wait3A_681 = arith.constant 3 : i32
      %dma_wait3A_682 = arith.constant 3 : i32
      %dma_wait3A_683 = arith.constant 0 : i32
      %dma_wait3A_684 = arith.constant 0 : i32
      %dma_wait3A_685 = tpu.memref_slice %arg11[%dma_wait3A_681, %dma_wait3A_683, %dma_wait3A_684] : memref<8x128x16xbf16, #tpu.memory_space<vmem>> -> memref<1x128x16xbf16, #tpu.memory_space<vmem>>
      %dma_wait3A_686 = tpu.memref_squeeze %dma_wait3A_685 : memref<1x128x16xbf16, #tpu.memory_space<vmem>> -> memref<128x16xbf16, #tpu.memory_space<vmem>>
      %dma_wait3A_687 = arith.constant 0 : i32
      %dma_wait3A_688 = tpu.memref_slice %arg9[%dma_wait3A_682, %dma_wait3A_687] : memref<8x128xi32, #tpu.memory_space<vmem>> -> memref<1x128xi32, #tpu.memory_space<vmem>>
      %dma_wait3A_689 = tpu.memref_squeeze %dma_wait3A_688 : memref<1x128xi32, #tpu.memory_space<vmem>> -> memref<128xi32, #tpu.memory_space<vmem>>
      %dma_wait3A_690 = arith.constant 0 : i32
      %dma_wait3A_691 = arith.constant 0 : i32
      %dma_wait3A_692 = tpu.memref_slice %arg13[%dma_wait3A_690, %dma_wait3A_691] : memref<10016x16xbf16, #tpu.memory_space<vmem_shared>> -> memref<10016x16xbf16, #tpu.memory_space<vmem_shared>>
      tpu.wait_indirect_dma semaphore(%arg19 : memref<!tpu.dma_semaphore, #tpu.memory_space<semaphore_mem>>) src(%dma_wait3A_686 : memref<128x16xbf16, #tpu.memory_space<vmem>>) dst(%dma_wait3A_692 : memref<10016x16xbf16, #tpu.memory_space<vmem_shared>>)
      %dma_wait3A_693 = arith.constant 4 : i32
      %dma_wait3A_694 = arith.constant 4 : i32
      %dma_wait3A_695 = arith.constant 0 : i32
      %dma_wait3A_696 = arith.constant 0 : i32
      %dma_wait3A_697 = tpu.memref_slice %arg11[%dma_wait3A_693, %dma_wait3A_695, %dma_wait3A_696] : memref<8x128x16xbf16, #tpu.memory_space<vmem>> -> memref<1x128x16xbf16, #tpu.memory_space<vmem>>
      %dma_wait3A_698 = tpu.memref_squeeze %dma_wait3A_697 : memref<1x128x16xbf16, #tpu.memory_space<vmem>> -> memref<128x16xbf16, #tpu.memory_space<vmem>>
      %dma_wait3A_699 = arith.constant 0 : i32
      %dma_wait3A_700 = tpu.memref_slice %arg9[%dma_wait3A_694, %dma_wait3A_699] : memref<8x128xi32, #tpu.memory_space<vmem>> -> memref<1x128xi32, #tpu.memory_space<vmem>>
      %dma_wait3A_701 = tpu.memref_squeeze %dma_wait3A_700 : memref<1x128xi32, #tpu.memory_space<vmem>> -> memref<128xi32, #tpu.memory_space<vmem>>
      %dma_wait3A_702 = arith.constant 0 : i32
      %dma_wait3A_703 = arith.constant 0 : i32
      %dma_wait3A_704 = tpu.memref_slice %arg13[%dma_wait3A_702, %dma_wait3A_703] : memref<10016x16xbf16, #tpu.memory_space<vmem_shared>> -> memref<10016x16xbf16, #tpu.memory_space<vmem_shared>>
      tpu.wait_indirect_dma semaphore(%arg19 : memref<!tpu.dma_semaphore, #tpu.memory_space<semaphore_mem>>) src(%dma_wait3A_698 : memref<128x16xbf16, #tpu.memory_space<vmem>>) dst(%dma_wait3A_704 : memref<10016x16xbf16, #tpu.memory_space<vmem_shared>>)
      %dma_wait3A_705 = arith.constant 5 : i32
      %dma_wait3A_706 = arith.constant 5 : i32
      %dma_wait3A_707 = arith.constant 0 : i32
      %dma_wait3A_708 = arith.constant 0 : i32
      %dma_wait3A_709 = tpu.memref_slice %arg11[%dma_wait3A_705, %dma_wait3A_707, %dma_wait3A_708] : memref<8x128x16xbf16, #tpu.memory_space<vmem>> -> memref<1x128x16xbf16, #tpu.memory_space<vmem>>
      %dma_wait3A_710 = tpu.memref_squeeze %dma_wait3A_709 : memref<1x128x16xbf16, #tpu.memory_space<vmem>> -> memref<128x16xbf16, #tpu.memory_space<vmem>>
      %dma_wait3A_711 = arith.constant 0 : i32
      %dma_wait3A_712 = tpu.memref_slice %arg9[%dma_wait3A_706, %dma_wait3A_711] : memref<8x128xi32, #tpu.memory_space<vmem>> -> memref<1x128xi32, #tpu.memory_space<vmem>>
      %dma_wait3A_713 = tpu.memref_squeeze %dma_wait3A_712 : memref<1x128xi32, #tpu.memory_space<vmem>> -> memref<128xi32, #tpu.memory_space<vmem>>
      %dma_wait3A_714 = arith.constant 0 : i32
      %dma_wait3A_715 = arith.constant 0 : i32
      %dma_wait3A_716 = tpu.memref_slice %arg13[%dma_wait3A_714, %dma_wait3A_715] : memref<10016x16xbf16, #tpu.memory_space<vmem_shared>> -> memref<10016x16xbf16, #tpu.memory_space<vmem_shared>>
      tpu.wait_indirect_dma semaphore(%arg19 : memref<!tpu.dma_semaphore, #tpu.memory_space<semaphore_mem>>) src(%dma_wait3A_710 : memref<128x16xbf16, #tpu.memory_space<vmem>>) dst(%dma_wait3A_716 : memref<10016x16xbf16, #tpu.memory_space<vmem_shared>>)
      %dma_wait3A_717 = arith.constant 6 : i32
      %dma_wait3A_718 = arith.constant 6 : i32
      %dma_wait3A_719 = arith.constant 0 : i32
      %dma_wait3A_720 = arith.constant 0 : i32
      %dma_wait3A_721 = tpu.memref_slice %arg11[%dma_wait3A_717, %dma_wait3A_719, %dma_wait3A_720] : memref<8x128x16xbf16, #tpu.memory_space<vmem>> -> memref<1x128x16xbf16, #tpu.memory_space<vmem>>
      %dma_wait3A_722 = tpu.memref_squeeze %dma_wait3A_721 : memref<1x128x16xbf16, #tpu.memory_space<vmem>> -> memref<128x16xbf16, #tpu.memory_space<vmem>>
      %dma_wait3A_723 = arith.constant 0 : i32
      %dma_wait3A_724 = tpu.memref_slice %arg9[%dma_wait3A_718, %dma_wait3A_723] : memref<8x128xi32, #tpu.memory_space<vmem>> -> memref<1x128xi32, #tpu.memory_space<vmem>>
      %dma_wait3A_725 = tpu.memref_squeeze %dma_wait3A_724 : memref<1x128xi32, #tpu.memory_space<vmem>> -> memref<128xi32, #tpu.memory_space<vmem>>
      %dma_wait3A_726 = arith.constant 0 : i32
      %dma_wait3A_727 = arith.constant 0 : i32
      %dma_wait3A_728 = tpu.memref_slice %arg13[%dma_wait3A_726, %dma_wait3A_727] : memref<10016x16xbf16, #tpu.memory_space<vmem_shared>> -> memref<10016x16xbf16, #tpu.memory_space<vmem_shared>>
      tpu.wait_indirect_dma semaphore(%arg19 : memref<!tpu.dma_semaphore, #tpu.memory_space<semaphore_mem>>) src(%dma_wait3A_722 : memref<128x16xbf16, #tpu.memory_space<vmem>>) dst(%dma_wait3A_728 : memref<10016x16xbf16, #tpu.memory_space<vmem_shared>>)
      %dma_wait3A_729 = arith.constant 7 : i32
      %dma_wait3A_730 = arith.constant 7 : i32
      %dma_wait3A_731 = arith.constant 0 : i32
      %dma_wait3A_732 = arith.constant 0 : i32
      %dma_wait3A_733 = tpu.memref_slice %arg11[%dma_wait3A_729, %dma_wait3A_731, %dma_wait3A_732] : memref<8x128x16xbf16, #tpu.memory_space<vmem>> -> memref<1x128x16xbf16, #tpu.memory_space<vmem>>
      %dma_wait3A_734 = tpu.memref_squeeze %dma_wait3A_733 : memref<1x128x16xbf16, #tpu.memory_space<vmem>> -> memref<128x16xbf16, #tpu.memory_space<vmem>>
      %dma_wait3A_735 = arith.constant 0 : i32
      %dma_wait3A_736 = tpu.memref_slice %arg9[%dma_wait3A_730, %dma_wait3A_735] : memref<8x128xi32, #tpu.memory_space<vmem>> -> memref<1x128xi32, #tpu.memory_space<vmem>>
      %dma_wait3A_737 = tpu.memref_squeeze %dma_wait3A_736 : memref<1x128xi32, #tpu.memory_space<vmem>> -> memref<128xi32, #tpu.memory_space<vmem>>
      %dma_wait3A_738 = arith.constant 0 : i32
      %dma_wait3A_739 = arith.constant 0 : i32
      %dma_wait3A_740 = tpu.memref_slice %arg13[%dma_wait3A_738, %dma_wait3A_739] : memref<10016x16xbf16, #tpu.memory_space<vmem_shared>> -> memref<10016x16xbf16, #tpu.memory_space<vmem_shared>>
      tpu.wait_indirect_dma semaphore(%arg19 : memref<!tpu.dma_semaphore, #tpu.memory_space<semaphore_mem>>) src(%dma_wait3A_734 : memref<128x16xbf16, #tpu.memory_space<vmem>>) dst(%dma_wait3A_740 : memref<10016x16xbf16, #tpu.memory_space<vmem_shared>>)
      %add3A_741 = arith.constant 0 : i32
      %add3A_742 = arith.addi %mul3A_45, %add3A_741 : i32
      %add3A_743 = arith.constant 2 : i32
      %add3A_744 = arith.addi %add3A_742, %add3A_743 : i32
      %lt3A = arith.constant 10 : i32
      %lt3A_745 = arith.cmpi slt, %add3A_744, %lt3A : i32
      %convert_element_type3A = arith.extui %lt3A_745 : i1 to i32
      %cond3A = arith.constant 0 : i32
      %cond3A_746 = arith.cmpi ne, %convert_element_type3A, %cond3A : i32
      scf.if %cond3A_746 {
        %add3A_852 = arith.constant 0 : i32
        %add3A_853 = arith.addi %mul3A_45, %add3A_852 : i32
        %add3A_854 = arith.constant 2 : i32
        %add3A_855 = arith.addi %add3A_853, %add3A_854 : i32
        %mul3A_856 = arith.constant 8 : i32
        %mul3A_857 = arith.muli %add3A_855, %mul3A_856 : i32
        %add3A_858 = arith.addi %mul3A_2, %mul3A_857 : i32
        %dma_start3A_859 = arith.constant 0 : i32
        %dma_start3A_860 = tpu.memref_slice %arg3[%add3A_858, %dma_start3A_859] : memref<2560x128xi32, #tpu.memory_space<hbm>> -> memref<8x128xi32, #tpu.memory_space<hbm>>
        %dma_start3A_861 = arith.constant 0 : i32
        %dma_start3A_862 = tpu.memref_slice %arg3[%add3A_858, %dma_start3A_861] : memref<2560x128xi32, #tpu.memory_space<hbm>> -> memref<8x128xi32, #tpu.memory_space<hbm>>
        tpu.enqueue_dma source(%dma_start3A_862 : memref<8x128xi32, #tpu.memory_space<hbm>>) target(%arg7 : memref<8x128xi32, #tpu.memory_space<vmem>>) target_semaphore(%arg15 : memref<!tpu.dma_semaphore, #tpu.memory_space<semaphore_mem>>)
        %dma_start3A_863 = arith.constant 0 : i32
        %dma_start3A_864 = tpu.memref_slice %arg4[%add3A_858, %dma_start3A_863] : memref<2560x128xi32, #tpu.memory_space<hbm>> -> memref<8x128xi32, #tpu.memory_space<hbm>>
        %dma_start3A_865 = arith.constant 0 : i32
        %dma_start3A_866 = tpu.memref_slice %arg4[%add3A_858, %dma_start3A_865] : memref<2560x128xi32, #tpu.memory_space<hbm>> -> memref<8x128xi32, #tpu.memory_space<hbm>>
        tpu.enqueue_dma source(%dma_start3A_866 : memref<8x128xi32, #tpu.memory_space<hbm>>) target(%arg9 : memref<8x128xi32, #tpu.memory_space<vmem>>) target_semaphore(%arg15 : memref<!tpu.dma_semaphore, #tpu.memory_space<semaphore_mem>>)
      } else {
      }
      %dma_wait3A_747 = arith.constant 0 : i32
      %dma_wait3A_748 = arith.constant 0 : i32
      %dma_wait3A_749 = arith.constant 0 : i32
      %dma_wait3A_750 = arith.constant 0 : i32
      %dma_wait3A_751 = tpu.memref_slice %arg12[%dma_wait3A_747, %dma_wait3A_749, %dma_wait3A_750] : memref<8x128x16xbf16, #tpu.memory_space<vmem>> -> memref<1x128x16xbf16, #tpu.memory_space<vmem>>
      %dma_wait3A_752 = tpu.memref_squeeze %dma_wait3A_751 : memref<1x128x16xbf16, #tpu.memory_space<vmem>> -> memref<128x16xbf16, #tpu.memory_space<vmem>>
      %dma_wait3A_753 = arith.constant 0 : i32
      %dma_wait3A_754 = tpu.memref_slice %arg10[%dma_wait3A_748, %dma_wait3A_753] : memref<8x128xi32, #tpu.memory_space<vmem>> -> memref<1x128xi32, #tpu.memory_space<vmem>>
      %dma_wait3A_755 = tpu.memref_squeeze %dma_wait3A_754 : memref<1x128xi32, #tpu.memory_space<vmem>> -> memref<128xi32, #tpu.memory_space<vmem>>
      %dma_wait3A_756 = arith.constant 0 : i32
      %dma_wait3A_757 = arith.constant 0 : i32
      %dma_wait3A_758 = tpu.memref_slice %arg13[%dma_wait3A_756, %dma_wait3A_757] : memref<10016x16xbf16, #tpu.memory_space<vmem_shared>> -> memref<10016x16xbf16, #tpu.memory_space<vmem_shared>>
      tpu.wait_indirect_dma semaphore(%arg20 : memref<!tpu.dma_semaphore, #tpu.memory_space<semaphore_mem>>) src(%dma_wait3A_752 : memref<128x16xbf16, #tpu.memory_space<vmem>>) dst(%dma_wait3A_758 : memref<10016x16xbf16, #tpu.memory_space<vmem_shared>>)
      %dma_wait3A_759 = arith.constant 1 : i32
      %dma_wait3A_760 = arith.constant 1 : i32
      %dma_wait3A_761 = arith.constant 0 : i32
      %dma_wait3A_762 = arith.constant 0 : i32
      %dma_wait3A_763 = tpu.memref_slice %arg12[%dma_wait3A_759, %dma_wait3A_761, %dma_wait3A_762] : memref<8x128x16xbf16, #tpu.memory_space<vmem>> -> memref<1x128x16xbf16, #tpu.memory_space<vmem>>
      %dma_wait3A_764 = tpu.memref_squeeze %dma_wait3A_763 : memref<1x128x16xbf16, #tpu.memory_space<vmem>> -> memref<128x16xbf16, #tpu.memory_space<vmem>>
      %dma_wait3A_765 = arith.constant 0 : i32
      %dma_wait3A_766 = tpu.memref_slice %arg10[%dma_wait3A_760, %dma_wait3A_765] : memref<8x128xi32, #tpu.memory_space<vmem>> -> memref<1x128xi32, #tpu.memory_space<vmem>>
      %dma_wait3A_767 = tpu.memref_squeeze %dma_wait3A_766 : memref<1x128xi32, #tpu.memory_space<vmem>> -> memref<128xi32, #tpu.memory_space<vmem>>
      %dma_wait3A_768 = arith.constant 0 : i32
      %dma_wait3A_769 = arith.constant 0 : i32
      %dma_wait3A_770 = tpu.memref_slice %arg13[%dma_wait3A_768, %dma_wait3A_769] : memref<10016x16xbf16, #tpu.memory_space<vmem_shared>> -> memref<10016x16xbf16, #tpu.memory_space<vmem_shared>>
      tpu.wait_indirect_dma semaphore(%arg20 : memref<!tpu.dma_semaphore, #tpu.memory_space<semaphore_mem>>) src(%dma_wait3A_764 : memref<128x16xbf16, #tpu.memory_space<vmem>>) dst(%dma_wait3A_770 : memref<10016x16xbf16, #tpu.memory_space<vmem_shared>>)
      %dma_wait3A_771 = arith.constant 2 : i32
      %dma_wait3A_772 = arith.constant 2 : i32
      %dma_wait3A_773 = arith.constant 0 : i32
      %dma_wait3A_774 = arith.constant 0 : i32
      %dma_wait3A_775 = tpu.memref_slice %arg12[%dma_wait3A_771, %dma_wait3A_773, %dma_wait3A_774] : memref<8x128x16xbf16, #tpu.memory_space<vmem>> -> memref<1x128x16xbf16, #tpu.memory_space<vmem>>
      %dma_wait3A_776 = tpu.memref_squeeze %dma_wait3A_775 : memref<1x128x16xbf16, #tpu.memory_space<vmem>> -> memref<128x16xbf16, #tpu.memory_space<vmem>>
      %dma_wait3A_777 = arith.constant 0 : i32
      %dma_wait3A_778 = tpu.memref_slice %arg10[%dma_wait3A_772, %dma_wait3A_777] : memref<8x128xi32, #tpu.memory_space<vmem>> -> memref<1x128xi32, #tpu.memory_space<vmem>>
      %dma_wait3A_779 = tpu.memref_squeeze %dma_wait3A_778 : memref<1x128xi32, #tpu.memory_space<vmem>> -> memref<128xi32, #tpu.memory_space<vmem>>
      %dma_wait3A_780 = arith.constant 0 : i32
      %dma_wait3A_781 = arith.constant 0 : i32
      %dma_wait3A_782 = tpu.memref_slice %arg13[%dma_wait3A_780, %dma_wait3A_781] : memref<10016x16xbf16, #tpu.memory_space<vmem_shared>> -> memref<10016x16xbf16, #tpu.memory_space<vmem_shared>>
      tpu.wait_indirect_dma semaphore(%arg20 : memref<!tpu.dma_semaphore, #tpu.memory_space<semaphore_mem>>) src(%dma_wait3A_776 : memref<128x16xbf16, #tpu.memory_space<vmem>>) dst(%dma_wait3A_782 : memref<10016x16xbf16, #tpu.memory_space<vmem_shared>>)
      %dma_wait3A_783 = arith.constant 3 : i32
      %dma_wait3A_784 = arith.constant 3 : i32
      %dma_wait3A_785 = arith.constant 0 : i32
      %dma_wait3A_786 = arith.constant 0 : i32
      %dma_wait3A_787 = tpu.memref_slice %arg12[%dma_wait3A_783, %dma_wait3A_785, %dma_wait3A_786] : memref<8x128x16xbf16, #tpu.memory_space<vmem>> -> memref<1x128x16xbf16, #tpu.memory_space<vmem>>
      %dma_wait3A_788 = tpu.memref_squeeze %dma_wait3A_787 : memref<1x128x16xbf16, #tpu.memory_space<vmem>> -> memref<128x16xbf16, #tpu.memory_space<vmem>>
      %dma_wait3A_789 = arith.constant 0 : i32
      %dma_wait3A_790 = tpu.memref_slice %arg10[%dma_wait3A_784, %dma_wait3A_789] : memref<8x128xi32, #tpu.memory_space<vmem>> -> memref<1x128xi32, #tpu.memory_space<vmem>>
      %dma_wait3A_791 = tpu.memref_squeeze %dma_wait3A_790 : memref<1x128xi32, #tpu.memory_space<vmem>> -> memref<128xi32, #tpu.memory_space<vmem>>
      %dma_wait3A_792 = arith.constant 0 : i32
      %dma_wait3A_793 = arith.constant 0 : i32
      %dma_wait3A_794 = tpu.memref_slice %arg13[%dma_wait3A_792, %dma_wait3A_793] : memref<10016x16xbf16, #tpu.memory_space<vmem_shared>> -> memref<10016x16xbf16, #tpu.memory_space<vmem_shared>>
      tpu.wait_indirect_dma semaphore(%arg20 : memref<!tpu.dma_semaphore, #tpu.memory_space<semaphore_mem>>) src(%dma_wait3A_788 : memref<128x16xbf16, #tpu.memory_space<vmem>>) dst(%dma_wait3A_794 : memref<10016x16xbf16, #tpu.memory_space<vmem_shared>>)
      %dma_wait3A_795 = arith.constant 4 : i32
      %dma_wait3A_796 = arith.constant 4 : i32
      %dma_wait3A_797 = arith.constant 0 : i32
      %dma_wait3A_798 = arith.constant 0 : i32
      %dma_wait3A_799 = tpu.memref_slice %arg12[%dma_wait3A_795, %dma_wait3A_797, %dma_wait3A_798] : memref<8x128x16xbf16, #tpu.memory_space<vmem>> -> memref<1x128x16xbf16, #tpu.memory_space<vmem>>
      %dma_wait3A_800 = tpu.memref_squeeze %dma_wait3A_799 : memref<1x128x16xbf16, #tpu.memory_space<vmem>> -> memref<128x16xbf16, #tpu.memory_space<vmem>>
      %dma_wait3A_801 = arith.constant 0 : i32
      %dma_wait3A_802 = tpu.memref_slice %arg10[%dma_wait3A_796, %dma_wait3A_801] : memref<8x128xi32, #tpu.memory_space<vmem>> -> memref<1x128xi32, #tpu.memory_space<vmem>>
      %dma_wait3A_803 = tpu.memref_squeeze %dma_wait3A_802 : memref<1x128xi32, #tpu.memory_space<vmem>> -> memref<128xi32, #tpu.memory_space<vmem>>
      %dma_wait3A_804 = arith.constant 0 : i32
      %dma_wait3A_805 = arith.constant 0 : i32
      %dma_wait3A_806 = tpu.memref_slice %arg13[%dma_wait3A_804, %dma_wait3A_805] : memref<10016x16xbf16, #tpu.memory_space<vmem_shared>> -> memref<10016x16xbf16, #tpu.memory_space<vmem_shared>>
      tpu.wait_indirect_dma semaphore(%arg20 : memref<!tpu.dma_semaphore, #tpu.memory_space<semaphore_mem>>) src(%dma_wait3A_800 : memref<128x16xbf16, #tpu.memory_space<vmem>>) dst(%dma_wait3A_806 : memref<10016x16xbf16, #tpu.memory_space<vmem_shared>>)
      %dma_wait3A_807 = arith.constant 5 : i32
      %dma_wait3A_808 = arith.constant 5 : i32
      %dma_wait3A_809 = arith.constant 0 : i32
      %dma_wait3A_810 = arith.constant 0 : i32
      %dma_wait3A_811 = tpu.memref_slice %arg12[%dma_wait3A_807, %dma_wait3A_809, %dma_wait3A_810] : memref<8x128x16xbf16, #tpu.memory_space<vmem>> -> memref<1x128x16xbf16, #tpu.memory_space<vmem>>
      %dma_wait3A_812 = tpu.memref_squeeze %dma_wait3A_811 : memref<1x128x16xbf16, #tpu.memory_space<vmem>> -> memref<128x16xbf16, #tpu.memory_space<vmem>>
      %dma_wait3A_813 = arith.constant 0 : i32
      %dma_wait3A_814 = tpu.memref_slice %arg10[%dma_wait3A_808, %dma_wait3A_813] : memref<8x128xi32, #tpu.memory_space<vmem>> -> memref<1x128xi32, #tpu.memory_space<vmem>>
      %dma_wait3A_815 = tpu.memref_squeeze %dma_wait3A_814 : memref<1x128xi32, #tpu.memory_space<vmem>> -> memref<128xi32, #tpu.memory_space<vmem>>
      %dma_wait3A_816 = arith.constant 0 : i32
      %dma_wait3A_817 = arith.constant 0 : i32
      %dma_wait3A_818 = tpu.memref_slice %arg13[%dma_wait3A_816, %dma_wait3A_817] : memref<10016x16xbf16, #tpu.memory_space<vmem_shared>> -> memref<10016x16xbf16, #tpu.memory_space<vmem_shared>>
      tpu.wait_indirect_dma semaphore(%arg20 : memref<!tpu.dma_semaphore, #tpu.memory_space<semaphore_mem>>) src(%dma_wait3A_812 : memref<128x16xbf16, #tpu.memory_space<vmem>>) dst(%dma_wait3A_818 : memref<10016x16xbf16, #tpu.memory_space<vmem_shared>>)
      %dma_wait3A_819 = arith.constant 6 : i32
      %dma_wait3A_820 = arith.constant 6 : i32
      %dma_wait3A_821 = arith.constant 0 : i32
      %dma_wait3A_822 = arith.constant 0 : i32
      %dma_wait3A_823 = tpu.memref_slice %arg12[%dma_wait3A_819, %dma_wait3A_821, %dma_wait3A_822] : memref<8x128x16xbf16, #tpu.memory_space<vmem>> -> memref<1x128x16xbf16, #tpu.memory_space<vmem>>
      %dma_wait3A_824 = tpu.memref_squeeze %dma_wait3A_823 : memref<1x128x16xbf16, #tpu.memory_space<vmem>> -> memref<128x16xbf16, #tpu.memory_space<vmem>>
      %dma_wait3A_825 = arith.constant 0 : i32
      %dma_wait3A_826 = tpu.memref_slice %arg10[%dma_wait3A_820, %dma_wait3A_825] : memref<8x128xi32, #tpu.memory_space<vmem>> -> memref<1x128xi32, #tpu.memory_space<vmem>>
      %dma_wait3A_827 = tpu.memref_squeeze %dma_wait3A_826 : memref<1x128xi32, #tpu.memory_space<vmem>> -> memref<128xi32, #tpu.memory_space<vmem>>
      %dma_wait3A_828 = arith.constant 0 : i32
      %dma_wait3A_829 = arith.constant 0 : i32
      %dma_wait3A_830 = tpu.memref_slice %arg13[%dma_wait3A_828, %dma_wait3A_829] : memref<10016x16xbf16, #tpu.memory_space<vmem_shared>> -> memref<10016x16xbf16, #tpu.memory_space<vmem_shared>>
      tpu.wait_indirect_dma semaphore(%arg20 : memref<!tpu.dma_semaphore, #tpu.memory_space<semaphore_mem>>) src(%dma_wait3A_824 : memref<128x16xbf16, #tpu.memory_space<vmem>>) dst(%dma_wait3A_830 : memref<10016x16xbf16, #tpu.memory_space<vmem_shared>>)
      %dma_wait3A_831 = arith.constant 7 : i32
      %dma_wait3A_832 = arith.constant 7 : i32
      %dma_wait3A_833 = arith.constant 0 : i32
      %dma_wait3A_834 = arith.constant 0 : i32
      %dma_wait3A_835 = tpu.memref_slice %arg12[%dma_wait3A_831, %dma_wait3A_833, %dma_wait3A_834] : memref<8x128x16xbf16, #tpu.memory_space<vmem>> -> memref<1x128x16xbf16, #tpu.memory_space<vmem>>
      %dma_wait3A_836 = tpu.memref_squeeze %dma_wait3A_835 : memref<1x128x16xbf16, #tpu.memory_space<vmem>> -> memref<128x16xbf16, #tpu.memory_space<vmem>>
      %dma_wait3A_837 = arith.constant 0 : i32
      %dma_wait3A_838 = tpu.memref_slice %arg10[%dma_wait3A_832, %dma_wait3A_837] : memref<8x128xi32, #tpu.memory_space<vmem>> -> memref<1x128xi32, #tpu.memory_space<vmem>>
      %dma_wait3A_839 = tpu.memref_squeeze %dma_wait3A_838 : memref<1x128xi32, #tpu.memory_space<vmem>> -> memref<128xi32, #tpu.memory_space<vmem>>
      %dma_wait3A_840 = arith.constant 0 : i32
      %dma_wait3A_841 = arith.constant 0 : i32
      %dma_wait3A_842 = tpu.memref_slice %arg13[%dma_wait3A_840, %dma_wait3A_841] : memref<10016x16xbf16, #tpu.memory_space<vmem_shared>> -> memref<10016x16xbf16, #tpu.memory_space<vmem_shared>>
      tpu.wait_indirect_dma semaphore(%arg20 : memref<!tpu.dma_semaphore, #tpu.memory_space<semaphore_mem>>) src(%dma_wait3A_836 : memref<128x16xbf16, #tpu.memory_space<vmem>>) dst(%dma_wait3A_842 : memref<10016x16xbf16, #tpu.memory_space<vmem_shared>>)
      %add3A_843 = arith.constant 1 : i32
      %add3A_844 = arith.addi %mul3A_45, %add3A_843 : i32
      %add3A_845 = arith.constant 2 : i32
      %add3A_846 = arith.addi %add3A_844, %add3A_845 : i32
      %lt3A_847 = arith.constant 10 : i32
      %lt3A_848 = arith.cmpi slt, %add3A_846, %lt3A_847 : i32
      %convert_element_type3A_849 = arith.extui %lt3A_848 : i1 to i32
      %cond3A_850 = arith.constant 0 : i32
      %cond3A_851 = arith.cmpi ne, %convert_element_type3A_849, %cond3A_850 : i32
      scf.if %cond3A_851 {
        %add3A_852 = arith.constant 1 : i32
        %add3A_853 = arith.addi %mul3A_45, %add3A_852 : i32
        %add3A_854 = arith.constant 2 : i32
        %add3A_855 = arith.addi %add3A_853, %add3A_854 : i32
        %mul3A_856 = arith.constant 8 : i32
        %mul3A_857 = arith.muli %add3A_855, %mul3A_856 : i32
        %add3A_858 = arith.addi %mul3A_2, %mul3A_857 : i32
        %dma_start3A_859 = arith.constant 0 : i32
        %dma_start3A_860 = tpu.memref_slice %arg3[%add3A_858, %dma_start3A_859] : memref<2560x128xi32, #tpu.memory_space<hbm>> -> memref<8x128xi32, #tpu.memory_space<hbm>>
        %dma_start3A_861 = arith.constant 0 : i32
        %dma_start3A_862 = tpu.memref_slice %arg3[%add3A_858, %dma_start3A_861] : memref<2560x128xi32, #tpu.memory_space<hbm>> -> memref<8x128xi32, #tpu.memory_space<hbm>>
        tpu.enqueue_dma source(%dma_start3A_862 : memref<8x128xi32, #tpu.memory_space<hbm>>) target(%arg8 : memref<8x128xi32, #tpu.memory_space<vmem>>) target_semaphore(%arg16 : memref<!tpu.dma_semaphore, #tpu.memory_space<semaphore_mem>>)
        %dma_start3A_863 = arith.constant 0 : i32
        %dma_start3A_864 = tpu.memref_slice %arg4[%add3A_858, %dma_start3A_863] : memref<2560x128xi32, #tpu.memory_space<hbm>> -> memref<8x128xi32, #tpu.memory_space<hbm>>
        %dma_start3A_865 = arith.constant 0 : i32
        %dma_start3A_866 = tpu.memref_slice %arg4[%add3A_858, %dma_start3A_865] : memref<2560x128xi32, #tpu.memory_space<hbm>> -> memref<8x128xi32, #tpu.memory_space<hbm>>
        tpu.enqueue_dma source(%dma_start3A_866 : memref<8x128xi32, #tpu.memory_space<hbm>>) target(%arg10 : memref<8x128xi32, #tpu.memory_space<vmem>>) target_semaphore(%arg16 : memref<!tpu.dma_semaphore, #tpu.memory_space<semaphore_mem>>)
      } else {
      }
    }
    %scan3A_33 = arith.constant 5 : i32
    %barrier3A_34 = arith.constant 0 : index
    tpu.barrier barrier_id(%barrier3A_34)
    %mul3A_35 = arith.constant 625 : i32
    %mul3A_36 = arith.muli %arg1, %mul3A_35 : i32
    %mul3A_37 = arith.constant 625 : i32
    %mul3A_38 = arith.muli %arg1, %mul3A_37 : i32
    "tpu.region"() ({
      %run_scoped3A = tpu.sem_alloc : memref<!tpu.dma_semaphore, #tpu.memory_space<semaphore_mem>>
      %dma_start3A_39 = arith.constant 0 : i32
      %dma_start3A_40 = tpu.memref_slice %arg6[%arg0, %mul3A_38, %dma_start3A_39] : memref<2x10000x16xbf16, #tpu.memory_space<hbm>> -> memref<1x625x16xbf16, #tpu.memory_space<hbm>>
      %dma_start3A_41 = tpu.memref_squeeze %dma_start3A_40 : memref<1x625x16xbf16, #tpu.memory_space<hbm>> -> memref<625x16xbf16, #tpu.memory_space<hbm>>
      %dma_start3A_42 = arith.constant 0 : i32
      %dma_start3A_43 = tpu.memref_slice %arg13[%mul3A_36, %dma_start3A_42] : memref<10016x16xbf16, #tpu.memory_space<vmem_shared>> -> memref<625x16xbf16, #tpu.memory_space<vmem_shared>>
      tpu.enqueue_dma source(%dma_start3A_43 : memref<625x16xbf16, #tpu.memory_space<vmem_shared>>) target(%dma_start3A_41 : memref<625x16xbf16, #tpu.memory_space<hbm>>) target_semaphore(%run_scoped3A : memref<!tpu.dma_semaphore, #tpu.memory_space<semaphore_mem>>)
      %dma_wait3A = arith.constant 0 : i32
      %dma_wait3A_44 = tpu.memref_slice %arg6[%arg0, %mul3A_38, %dma_wait3A] : memref<2x10000x16xbf16, #tpu.memory_space<hbm>> -> memref<1x625x16xbf16, #tpu.memory_space<hbm>>
      %dma_wait3A_45 = tpu.memref_squeeze %dma_wait3A_44 : memref<1x625x16xbf16, #tpu.memory_space<hbm>> -> memref<625x16xbf16, #tpu.memory_space<hbm>>
      %dma_wait3A_46 = arith.constant 0 : i32
      %dma_wait3A_47 = tpu.memref_slice %arg13[%mul3A_36, %dma_wait3A_46] : memref<10016x16xbf16, #tpu.memory_space<vmem_shared>> -> memref<625x16xbf16, #tpu.memory_space<vmem_shared>>
      tpu.wait_dma2 semaphore(%run_scoped3A : memref<!tpu.dma_semaphore, #tpu.memory_space<semaphore_mem>>) src(%dma_wait3A_47 : memref<625x16xbf16, #tpu.memory_space<vmem_shared>>) dst(%dma_wait3A_45 : memref<625x16xbf16, #tpu.memory_space<hbm>>)
      tpu.yield
    }) : () -> ()
    return
  }
}

#map = affine_map<(d0, d1) -> (0, 0)>
module attributes {stable_mosaic.version = 14 : i64} {
  func.func @_deg_sc(%arg0: i32, %arg1: i32, %arg2: memref<2560x128xi32, #tpu.memory_space<hbm>>, %arg3: memref<32x10000xf32, #tpu.memory_space<hbm>>, %arg4: memref<10016xf32, #tpu.memory_space<vmem>>, %arg5: memref<8x128xi32, #tpu.memory_space<vmem>>, %arg6: memref<8x128xi32, #tpu.memory_space<vmem>>, %arg7: memref<!tpu.dma_semaphore, #tpu.memory_space<semaphore_mem>>, %arg8: memref<!tpu.dma_semaphore, #tpu.memory_space<semaphore_mem>>) attributes {dimension_semantics = [#tpu.dimension_semantics<core_parallel>, #tpu.dimension_semantics<subcore_parallel>], iteration_bounds = array<i64: 2, 16>, scalar_prefetch = 0 : i64, scratch_operands = 5 : i64, tpu.core_type = #tpu.core_type<sc_vector_subcore>, window_params = [{transform_indices = #map}, {transform_indices = #map}]} {
    %mul3A = arith.constant 16 : i32
    %mul3A_0 = arith.muli %arg0, %mul3A : i32
    %add3A = arith.addi %mul3A_0, %arg1 : i32
    %mul3A_1 = arith.constant 80 : i32
    %mul3A_2 = arith.muli %add3A, %mul3A_1 : i32
    %broadcast_in_dim3A = arith.constant 0.000000e+00 : f32
    %broadcast_in_dim3A_3 = vector.broadcast %broadcast_in_dim3A : f32 to vector<16xf32>
    %broadcast_in_dim3A_4 = arith.constant 1.000000e+00 : f32
    %broadcast_in_dim3A_5 = vector.broadcast %broadcast_in_dim3A_4 : f32 to vector<16xf32>
    %add3A_6 = arith.constant 0 : i32
    %add3A_7 = arith.addi %mul3A_2, %add3A_6 : i32
    %dma_start3A = arith.constant 0 : i32
    %dma_start3A_8 = tpu.memref_slice %arg2[%add3A_7, %dma_start3A] : memref<2560x128xi32, #tpu.memory_space<hbm>> -> memref<8x128xi32, #tpu.memory_space<hbm>>
    %dma_start3A_9 = arith.constant 0 : i32
    %dma_start3A_10 = tpu.memref_slice %arg2[%add3A_7, %dma_start3A_9] : memref<2560x128xi32, #tpu.memory_space<hbm>> -> memref<8x128xi32, #tpu.memory_space<hbm>>
    tpu.enqueue_dma source(%dma_start3A_10 : memref<8x128xi32, #tpu.memory_space<hbm>>) target(%arg5 : memref<8x128xi32, #tpu.memory_space<vmem>>) target_semaphore(%arg7 : memref<!tpu.dma_semaphore, #tpu.memory_space<semaphore_mem>>)
    %add3A_11 = arith.constant 8 : i32
    %add3A_12 = arith.addi %mul3A_2, %add3A_11 : i32
    %dma_start3A_13 = arith.constant 0 : i32
    %dma_start3A_14 = tpu.memref_slice %arg2[%add3A_12, %dma_start3A_13] : memref<2560x128xi32, #tpu.memory_space<hbm>> -> memref<8x128xi32, #tpu.memory_space<hbm>>
    %dma_start3A_15 = arith.constant 0 : i32
    %dma_start3A_16 = tpu.memref_slice %arg2[%add3A_12, %dma_start3A_15] : memref<2560x128xi32, #tpu.memory_space<hbm>> -> memref<8x128xi32, #tpu.memory_space<hbm>>
    tpu.enqueue_dma source(%dma_start3A_16 : memref<8x128xi32, #tpu.memory_space<hbm>>) target(%arg6 : memref<8x128xi32, #tpu.memory_space<vmem>>) target_semaphore(%arg8 : memref<!tpu.dma_semaphore, #tpu.memory_space<semaphore_mem>>)
    %scan3A = arith.constant 0 : i32
    %scan3A_17 = arith.constant 626 : i32
    %scan3A_18 = arith.addi %scan3A, %scan3A_17 : i32
    %scan3A_19 = arith.constant 1 : i32
    scf.for %scan3A_26 = %scan3A to %scan3A_18 step %scan3A_19  : i32 {
      %mul3A_27 = arith.constant 1 : i32
      %mul3A_28 = arith.muli %scan3A_26, %mul3A_27 : i32
      %add3A_29 = arith.constant 0 : i32
      %add3A_30 = arith.addi %add3A_29, %mul3A_28 : i32
      %mul3A_31 = arith.constant 16 : i32
      %mul3A_32 = arith.muli %add3A_30, %mul3A_31 : i32
      %swap3A = arith.index_cast %mul3A_32 : i32 to index
      %swap3A_33 = tpu.vector_load %arg4[%swap3A] {strides = array<i32>} : memref<10016xf32, #tpu.memory_space<vmem>>, vector<16xf32>,
      tpu.vector_store %arg4[%swap3A], %broadcast_in_dim3A_3 {strides = array<i32>} : memref<10016xf32, #tpu.memory_space<vmem>>, vector<16xf32>,
    }
    %scan3A_20 = arith.constant 626 : i32
    %scan3A_21 = arith.constant 0 : i32
    %scan3A_22 = arith.constant 5 : i32
    %scan3A_23 = arith.addi %scan3A_21, %scan3A_22 : i32
    %scan3A_24 = arith.constant 1 : i32
    scf.for %scan3A_26 = %scan3A_21 to %scan3A_23 step %scan3A_24  : i32 {
      %mul3A_27 = arith.constant 1 : i32
      %mul3A_28 = arith.muli %scan3A_26, %mul3A_27 : i32
      %add3A_29 = arith.constant 0 : i32
      %add3A_30 = arith.addi %add3A_29, %mul3A_28 : i32
      %mul3A_31 = arith.constant 2 : i32
      %mul3A_32 = arith.muli %add3A_30, %mul3A_31 : i32
      %dma_wait3A = arith.constant 0 : i32
      %dma_wait3A_33 = arith.constant 0 : i32
      %dma_wait3A_34 = tpu.memref_slice %arg2[%dma_wait3A, %dma_wait3A_33] : memref<2560x128xi32, #tpu.memory_space<hbm>> -> memref<8x128xi32, #tpu.memory_space<hbm>>
      %dma_wait3A_35 = arith.constant 0 : i32
      %dma_wait3A_36 = arith.constant 0 : i32
      %dma_wait3A_37 = tpu.memref_slice %arg2[%dma_wait3A_35, %dma_wait3A_36] : memref<2560x128xi32, #tpu.memory_space<hbm>> -> memref<8x128xi32, #tpu.memory_space<hbm>>
      tpu.wait_dma2 semaphore(%arg7 : memref<!tpu.dma_semaphore, #tpu.memory_space<semaphore_mem>>) src(%dma_wait3A_37 : memref<8x128xi32, #tpu.memory_space<hbm>>) dst(%arg5 : memref<8x128xi32, #tpu.memory_space<vmem>>)
      %get3A = arith.constant 0 : i32
      %get3A_38 = arith.index_cast %get3A : i32 to index
      %get3A_39 = arith.constant 0 : index
      %get3A_40 = tpu.vector_load %arg5[%get3A_38, %get3A_39] {strides = array<i32>} : memref<8x128xi32, #tpu.memory_space<vmem>>, vector<16xi32>,
      tpu.vector_store_idx %arg4[%get3A_40], %broadcast_in_dim3A_5 {add = true} : memref<10016xf32, #tpu.memory_space<vmem>>[vector<16xi32>], vector<16xf32>,
      %get3A_41 = arith.constant 0 : i32
      %get3A_42 = arith.index_cast %get3A_41 : i32 to index
      %get3A_43 = arith.constant 16 : index
      %get3A_44 = tpu.vector_load %arg5[%get3A_42, %get3A_43] {strides = array<i32>} : memref<8x128xi32, #tpu.memory_space<vmem>>, vector<16xi32>,
      tpu.vector_store_idx %arg4[%get3A_44], %broadcast_in_dim3A_5 {add = true} : memref<10016xf32, #tpu.memory_space<vmem>>[vector<16xi32>], vector<16xf32>,
      %get3A_45 = arith.constant 0 : i32
      %get3A_46 = arith.index_cast %get3A_45 : i32 to index
      %get3A_47 = arith.constant 32 : index
      %get3A_48 = tpu.vector_load %arg5[%get3A_46, %get3A_47] {strides = array<i32>} : memref<8x128xi32, #tpu.memory_space<vmem>>, vector<16xi32>,
      tpu.vector_store_idx %arg4[%get3A_48], %broadcast_in_dim3A_5 {add = true} : memref<10016xf32, #tpu.memory_space<vmem>>[vector<16xi32>], vector<16xf32>,
      %get3A_49 = arith.constant 0 : i32
      %get3A_50 = arith.index_cast %get3A_49 : i32 to index
      %get3A_51 = arith.constant 48 : index
      %get3A_52 = tpu.vector_load %arg5[%get3A_50, %get3A_51] {strides = array<i32>} : memref<8x128xi32, #tpu.memory_space<vmem>>, vector<16xi32>,
      tpu.vector_store_idx %arg4[%get3A_52], %broadcast_in_dim3A_5 {add = true} : memref<10016xf32, #tpu.memory_space<vmem>>[vector<16xi32>], vector<16xf32>,
      %get3A_53 = arith.constant 0 : i32
      %get3A_54 = arith.index_cast %get3A_53 : i32 to index
      %get3A_55 = arith.constant 64 : index
      %get3A_56 = tpu.vector_load %arg5[%get3A_54, %get3A_55] {strides = array<i32>} : memref<8x128xi32, #tpu.memory_space<vmem>>, vector<16xi32>,
      tpu.vector_store_idx %arg4[%get3A_56], %broadcast_in_dim3A_5 {add = true} : memref<10016xf32, #tpu.memory_space<vmem>>[vector<16xi32>], vector<16xf32>,
      %get3A_57 = arith.constant 0 : i32
      %get3A_58 = arith.index_cast %get3A_57 : i32 to index
      %get3A_59 = arith.constant 80 : index
      %get3A_60 = tpu.vector_load %arg5[%get3A_58, %get3A_59] {strides = array<i32>} : memref<8x128xi32, #tpu.memory_space<vmem>>, vector<16xi32>,
      tpu.vector_store_idx %arg4[%get3A_60], %broadcast_in_dim3A_5 {add = true} : memref<10016xf32, #tpu.memory_space<vmem>>[vector<16xi32>], vector<16xf32>,
      %get3A_61 = arith.constant 0 : i32
      %get3A_62 = arith.index_cast %get3A_61 : i32 to index
      %get3A_63 = arith.constant 96 : index
      %get3A_64 = tpu.vector_load %arg5[%get3A_62, %get3A_63] {strides = array<i32>} : memref<8x128xi32, #tpu.memory_space<vmem>>, vector<16xi32>,
      tpu.vector_store_idx %arg4[%get3A_64], %broadcast_in_dim3A_5 {add = true} : memref<10016xf32, #tpu.memory_space<vmem>>[vector<16xi32>], vector<16xf32>,
      %get3A_65 = arith.constant 0 : i32
      %get3A_66 = arith.index_cast %get3A_65 : i32 to index
      %get3A_67 = arith.constant 112 : index
      %get3A_68 = tpu.vector_load %arg5[%get3A_66, %get3A_67] {strides = array<i32>} : memref<8x128xi32, #tpu.memory_space<vmem>>, vector<16xi32>,
      tpu.vector_store_idx %arg4[%get3A_68], %broadcast_in_dim3A_5 {add = true} : memref<10016xf32, #tpu.memory_space<vmem>>[vector<16xi32>], vector<16xf32>,
      %get3A_69 = arith.constant 1 : i32
      %get3A_70 = arith.index_cast %get3A_69 : i32 to index
      %get3A_71 = arith.constant 0 : index
      %get3A_72 = tpu.vector_load %arg5[%get3A_70, %get3A_71] {strides = array<i32>} : memref<8x128xi32, #tpu.memory_space<vmem>>, vector<16xi32>,
      tpu.vector_store_idx %arg4[%get3A_72], %broadcast_in_dim3A_5 {add = true} : memref<10016xf32, #tpu.memory_space<vmem>>[vector<16xi32>], vector<16xf32>,
      %get3A_73 = arith.constant 1 : i32
      %get3A_74 = arith.index_cast %get3A_73 : i32 to index
      %get3A_75 = arith.constant 16 : index
      %get3A_76 = tpu.vector_load %arg5[%get3A_74, %get3A_75] {strides = array<i32>} : memref<8x128xi32, #tpu.memory_space<vmem>>, vector<16xi32>,
      tpu.vector_store_idx %arg4[%get3A_76], %broadcast_in_dim3A_5 {add = true} : memref<10016xf32, #tpu.memory_space<vmem>>[vector<16xi32>], vector<16xf32>,
      %get3A_77 = arith.constant 1 : i32
      %get3A_78 = arith.index_cast %get3A_77 : i32 to index
      %get3A_79 = arith.constant 32 : index
      %get3A_80 = tpu.vector_load %arg5[%get3A_78, %get3A_79] {strides = array<i32>} : memref<8x128xi32, #tpu.memory_space<vmem>>, vector<16xi32>,
      tpu.vector_store_idx %arg4[%get3A_80], %broadcast_in_dim3A_5 {add = true} : memref<10016xf32, #tpu.memory_space<vmem>>[vector<16xi32>], vector<16xf32>,
      %get3A_81 = arith.constant 1 : i32
      %get3A_82 = arith.index_cast %get3A_81 : i32 to index
      %get3A_83 = arith.constant 48 : index
      %get3A_84 = tpu.vector_load %arg5[%get3A_82, %get3A_83] {strides = array<i32>} : memref<8x128xi32, #tpu.memory_space<vmem>>, vector<16xi32>,
      tpu.vector_store_idx %arg4[%get3A_84], %broadcast_in_dim3A_5 {add = true} : memref<10016xf32, #tpu.memory_space<vmem>>[vector<16xi32>], vector<16xf32>,
      %get3A_85 = arith.constant 1 : i32
      %get3A_86 = arith.index_cast %get3A_85 : i32 to index
      %get3A_87 = arith.constant 64 : index
      %get3A_88 = tpu.vector_load %arg5[%get3A_86, %get3A_87] {strides = array<i32>} : memref<8x128xi32, #tpu.memory_space<vmem>>, vector<16xi32>,
      tpu.vector_store_idx %arg4[%get3A_88], %broadcast_in_dim3A_5 {add = true} : memref<10016xf32, #tpu.memory_space<vmem>>[vector<16xi32>], vector<16xf32>,
      %get3A_89 = arith.constant 1 : i32
      %get3A_90 = arith.index_cast %get3A_89 : i32 to index
      %get3A_91 = arith.constant 80 : index
      %get3A_92 = tpu.vector_load %arg5[%get3A_90, %get3A_91] {strides = array<i32>} : memref<8x128xi32, #tpu.memory_space<vmem>>, vector<16xi32>,
      tpu.vector_store_idx %arg4[%get3A_92], %broadcast_in_dim3A_5 {add = true} : memref<10016xf32, #tpu.memory_space<vmem>>[vector<16xi32>], vector<16xf32>,
      %get3A_93 = arith.constant 1 : i32
      %get3A_94 = arith.index_cast %get3A_93 : i32 to index
      %get3A_95 = arith.constant 96 : index
      %get3A_96 = tpu.vector_load %arg5[%get3A_94, %get3A_95] {strides = array<i32>} : memref<8x128xi32, #tpu.memory_space<vmem>>, vector<16xi32>,
      tpu.vector_store_idx %arg4[%get3A_96], %broadcast_in_dim3A_5 {add = true} : memref<10016xf32, #tpu.memory_space<vmem>>[vector<16xi32>], vector<16xf32>,
      %get3A_97 = arith.constant 1 : i32
      %get3A_98 = arith.index_cast %get3A_97 : i32 to index
      %get3A_99 = arith.constant 112 : index
      %get3A_100 = tpu.vector_load %arg5[%get3A_98, %get3A_99] {strides = array<i32>} : memref<8x128xi32, #tpu.memory_space<vmem>>, vector<16xi32>,
      tpu.vector_store_idx %arg4[%get3A_100], %broadcast_in_dim3A_5 {add = true} : memref<10016xf32, #tpu.memory_space<vmem>>[vector<16xi32>], vector<16xf32>,
      %get3A_101 = arith.constant 2 : i32
      %get3A_102 = arith.index_cast %get3A_101 : i32 to index
      %get3A_103 = arith.constant 0 : index
      %get3A_104 = tpu.vector_load %arg5[%get3A_102, %get3A_103] {strides = array<i32>} : memref<8x128xi32, #tpu.memory_space<vmem>>, vector<16xi32>,
      tpu.vector_store_idx %arg4[%get3A_104], %broadcast_in_dim3A_5 {add = true} : memref<10016xf32, #tpu.memory_space<vmem>>[vector<16xi32>], vector<16xf32>,
      %get3A_105 = arith.constant 2 : i32
      %get3A_106 = arith.index_cast %get3A_105 : i32 to index
      %get3A_107 = arith.constant 16 : index
      %get3A_108 = tpu.vector_load %arg5[%get3A_106, %get3A_107] {strides = array<i32>} : memref<8x128xi32, #tpu.memory_space<vmem>>, vector<16xi32>,
      tpu.vector_store_idx %arg4[%get3A_108], %broadcast_in_dim3A_5 {add = true} : memref<10016xf32, #tpu.memory_space<vmem>>[vector<16xi32>], vector<16xf32>,
      %get3A_109 = arith.constant 2 : i32
      %get3A_110 = arith.index_cast %get3A_109 : i32 to index
      %get3A_111 = arith.constant 32 : index
      %get3A_112 = tpu.vector_load %arg5[%get3A_110, %get3A_111] {strides = array<i32>} : memref<8x128xi32, #tpu.memory_space<vmem>>, vector<16xi32>,
      tpu.vector_store_idx %arg4[%get3A_112], %broadcast_in_dim3A_5 {add = true} : memref<10016xf32, #tpu.memory_space<vmem>>[vector<16xi32>], vector<16xf32>,
      %get3A_113 = arith.constant 2 : i32
      %get3A_114 = arith.index_cast %get3A_113 : i32 to index
      %get3A_115 = arith.constant 48 : index
      %get3A_116 = tpu.vector_load %arg5[%get3A_114, %get3A_115] {strides = array<i32>} : memref<8x128xi32, #tpu.memory_space<vmem>>, vector<16xi32>,
      tpu.vector_store_idx %arg4[%get3A_116], %broadcast_in_dim3A_5 {add = true} : memref<10016xf32, #tpu.memory_space<vmem>>[vector<16xi32>], vector<16xf32>,
      %get3A_117 = arith.constant 2 : i32
      %get3A_118 = arith.index_cast %get3A_117 : i32 to index
      %get3A_119 = arith.constant 64 : index
      %get3A_120 = tpu.vector_load %arg5[%get3A_118, %get3A_119] {strides = array<i32>} : memref<8x128xi32, #tpu.memory_space<vmem>>, vector<16xi32>,
      tpu.vector_store_idx %arg4[%get3A_120], %broadcast_in_dim3A_5 {add = true} : memref<10016xf32, #tpu.memory_space<vmem>>[vector<16xi32>], vector<16xf32>,
      %get3A_121 = arith.constant 2 : i32
      %get3A_122 = arith.index_cast %get3A_121 : i32 to index
      %get3A_123 = arith.constant 80 : index
      %get3A_124 = tpu.vector_load %arg5[%get3A_122, %get3A_123] {strides = array<i32>} : memref<8x128xi32, #tpu.memory_space<vmem>>, vector<16xi32>,
      tpu.vector_store_idx %arg4[%get3A_124], %broadcast_in_dim3A_5 {add = true} : memref<10016xf32, #tpu.memory_space<vmem>>[vector<16xi32>], vector<16xf32>,
      %get3A_125 = arith.constant 2 : i32
      %get3A_126 = arith.index_cast %get3A_125 : i32 to index
      %get3A_127 = arith.constant 96 : index
      %get3A_128 = tpu.vector_load %arg5[%get3A_126, %get3A_127] {strides = array<i32>} : memref<8x128xi32, #tpu.memory_space<vmem>>, vector<16xi32>,
      tpu.vector_store_idx %arg4[%get3A_128], %broadcast_in_dim3A_5 {add = true} : memref<10016xf32, #tpu.memory_space<vmem>>[vector<16xi32>], vector<16xf32>,
      %get3A_129 = arith.constant 2 : i32
      %get3A_130 = arith.index_cast %get3A_129 : i32 to index
      %get3A_131 = arith.constant 112 : index
      %get3A_132 = tpu.vector_load %arg5[%get3A_130, %get3A_131] {strides = array<i32>} : memref<8x128xi32, #tpu.memory_space<vmem>>, vector<16xi32>,
      tpu.vector_store_idx %arg4[%get3A_132], %broadcast_in_dim3A_5 {add = true} : memref<10016xf32, #tpu.memory_space<vmem>>[vector<16xi32>], vector<16xf32>,
      %get3A_133 = arith.constant 3 : i32
      %get3A_134 = arith.index_cast %get3A_133 : i32 to index
      %get3A_135 = arith.constant 0 : index
      %get3A_136 = tpu.vector_load %arg5[%get3A_134, %get3A_135] {strides = array<i32>} : memref<8x128xi32, #tpu.memory_space<vmem>>, vector<16xi32>,
      tpu.vector_store_idx %arg4[%get3A_136], %broadcast_in_dim3A_5 {add = true} : memref<10016xf32, #tpu.memory_space<vmem>>[vector<16xi32>], vector<16xf32>,
      %get3A_137 = arith.constant 3 : i32
      %get3A_138 = arith.index_cast %get3A_137 : i32 to index
      %get3A_139 = arith.constant 16 : index
      %get3A_140 = tpu.vector_load %arg5[%get3A_138, %get3A_139] {strides = array<i32>} : memref<8x128xi32, #tpu.memory_space<vmem>>, vector<16xi32>,
      tpu.vector_store_idx %arg4[%get3A_140], %broadcast_in_dim3A_5 {add = true} : memref<10016xf32, #tpu.memory_space<vmem>>[vector<16xi32>], vector<16xf32>,
      %get3A_141 = arith.constant 3 : i32
      %get3A_142 = arith.index_cast %get3A_141 : i32 to index
      %get3A_143 = arith.constant 32 : index
      %get3A_144 = tpu.vector_load %arg5[%get3A_142, %get3A_143] {strides = array<i32>} : memref<8x128xi32, #tpu.memory_space<vmem>>, vector<16xi32>,
      tpu.vector_store_idx %arg4[%get3A_144], %broadcast_in_dim3A_5 {add = true} : memref<10016xf32, #tpu.memory_space<vmem>>[vector<16xi32>], vector<16xf32>,
      %get3A_145 = arith.constant 3 : i32
      %get3A_146 = arith.index_cast %get3A_145 : i32 to index
      %get3A_147 = arith.constant 48 : index
      %get3A_148 = tpu.vector_load %arg5[%get3A_146, %get3A_147] {strides = array<i32>} : memref<8x128xi32, #tpu.memory_space<vmem>>, vector<16xi32>,
      tpu.vector_store_idx %arg4[%get3A_148], %broadcast_in_dim3A_5 {add = true} : memref<10016xf32, #tpu.memory_space<vmem>>[vector<16xi32>], vector<16xf32>,
      %get3A_149 = arith.constant 3 : i32
      %get3A_150 = arith.index_cast %get3A_149 : i32 to index
      %get3A_151 = arith.constant 64 : index
      %get3A_152 = tpu.vector_load %arg5[%get3A_150, %get3A_151] {strides = array<i32>} : memref<8x128xi32, #tpu.memory_space<vmem>>, vector<16xi32>,
      tpu.vector_store_idx %arg4[%get3A_152], %broadcast_in_dim3A_5 {add = true} : memref<10016xf32, #tpu.memory_space<vmem>>[vector<16xi32>], vector<16xf32>,
      %get3A_153 = arith.constant 3 : i32
      %get3A_154 = arith.index_cast %get3A_153 : i32 to index
      %get3A_155 = arith.constant 80 : index
      %get3A_156 = tpu.vector_load %arg5[%get3A_154, %get3A_155] {strides = array<i32>} : memref<8x128xi32, #tpu.memory_space<vmem>>, vector<16xi32>,
      tpu.vector_store_idx %arg4[%get3A_156], %broadcast_in_dim3A_5 {add = true} : memref<10016xf32, #tpu.memory_space<vmem>>[vector<16xi32>], vector<16xf32>,
      %get3A_157 = arith.constant 3 : i32
      %get3A_158 = arith.index_cast %get3A_157 : i32 to index
      %get3A_159 = arith.constant 96 : index
      %get3A_160 = tpu.vector_load %arg5[%get3A_158, %get3A_159] {strides = array<i32>} : memref<8x128xi32, #tpu.memory_space<vmem>>, vector<16xi32>,
      tpu.vector_store_idx %arg4[%get3A_160], %broadcast_in_dim3A_5 {add = true} : memref<10016xf32, #tpu.memory_space<vmem>>[vector<16xi32>], vector<16xf32>,
      %get3A_161 = arith.constant 3 : i32
      %get3A_162 = arith.index_cast %get3A_161 : i32 to index
      %get3A_163 = arith.constant 112 : index
      %get3A_164 = tpu.vector_load %arg5[%get3A_162, %get3A_163] {strides = array<i32>} : memref<8x128xi32, #tpu.memory_space<vmem>>, vector<16xi32>,
      tpu.vector_store_idx %arg4[%get3A_164], %broadcast_in_dim3A_5 {add = true} : memref<10016xf32, #tpu.memory_space<vmem>>[vector<16xi32>], vector<16xf32>,
      %get3A_165 = arith.constant 4 : i32
      %get3A_166 = arith.index_cast %get3A_165 : i32 to index
      %get3A_167 = arith.constant 0 : index
      %get3A_168 = tpu.vector_load %arg5[%get3A_166, %get3A_167] {strides = array<i32>} : memref<8x128xi32, #tpu.memory_space<vmem>>, vector<16xi32>,
      tpu.vector_store_idx %arg4[%get3A_168], %broadcast_in_dim3A_5 {add = true} : memref<10016xf32, #tpu.memory_space<vmem>>[vector<16xi32>], vector<16xf32>,
      %get3A_169 = arith.constant 4 : i32
      %get3A_170 = arith.index_cast %get3A_169 : i32 to index
      %get3A_171 = arith.constant 16 : index
      %get3A_172 = tpu.vector_load %arg5[%get3A_170, %get3A_171] {strides = array<i32>} : memref<8x128xi32, #tpu.memory_space<vmem>>, vector<16xi32>,
      tpu.vector_store_idx %arg4[%get3A_172], %broadcast_in_dim3A_5 {add = true} : memref<10016xf32, #tpu.memory_space<vmem>>[vector<16xi32>], vector<16xf32>,
      %get3A_173 = arith.constant 4 : i32
      %get3A_174 = arith.index_cast %get3A_173 : i32 to index
      %get3A_175 = arith.constant 32 : index
      %get3A_176 = tpu.vector_load %arg5[%get3A_174, %get3A_175] {strides = array<i32>} : memref<8x128xi32, #tpu.memory_space<vmem>>, vector<16xi32>,
      tpu.vector_store_idx %arg4[%get3A_176], %broadcast_in_dim3A_5 {add = true} : memref<10016xf32, #tpu.memory_space<vmem>>[vector<16xi32>], vector<16xf32>,
      %get3A_177 = arith.constant 4 : i32
      %get3A_178 = arith.index_cast %get3A_177 : i32 to index
      %get3A_179 = arith.constant 48 : index
      %get3A_180 = tpu.vector_load %arg5[%get3A_178, %get3A_179] {strides = array<i32>} : memref<8x128xi32, #tpu.memory_space<vmem>>, vector<16xi32>,
      tpu.vector_store_idx %arg4[%get3A_180], %broadcast_in_dim3A_5 {add = true} : memref<10016xf32, #tpu.memory_space<vmem>>[vector<16xi32>], vector<16xf32>,
      %get3A_181 = arith.constant 4 : i32
      %get3A_182 = arith.index_cast %get3A_181 : i32 to index
      %get3A_183 = arith.constant 64 : index
      %get3A_184 = tpu.vector_load %arg5[%get3A_182, %get3A_183] {strides = array<i32>} : memref<8x128xi32, #tpu.memory_space<vmem>>, vector<16xi32>,
      tpu.vector_store_idx %arg4[%get3A_184], %broadcast_in_dim3A_5 {add = true} : memref<10016xf32, #tpu.memory_space<vmem>>[vector<16xi32>], vector<16xf32>,
      %get3A_185 = arith.constant 4 : i32
      %get3A_186 = arith.index_cast %get3A_185 : i32 to index
      %get3A_187 = arith.constant 80 : index
      %get3A_188 = tpu.vector_load %arg5[%get3A_186, %get3A_187] {strides = array<i32>} : memref<8x128xi32, #tpu.memory_space<vmem>>, vector<16xi32>,
      tpu.vector_store_idx %arg4[%get3A_188], %broadcast_in_dim3A_5 {add = true} : memref<10016xf32, #tpu.memory_space<vmem>>[vector<16xi32>], vector<16xf32>,
      %get3A_189 = arith.constant 4 : i32
      %get3A_190 = arith.index_cast %get3A_189 : i32 to index
      %get3A_191 = arith.constant 96 : index
      %get3A_192 = tpu.vector_load %arg5[%get3A_190, %get3A_191] {strides = array<i32>} : memref<8x128xi32, #tpu.memory_space<vmem>>, vector<16xi32>,
      tpu.vector_store_idx %arg4[%get3A_192], %broadcast_in_dim3A_5 {add = true} : memref<10016xf32, #tpu.memory_space<vmem>>[vector<16xi32>], vector<16xf32>,
      %get3A_193 = arith.constant 4 : i32
      %get3A_194 = arith.index_cast %get3A_193 : i32 to index
      %get3A_195 = arith.constant 112 : index
      %get3A_196 = tpu.vector_load %arg5[%get3A_194, %get3A_195] {strides = array<i32>} : memref<8x128xi32, #tpu.memory_space<vmem>>, vector<16xi32>,
      tpu.vector_store_idx %arg4[%get3A_196], %broadcast_in_dim3A_5 {add = true} : memref<10016xf32, #tpu.memory_space<vmem>>[vector<16xi32>], vector<16xf32>,
      %get3A_197 = arith.constant 5 : i32
      %get3A_198 = arith.index_cast %get3A_197 : i32 to index
      %get3A_199 = arith.constant 0 : index
      %get3A_200 = tpu.vector_load %arg5[%get3A_198, %get3A_199] {strides = array<i32>} : memref<8x128xi32, #tpu.memory_space<vmem>>, vector<16xi32>,
      tpu.vector_store_idx %arg4[%get3A_200], %broadcast_in_dim3A_5 {add = true} : memref<10016xf32, #tpu.memory_space<vmem>>[vector<16xi32>], vector<16xf32>,
      %get3A_201 = arith.constant 5 : i32
      %get3A_202 = arith.index_cast %get3A_201 : i32 to index
      %get3A_203 = arith.constant 16 : index
      %get3A_204 = tpu.vector_load %arg5[%get3A_202, %get3A_203] {strides = array<i32>} : memref<8x128xi32, #tpu.memory_space<vmem>>, vector<16xi32>,
      tpu.vector_store_idx %arg4[%get3A_204], %broadcast_in_dim3A_5 {add = true} : memref<10016xf32, #tpu.memory_space<vmem>>[vector<16xi32>], vector<16xf32>,
      %get3A_205 = arith.constant 5 : i32
      %get3A_206 = arith.index_cast %get3A_205 : i32 to index
      %get3A_207 = arith.constant 32 : index
      %get3A_208 = tpu.vector_load %arg5[%get3A_206, %get3A_207] {strides = array<i32>} : memref<8x128xi32, #tpu.memory_space<vmem>>, vector<16xi32>,
      tpu.vector_store_idx %arg4[%get3A_208], %broadcast_in_dim3A_5 {add = true} : memref<10016xf32, #tpu.memory_space<vmem>>[vector<16xi32>], vector<16xf32>,
      %get3A_209 = arith.constant 5 : i32
      %get3A_210 = arith.index_cast %get3A_209 : i32 to index
      %get3A_211 = arith.constant 48 : index
      %get3A_212 = tpu.vector_load %arg5[%get3A_210, %get3A_211] {strides = array<i32>} : memref<8x128xi32, #tpu.memory_space<vmem>>, vector<16xi32>,
      tpu.vector_store_idx %arg4[%get3A_212], %broadcast_in_dim3A_5 {add = true} : memref<10016xf32, #tpu.memory_space<vmem>>[vector<16xi32>], vector<16xf32>,
      %get3A_213 = arith.constant 5 : i32
      %get3A_214 = arith.index_cast %get3A_213 : i32 to index
      %get3A_215 = arith.constant 64 : index
      %get3A_216 = tpu.vector_load %arg5[%get3A_214, %get3A_215] {strides = array<i32>} : memref<8x128xi32, #tpu.memory_space<vmem>>, vector<16xi32>,
      tpu.vector_store_idx %arg4[%get3A_216], %broadcast_in_dim3A_5 {add = true} : memref<10016xf32, #tpu.memory_space<vmem>>[vector<16xi32>], vector<16xf32>,
      %get3A_217 = arith.constant 5 : i32
      %get3A_218 = arith.index_cast %get3A_217 : i32 to index
      %get3A_219 = arith.constant 80 : index
      %get3A_220 = tpu.vector_load %arg5[%get3A_218, %get3A_219] {strides = array<i32>} : memref<8x128xi32, #tpu.memory_space<vmem>>, vector<16xi32>,
      tpu.vector_store_idx %arg4[%get3A_220], %broadcast_in_dim3A_5 {add = true} : memref<10016xf32, #tpu.memory_space<vmem>>[vector<16xi32>], vector<16xf32>,
      %get3A_221 = arith.constant 5 : i32
      %get3A_222 = arith.index_cast %get3A_221 : i32 to index
      %get3A_223 = arith.constant 96 : index
      %get3A_224 = tpu.vector_load %arg5[%get3A_222, %get3A_223] {strides = array<i32>} : memref<8x128xi32, #tpu.memory_space<vmem>>, vector<16xi32>,
      tpu.vector_store_idx %arg4[%get3A_224], %broadcast_in_dim3A_5 {add = true} : memref<10016xf32, #tpu.memory_space<vmem>>[vector<16xi32>], vector<16xf32>,
      %get3A_225 = arith.constant 5 : i32
      %get3A_226 = arith.index_cast %get3A_225 : i32 to index
      %get3A_227 = arith.constant 112 : index
      %get3A_228 = tpu.vector_load %arg5[%get3A_226, %get3A_227] {strides = array<i32>} : memref<8x128xi32, #tpu.memory_space<vmem>>, vector<16xi32>,
      tpu.vector_store_idx %arg4[%get3A_228], %broadcast_in_dim3A_5 {add = true} : memref<10016xf32, #tpu.memory_space<vmem>>[vector<16xi32>], vector<16xf32>,
      %get3A_229 = arith.constant 6 : i32
      %get3A_230 = arith.index_cast %get3A_229 : i32 to index
      %get3A_231 = arith.constant 0 : index
      %get3A_232 = tpu.vector_load %arg5[%get3A_230, %get3A_231] {strides = array<i32>} : memref<8x128xi32, #tpu.memory_space<vmem>>, vector<16xi32>,
      tpu.vector_store_idx %arg4[%get3A_232], %broadcast_in_dim3A_5 {add = true} : memref<10016xf32, #tpu.memory_space<vmem>>[vector<16xi32>], vector<16xf32>,
      %get3A_233 = arith.constant 6 : i32
      %get3A_234 = arith.index_cast %get3A_233 : i32 to index
      %get3A_235 = arith.constant 16 : index
      %get3A_236 = tpu.vector_load %arg5[%get3A_234, %get3A_235] {strides = array<i32>} : memref<8x128xi32, #tpu.memory_space<vmem>>, vector<16xi32>,
      tpu.vector_store_idx %arg4[%get3A_236], %broadcast_in_dim3A_5 {add = true} : memref<10016xf32, #tpu.memory_space<vmem>>[vector<16xi32>], vector<16xf32>,
      %get3A_237 = arith.constant 6 : i32
      %get3A_238 = arith.index_cast %get3A_237 : i32 to index
      %get3A_239 = arith.constant 32 : index
      %get3A_240 = tpu.vector_load %arg5[%get3A_238, %get3A_239] {strides = array<i32>} : memref<8x128xi32, #tpu.memory_space<vmem>>, vector<16xi32>,
      tpu.vector_store_idx %arg4[%get3A_240], %broadcast_in_dim3A_5 {add = true} : memref<10016xf32, #tpu.memory_space<vmem>>[vector<16xi32>], vector<16xf32>,
      %get3A_241 = arith.constant 6 : i32
      %get3A_242 = arith.index_cast %get3A_241 : i32 to index
      %get3A_243 = arith.constant 48 : index
      %get3A_244 = tpu.vector_load %arg5[%get3A_242, %get3A_243] {strides = array<i32>} : memref<8x128xi32, #tpu.memory_space<vmem>>, vector<16xi32>,
      tpu.vector_store_idx %arg4[%get3A_244], %broadcast_in_dim3A_5 {add = true} : memref<10016xf32, #tpu.memory_space<vmem>>[vector<16xi32>], vector<16xf32>,
      %get3A_245 = arith.constant 6 : i32
      %get3A_246 = arith.index_cast %get3A_245 : i32 to index
      %get3A_247 = arith.constant 64 : index
      %get3A_248 = tpu.vector_load %arg5[%get3A_246, %get3A_247] {strides = array<i32>} : memref<8x128xi32, #tpu.memory_space<vmem>>, vector<16xi32>,
      tpu.vector_store_idx %arg4[%get3A_248], %broadcast_in_dim3A_5 {add = true} : memref<10016xf32, #tpu.memory_space<vmem>>[vector<16xi32>], vector<16xf32>,
      %get3A_249 = arith.constant 6 : i32
      %get3A_250 = arith.index_cast %get3A_249 : i32 to index
      %get3A_251 = arith.constant 80 : index
      %get3A_252 = tpu.vector_load %arg5[%get3A_250, %get3A_251] {strides = array<i32>} : memref<8x128xi32, #tpu.memory_space<vmem>>, vector<16xi32>,
      tpu.vector_store_idx %arg4[%get3A_252], %broadcast_in_dim3A_5 {add = true} : memref<10016xf32, #tpu.memory_space<vmem>>[vector<16xi32>], vector<16xf32>,
      %get3A_253 = arith.constant 6 : i32
      %get3A_254 = arith.index_cast %get3A_253 : i32 to index
      %get3A_255 = arith.constant 96 : index
      %get3A_256 = tpu.vector_load %arg5[%get3A_254, %get3A_255] {strides = array<i32>} : memref<8x128xi32, #tpu.memory_space<vmem>>, vector<16xi32>,
      tpu.vector_store_idx %arg4[%get3A_256], %broadcast_in_dim3A_5 {add = true} : memref<10016xf32, #tpu.memory_space<vmem>>[vector<16xi32>], vector<16xf32>,
      %get3A_257 = arith.constant 6 : i32
      %get3A_258 = arith.index_cast %get3A_257 : i32 to index
      %get3A_259 = arith.constant 112 : index
      %get3A_260 = tpu.vector_load %arg5[%get3A_258, %get3A_259] {strides = array<i32>} : memref<8x128xi32, #tpu.memory_space<vmem>>, vector<16xi32>,
      tpu.vector_store_idx %arg4[%get3A_260], %broadcast_in_dim3A_5 {add = true} : memref<10016xf32, #tpu.memory_space<vmem>>[vector<16xi32>], vector<16xf32>,
      %get3A_261 = arith.constant 7 : i32
      %get3A_262 = arith.index_cast %get3A_261 : i32 to index
      %get3A_263 = arith.constant 0 : index
      %get3A_264 = tpu.vector_load %arg5[%get3A_262, %get3A_263] {strides = array<i32>} : memref<8x128xi32, #tpu.memory_space<vmem>>, vector<16xi32>,
      tpu.vector_store_idx %arg4[%get3A_264], %broadcast_in_dim3A_5 {add = true} : memref<10016xf32, #tpu.memory_space<vmem>>[vector<16xi32>], vector<16xf32>,
      %get3A_265 = arith.constant 7 : i32
      %get3A_266 = arith.index_cast %get3A_265 : i32 to index
      %get3A_267 = arith.constant 16 : index
      %get3A_268 = tpu.vector_load %arg5[%get3A_266, %get3A_267] {strides = array<i32>} : memref<8x128xi32, #tpu.memory_space<vmem>>, vector<16xi32>,
      tpu.vector_store_idx %arg4[%get3A_268], %broadcast_in_dim3A_5 {add = true} : memref<10016xf32, #tpu.memory_space<vmem>>[vector<16xi32>], vector<16xf32>,
      %get3A_269 = arith.constant 7 : i32
      %get3A_270 = arith.index_cast %get3A_269 : i32 to index
      %get3A_271 = arith.constant 32 : index
      %get3A_272 = tpu.vector_load %arg5[%get3A_270, %get3A_271] {strides = array<i32>} : memref<8x128xi32, #tpu.memory_space<vmem>>, vector<16xi32>,
      tpu.vector_store_idx %arg4[%get3A_272], %broadcast_in_dim3A_5 {add = true} : memref<10016xf32, #tpu.memory_space<vmem>>[vector<16xi32>], vector<16xf32>,
      %get3A_273 = arith.constant 7 : i32
      %get3A_274 = arith.index_cast %get3A_273 : i32 to index
      %get3A_275 = arith.constant 48 : index
      %get3A_276 = tpu.vector_load %arg5[%get3A_274, %get3A_275] {strides = array<i32>} : memref<8x128xi32, #tpu.memory_space<vmem>>, vector<16xi32>,
      tpu.vector_store_idx %arg4[%get3A_276], %broadcast_in_dim3A_5 {add = true} : memref<10016xf32, #tpu.memory_space<vmem>>[vector<16xi32>], vector<16xf32>,
      %get3A_277 = arith.constant 7 : i32
      %get3A_278 = arith.index_cast %get3A_277 : i32 to index
      %get3A_279 = arith.constant 64 : index
      %get3A_280 = tpu.vector_load %arg5[%get3A_278, %get3A_279] {strides = array<i32>} : memref<8x128xi32, #tpu.memory_space<vmem>>, vector<16xi32>,
      tpu.vector_store_idx %arg4[%get3A_280], %broadcast_in_dim3A_5 {add = true} : memref<10016xf32, #tpu.memory_space<vmem>>[vector<16xi32>], vector<16xf32>,
      %get3A_281 = arith.constant 7 : i32
      %get3A_282 = arith.index_cast %get3A_281 : i32 to index
      %get3A_283 = arith.constant 80 : index
      %get3A_284 = tpu.vector_load %arg5[%get3A_282, %get3A_283] {strides = array<i32>} : memref<8x128xi32, #tpu.memory_space<vmem>>, vector<16xi32>,
      tpu.vector_store_idx %arg4[%get3A_284], %broadcast_in_dim3A_5 {add = true} : memref<10016xf32, #tpu.memory_space<vmem>>[vector<16xi32>], vector<16xf32>,
      %get3A_285 = arith.constant 7 : i32
      %get3A_286 = arith.index_cast %get3A_285 : i32 to index
      %get3A_287 = arith.constant 96 : index
      %get3A_288 = tpu.vector_load %arg5[%get3A_286, %get3A_287] {strides = array<i32>} : memref<8x128xi32, #tpu.memory_space<vmem>>, vector<16xi32>,
      tpu.vector_store_idx %arg4[%get3A_288], %broadcast_in_dim3A_5 {add = true} : memref<10016xf32, #tpu.memory_space<vmem>>[vector<16xi32>], vector<16xf32>,
      %get3A_289 = arith.constant 7 : i32
      %get3A_290 = arith.index_cast %get3A_289 : i32 to index
      %get3A_291 = arith.constant 112 : index
      %get3A_292 = tpu.vector_load %arg5[%get3A_290, %get3A_291] {strides = array<i32>} : memref<8x128xi32, #tpu.memory_space<vmem>>, vector<16xi32>,
      tpu.vector_store_idx %arg4[%get3A_292], %broadcast_in_dim3A_5 {add = true} : memref<10016xf32, #tpu.memory_space<vmem>>[vector<16xi32>], vector<16xf32>,
      %add3A_293 = arith.constant 0 : i32
      %add3A_294 = arith.addi %mul3A_32, %add3A_293 : i32
      %add3A_295 = arith.constant 2 : i32
      %add3A_296 = arith.addi %add3A_294, %add3A_295 : i32
      %lt3A = arith.constant 10 : i32
      %lt3A_297 = arith.cmpi slt, %add3A_296, %lt3A : i32
      %convert_element_type3A = arith.extui %lt3A_297 : i1 to i32
      %cond3A = arith.constant 0 : i32
      %cond3A_298 = arith.cmpi ne, %convert_element_type3A, %cond3A : i32
      scf.if %cond3A_298 {
        %add3A_570 = arith.constant 0 : i32
        %add3A_571 = arith.addi %mul3A_32, %add3A_570 : i32
        %add3A_572 = arith.constant 2 : i32
        %add3A_573 = arith.addi %add3A_571, %add3A_572 : i32
        %mul3A_574 = arith.constant 8 : i32
        %mul3A_575 = arith.muli %add3A_573, %mul3A_574 : i32
        %add3A_576 = arith.addi %mul3A_2, %mul3A_575 : i32
        %dma_start3A_577 = arith.constant 0 : i32
        %dma_start3A_578 = tpu.memref_slice %arg2[%add3A_576, %dma_start3A_577] : memref<2560x128xi32, #tpu.memory_space<hbm>> -> memref<8x128xi32, #tpu.memory_space<hbm>>
        %dma_start3A_579 = arith.constant 0 : i32
        %dma_start3A_580 = tpu.memref_slice %arg2[%add3A_576, %dma_start3A_579] : memref<2560x128xi32, #tpu.memory_space<hbm>> -> memref<8x128xi32, #tpu.memory_space<hbm>>
        tpu.enqueue_dma source(%dma_start3A_580 : memref<8x128xi32, #tpu.memory_space<hbm>>) target(%arg5 : memref<8x128xi32, #tpu.memory_space<vmem>>) target_semaphore(%arg7 : memref<!tpu.dma_semaphore, #tpu.memory_space<semaphore_mem>>)
      } else {
      }
      %dma_wait3A_299 = arith.constant 0 : i32
      %dma_wait3A_300 = arith.constant 0 : i32
      %dma_wait3A_301 = tpu.memref_slice %arg2[%dma_wait3A_299, %dma_wait3A_300] : memref<2560x128xi32, #tpu.memory_space<hbm>> -> memref<8x128xi32, #tpu.memory_space<hbm>>
      %dma_wait3A_302 = arith.constant 0 : i32
      %dma_wait3A_303 = arith.constant 0 : i32
      %dma_wait3A_304 = tpu.memref_slice %arg2[%dma_wait3A_302, %dma_wait3A_303] : memref<2560x128xi32, #tpu.memory_space<hbm>> -> memref<8x128xi32, #tpu.memory_space<hbm>>
      tpu.wait_dma2 semaphore(%arg8 : memref<!tpu.dma_semaphore, #tpu.memory_space<semaphore_mem>>) src(%dma_wait3A_304 : memref<8x128xi32, #tpu.memory_space<hbm>>) dst(%arg6 : memref<8x128xi32, #tpu.memory_space<vmem>>)
      %get3A_305 = arith.constant 0 : i32
      %get3A_306 = arith.index_cast %get3A_305 : i32 to index
      %get3A_307 = arith.constant 0 : index
      %get3A_308 = tpu.vector_load %arg6[%get3A_306, %get3A_307] {strides = array<i32>} : memref<8x128xi32, #tpu.memory_space<vmem>>, vector<16xi32>,
      tpu.vector_store_idx %arg4[%get3A_308], %broadcast_in_dim3A_5 {add = true} : memref<10016xf32, #tpu.memory_space<vmem>>[vector<16xi32>], vector<16xf32>,
      %get3A_309 = arith.constant 0 : i32
      %get3A_310 = arith.index_cast %get3A_309 : i32 to index
      %get3A_311 = arith.constant 16 : index
      %get3A_312 = tpu.vector_load %arg6[%get3A_310, %get3A_311] {strides = array<i32>} : memref<8x128xi32, #tpu.memory_space<vmem>>, vector<16xi32>,
      tpu.vector_store_idx %arg4[%get3A_312], %broadcast_in_dim3A_5 {add = true} : memref<10016xf32, #tpu.memory_space<vmem>>[vector<16xi32>], vector<16xf32>,
      %get3A_313 = arith.constant 0 : i32
      %get3A_314 = arith.index_cast %get3A_313 : i32 to index
      %get3A_315 = arith.constant 32 : index
      %get3A_316 = tpu.vector_load %arg6[%get3A_314, %get3A_315] {strides = array<i32>} : memref<8x128xi32, #tpu.memory_space<vmem>>, vector<16xi32>,
      tpu.vector_store_idx %arg4[%get3A_316], %broadcast_in_dim3A_5 {add = true} : memref<10016xf32, #tpu.memory_space<vmem>>[vector<16xi32>], vector<16xf32>,
      %get3A_317 = arith.constant 0 : i32
      %get3A_318 = arith.index_cast %get3A_317 : i32 to index
      %get3A_319 = arith.constant 48 : index
      %get3A_320 = tpu.vector_load %arg6[%get3A_318, %get3A_319] {strides = array<i32>} : memref<8x128xi32, #tpu.memory_space<vmem>>, vector<16xi32>,
      tpu.vector_store_idx %arg4[%get3A_320], %broadcast_in_dim3A_5 {add = true} : memref<10016xf32, #tpu.memory_space<vmem>>[vector<16xi32>], vector<16xf32>,
      %get3A_321 = arith.constant 0 : i32
      %get3A_322 = arith.index_cast %get3A_321 : i32 to index
      %get3A_323 = arith.constant 64 : index
      %get3A_324 = tpu.vector_load %arg6[%get3A_322, %get3A_323] {strides = array<i32>} : memref<8x128xi32, #tpu.memory_space<vmem>>, vector<16xi32>,
      tpu.vector_store_idx %arg4[%get3A_324], %broadcast_in_dim3A_5 {add = true} : memref<10016xf32, #tpu.memory_space<vmem>>[vector<16xi32>], vector<16xf32>,
      %get3A_325 = arith.constant 0 : i32
      %get3A_326 = arith.index_cast %get3A_325 : i32 to index
      %get3A_327 = arith.constant 80 : index
      %get3A_328 = tpu.vector_load %arg6[%get3A_326, %get3A_327] {strides = array<i32>} : memref<8x128xi32, #tpu.memory_space<vmem>>, vector<16xi32>,
      tpu.vector_store_idx %arg4[%get3A_328], %broadcast_in_dim3A_5 {add = true} : memref<10016xf32, #tpu.memory_space<vmem>>[vector<16xi32>], vector<16xf32>,
      %get3A_329 = arith.constant 0 : i32
      %get3A_330 = arith.index_cast %get3A_329 : i32 to index
      %get3A_331 = arith.constant 96 : index
      %get3A_332 = tpu.vector_load %arg6[%get3A_330, %get3A_331] {strides = array<i32>} : memref<8x128xi32, #tpu.memory_space<vmem>>, vector<16xi32>,
      tpu.vector_store_idx %arg4[%get3A_332], %broadcast_in_dim3A_5 {add = true} : memref<10016xf32, #tpu.memory_space<vmem>>[vector<16xi32>], vector<16xf32>,
      %get3A_333 = arith.constant 0 : i32
      %get3A_334 = arith.index_cast %get3A_333 : i32 to index
      %get3A_335 = arith.constant 112 : index
      %get3A_336 = tpu.vector_load %arg6[%get3A_334, %get3A_335] {strides = array<i32>} : memref<8x128xi32, #tpu.memory_space<vmem>>, vector<16xi32>,
      tpu.vector_store_idx %arg4[%get3A_336], %broadcast_in_dim3A_5 {add = true} : memref<10016xf32, #tpu.memory_space<vmem>>[vector<16xi32>], vector<16xf32>,
      %get3A_337 = arith.constant 1 : i32
      %get3A_338 = arith.index_cast %get3A_337 : i32 to index
      %get3A_339 = arith.constant 0 : index
      %get3A_340 = tpu.vector_load %arg6[%get3A_338, %get3A_339] {strides = array<i32>} : memref<8x128xi32, #tpu.memory_space<vmem>>, vector<16xi32>,
      tpu.vector_store_idx %arg4[%get3A_340], %broadcast_in_dim3A_5 {add = true} : memref<10016xf32, #tpu.memory_space<vmem>>[vector<16xi32>], vector<16xf32>,
      %get3A_341 = arith.constant 1 : i32
      %get3A_342 = arith.index_cast %get3A_341 : i32 to index
      %get3A_343 = arith.constant 16 : index
      %get3A_344 = tpu.vector_load %arg6[%get3A_342, %get3A_343] {strides = array<i32>} : memref<8x128xi32, #tpu.memory_space<vmem>>, vector<16xi32>,
      tpu.vector_store_idx %arg4[%get3A_344], %broadcast_in_dim3A_5 {add = true} : memref<10016xf32, #tpu.memory_space<vmem>>[vector<16xi32>], vector<16xf32>,
      %get3A_345 = arith.constant 1 : i32
      %get3A_346 = arith.index_cast %get3A_345 : i32 to index
      %get3A_347 = arith.constant 32 : index
      %get3A_348 = tpu.vector_load %arg6[%get3A_346, %get3A_347] {strides = array<i32>} : memref<8x128xi32, #tpu.memory_space<vmem>>, vector<16xi32>,
      tpu.vector_store_idx %arg4[%get3A_348], %broadcast_in_dim3A_5 {add = true} : memref<10016xf32, #tpu.memory_space<vmem>>[vector<16xi32>], vector<16xf32>,
      %get3A_349 = arith.constant 1 : i32
      %get3A_350 = arith.index_cast %get3A_349 : i32 to index
      %get3A_351 = arith.constant 48 : index
      %get3A_352 = tpu.vector_load %arg6[%get3A_350, %get3A_351] {strides = array<i32>} : memref<8x128xi32, #tpu.memory_space<vmem>>, vector<16xi32>,
      tpu.vector_store_idx %arg4[%get3A_352], %broadcast_in_dim3A_5 {add = true} : memref<10016xf32, #tpu.memory_space<vmem>>[vector<16xi32>], vector<16xf32>,
      %get3A_353 = arith.constant 1 : i32
      %get3A_354 = arith.index_cast %get3A_353 : i32 to index
      %get3A_355 = arith.constant 64 : index
      %get3A_356 = tpu.vector_load %arg6[%get3A_354, %get3A_355] {strides = array<i32>} : memref<8x128xi32, #tpu.memory_space<vmem>>, vector<16xi32>,
      tpu.vector_store_idx %arg4[%get3A_356], %broadcast_in_dim3A_5 {add = true} : memref<10016xf32, #tpu.memory_space<vmem>>[vector<16xi32>], vector<16xf32>,
      %get3A_357 = arith.constant 1 : i32
      %get3A_358 = arith.index_cast %get3A_357 : i32 to index
      %get3A_359 = arith.constant 80 : index
      %get3A_360 = tpu.vector_load %arg6[%get3A_358, %get3A_359] {strides = array<i32>} : memref<8x128xi32, #tpu.memory_space<vmem>>, vector<16xi32>,
      tpu.vector_store_idx %arg4[%get3A_360], %broadcast_in_dim3A_5 {add = true} : memref<10016xf32, #tpu.memory_space<vmem>>[vector<16xi32>], vector<16xf32>,
      %get3A_361 = arith.constant 1 : i32
      %get3A_362 = arith.index_cast %get3A_361 : i32 to index
      %get3A_363 = arith.constant 96 : index
      %get3A_364 = tpu.vector_load %arg6[%get3A_362, %get3A_363] {strides = array<i32>} : memref<8x128xi32, #tpu.memory_space<vmem>>, vector<16xi32>,
      tpu.vector_store_idx %arg4[%get3A_364], %broadcast_in_dim3A_5 {add = true} : memref<10016xf32, #tpu.memory_space<vmem>>[vector<16xi32>], vector<16xf32>,
      %get3A_365 = arith.constant 1 : i32
      %get3A_366 = arith.index_cast %get3A_365 : i32 to index
      %get3A_367 = arith.constant 112 : index
      %get3A_368 = tpu.vector_load %arg6[%get3A_366, %get3A_367] {strides = array<i32>} : memref<8x128xi32, #tpu.memory_space<vmem>>, vector<16xi32>,
      tpu.vector_store_idx %arg4[%get3A_368], %broadcast_in_dim3A_5 {add = true} : memref<10016xf32, #tpu.memory_space<vmem>>[vector<16xi32>], vector<16xf32>,
      %get3A_369 = arith.constant 2 : i32
      %get3A_370 = arith.index_cast %get3A_369 : i32 to index
      %get3A_371 = arith.constant 0 : index
      %get3A_372 = tpu.vector_load %arg6[%get3A_370, %get3A_371] {strides = array<i32>} : memref<8x128xi32, #tpu.memory_space<vmem>>, vector<16xi32>,
      tpu.vector_store_idx %arg4[%get3A_372], %broadcast_in_dim3A_5 {add = true} : memref<10016xf32, #tpu.memory_space<vmem>>[vector<16xi32>], vector<16xf32>,
      %get3A_373 = arith.constant 2 : i32
      %get3A_374 = arith.index_cast %get3A_373 : i32 to index
      %get3A_375 = arith.constant 16 : index
      %get3A_376 = tpu.vector_load %arg6[%get3A_374, %get3A_375] {strides = array<i32>} : memref<8x128xi32, #tpu.memory_space<vmem>>, vector<16xi32>,
      tpu.vector_store_idx %arg4[%get3A_376], %broadcast_in_dim3A_5 {add = true} : memref<10016xf32, #tpu.memory_space<vmem>>[vector<16xi32>], vector<16xf32>,
      %get3A_377 = arith.constant 2 : i32
      %get3A_378 = arith.index_cast %get3A_377 : i32 to index
      %get3A_379 = arith.constant 32 : index
      %get3A_380 = tpu.vector_load %arg6[%get3A_378, %get3A_379] {strides = array<i32>} : memref<8x128xi32, #tpu.memory_space<vmem>>, vector<16xi32>,
      tpu.vector_store_idx %arg4[%get3A_380], %broadcast_in_dim3A_5 {add = true} : memref<10016xf32, #tpu.memory_space<vmem>>[vector<16xi32>], vector<16xf32>,
      %get3A_381 = arith.constant 2 : i32
      %get3A_382 = arith.index_cast %get3A_381 : i32 to index
      %get3A_383 = arith.constant 48 : index
      %get3A_384 = tpu.vector_load %arg6[%get3A_382, %get3A_383] {strides = array<i32>} : memref<8x128xi32, #tpu.memory_space<vmem>>, vector<16xi32>,
      tpu.vector_store_idx %arg4[%get3A_384], %broadcast_in_dim3A_5 {add = true} : memref<10016xf32, #tpu.memory_space<vmem>>[vector<16xi32>], vector<16xf32>,
      %get3A_385 = arith.constant 2 : i32
      %get3A_386 = arith.index_cast %get3A_385 : i32 to index
      %get3A_387 = arith.constant 64 : index
      %get3A_388 = tpu.vector_load %arg6[%get3A_386, %get3A_387] {strides = array<i32>} : memref<8x128xi32, #tpu.memory_space<vmem>>, vector<16xi32>,
      tpu.vector_store_idx %arg4[%get3A_388], %broadcast_in_dim3A_5 {add = true} : memref<10016xf32, #tpu.memory_space<vmem>>[vector<16xi32>], vector<16xf32>,
      %get3A_389 = arith.constant 2 : i32
      %get3A_390 = arith.index_cast %get3A_389 : i32 to index
      %get3A_391 = arith.constant 80 : index
      %get3A_392 = tpu.vector_load %arg6[%get3A_390, %get3A_391] {strides = array<i32>} : memref<8x128xi32, #tpu.memory_space<vmem>>, vector<16xi32>,
      tpu.vector_store_idx %arg4[%get3A_392], %broadcast_in_dim3A_5 {add = true} : memref<10016xf32, #tpu.memory_space<vmem>>[vector<16xi32>], vector<16xf32>,
      %get3A_393 = arith.constant 2 : i32
      %get3A_394 = arith.index_cast %get3A_393 : i32 to index
      %get3A_395 = arith.constant 96 : index
      %get3A_396 = tpu.vector_load %arg6[%get3A_394, %get3A_395] {strides = array<i32>} : memref<8x128xi32, #tpu.memory_space<vmem>>, vector<16xi32>,
      tpu.vector_store_idx %arg4[%get3A_396], %broadcast_in_dim3A_5 {add = true} : memref<10016xf32, #tpu.memory_space<vmem>>[vector<16xi32>], vector<16xf32>,
      %get3A_397 = arith.constant 2 : i32
      %get3A_398 = arith.index_cast %get3A_397 : i32 to index
      %get3A_399 = arith.constant 112 : index
      %get3A_400 = tpu.vector_load %arg6[%get3A_398, %get3A_399] {strides = array<i32>} : memref<8x128xi32, #tpu.memory_space<vmem>>, vector<16xi32>,
      tpu.vector_store_idx %arg4[%get3A_400], %broadcast_in_dim3A_5 {add = true} : memref<10016xf32, #tpu.memory_space<vmem>>[vector<16xi32>], vector<16xf32>,
      %get3A_401 = arith.constant 3 : i32
      %get3A_402 = arith.index_cast %get3A_401 : i32 to index
      %get3A_403 = arith.constant 0 : index
      %get3A_404 = tpu.vector_load %arg6[%get3A_402, %get3A_403] {strides = array<i32>} : memref<8x128xi32, #tpu.memory_space<vmem>>, vector<16xi32>,
      tpu.vector_store_idx %arg4[%get3A_404], %broadcast_in_dim3A_5 {add = true} : memref<10016xf32, #tpu.memory_space<vmem>>[vector<16xi32>], vector<16xf32>,
      %get3A_405 = arith.constant 3 : i32
      %get3A_406 = arith.index_cast %get3A_405 : i32 to index
      %get3A_407 = arith.constant 16 : index
      %get3A_408 = tpu.vector_load %arg6[%get3A_406, %get3A_407] {strides = array<i32>} : memref<8x128xi32, #tpu.memory_space<vmem>>, vector<16xi32>,
      tpu.vector_store_idx %arg4[%get3A_408], %broadcast_in_dim3A_5 {add = true} : memref<10016xf32, #tpu.memory_space<vmem>>[vector<16xi32>], vector<16xf32>,
      %get3A_409 = arith.constant 3 : i32
      %get3A_410 = arith.index_cast %get3A_409 : i32 to index
      %get3A_411 = arith.constant 32 : index
      %get3A_412 = tpu.vector_load %arg6[%get3A_410, %get3A_411] {strides = array<i32>} : memref<8x128xi32, #tpu.memory_space<vmem>>, vector<16xi32>,
      tpu.vector_store_idx %arg4[%get3A_412], %broadcast_in_dim3A_5 {add = true} : memref<10016xf32, #tpu.memory_space<vmem>>[vector<16xi32>], vector<16xf32>,
      %get3A_413 = arith.constant 3 : i32
      %get3A_414 = arith.index_cast %get3A_413 : i32 to index
      %get3A_415 = arith.constant 48 : index
      %get3A_416 = tpu.vector_load %arg6[%get3A_414, %get3A_415] {strides = array<i32>} : memref<8x128xi32, #tpu.memory_space<vmem>>, vector<16xi32>,
      tpu.vector_store_idx %arg4[%get3A_416], %broadcast_in_dim3A_5 {add = true} : memref<10016xf32, #tpu.memory_space<vmem>>[vector<16xi32>], vector<16xf32>,
      %get3A_417 = arith.constant 3 : i32
      %get3A_418 = arith.index_cast %get3A_417 : i32 to index
      %get3A_419 = arith.constant 64 : index
      %get3A_420 = tpu.vector_load %arg6[%get3A_418, %get3A_419] {strides = array<i32>} : memref<8x128xi32, #tpu.memory_space<vmem>>, vector<16xi32>,
      tpu.vector_store_idx %arg4[%get3A_420], %broadcast_in_dim3A_5 {add = true} : memref<10016xf32, #tpu.memory_space<vmem>>[vector<16xi32>], vector<16xf32>,
      %get3A_421 = arith.constant 3 : i32
      %get3A_422 = arith.index_cast %get3A_421 : i32 to index
      %get3A_423 = arith.constant 80 : index
      %get3A_424 = tpu.vector_load %arg6[%get3A_422, %get3A_423] {strides = array<i32>} : memref<8x128xi32, #tpu.memory_space<vmem>>, vector<16xi32>,
      tpu.vector_store_idx %arg4[%get3A_424], %broadcast_in_dim3A_5 {add = true} : memref<10016xf32, #tpu.memory_space<vmem>>[vector<16xi32>], vector<16xf32>,
      %get3A_425 = arith.constant 3 : i32
      %get3A_426 = arith.index_cast %get3A_425 : i32 to index
      %get3A_427 = arith.constant 96 : index
      %get3A_428 = tpu.vector_load %arg6[%get3A_426, %get3A_427] {strides = array<i32>} : memref<8x128xi32, #tpu.memory_space<vmem>>, vector<16xi32>,
      tpu.vector_store_idx %arg4[%get3A_428], %broadcast_in_dim3A_5 {add = true} : memref<10016xf32, #tpu.memory_space<vmem>>[vector<16xi32>], vector<16xf32>,
      %get3A_429 = arith.constant 3 : i32
      %get3A_430 = arith.index_cast %get3A_429 : i32 to index
      %get3A_431 = arith.constant 112 : index
      %get3A_432 = tpu.vector_load %arg6[%get3A_430, %get3A_431] {strides = array<i32>} : memref<8x128xi32, #tpu.memory_space<vmem>>, vector<16xi32>,
      tpu.vector_store_idx %arg4[%get3A_432], %broadcast_in_dim3A_5 {add = true} : memref<10016xf32, #tpu.memory_space<vmem>>[vector<16xi32>], vector<16xf32>,
      %get3A_433 = arith.constant 4 : i32
      %get3A_434 = arith.index_cast %get3A_433 : i32 to index
      %get3A_435 = arith.constant 0 : index
      %get3A_436 = tpu.vector_load %arg6[%get3A_434, %get3A_435] {strides = array<i32>} : memref<8x128xi32, #tpu.memory_space<vmem>>, vector<16xi32>,
      tpu.vector_store_idx %arg4[%get3A_436], %broadcast_in_dim3A_5 {add = true} : memref<10016xf32, #tpu.memory_space<vmem>>[vector<16xi32>], vector<16xf32>,
      %get3A_437 = arith.constant 4 : i32
      %get3A_438 = arith.index_cast %get3A_437 : i32 to index
      %get3A_439 = arith.constant 16 : index
      %get3A_440 = tpu.vector_load %arg6[%get3A_438, %get3A_439] {strides = array<i32>} : memref<8x128xi32, #tpu.memory_space<vmem>>, vector<16xi32>,
      tpu.vector_store_idx %arg4[%get3A_440], %broadcast_in_dim3A_5 {add = true} : memref<10016xf32, #tpu.memory_space<vmem>>[vector<16xi32>], vector<16xf32>,
      %get3A_441 = arith.constant 4 : i32
      %get3A_442 = arith.index_cast %get3A_441 : i32 to index
      %get3A_443 = arith.constant 32 : index
      %get3A_444 = tpu.vector_load %arg6[%get3A_442, %get3A_443] {strides = array<i32>} : memref<8x128xi32, #tpu.memory_space<vmem>>, vector<16xi32>,
      tpu.vector_store_idx %arg4[%get3A_444], %broadcast_in_dim3A_5 {add = true} : memref<10016xf32, #tpu.memory_space<vmem>>[vector<16xi32>], vector<16xf32>,
      %get3A_445 = arith.constant 4 : i32
      %get3A_446 = arith.index_cast %get3A_445 : i32 to index
      %get3A_447 = arith.constant 48 : index
      %get3A_448 = tpu.vector_load %arg6[%get3A_446, %get3A_447] {strides = array<i32>} : memref<8x128xi32, #tpu.memory_space<vmem>>, vector<16xi32>,
      tpu.vector_store_idx %arg4[%get3A_448], %broadcast_in_dim3A_5 {add = true} : memref<10016xf32, #tpu.memory_space<vmem>>[vector<16xi32>], vector<16xf32>,
      %get3A_449 = arith.constant 4 : i32
      %get3A_450 = arith.index_cast %get3A_449 : i32 to index
      %get3A_451 = arith.constant 64 : index
      %get3A_452 = tpu.vector_load %arg6[%get3A_450, %get3A_451] {strides = array<i32>} : memref<8x128xi32, #tpu.memory_space<vmem>>, vector<16xi32>,
      tpu.vector_store_idx %arg4[%get3A_452], %broadcast_in_dim3A_5 {add = true} : memref<10016xf32, #tpu.memory_space<vmem>>[vector<16xi32>], vector<16xf32>,
      %get3A_453 = arith.constant 4 : i32
      %get3A_454 = arith.index_cast %get3A_453 : i32 to index
      %get3A_455 = arith.constant 80 : index
      %get3A_456 = tpu.vector_load %arg6[%get3A_454, %get3A_455] {strides = array<i32>} : memref<8x128xi32, #tpu.memory_space<vmem>>, vector<16xi32>,
      tpu.vector_store_idx %arg4[%get3A_456], %broadcast_in_dim3A_5 {add = true} : memref<10016xf32, #tpu.memory_space<vmem>>[vector<16xi32>], vector<16xf32>,
      %get3A_457 = arith.constant 4 : i32
      %get3A_458 = arith.index_cast %get3A_457 : i32 to index
      %get3A_459 = arith.constant 96 : index
      %get3A_460 = tpu.vector_load %arg6[%get3A_458, %get3A_459] {strides = array<i32>} : memref<8x128xi32, #tpu.memory_space<vmem>>, vector<16xi32>,
      tpu.vector_store_idx %arg4[%get3A_460], %broadcast_in_dim3A_5 {add = true} : memref<10016xf32, #tpu.memory_space<vmem>>[vector<16xi32>], vector<16xf32>,
      %get3A_461 = arith.constant 4 : i32
      %get3A_462 = arith.index_cast %get3A_461 : i32 to index
      %get3A_463 = arith.constant 112 : index
      %get3A_464 = tpu.vector_load %arg6[%get3A_462, %get3A_463] {strides = array<i32>} : memref<8x128xi32, #tpu.memory_space<vmem>>, vector<16xi32>,
      tpu.vector_store_idx %arg4[%get3A_464], %broadcast_in_dim3A_5 {add = true} : memref<10016xf32, #tpu.memory_space<vmem>>[vector<16xi32>], vector<16xf32>,
      %get3A_465 = arith.constant 5 : i32
      %get3A_466 = arith.index_cast %get3A_465 : i32 to index
      %get3A_467 = arith.constant 0 : index
      %get3A_468 = tpu.vector_load %arg6[%get3A_466, %get3A_467] {strides = array<i32>} : memref<8x128xi32, #tpu.memory_space<vmem>>, vector<16xi32>,
      tpu.vector_store_idx %arg4[%get3A_468], %broadcast_in_dim3A_5 {add = true} : memref<10016xf32, #tpu.memory_space<vmem>>[vector<16xi32>], vector<16xf32>,
      %get3A_469 = arith.constant 5 : i32
      %get3A_470 = arith.index_cast %get3A_469 : i32 to index
      %get3A_471 = arith.constant 16 : index
      %get3A_472 = tpu.vector_load %arg6[%get3A_470, %get3A_471] {strides = array<i32>} : memref<8x128xi32, #tpu.memory_space<vmem>>, vector<16xi32>,
      tpu.vector_store_idx %arg4[%get3A_472], %broadcast_in_dim3A_5 {add = true} : memref<10016xf32, #tpu.memory_space<vmem>>[vector<16xi32>], vector<16xf32>,
      %get3A_473 = arith.constant 5 : i32
      %get3A_474 = arith.index_cast %get3A_473 : i32 to index
      %get3A_475 = arith.constant 32 : index
      %get3A_476 = tpu.vector_load %arg6[%get3A_474, %get3A_475] {strides = array<i32>} : memref<8x128xi32, #tpu.memory_space<vmem>>, vector<16xi32>,
      tpu.vector_store_idx %arg4[%get3A_476], %broadcast_in_dim3A_5 {add = true} : memref<10016xf32, #tpu.memory_space<vmem>>[vector<16xi32>], vector<16xf32>,
      %get3A_477 = arith.constant 5 : i32
      %get3A_478 = arith.index_cast %get3A_477 : i32 to index
      %get3A_479 = arith.constant 48 : index
      %get3A_480 = tpu.vector_load %arg6[%get3A_478, %get3A_479] {strides = array<i32>} : memref<8x128xi32, #tpu.memory_space<vmem>>, vector<16xi32>,
      tpu.vector_store_idx %arg4[%get3A_480], %broadcast_in_dim3A_5 {add = true} : memref<10016xf32, #tpu.memory_space<vmem>>[vector<16xi32>], vector<16xf32>,
      %get3A_481 = arith.constant 5 : i32
      %get3A_482 = arith.index_cast %get3A_481 : i32 to index
      %get3A_483 = arith.constant 64 : index
      %get3A_484 = tpu.vector_load %arg6[%get3A_482, %get3A_483] {strides = array<i32>} : memref<8x128xi32, #tpu.memory_space<vmem>>, vector<16xi32>,
      tpu.vector_store_idx %arg4[%get3A_484], %broadcast_in_dim3A_5 {add = true} : memref<10016xf32, #tpu.memory_space<vmem>>[vector<16xi32>], vector<16xf32>,
      %get3A_485 = arith.constant 5 : i32
      %get3A_486 = arith.index_cast %get3A_485 : i32 to index
      %get3A_487 = arith.constant 80 : index
      %get3A_488 = tpu.vector_load %arg6[%get3A_486, %get3A_487] {strides = array<i32>} : memref<8x128xi32, #tpu.memory_space<vmem>>, vector<16xi32>,
      tpu.vector_store_idx %arg4[%get3A_488], %broadcast_in_dim3A_5 {add = true} : memref<10016xf32, #tpu.memory_space<vmem>>[vector<16xi32>], vector<16xf32>,
      %get3A_489 = arith.constant 5 : i32
      %get3A_490 = arith.index_cast %get3A_489 : i32 to index
      %get3A_491 = arith.constant 96 : index
      %get3A_492 = tpu.vector_load %arg6[%get3A_490, %get3A_491] {strides = array<i32>} : memref<8x128xi32, #tpu.memory_space<vmem>>, vector<16xi32>,
      tpu.vector_store_idx %arg4[%get3A_492], %broadcast_in_dim3A_5 {add = true} : memref<10016xf32, #tpu.memory_space<vmem>>[vector<16xi32>], vector<16xf32>,
      %get3A_493 = arith.constant 5 : i32
      %get3A_494 = arith.index_cast %get3A_493 : i32 to index
      %get3A_495 = arith.constant 112 : index
      %get3A_496 = tpu.vector_load %arg6[%get3A_494, %get3A_495] {strides = array<i32>} : memref<8x128xi32, #tpu.memory_space<vmem>>, vector<16xi32>,
      tpu.vector_store_idx %arg4[%get3A_496], %broadcast_in_dim3A_5 {add = true} : memref<10016xf32, #tpu.memory_space<vmem>>[vector<16xi32>], vector<16xf32>,
      %get3A_497 = arith.constant 6 : i32
      %get3A_498 = arith.index_cast %get3A_497 : i32 to index
      %get3A_499 = arith.constant 0 : index
      %get3A_500 = tpu.vector_load %arg6[%get3A_498, %get3A_499] {strides = array<i32>} : memref<8x128xi32, #tpu.memory_space<vmem>>, vector<16xi32>,
      tpu.vector_store_idx %arg4[%get3A_500], %broadcast_in_dim3A_5 {add = true} : memref<10016xf32, #tpu.memory_space<vmem>>[vector<16xi32>], vector<16xf32>,
      %get3A_501 = arith.constant 6 : i32
      %get3A_502 = arith.index_cast %get3A_501 : i32 to index
      %get3A_503 = arith.constant 16 : index
      %get3A_504 = tpu.vector_load %arg6[%get3A_502, %get3A_503] {strides = array<i32>} : memref<8x128xi32, #tpu.memory_space<vmem>>, vector<16xi32>,
      tpu.vector_store_idx %arg4[%get3A_504], %broadcast_in_dim3A_5 {add = true} : memref<10016xf32, #tpu.memory_space<vmem>>[vector<16xi32>], vector<16xf32>,
      %get3A_505 = arith.constant 6 : i32
      %get3A_506 = arith.index_cast %get3A_505 : i32 to index
      %get3A_507 = arith.constant 32 : index
      %get3A_508 = tpu.vector_load %arg6[%get3A_506, %get3A_507] {strides = array<i32>} : memref<8x128xi32, #tpu.memory_space<vmem>>, vector<16xi32>,
      tpu.vector_store_idx %arg4[%get3A_508], %broadcast_in_dim3A_5 {add = true} : memref<10016xf32, #tpu.memory_space<vmem>>[vector<16xi32>], vector<16xf32>,
      %get3A_509 = arith.constant 6 : i32
      %get3A_510 = arith.index_cast %get3A_509 : i32 to index
      %get3A_511 = arith.constant 48 : index
      %get3A_512 = tpu.vector_load %arg6[%get3A_510, %get3A_511] {strides = array<i32>} : memref<8x128xi32, #tpu.memory_space<vmem>>, vector<16xi32>,
      tpu.vector_store_idx %arg4[%get3A_512], %broadcast_in_dim3A_5 {add = true} : memref<10016xf32, #tpu.memory_space<vmem>>[vector<16xi32>], vector<16xf32>,
      %get3A_513 = arith.constant 6 : i32
      %get3A_514 = arith.index_cast %get3A_513 : i32 to index
      %get3A_515 = arith.constant 64 : index
      %get3A_516 = tpu.vector_load %arg6[%get3A_514, %get3A_515] {strides = array<i32>} : memref<8x128xi32, #tpu.memory_space<vmem>>, vector<16xi32>,
      tpu.vector_store_idx %arg4[%get3A_516], %broadcast_in_dim3A_5 {add = true} : memref<10016xf32, #tpu.memory_space<vmem>>[vector<16xi32>], vector<16xf32>,
      %get3A_517 = arith.constant 6 : i32
      %get3A_518 = arith.index_cast %get3A_517 : i32 to index
      %get3A_519 = arith.constant 80 : index
      %get3A_520 = tpu.vector_load %arg6[%get3A_518, %get3A_519] {strides = array<i32>} : memref<8x128xi32, #tpu.memory_space<vmem>>, vector<16xi32>,
      tpu.vector_store_idx %arg4[%get3A_520], %broadcast_in_dim3A_5 {add = true} : memref<10016xf32, #tpu.memory_space<vmem>>[vector<16xi32>], vector<16xf32>,
      %get3A_521 = arith.constant 6 : i32
      %get3A_522 = arith.index_cast %get3A_521 : i32 to index
      %get3A_523 = arith.constant 96 : index
      %get3A_524 = tpu.vector_load %arg6[%get3A_522, %get3A_523] {strides = array<i32>} : memref<8x128xi32, #tpu.memory_space<vmem>>, vector<16xi32>,
      tpu.vector_store_idx %arg4[%get3A_524], %broadcast_in_dim3A_5 {add = true} : memref<10016xf32, #tpu.memory_space<vmem>>[vector<16xi32>], vector<16xf32>,
      %get3A_525 = arith.constant 6 : i32
      %get3A_526 = arith.index_cast %get3A_525 : i32 to index
      %get3A_527 = arith.constant 112 : index
      %get3A_528 = tpu.vector_load %arg6[%get3A_526, %get3A_527] {strides = array<i32>} : memref<8x128xi32, #tpu.memory_space<vmem>>, vector<16xi32>,
      tpu.vector_store_idx %arg4[%get3A_528], %broadcast_in_dim3A_5 {add = true} : memref<10016xf32, #tpu.memory_space<vmem>>[vector<16xi32>], vector<16xf32>,
      %get3A_529 = arith.constant 7 : i32
      %get3A_530 = arith.index_cast %get3A_529 : i32 to index
      %get3A_531 = arith.constant 0 : index
      %get3A_532 = tpu.vector_load %arg6[%get3A_530, %get3A_531] {strides = array<i32>} : memref<8x128xi32, #tpu.memory_space<vmem>>, vector<16xi32>,
      tpu.vector_store_idx %arg4[%get3A_532], %broadcast_in_dim3A_5 {add = true} : memref<10016xf32, #tpu.memory_space<vmem>>[vector<16xi32>], vector<16xf32>,
      %get3A_533 = arith.constant 7 : i32
      %get3A_534 = arith.index_cast %get3A_533 : i32 to index
      %get3A_535 = arith.constant 16 : index
      %get3A_536 = tpu.vector_load %arg6[%get3A_534, %get3A_535] {strides = array<i32>} : memref<8x128xi32, #tpu.memory_space<vmem>>, vector<16xi32>,
      tpu.vector_store_idx %arg4[%get3A_536], %broadcast_in_dim3A_5 {add = true} : memref<10016xf32, #tpu.memory_space<vmem>>[vector<16xi32>], vector<16xf32>,
      %get3A_537 = arith.constant 7 : i32
      %get3A_538 = arith.index_cast %get3A_537 : i32 to index
      %get3A_539 = arith.constant 32 : index
      %get3A_540 = tpu.vector_load %arg6[%get3A_538, %get3A_539] {strides = array<i32>} : memref<8x128xi32, #tpu.memory_space<vmem>>, vector<16xi32>,
      tpu.vector_store_idx %arg4[%get3A_540], %broadcast_in_dim3A_5 {add = true} : memref<10016xf32, #tpu.memory_space<vmem>>[vector<16xi32>], vector<16xf32>,
      %get3A_541 = arith.constant 7 : i32
      %get3A_542 = arith.index_cast %get3A_541 : i32 to index
      %get3A_543 = arith.constant 48 : index
      %get3A_544 = tpu.vector_load %arg6[%get3A_542, %get3A_543] {strides = array<i32>} : memref<8x128xi32, #tpu.memory_space<vmem>>, vector<16xi32>,
      tpu.vector_store_idx %arg4[%get3A_544], %broadcast_in_dim3A_5 {add = true} : memref<10016xf32, #tpu.memory_space<vmem>>[vector<16xi32>], vector<16xf32>,
      %get3A_545 = arith.constant 7 : i32
      %get3A_546 = arith.index_cast %get3A_545 : i32 to index
      %get3A_547 = arith.constant 64 : index
      %get3A_548 = tpu.vector_load %arg6[%get3A_546, %get3A_547] {strides = array<i32>} : memref<8x128xi32, #tpu.memory_space<vmem>>, vector<16xi32>,
      tpu.vector_store_idx %arg4[%get3A_548], %broadcast_in_dim3A_5 {add = true} : memref<10016xf32, #tpu.memory_space<vmem>>[vector<16xi32>], vector<16xf32>,
      %get3A_549 = arith.constant 7 : i32
      %get3A_550 = arith.index_cast %get3A_549 : i32 to index
      %get3A_551 = arith.constant 80 : index
      %get3A_552 = tpu.vector_load %arg6[%get3A_550, %get3A_551] {strides = array<i32>} : memref<8x128xi32, #tpu.memory_space<vmem>>, vector<16xi32>,
      tpu.vector_store_idx %arg4[%get3A_552], %broadcast_in_dim3A_5 {add = true} : memref<10016xf32, #tpu.memory_space<vmem>>[vector<16xi32>], vector<16xf32>,
      %get3A_553 = arith.constant 7 : i32
      %get3A_554 = arith.index_cast %get3A_553 : i32 to index
      %get3A_555 = arith.constant 96 : index
      %get3A_556 = tpu.vector_load %arg6[%get3A_554, %get3A_555] {strides = array<i32>} : memref<8x128xi32, #tpu.memory_space<vmem>>, vector<16xi32>,
      tpu.vector_store_idx %arg4[%get3A_556], %broadcast_in_dim3A_5 {add = true} : memref<10016xf32, #tpu.memory_space<vmem>>[vector<16xi32>], vector<16xf32>,
      %get3A_557 = arith.constant 7 : i32
      %get3A_558 = arith.index_cast %get3A_557 : i32 to index
      %get3A_559 = arith.constant 112 : index
      %get3A_560 = tpu.vector_load %arg6[%get3A_558, %get3A_559] {strides = array<i32>} : memref<8x128xi32, #tpu.memory_space<vmem>>, vector<16xi32>,
      tpu.vector_store_idx %arg4[%get3A_560], %broadcast_in_dim3A_5 {add = true} : memref<10016xf32, #tpu.memory_space<vmem>>[vector<16xi32>], vector<16xf32>,
      %add3A_561 = arith.constant 1 : i32
      %add3A_562 = arith.addi %mul3A_32, %add3A_561 : i32
      %add3A_563 = arith.constant 2 : i32
      %add3A_564 = arith.addi %add3A_562, %add3A_563 : i32
      %lt3A_565 = arith.constant 10 : i32
      %lt3A_566 = arith.cmpi slt, %add3A_564, %lt3A_565 : i32
      %convert_element_type3A_567 = arith.extui %lt3A_566 : i1 to i32
      %cond3A_568 = arith.constant 0 : i32
      %cond3A_569 = arith.cmpi ne, %convert_element_type3A_567, %cond3A_568 : i32
      scf.if %cond3A_569 {
        %add3A_570 = arith.constant 1 : i32
        %add3A_571 = arith.addi %mul3A_32, %add3A_570 : i32
        %add3A_572 = arith.constant 2 : i32
        %add3A_573 = arith.addi %add3A_571, %add3A_572 : i32
        %mul3A_574 = arith.constant 8 : i32
        %mul3A_575 = arith.muli %add3A_573, %mul3A_574 : i32
        %add3A_576 = arith.addi %mul3A_2, %mul3A_575 : i32
        %dma_start3A_577 = arith.constant 0 : i32
        %dma_start3A_578 = tpu.memref_slice %arg2[%add3A_576, %dma_start3A_577] : memref<2560x128xi32, #tpu.memory_space<hbm>> -> memref<8x128xi32, #tpu.memory_space<hbm>>
        %dma_start3A_579 = arith.constant 0 : i32
        %dma_start3A_580 = tpu.memref_slice %arg2[%add3A_576, %dma_start3A_579] : memref<2560x128xi32, #tpu.memory_space<hbm>> -> memref<8x128xi32, #tpu.memory_space<hbm>>
        tpu.enqueue_dma source(%dma_start3A_580 : memref<8x128xi32, #tpu.memory_space<hbm>>) target(%arg6 : memref<8x128xi32, #tpu.memory_space<vmem>>) target_semaphore(%arg8 : memref<!tpu.dma_semaphore, #tpu.memory_space<semaphore_mem>>)
      } else {
      }
    }
    %scan3A_25 = arith.constant 5 : i32
    "tpu.region"() ({
      %run_scoped3A = tpu.sem_alloc : memref<!tpu.dma_semaphore, #tpu.memory_space<semaphore_mem>>
      %dma_start3A_26 = arith.constant 0 : i32
      %dma_start3A_27 = tpu.memref_slice %arg4[%dma_start3A_26] : memref<10016xf32, #tpu.memory_space<vmem>> -> memref<10000xf32, #tpu.memory_space<vmem>>
      %dma_start3A_28 = arith.constant 0 : i32
      %dma_start3A_29 = tpu.memref_slice %arg3[%add3A, %dma_start3A_28] : memref<32x10000xf32, #tpu.memory_space<hbm>> -> memref<1x10000xf32, #tpu.memory_space<hbm>>
      %dma_start3A_30 = tpu.memref_squeeze %dma_start3A_29 : memref<1x10000xf32, #tpu.memory_space<hbm>> -> memref<10000xf32, #tpu.memory_space<hbm>>
      %dma_start3A_31 = arith.constant 0 : i32
      %dma_start3A_32 = tpu.memref_slice %arg3[%add3A, %dma_start3A_31] : memref<32x10000xf32, #tpu.memory_space<hbm>> -> memref<1x10000xf32, #tpu.memory_space<hbm>>
      %dma_start3A_33 = tpu.memref_squeeze %dma_start3A_32 : memref<1x10000xf32, #tpu.memory_space<hbm>> -> memref<10000xf32, #tpu.memory_space<hbm>>
      %dma_start3A_34 = arith.constant 0 : i32
      %dma_start3A_35 = tpu.memref_slice %arg4[%dma_start3A_34] : memref<10016xf32, #tpu.memory_space<vmem>> -> memref<10000xf32, #tpu.memory_space<vmem>>
      tpu.enqueue_dma source(%dma_start3A_35 : memref<10000xf32, #tpu.memory_space<vmem>>) target(%dma_start3A_33 : memref<10000xf32, #tpu.memory_space<hbm>>) target_semaphore(%run_scoped3A : memref<!tpu.dma_semaphore, #tpu.memory_space<semaphore_mem>>)
      %dma_wait3A = arith.constant 0 : i32
      %dma_wait3A_36 = tpu.memref_slice %arg4[%dma_wait3A] : memref<10016xf32, #tpu.memory_space<vmem>> -> memref<10000xf32, #tpu.memory_space<vmem>>
      %dma_wait3A_37 = arith.constant 0 : i32
      %dma_wait3A_38 = tpu.memref_slice %arg3[%add3A, %dma_wait3A_37] : memref<32x10000xf32, #tpu.memory_space<hbm>> -> memref<1x10000xf32, #tpu.memory_space<hbm>>
      %dma_wait3A_39 = tpu.memref_squeeze %dma_wait3A_38 : memref<1x10000xf32, #tpu.memory_space<hbm>> -> memref<10000xf32, #tpu.memory_space<hbm>>
      %dma_wait3A_40 = arith.constant 0 : i32
      %dma_wait3A_41 = tpu.memref_slice %arg3[%add3A, %dma_wait3A_40] : memref<32x10000xf32, #tpu.memory_space<hbm>> -> memref<1x10000xf32, #tpu.memory_space<hbm>>
      %dma_wait3A_42 = tpu.memref_squeeze %dma_wait3A_41 : memref<1x10000xf32, #tpu.memory_space<hbm>> -> memref<10000xf32, #tpu.memory_space<hbm>>
      %dma_wait3A_43 = arith.constant 0 : i32
      %dma_wait3A_44 = tpu.memref_slice %arg4[%dma_wait3A_43] : memref<10016xf32, #tpu.memory_space<vmem>> -> memref<10000xf32, #tpu.memory_space<vmem>>
      tpu.wait_dma2 semaphore(%run_scoped3A : memref<!tpu.dma_semaphore, #tpu.memory_space<semaphore_mem>>) src(%dma_wait3A_44 : memref<10000xf32, #tpu.memory_space<vmem>>) dst(%dma_wait3A_42 : memref<10000xf32, #tpu.memory_space<hbm>>)
      tpu.yield
    }) : () -> ()
    return
  }
}

#map = affine_map<(d0, d1) -> (0, 0)>
#map1 = affine_map<(d0, d1) -> (0, 0, 0)>
module attributes {stable_mosaic.version = 14 : i64} {
  func.func @_agg(%arg0: i32, %arg1: i32, %arg2: memref<10000x32xbf16, #tpu.memory_space<hbm>>, %arg3: memref<2560x128xi32, #tpu.memory_space<hbm>>, %arg4: memref<2560x128xi32, #tpu.memory_space<hbm>>, %arg5: memref<10000x32xbf16, #tpu.memory_space<hbm>>, %arg6: memref<2x10000x32xbf16, #tpu.memory_space<hbm>>, %arg7: memref<8x128xi32, #tpu.memory_space<vmem>>, %arg8: memref<8x128xi32, #tpu.memory_space<vmem>>, %arg9: memref<8x128xi32, #tpu.memory_space<vmem>>, %arg10: memref<8x128xi32, #tpu.memory_space<vmem>>, %arg11: memref<8x128x32xbf16, #tpu.memory_space<vmem>>, %arg12: memref<8x128x32xbf16, #tpu.memory_space<vmem>>, %arg13: memref<10016x32xbf16, #tpu.memory_space<vmem_shared>>, %arg14: memref<10000x32xbf16, #tpu.memory_space<vmem_shared>>, %arg15: memref<!tpu.dma_semaphore, #tpu.memory_space<semaphore_mem>>, %arg16: memref<!tpu.dma_semaphore, #tpu.memory_space<semaphore_mem>>, %arg17: memref<!tpu.dma_semaphore, #tpu.memory_space<semaphore_mem>>, %arg18: memref<!tpu.dma_semaphore, #tpu.memory_space<semaphore_mem>>, %arg19: memref<!tpu.dma_semaphore, #tpu.memory_space<semaphore_mem>>, %arg20: memref<!tpu.dma_semaphore, #tpu.memory_space<semaphore_mem>>) attributes {dimension_semantics = [#tpu.dimension_semantics<core_parallel>, #tpu.dimension_semantics<subcore_parallel>], iteration_bounds = array<i64: 2, 16>, scalar_prefetch = 0 : i64, scratch_operands = 14 : i64, tpu.core_type = #tpu.core_type<sc_vector_subcore>, window_params = [{transform_indices = #map}, {transform_indices = #map}, {transform_indices = #map}, {transform_indices = #map}, {transform_indices = #map1}]} {
    %mul3A = arith.constant 16 : i32
    %mul3A_0 = arith.muli %arg0, %mul3A : i32
    %add3A = arith.addi %mul3A_0, %arg1 : i32
    %mul3A_1 = arith.constant 80 : i32
    %mul3A_2 = arith.muli %add3A, %mul3A_1 : i32
    %add3A_3 = arith.constant 0 : i32
    %add3A_4 = arith.addi %mul3A_2, %add3A_3 : i32
    %dma_start3A = arith.constant 0 : i32
    %dma_start3A_5 = tpu.memref_slice %arg3[%add3A_4, %dma_start3A] : memref<2560x128xi32, #tpu.memory_space<hbm>> -> memref<8x128xi32, #tpu.memory_space<hbm>>
    %dma_start3A_6 = arith.constant 0 : i32
    %dma_start3A_7 = tpu.memref_slice %arg3[%add3A_4, %dma_start3A_6] : memref<2560x128xi32, #tpu.memory_space<hbm>> -> memref<8x128xi32, #tpu.memory_space<hbm>>
    tpu.enqueue_dma source(%dma_start3A_7 : memref<8x128xi32, #tpu.memory_space<hbm>>) target(%arg7 : memref<8x128xi32, #tpu.memory_space<vmem>>) target_semaphore(%arg15 : memref<!tpu.dma_semaphore, #tpu.memory_space<semaphore_mem>>)
    %dma_start3A_8 = arith.constant 0 : i32
    %dma_start3A_9 = tpu.memref_slice %arg4[%add3A_4, %dma_start3A_8] : memref<2560x128xi32, #tpu.memory_space<hbm>> -> memref<8x128xi32, #tpu.memory_space<hbm>>
    %dma_start3A_10 = arith.constant 0 : i32
    %dma_start3A_11 = tpu.memref_slice %arg4[%add3A_4, %dma_start3A_10] : memref<2560x128xi32, #tpu.memory_space<hbm>> -> memref<8x128xi32, #tpu.memory_space<hbm>>
    tpu.enqueue_dma source(%dma_start3A_11 : memref<8x128xi32, #tpu.memory_space<hbm>>) target(%arg9 : memref<8x128xi32, #tpu.memory_space<vmem>>) target_semaphore(%arg15 : memref<!tpu.dma_semaphore, #tpu.memory_space<semaphore_mem>>)
    %add3A_12 = arith.constant 8 : i32
    %add3A_13 = arith.addi %mul3A_2, %add3A_12 : i32
    %dma_start3A_14 = arith.constant 0 : i32
    %dma_start3A_15 = tpu.memref_slice %arg3[%add3A_13, %dma_start3A_14] : memref<2560x128xi32, #tpu.memory_space<hbm>> -> memref<8x128xi32, #tpu.memory_space<hbm>>
    %dma_start3A_16 = arith.constant 0 : i32
    %dma_start3A_17 = tpu.memref_slice %arg3[%add3A_13, %dma_start3A_16] : memref<2560x128xi32, #tpu.memory_space<hbm>> -> memref<8x128xi32, #tpu.memory_space<hbm>>
    tpu.enqueue_dma source(%dma_start3A_17 : memref<8x128xi32, #tpu.memory_space<hbm>>) target(%arg8 : memref<8x128xi32, #tpu.memory_space<vmem>>) target_semaphore(%arg16 : memref<!tpu.dma_semaphore, #tpu.memory_space<semaphore_mem>>)
    %dma_start3A_18 = arith.constant 0 : i32
    %dma_start3A_19 = tpu.memref_slice %arg4[%add3A_13, %dma_start3A_18] : memref<2560x128xi32, #tpu.memory_space<hbm>> -> memref<8x128xi32, #tpu.memory_space<hbm>>
    %dma_start3A_20 = arith.constant 0 : i32
    %dma_start3A_21 = tpu.memref_slice %arg4[%add3A_13, %dma_start3A_20] : memref<2560x128xi32, #tpu.memory_space<hbm>> -> memref<8x128xi32, #tpu.memory_space<hbm>>
    tpu.enqueue_dma source(%dma_start3A_21 : memref<8x128xi32, #tpu.memory_space<hbm>>) target(%arg10 : memref<8x128xi32, #tpu.memory_space<vmem>>) target_semaphore(%arg16 : memref<!tpu.dma_semaphore, #tpu.memory_space<semaphore_mem>>)
    %mul3A_22 = arith.constant 625 : i32
    %mul3A_23 = arith.muli %arg1, %mul3A_22 : i32
    %mul3A_24 = arith.constant 625 : i32
    %mul3A_25 = arith.muli %arg1, %mul3A_24 : i32
    "tpu.region"() ({
      %run_scoped3A = tpu.sem_alloc : memref<!tpu.dma_semaphore, #tpu.memory_space<semaphore_mem>>
      %dma_start3A_39 = arith.constant 0 : i32
      %dma_start3A_40 = tpu.memref_slice %arg13[%mul3A_25, %dma_start3A_39] : memref<10016x32xbf16, #tpu.memory_space<vmem_shared>> -> memref<625x32xbf16, #tpu.memory_space<vmem_shared>>
      %dma_start3A_41 = arith.constant 0 : i32
      %dma_start3A_42 = tpu.memref_slice %arg5[%mul3A_23, %dma_start3A_41] : memref<10000x32xbf16, #tpu.memory_space<hbm>> -> memref<625x32xbf16, #tpu.memory_space<hbm>>
      tpu.enqueue_dma source(%dma_start3A_42 : memref<625x32xbf16, #tpu.memory_space<hbm>>) target(%dma_start3A_40 : memref<625x32xbf16, #tpu.memory_space<vmem_shared>>) target_semaphore(%run_scoped3A : memref<!tpu.dma_semaphore, #tpu.memory_space<semaphore_mem>>)
      %dma_wait3A = arith.constant 0 : i32
      %dma_wait3A_43 = tpu.memref_slice %arg13[%mul3A_25, %dma_wait3A] : memref<10016x32xbf16, #tpu.memory_space<vmem_shared>> -> memref<625x32xbf16, #tpu.memory_space<vmem_shared>>
      %dma_wait3A_44 = arith.constant 0 : i32
      %dma_wait3A_45 = tpu.memref_slice %arg5[%mul3A_23, %dma_wait3A_44] : memref<10000x32xbf16, #tpu.memory_space<hbm>> -> memref<625x32xbf16, #tpu.memory_space<hbm>>
      tpu.wait_dma2 semaphore(%run_scoped3A : memref<!tpu.dma_semaphore, #tpu.memory_space<semaphore_mem>>) src(%dma_wait3A_45 : memref<625x32xbf16, #tpu.memory_space<hbm>>) dst(%dma_wait3A_43 : memref<625x32xbf16, #tpu.memory_space<vmem_shared>>)
      tpu.yield
    }) : () -> ()
    %mul3A_26 = arith.constant 625 : i32
    %mul3A_27 = arith.muli %arg1, %mul3A_26 : i32
    %mul3A_28 = arith.constant 625 : i32
    %mul3A_29 = arith.muli %arg1, %mul3A_28 : i32
    "tpu.region"() ({
      %run_scoped3A = tpu.sem_alloc : memref<!tpu.dma_semaphore, #tpu.memory_space<semaphore_mem>>
      %dma_start3A_39 = arith.constant 0 : i32
      %dma_start3A_40 = tpu.memref_slice %arg14[%mul3A_29, %dma_start3A_39] : memref<10000x32xbf16, #tpu.memory_space<vmem_shared>> -> memref<625x32xbf16, #tpu.memory_space<vmem_shared>>
      %dma_start3A_41 = arith.constant 0 : i32
      %dma_start3A_42 = tpu.memref_slice %arg2[%mul3A_27, %dma_start3A_41] : memref<10000x32xbf16, #tpu.memory_space<hbm>> -> memref<625x32xbf16, #tpu.memory_space<hbm>>
      tpu.enqueue_dma source(%dma_start3A_42 : memref<625x32xbf16, #tpu.memory_space<hbm>>) target(%dma_start3A_40 : memref<625x32xbf16, #tpu.memory_space<vmem_shared>>) target_semaphore(%run_scoped3A : memref<!tpu.dma_semaphore, #tpu.memory_space<semaphore_mem>>)
      %dma_wait3A = arith.constant 0 : i32
      %dma_wait3A_43 = tpu.memref_slice %arg14[%mul3A_29, %dma_wait3A] : memref<10000x32xbf16, #tpu.memory_space<vmem_shared>> -> memref<625x32xbf16, #tpu.memory_space<vmem_shared>>
      %dma_wait3A_44 = arith.constant 0 : i32
      %dma_wait3A_45 = tpu.memref_slice %arg2[%mul3A_27, %dma_wait3A_44] : memref<10000x32xbf16, #tpu.memory_space<hbm>> -> memref<625x32xbf16, #tpu.memory_space<hbm>>
      tpu.wait_dma2 semaphore(%run_scoped3A : memref<!tpu.dma_semaphore, #tpu.memory_space<semaphore_mem>>) src(%dma_wait3A_45 : memref<625x32xbf16, #tpu.memory_space<hbm>>) dst(%dma_wait3A_43 : memref<625x32xbf16, #tpu.memory_space<vmem_shared>>)
      tpu.yield
    }) : () -> ()
    %barrier3A = arith.constant 0 : index
    tpu.barrier barrier_id(%barrier3A)
    %scan3A = arith.constant 0 : i32
    %scan3A_30 = arith.constant 5 : i32
    %scan3A_31 = arith.addi %scan3A, %scan3A_30 : i32
    %scan3A_32 = arith.constant 1 : i32
    scf.for %scan3A_39 = %scan3A to %scan3A_31 step %scan3A_32  : i32 {
      %mul3A_40 = arith.constant 1 : i32
      %mul3A_41 = arith.muli %scan3A_39, %mul3A_40 : i32
      %add3A_42 = arith.constant 0 : i32
      %add3A_43 = arith.addi %add3A_42, %mul3A_41 : i32
      %mul3A_44 = arith.constant 2 : i32
      %mul3A_45 = arith.muli %add3A_43, %mul3A_44 : i32
      %dma_wait3A = arith.constant 0 : i32
      %dma_wait3A_46 = arith.constant 0 : i32
      %dma_wait3A_47 = tpu.memref_slice %arg3[%dma_wait3A, %dma_wait3A_46] : memref<2560x128xi32, #tpu.memory_space<hbm>> -> memref<8x128xi32, #tpu.memory_space<hbm>>
      %dma_wait3A_48 = arith.constant 0 : i32
      %dma_wait3A_49 = arith.constant 0 : i32
      %dma_wait3A_50 = tpu.memref_slice %arg3[%dma_wait3A_48, %dma_wait3A_49] : memref<2560x128xi32, #tpu.memory_space<hbm>> -> memref<8x128xi32, #tpu.memory_space<hbm>>
      tpu.wait_dma2 semaphore(%arg15 : memref<!tpu.dma_semaphore, #tpu.memory_space<semaphore_mem>>) src(%dma_wait3A_50 : memref<8x128xi32, #tpu.memory_space<hbm>>) dst(%arg7 : memref<8x128xi32, #tpu.memory_space<vmem>>)
      %dma_wait3A_51 = arith.constant 0 : i32
      %dma_wait3A_52 = arith.constant 0 : i32
      %dma_wait3A_53 = tpu.memref_slice %arg4[%dma_wait3A_51, %dma_wait3A_52] : memref<2560x128xi32, #tpu.memory_space<hbm>> -> memref<8x128xi32, #tpu.memory_space<hbm>>
      %dma_wait3A_54 = arith.constant 0 : i32
      %dma_wait3A_55 = arith.constant 0 : i32
      %dma_wait3A_56 = tpu.memref_slice %arg4[%dma_wait3A_54, %dma_wait3A_55] : memref<2560x128xi32, #tpu.memory_space<hbm>> -> memref<8x128xi32, #tpu.memory_space<hbm>>
      tpu.wait_dma2 semaphore(%arg15 : memref<!tpu.dma_semaphore, #tpu.memory_space<semaphore_mem>>) src(%dma_wait3A_56 : memref<8x128xi32, #tpu.memory_space<hbm>>) dst(%arg9 : memref<8x128xi32, #tpu.memory_space<vmem>>)
      %dma_start3A_57 = arith.constant 0 : i32
      %dma_start3A_58 = arith.constant 0 : i32
      %dma_start3A_59 = arith.constant 0 : i32
      %dma_start3A_60 = arith.constant 0 : i32
      %dma_start3A_61 = tpu.memref_slice %arg11[%dma_start3A_58, %dma_start3A_59, %dma_start3A_60] : memref<8x128x32xbf16, #tpu.memory_space<vmem>> -> memref<1x128x32xbf16, #tpu.memory_space<vmem>>
      %dma_start3A_62 = tpu.memref_squeeze %dma_start3A_61 : memref<1x128x32xbf16, #tpu.memory_space<vmem>> -> memref<128x32xbf16, #tpu.memory_space<vmem>>
      %dma_start3A_63 = arith.constant 0 : i32
      %dma_start3A_64 = tpu.memref_slice %arg7[%dma_start3A_57, %dma_start3A_63] : memref<8x128xi32, #tpu.memory_space<vmem>> -> memref<1x128xi32, #tpu.memory_space<vmem>>
      %dma_start3A_65 = tpu.memref_squeeze %dma_start3A_64 : memref<1x128xi32, #tpu.memory_space<vmem>> -> memref<128xi32, #tpu.memory_space<vmem>>
      %dma_start3A_66 = arith.constant 0 : i32
      %dma_start3A_67 = arith.constant 0 : i32
      %dma_start3A_68 = tpu.memref_slice %arg14[%dma_start3A_66, %dma_start3A_67] : memref<10000x32xbf16, #tpu.memory_space<vmem_shared>> -> memref<10000x32xbf16, #tpu.memory_space<vmem_shared>>
      tpu.enqueue_indirect_dma source(%dma_start3A_68 : memref<10000x32xbf16, #tpu.memory_space<vmem_shared>>) target(%dma_start3A_62 : memref<128x32xbf16, #tpu.memory_space<vmem>>) offsets(%dma_start3A_65 : memref<128xi32, #tpu.memory_space<vmem>>) semaphore(%arg17 : memref<!tpu.dma_semaphore, #tpu.memory_space<semaphore_mem>>)
      %dma_start3A_69 = arith.constant 1 : i32
      %dma_start3A_70 = arith.constant 1 : i32
      %dma_start3A_71 = arith.constant 0 : i32
      %dma_start3A_72 = arith.constant 0 : i32
      %dma_start3A_73 = tpu.memref_slice %arg11[%dma_start3A_70, %dma_start3A_71, %dma_start3A_72] : memref<8x128x32xbf16, #tpu.memory_space<vmem>> -> memref<1x128x32xbf16, #tpu.memory_space<vmem>>
      %dma_start3A_74 = tpu.memref_squeeze %dma_start3A_73 : memref<1x128x32xbf16, #tpu.memory_space<vmem>> -> memref<128x32xbf16, #tpu.memory_space<vmem>>
      %dma_start3A_75 = arith.constant 0 : i32
      %dma_start3A_76 = tpu.memref_slice %arg7[%dma_start3A_69, %dma_start3A_75] : memref<8x128xi32, #tpu.memory_space<vmem>> -> memref<1x128xi32, #tpu.memory_space<vmem>>
      %dma_start3A_77 = tpu.memref_squeeze %dma_start3A_76 : memref<1x128xi32, #tpu.memory_space<vmem>> -> memref<128xi32, #tpu.memory_space<vmem>>
      %dma_start3A_78 = arith.constant 0 : i32
      %dma_start3A_79 = arith.constant 0 : i32
      %dma_start3A_80 = tpu.memref_slice %arg14[%dma_start3A_78, %dma_start3A_79] : memref<10000x32xbf16, #tpu.memory_space<vmem_shared>> -> memref<10000x32xbf16, #tpu.memory_space<vmem_shared>>
      tpu.enqueue_indirect_dma source(%dma_start3A_80 : memref<10000x32xbf16, #tpu.memory_space<vmem_shared>>) target(%dma_start3A_74 : memref<128x32xbf16, #tpu.memory_space<vmem>>) offsets(%dma_start3A_77 : memref<128xi32, #tpu.memory_space<vmem>>) semaphore(%arg17 : memref<!tpu.dma_semaphore, #tpu.memory_space<semaphore_mem>>)
      %dma_start3A_81 = arith.constant 2 : i32
      %dma_start3A_82 = arith.constant 2 : i32
      %dma_start3A_83 = arith.constant 0 : i32
      %dma_start3A_84 = arith.constant 0 : i32
      %dma_start3A_85 = tpu.memref_slice %arg11[%dma_start3A_82, %dma_start3A_83, %dma_start3A_84] : memref<8x128x32xbf16, #tpu.memory_space<vmem>> -> memref<1x128x32xbf16, #tpu.memory_space<vmem>>
      %dma_start3A_86 = tpu.memref_squeeze %dma_start3A_85 : memref<1x128x32xbf16, #tpu.memory_space<vmem>> -> memref<128x32xbf16, #tpu.memory_space<vmem>>
      %dma_start3A_87 = arith.constant 0 : i32
      %dma_start3A_88 = tpu.memref_slice %arg7[%dma_start3A_81, %dma_start3A_87] : memref<8x128xi32, #tpu.memory_space<vmem>> -> memref<1x128xi32, #tpu.memory_space<vmem>>
      %dma_start3A_89 = tpu.memref_squeeze %dma_start3A_88 : memref<1x128xi32, #tpu.memory_space<vmem>> -> memref<128xi32, #tpu.memory_space<vmem>>
      %dma_start3A_90 = arith.constant 0 : i32
      %dma_start3A_91 = arith.constant 0 : i32
      %dma_start3A_92 = tpu.memref_slice %arg14[%dma_start3A_90, %dma_start3A_91] : memref<10000x32xbf16, #tpu.memory_space<vmem_shared>> -> memref<10000x32xbf16, #tpu.memory_space<vmem_shared>>
      tpu.enqueue_indirect_dma source(%dma_start3A_92 : memref<10000x32xbf16, #tpu.memory_space<vmem_shared>>) target(%dma_start3A_86 : memref<128x32xbf16, #tpu.memory_space<vmem>>) offsets(%dma_start3A_89 : memref<128xi32, #tpu.memory_space<vmem>>) semaphore(%arg17 : memref<!tpu.dma_semaphore, #tpu.memory_space<semaphore_mem>>)
      %dma_start3A_93 = arith.constant 3 : i32
      %dma_start3A_94 = arith.constant 3 : i32
      %dma_start3A_95 = arith.constant 0 : i32
      %dma_start3A_96 = arith.constant 0 : i32
      %dma_start3A_97 = tpu.memref_slice %arg11[%dma_start3A_94, %dma_start3A_95, %dma_start3A_96] : memref<8x128x32xbf16, #tpu.memory_space<vmem>> -> memref<1x128x32xbf16, #tpu.memory_space<vmem>>
      %dma_start3A_98 = tpu.memref_squeeze %dma_start3A_97 : memref<1x128x32xbf16, #tpu.memory_space<vmem>> -> memref<128x32xbf16, #tpu.memory_space<vmem>>
      %dma_start3A_99 = arith.constant 0 : i32
      %dma_start3A_100 = tpu.memref_slice %arg7[%dma_start3A_93, %dma_start3A_99] : memref<8x128xi32, #tpu.memory_space<vmem>> -> memref<1x128xi32, #tpu.memory_space<vmem>>
      %dma_start3A_101 = tpu.memref_squeeze %dma_start3A_100 : memref<1x128xi32, #tpu.memory_space<vmem>> -> memref<128xi32, #tpu.memory_space<vmem>>
      %dma_start3A_102 = arith.constant 0 : i32
      %dma_start3A_103 = arith.constant 0 : i32
      %dma_start3A_104 = tpu.memref_slice %arg14[%dma_start3A_102, %dma_start3A_103] : memref<10000x32xbf16, #tpu.memory_space<vmem_shared>> -> memref<10000x32xbf16, #tpu.memory_space<vmem_shared>>
      tpu.enqueue_indirect_dma source(%dma_start3A_104 : memref<10000x32xbf16, #tpu.memory_space<vmem_shared>>) target(%dma_start3A_98 : memref<128x32xbf16, #tpu.memory_space<vmem>>) offsets(%dma_start3A_101 : memref<128xi32, #tpu.memory_space<vmem>>) semaphore(%arg17 : memref<!tpu.dma_semaphore, #tpu.memory_space<semaphore_mem>>)
      %dma_start3A_105 = arith.constant 4 : i32
      %dma_start3A_106 = arith.constant 4 : i32
      %dma_start3A_107 = arith.constant 0 : i32
      %dma_start3A_108 = arith.constant 0 : i32
      %dma_start3A_109 = tpu.memref_slice %arg11[%dma_start3A_106, %dma_start3A_107, %dma_start3A_108] : memref<8x128x32xbf16, #tpu.memory_space<vmem>> -> memref<1x128x32xbf16, #tpu.memory_space<vmem>>
      %dma_start3A_110 = tpu.memref_squeeze %dma_start3A_109 : memref<1x128x32xbf16, #tpu.memory_space<vmem>> -> memref<128x32xbf16, #tpu.memory_space<vmem>>
      %dma_start3A_111 = arith.constant 0 : i32
      %dma_start3A_112 = tpu.memref_slice %arg7[%dma_start3A_105, %dma_start3A_111] : memref<8x128xi32, #tpu.memory_space<vmem>> -> memref<1x128xi32, #tpu.memory_space<vmem>>
      %dma_start3A_113 = tpu.memref_squeeze %dma_start3A_112 : memref<1x128xi32, #tpu.memory_space<vmem>> -> memref<128xi32, #tpu.memory_space<vmem>>
      %dma_start3A_114 = arith.constant 0 : i32
      %dma_start3A_115 = arith.constant 0 : i32
      %dma_start3A_116 = tpu.memref_slice %arg14[%dma_start3A_114, %dma_start3A_115] : memref<10000x32xbf16, #tpu.memory_space<vmem_shared>> -> memref<10000x32xbf16, #tpu.memory_space<vmem_shared>>
      tpu.enqueue_indirect_dma source(%dma_start3A_116 : memref<10000x32xbf16, #tpu.memory_space<vmem_shared>>) target(%dma_start3A_110 : memref<128x32xbf16, #tpu.memory_space<vmem>>) offsets(%dma_start3A_113 : memref<128xi32, #tpu.memory_space<vmem>>) semaphore(%arg17 : memref<!tpu.dma_semaphore, #tpu.memory_space<semaphore_mem>>)
      %dma_start3A_117 = arith.constant 5 : i32
      %dma_start3A_118 = arith.constant 5 : i32
      %dma_start3A_119 = arith.constant 0 : i32
      %dma_start3A_120 = arith.constant 0 : i32
      %dma_start3A_121 = tpu.memref_slice %arg11[%dma_start3A_118, %dma_start3A_119, %dma_start3A_120] : memref<8x128x32xbf16, #tpu.memory_space<vmem>> -> memref<1x128x32xbf16, #tpu.memory_space<vmem>>
      %dma_start3A_122 = tpu.memref_squeeze %dma_start3A_121 : memref<1x128x32xbf16, #tpu.memory_space<vmem>> -> memref<128x32xbf16, #tpu.memory_space<vmem>>
      %dma_start3A_123 = arith.constant 0 : i32
      %dma_start3A_124 = tpu.memref_slice %arg7[%dma_start3A_117, %dma_start3A_123] : memref<8x128xi32, #tpu.memory_space<vmem>> -> memref<1x128xi32, #tpu.memory_space<vmem>>
      %dma_start3A_125 = tpu.memref_squeeze %dma_start3A_124 : memref<1x128xi32, #tpu.memory_space<vmem>> -> memref<128xi32, #tpu.memory_space<vmem>>
      %dma_start3A_126 = arith.constant 0 : i32
      %dma_start3A_127 = arith.constant 0 : i32
      %dma_start3A_128 = tpu.memref_slice %arg14[%dma_start3A_126, %dma_start3A_127] : memref<10000x32xbf16, #tpu.memory_space<vmem_shared>> -> memref<10000x32xbf16, #tpu.memory_space<vmem_shared>>
      tpu.enqueue_indirect_dma source(%dma_start3A_128 : memref<10000x32xbf16, #tpu.memory_space<vmem_shared>>) target(%dma_start3A_122 : memref<128x32xbf16, #tpu.memory_space<vmem>>) offsets(%dma_start3A_125 : memref<128xi32, #tpu.memory_space<vmem>>) semaphore(%arg17 : memref<!tpu.dma_semaphore, #tpu.memory_space<semaphore_mem>>)
      %dma_start3A_129 = arith.constant 6 : i32
      %dma_start3A_130 = arith.constant 6 : i32
      %dma_start3A_131 = arith.constant 0 : i32
      %dma_start3A_132 = arith.constant 0 : i32
      %dma_start3A_133 = tpu.memref_slice %arg11[%dma_start3A_130, %dma_start3A_131, %dma_start3A_132] : memref<8x128x32xbf16, #tpu.memory_space<vmem>> -> memref<1x128x32xbf16, #tpu.memory_space<vmem>>
      %dma_start3A_134 = tpu.memref_squeeze %dma_start3A_133 : memref<1x128x32xbf16, #tpu.memory_space<vmem>> -> memref<128x32xbf16, #tpu.memory_space<vmem>>
      %dma_start3A_135 = arith.constant 0 : i32
      %dma_start3A_136 = tpu.memref_slice %arg7[%dma_start3A_129, %dma_start3A_135] : memref<8x128xi32, #tpu.memory_space<vmem>> -> memref<1x128xi32, #tpu.memory_space<vmem>>
      %dma_start3A_137 = tpu.memref_squeeze %dma_start3A_136 : memref<1x128xi32, #tpu.memory_space<vmem>> -> memref<128xi32, #tpu.memory_space<vmem>>
      %dma_start3A_138 = arith.constant 0 : i32
      %dma_start3A_139 = arith.constant 0 : i32
      %dma_start3A_140 = tpu.memref_slice %arg14[%dma_start3A_138, %dma_start3A_139] : memref<10000x32xbf16, #tpu.memory_space<vmem_shared>> -> memref<10000x32xbf16, #tpu.memory_space<vmem_shared>>
      tpu.enqueue_indirect_dma source(%dma_start3A_140 : memref<10000x32xbf16, #tpu.memory_space<vmem_shared>>) target(%dma_start3A_134 : memref<128x32xbf16, #tpu.memory_space<vmem>>) offsets(%dma_start3A_137 : memref<128xi32, #tpu.memory_space<vmem>>) semaphore(%arg17 : memref<!tpu.dma_semaphore, #tpu.memory_space<semaphore_mem>>)
      %dma_start3A_141 = arith.constant 7 : i32
      %dma_start3A_142 = arith.constant 7 : i32
      %dma_start3A_143 = arith.constant 0 : i32
      %dma_start3A_144 = arith.constant 0 : i32
      %dma_start3A_145 = tpu.memref_slice %arg11[%dma_start3A_142, %dma_start3A_143, %dma_start3A_144] : memref<8x128x32xbf16, #tpu.memory_space<vmem>> -> memref<1x128x32xbf16, #tpu.memory_space<vmem>>
      %dma_start3A_146 = tpu.memref_squeeze %dma_start3A_145 : memref<1x128x32xbf16, #tpu.memory_space<vmem>> -> memref<128x32xbf16, #tpu.memory_space<vmem>>
      %dma_start3A_147 = arith.constant 0 : i32
      %dma_start3A_148 = tpu.memref_slice %arg7[%dma_start3A_141, %dma_start3A_147] : memref<8x128xi32, #tpu.memory_space<vmem>> -> memref<1x128xi32, #tpu.memory_space<vmem>>
      %dma_start3A_149 = tpu.memref_squeeze %dma_start3A_148 : memref<1x128xi32, #tpu.memory_space<vmem>> -> memref<128xi32, #tpu.memory_space<vmem>>
      %dma_start3A_150 = arith.constant 0 : i32
      %dma_start3A_151 = arith.constant 0 : i32
      %dma_start3A_152 = tpu.memref_slice %arg14[%dma_start3A_150, %dma_start3A_151] : memref<10000x32xbf16, #tpu.memory_space<vmem_shared>> -> memref<10000x32xbf16, #tpu.memory_space<vmem_shared>>
      tpu.enqueue_indirect_dma source(%dma_start3A_152 : memref<10000x32xbf16, #tpu.memory_space<vmem_shared>>) target(%dma_start3A_146 : memref<128x32xbf16, #tpu.memory_space<vmem>>) offsets(%dma_start3A_149 : memref<128xi32, #tpu.memory_space<vmem>>) semaphore(%arg17 : memref<!tpu.dma_semaphore, #tpu.memory_space<semaphore_mem>>)
      %dma_wait3A_153 = arith.constant 0 : i32
      %dma_wait3A_154 = arith.constant 0 : i32
      %dma_wait3A_155 = tpu.memref_slice %arg3[%dma_wait3A_153, %dma_wait3A_154] : memref<2560x128xi32, #tpu.memory_space<hbm>> -> memref<8x128xi32, #tpu.memory_space<hbm>>
      %dma_wait3A_156 = arith.constant 0 : i32
      %dma_wait3A_157 = arith.constant 0 : i32
      %dma_wait3A_158 = tpu.memref_slice %arg3[%dma_wait3A_156, %dma_wait3A_157] : memref<2560x128xi32, #tpu.memory_space<hbm>> -> memref<8x128xi32, #tpu.memory_space<hbm>>
      tpu.wait_dma2 semaphore(%arg16 : memref<!tpu.dma_semaphore, #tpu.memory_space<semaphore_mem>>) src(%dma_wait3A_158 : memref<8x128xi32, #tpu.memory_space<hbm>>) dst(%arg8 : memref<8x128xi32, #tpu.memory_space<vmem>>)
      %dma_wait3A_159 = arith.constant 0 : i32
      %dma_wait3A_160 = arith.constant 0 : i32
      %dma_wait3A_161 = tpu.memref_slice %arg4[%dma_wait3A_159, %dma_wait3A_160] : memref<2560x128xi32, #tpu.memory_space<hbm>> -> memref<8x128xi32, #tpu.memory_space<hbm>>
      %dma_wait3A_162 = arith.constant 0 : i32
      %dma_wait3A_163 = arith.constant 0 : i32
      %dma_wait3A_164 = tpu.memref_slice %arg4[%dma_wait3A_162, %dma_wait3A_163] : memref<2560x128xi32, #tpu.memory_space<hbm>> -> memref<8x128xi32, #tpu.memory_space<hbm>>
      tpu.wait_dma2 semaphore(%arg16 : memref<!tpu.dma_semaphore, #tpu.memory_space<semaphore_mem>>) src(%dma_wait3A_164 : memref<8x128xi32, #tpu.memory_space<hbm>>) dst(%arg10 : memref<8x128xi32, #tpu.memory_space<vmem>>)
      %dma_start3A_165 = arith.constant 0 : i32
      %dma_start3A_166 = arith.constant 0 : i32
      %dma_start3A_167 = arith.constant 0 : i32
      %dma_start3A_168 = arith.constant 0 : i32
      %dma_start3A_169 = tpu.memref_slice %arg12[%dma_start3A_166, %dma_start3A_167, %dma_start3A_168] : memref<8x128x32xbf16, #tpu.memory_space<vmem>> -> memref<1x128x32xbf16, #tpu.memory_space<vmem>>
      %dma_start3A_170 = tpu.memref_squeeze %dma_start3A_169 : memref<1x128x32xbf16, #tpu.memory_space<vmem>> -> memref<128x32xbf16, #tpu.memory_space<vmem>>
      %dma_start3A_171 = arith.constant 0 : i32
      %dma_start3A_172 = tpu.memref_slice %arg8[%dma_start3A_165, %dma_start3A_171] : memref<8x128xi32, #tpu.memory_space<vmem>> -> memref<1x128xi32, #tpu.memory_space<vmem>>
      %dma_start3A_173 = tpu.memref_squeeze %dma_start3A_172 : memref<1x128xi32, #tpu.memory_space<vmem>> -> memref<128xi32, #tpu.memory_space<vmem>>
      %dma_start3A_174 = arith.constant 0 : i32
      %dma_start3A_175 = arith.constant 0 : i32
      %dma_start3A_176 = tpu.memref_slice %arg14[%dma_start3A_174, %dma_start3A_175] : memref<10000x32xbf16, #tpu.memory_space<vmem_shared>> -> memref<10000x32xbf16, #tpu.memory_space<vmem_shared>>
      tpu.enqueue_indirect_dma source(%dma_start3A_176 : memref<10000x32xbf16, #tpu.memory_space<vmem_shared>>) target(%dma_start3A_170 : memref<128x32xbf16, #tpu.memory_space<vmem>>) offsets(%dma_start3A_173 : memref<128xi32, #tpu.memory_space<vmem>>) semaphore(%arg18 : memref<!tpu.dma_semaphore, #tpu.memory_space<semaphore_mem>>)
      %dma_start3A_177 = arith.constant 1 : i32
      %dma_start3A_178 = arith.constant 1 : i32
      %dma_start3A_179 = arith.constant 0 : i32
      %dma_start3A_180 = arith.constant 0 : i32
      %dma_start3A_181 = tpu.memref_slice %arg12[%dma_start3A_178, %dma_start3A_179, %dma_start3A_180] : memref<8x128x32xbf16, #tpu.memory_space<vmem>> -> memref<1x128x32xbf16, #tpu.memory_space<vmem>>
      %dma_start3A_182 = tpu.memref_squeeze %dma_start3A_181 : memref<1x128x32xbf16, #tpu.memory_space<vmem>> -> memref<128x32xbf16, #tpu.memory_space<vmem>>
      %dma_start3A_183 = arith.constant 0 : i32
      %dma_start3A_184 = tpu.memref_slice %arg8[%dma_start3A_177, %dma_start3A_183] : memref<8x128xi32, #tpu.memory_space<vmem>> -> memref<1x128xi32, #tpu.memory_space<vmem>>
      %dma_start3A_185 = tpu.memref_squeeze %dma_start3A_184 : memref<1x128xi32, #tpu.memory_space<vmem>> -> memref<128xi32, #tpu.memory_space<vmem>>
      %dma_start3A_186 = arith.constant 0 : i32
      %dma_start3A_187 = arith.constant 0 : i32
      %dma_start3A_188 = tpu.memref_slice %arg14[%dma_start3A_186, %dma_start3A_187] : memref<10000x32xbf16, #tpu.memory_space<vmem_shared>> -> memref<10000x32xbf16, #tpu.memory_space<vmem_shared>>
      tpu.enqueue_indirect_dma source(%dma_start3A_188 : memref<10000x32xbf16, #tpu.memory_space<vmem_shared>>) target(%dma_start3A_182 : memref<128x32xbf16, #tpu.memory_space<vmem>>) offsets(%dma_start3A_185 : memref<128xi32, #tpu.memory_space<vmem>>) semaphore(%arg18 : memref<!tpu.dma_semaphore, #tpu.memory_space<semaphore_mem>>)
      %dma_start3A_189 = arith.constant 2 : i32
      %dma_start3A_190 = arith.constant 2 : i32
      %dma_start3A_191 = arith.constant 0 : i32
      %dma_start3A_192 = arith.constant 0 : i32
      %dma_start3A_193 = tpu.memref_slice %arg12[%dma_start3A_190, %dma_start3A_191, %dma_start3A_192] : memref<8x128x32xbf16, #tpu.memory_space<vmem>> -> memref<1x128x32xbf16, #tpu.memory_space<vmem>>
      %dma_start3A_194 = tpu.memref_squeeze %dma_start3A_193 : memref<1x128x32xbf16, #tpu.memory_space<vmem>> -> memref<128x32xbf16, #tpu.memory_space<vmem>>
      %dma_start3A_195 = arith.constant 0 : i32
      %dma_start3A_196 = tpu.memref_slice %arg8[%dma_start3A_189, %dma_start3A_195] : memref<8x128xi32, #tpu.memory_space<vmem>> -> memref<1x128xi32, #tpu.memory_space<vmem>>
      %dma_start3A_197 = tpu.memref_squeeze %dma_start3A_196 : memref<1x128xi32, #tpu.memory_space<vmem>> -> memref<128xi32, #tpu.memory_space<vmem>>
      %dma_start3A_198 = arith.constant 0 : i32
      %dma_start3A_199 = arith.constant 0 : i32
      %dma_start3A_200 = tpu.memref_slice %arg14[%dma_start3A_198, %dma_start3A_199] : memref<10000x32xbf16, #tpu.memory_space<vmem_shared>> -> memref<10000x32xbf16, #tpu.memory_space<vmem_shared>>
      tpu.enqueue_indirect_dma source(%dma_start3A_200 : memref<10000x32xbf16, #tpu.memory_space<vmem_shared>>) target(%dma_start3A_194 : memref<128x32xbf16, #tpu.memory_space<vmem>>) offsets(%dma_start3A_197 : memref<128xi32, #tpu.memory_space<vmem>>) semaphore(%arg18 : memref<!tpu.dma_semaphore, #tpu.memory_space<semaphore_mem>>)
      %dma_start3A_201 = arith.constant 3 : i32
      %dma_start3A_202 = arith.constant 3 : i32
      %dma_start3A_203 = arith.constant 0 : i32
      %dma_start3A_204 = arith.constant 0 : i32
      %dma_start3A_205 = tpu.memref_slice %arg12[%dma_start3A_202, %dma_start3A_203, %dma_start3A_204] : memref<8x128x32xbf16, #tpu.memory_space<vmem>> -> memref<1x128x32xbf16, #tpu.memory_space<vmem>>
      %dma_start3A_206 = tpu.memref_squeeze %dma_start3A_205 : memref<1x128x32xbf16, #tpu.memory_space<vmem>> -> memref<128x32xbf16, #tpu.memory_space<vmem>>
      %dma_start3A_207 = arith.constant 0 : i32
      %dma_start3A_208 = tpu.memref_slice %arg8[%dma_start3A_201, %dma_start3A_207] : memref<8x128xi32, #tpu.memory_space<vmem>> -> memref<1x128xi32, #tpu.memory_space<vmem>>
      %dma_start3A_209 = tpu.memref_squeeze %dma_start3A_208 : memref<1x128xi32, #tpu.memory_space<vmem>> -> memref<128xi32, #tpu.memory_space<vmem>>
      %dma_start3A_210 = arith.constant 0 : i32
      %dma_start3A_211 = arith.constant 0 : i32
      %dma_start3A_212 = tpu.memref_slice %arg14[%dma_start3A_210, %dma_start3A_211] : memref<10000x32xbf16, #tpu.memory_space<vmem_shared>> -> memref<10000x32xbf16, #tpu.memory_space<vmem_shared>>
      tpu.enqueue_indirect_dma source(%dma_start3A_212 : memref<10000x32xbf16, #tpu.memory_space<vmem_shared>>) target(%dma_start3A_206 : memref<128x32xbf16, #tpu.memory_space<vmem>>) offsets(%dma_start3A_209 : memref<128xi32, #tpu.memory_space<vmem>>) semaphore(%arg18 : memref<!tpu.dma_semaphore, #tpu.memory_space<semaphore_mem>>)
      %dma_start3A_213 = arith.constant 4 : i32
      %dma_start3A_214 = arith.constant 4 : i32
      %dma_start3A_215 = arith.constant 0 : i32
      %dma_start3A_216 = arith.constant 0 : i32
      %dma_start3A_217 = tpu.memref_slice %arg12[%dma_start3A_214, %dma_start3A_215, %dma_start3A_216] : memref<8x128x32xbf16, #tpu.memory_space<vmem>> -> memref<1x128x32xbf16, #tpu.memory_space<vmem>>
      %dma_start3A_218 = tpu.memref_squeeze %dma_start3A_217 : memref<1x128x32xbf16, #tpu.memory_space<vmem>> -> memref<128x32xbf16, #tpu.memory_space<vmem>>
      %dma_start3A_219 = arith.constant 0 : i32
      %dma_start3A_220 = tpu.memref_slice %arg8[%dma_start3A_213, %dma_start3A_219] : memref<8x128xi32, #tpu.memory_space<vmem>> -> memref<1x128xi32, #tpu.memory_space<vmem>>
      %dma_start3A_221 = tpu.memref_squeeze %dma_start3A_220 : memref<1x128xi32, #tpu.memory_space<vmem>> -> memref<128xi32, #tpu.memory_space<vmem>>
      %dma_start3A_222 = arith.constant 0 : i32
      %dma_start3A_223 = arith.constant 0 : i32
      %dma_start3A_224 = tpu.memref_slice %arg14[%dma_start3A_222, %dma_start3A_223] : memref<10000x32xbf16, #tpu.memory_space<vmem_shared>> -> memref<10000x32xbf16, #tpu.memory_space<vmem_shared>>
      tpu.enqueue_indirect_dma source(%dma_start3A_224 : memref<10000x32xbf16, #tpu.memory_space<vmem_shared>>) target(%dma_start3A_218 : memref<128x32xbf16, #tpu.memory_space<vmem>>) offsets(%dma_start3A_221 : memref<128xi32, #tpu.memory_space<vmem>>) semaphore(%arg18 : memref<!tpu.dma_semaphore, #tpu.memory_space<semaphore_mem>>)
      %dma_start3A_225 = arith.constant 5 : i32
      %dma_start3A_226 = arith.constant 5 : i32
      %dma_start3A_227 = arith.constant 0 : i32
      %dma_start3A_228 = arith.constant 0 : i32
      %dma_start3A_229 = tpu.memref_slice %arg12[%dma_start3A_226, %dma_start3A_227, %dma_start3A_228] : memref<8x128x32xbf16, #tpu.memory_space<vmem>> -> memref<1x128x32xbf16, #tpu.memory_space<vmem>>
      %dma_start3A_230 = tpu.memref_squeeze %dma_start3A_229 : memref<1x128x32xbf16, #tpu.memory_space<vmem>> -> memref<128x32xbf16, #tpu.memory_space<vmem>>
      %dma_start3A_231 = arith.constant 0 : i32
      %dma_start3A_232 = tpu.memref_slice %arg8[%dma_start3A_225, %dma_start3A_231] : memref<8x128xi32, #tpu.memory_space<vmem>> -> memref<1x128xi32, #tpu.memory_space<vmem>>
      %dma_start3A_233 = tpu.memref_squeeze %dma_start3A_232 : memref<1x128xi32, #tpu.memory_space<vmem>> -> memref<128xi32, #tpu.memory_space<vmem>>
      %dma_start3A_234 = arith.constant 0 : i32
      %dma_start3A_235 = arith.constant 0 : i32
      %dma_start3A_236 = tpu.memref_slice %arg14[%dma_start3A_234, %dma_start3A_235] : memref<10000x32xbf16, #tpu.memory_space<vmem_shared>> -> memref<10000x32xbf16, #tpu.memory_space<vmem_shared>>
      tpu.enqueue_indirect_dma source(%dma_start3A_236 : memref<10000x32xbf16, #tpu.memory_space<vmem_shared>>) target(%dma_start3A_230 : memref<128x32xbf16, #tpu.memory_space<vmem>>) offsets(%dma_start3A_233 : memref<128xi32, #tpu.memory_space<vmem>>) semaphore(%arg18 : memref<!tpu.dma_semaphore, #tpu.memory_space<semaphore_mem>>)
      %dma_start3A_237 = arith.constant 6 : i32
      %dma_start3A_238 = arith.constant 6 : i32
      %dma_start3A_239 = arith.constant 0 : i32
      %dma_start3A_240 = arith.constant 0 : i32
      %dma_start3A_241 = tpu.memref_slice %arg12[%dma_start3A_238, %dma_start3A_239, %dma_start3A_240] : memref<8x128x32xbf16, #tpu.memory_space<vmem>> -> memref<1x128x32xbf16, #tpu.memory_space<vmem>>
      %dma_start3A_242 = tpu.memref_squeeze %dma_start3A_241 : memref<1x128x32xbf16, #tpu.memory_space<vmem>> -> memref<128x32xbf16, #tpu.memory_space<vmem>>
      %dma_start3A_243 = arith.constant 0 : i32
      %dma_start3A_244 = tpu.memref_slice %arg8[%dma_start3A_237, %dma_start3A_243] : memref<8x128xi32, #tpu.memory_space<vmem>> -> memref<1x128xi32, #tpu.memory_space<vmem>>
      %dma_start3A_245 = tpu.memref_squeeze %dma_start3A_244 : memref<1x128xi32, #tpu.memory_space<vmem>> -> memref<128xi32, #tpu.memory_space<vmem>>
      %dma_start3A_246 = arith.constant 0 : i32
      %dma_start3A_247 = arith.constant 0 : i32
      %dma_start3A_248 = tpu.memref_slice %arg14[%dma_start3A_246, %dma_start3A_247] : memref<10000x32xbf16, #tpu.memory_space<vmem_shared>> -> memref<10000x32xbf16, #tpu.memory_space<vmem_shared>>
      tpu.enqueue_indirect_dma source(%dma_start3A_248 : memref<10000x32xbf16, #tpu.memory_space<vmem_shared>>) target(%dma_start3A_242 : memref<128x32xbf16, #tpu.memory_space<vmem>>) offsets(%dma_start3A_245 : memref<128xi32, #tpu.memory_space<vmem>>) semaphore(%arg18 : memref<!tpu.dma_semaphore, #tpu.memory_space<semaphore_mem>>)
      %dma_start3A_249 = arith.constant 7 : i32
      %dma_start3A_250 = arith.constant 7 : i32
      %dma_start3A_251 = arith.constant 0 : i32
      %dma_start3A_252 = arith.constant 0 : i32
      %dma_start3A_253 = tpu.memref_slice %arg12[%dma_start3A_250, %dma_start3A_251, %dma_start3A_252] : memref<8x128x32xbf16, #tpu.memory_space<vmem>> -> memref<1x128x32xbf16, #tpu.memory_space<vmem>>
      %dma_start3A_254 = tpu.memref_squeeze %dma_start3A_253 : memref<1x128x32xbf16, #tpu.memory_space<vmem>> -> memref<128x32xbf16, #tpu.memory_space<vmem>>
      %dma_start3A_255 = arith.constant 0 : i32
      %dma_start3A_256 = tpu.memref_slice %arg8[%dma_start3A_249, %dma_start3A_255] : memref<8x128xi32, #tpu.memory_space<vmem>> -> memref<1x128xi32, #tpu.memory_space<vmem>>
      %dma_start3A_257 = tpu.memref_squeeze %dma_start3A_256 : memref<1x128xi32, #tpu.memory_space<vmem>> -> memref<128xi32, #tpu.memory_space<vmem>>
      %dma_start3A_258 = arith.constant 0 : i32
      %dma_start3A_259 = arith.constant 0 : i32
      %dma_start3A_260 = tpu.memref_slice %arg14[%dma_start3A_258, %dma_start3A_259] : memref<10000x32xbf16, #tpu.memory_space<vmem_shared>> -> memref<10000x32xbf16, #tpu.memory_space<vmem_shared>>
      tpu.enqueue_indirect_dma source(%dma_start3A_260 : memref<10000x32xbf16, #tpu.memory_space<vmem_shared>>) target(%dma_start3A_254 : memref<128x32xbf16, #tpu.memory_space<vmem>>) offsets(%dma_start3A_257 : memref<128xi32, #tpu.memory_space<vmem>>) semaphore(%arg18 : memref<!tpu.dma_semaphore, #tpu.memory_space<semaphore_mem>>)
      %dma_wait3A_261 = arith.constant 0 : i32
      %dma_wait3A_262 = arith.constant 0 : i32
      %dma_wait3A_263 = arith.constant 0 : i32
      %dma_wait3A_264 = arith.constant 0 : i32
      %dma_wait3A_265 = tpu.memref_slice %arg11[%dma_wait3A_262, %dma_wait3A_263, %dma_wait3A_264] : memref<8x128x32xbf16, #tpu.memory_space<vmem>> -> memref<1x128x32xbf16, #tpu.memory_space<vmem>>
      %dma_wait3A_266 = tpu.memref_squeeze %dma_wait3A_265 : memref<1x128x32xbf16, #tpu.memory_space<vmem>> -> memref<128x32xbf16, #tpu.memory_space<vmem>>
      %dma_wait3A_267 = arith.constant 0 : i32
      %dma_wait3A_268 = tpu.memref_slice %arg7[%dma_wait3A_261, %dma_wait3A_267] : memref<8x128xi32, #tpu.memory_space<vmem>> -> memref<1x128xi32, #tpu.memory_space<vmem>>
      %dma_wait3A_269 = tpu.memref_squeeze %dma_wait3A_268 : memref<1x128xi32, #tpu.memory_space<vmem>> -> memref<128xi32, #tpu.memory_space<vmem>>
      %dma_wait3A_270 = arith.constant 0 : i32
      %dma_wait3A_271 = arith.constant 0 : i32
      %dma_wait3A_272 = tpu.memref_slice %arg14[%dma_wait3A_270, %dma_wait3A_271] : memref<10000x32xbf16, #tpu.memory_space<vmem_shared>> -> memref<10000x32xbf16, #tpu.memory_space<vmem_shared>>
      tpu.wait_indirect_dma semaphore(%arg17 : memref<!tpu.dma_semaphore, #tpu.memory_space<semaphore_mem>>) src(%dma_wait3A_272 : memref<10000x32xbf16, #tpu.memory_space<vmem_shared>>) dst(%dma_wait3A_266 : memref<128x32xbf16, #tpu.memory_space<vmem>>)
      %dma_wait3A_273 = arith.constant 1 : i32
      %dma_wait3A_274 = arith.constant 1 : i32
      %dma_wait3A_275 = arith.constant 0 : i32
      %dma_wait3A_276 = arith.constant 0 : i32
      %dma_wait3A_277 = tpu.memref_slice %arg11[%dma_wait3A_274, %dma_wait3A_275, %dma_wait3A_276] : memref<8x128x32xbf16, #tpu.memory_space<vmem>> -> memref<1x128x32xbf16, #tpu.memory_space<vmem>>
      %dma_wait3A_278 = tpu.memref_squeeze %dma_wait3A_277 : memref<1x128x32xbf16, #tpu.memory_space<vmem>> -> memref<128x32xbf16, #tpu.memory_space<vmem>>
      %dma_wait3A_279 = arith.constant 0 : i32
      %dma_wait3A_280 = tpu.memref_slice %arg7[%dma_wait3A_273, %dma_wait3A_279] : memref<8x128xi32, #tpu.memory_space<vmem>> -> memref<1x128xi32, #tpu.memory_space<vmem>>
      %dma_wait3A_281 = tpu.memref_squeeze %dma_wait3A_280 : memref<1x128xi32, #tpu.memory_space<vmem>> -> memref<128xi32, #tpu.memory_space<vmem>>
      %dma_wait3A_282 = arith.constant 0 : i32
      %dma_wait3A_283 = arith.constant 0 : i32
      %dma_wait3A_284 = tpu.memref_slice %arg14[%dma_wait3A_282, %dma_wait3A_283] : memref<10000x32xbf16, #tpu.memory_space<vmem_shared>> -> memref<10000x32xbf16, #tpu.memory_space<vmem_shared>>
      tpu.wait_indirect_dma semaphore(%arg17 : memref<!tpu.dma_semaphore, #tpu.memory_space<semaphore_mem>>) src(%dma_wait3A_284 : memref<10000x32xbf16, #tpu.memory_space<vmem_shared>>) dst(%dma_wait3A_278 : memref<128x32xbf16, #tpu.memory_space<vmem>>)
      %dma_wait3A_285 = arith.constant 2 : i32
      %dma_wait3A_286 = arith.constant 2 : i32
      %dma_wait3A_287 = arith.constant 0 : i32
      %dma_wait3A_288 = arith.constant 0 : i32
      %dma_wait3A_289 = tpu.memref_slice %arg11[%dma_wait3A_286, %dma_wait3A_287, %dma_wait3A_288] : memref<8x128x32xbf16, #tpu.memory_space<vmem>> -> memref<1x128x32xbf16, #tpu.memory_space<vmem>>
      %dma_wait3A_290 = tpu.memref_squeeze %dma_wait3A_289 : memref<1x128x32xbf16, #tpu.memory_space<vmem>> -> memref<128x32xbf16, #tpu.memory_space<vmem>>
      %dma_wait3A_291 = arith.constant 0 : i32
      %dma_wait3A_292 = tpu.memref_slice %arg7[%dma_wait3A_285, %dma_wait3A_291] : memref<8x128xi32, #tpu.memory_space<vmem>> -> memref<1x128xi32, #tpu.memory_space<vmem>>
      %dma_wait3A_293 = tpu.memref_squeeze %dma_wait3A_292 : memref<1x128xi32, #tpu.memory_space<vmem>> -> memref<128xi32, #tpu.memory_space<vmem>>
      %dma_wait3A_294 = arith.constant 0 : i32
      %dma_wait3A_295 = arith.constant 0 : i32
      %dma_wait3A_296 = tpu.memref_slice %arg14[%dma_wait3A_294, %dma_wait3A_295] : memref<10000x32xbf16, #tpu.memory_space<vmem_shared>> -> memref<10000x32xbf16, #tpu.memory_space<vmem_shared>>
      tpu.wait_indirect_dma semaphore(%arg17 : memref<!tpu.dma_semaphore, #tpu.memory_space<semaphore_mem>>) src(%dma_wait3A_296 : memref<10000x32xbf16, #tpu.memory_space<vmem_shared>>) dst(%dma_wait3A_290 : memref<128x32xbf16, #tpu.memory_space<vmem>>)
      %dma_wait3A_297 = arith.constant 3 : i32
      %dma_wait3A_298 = arith.constant 3 : i32
      %dma_wait3A_299 = arith.constant 0 : i32
      %dma_wait3A_300 = arith.constant 0 : i32
      %dma_wait3A_301 = tpu.memref_slice %arg11[%dma_wait3A_298, %dma_wait3A_299, %dma_wait3A_300] : memref<8x128x32xbf16, #tpu.memory_space<vmem>> -> memref<1x128x32xbf16, #tpu.memory_space<vmem>>
      %dma_wait3A_302 = tpu.memref_squeeze %dma_wait3A_301 : memref<1x128x32xbf16, #tpu.memory_space<vmem>> -> memref<128x32xbf16, #tpu.memory_space<vmem>>
      %dma_wait3A_303 = arith.constant 0 : i32
      %dma_wait3A_304 = tpu.memref_slice %arg7[%dma_wait3A_297, %dma_wait3A_303] : memref<8x128xi32, #tpu.memory_space<vmem>> -> memref<1x128xi32, #tpu.memory_space<vmem>>
      %dma_wait3A_305 = tpu.memref_squeeze %dma_wait3A_304 : memref<1x128xi32, #tpu.memory_space<vmem>> -> memref<128xi32, #tpu.memory_space<vmem>>
      %dma_wait3A_306 = arith.constant 0 : i32
      %dma_wait3A_307 = arith.constant 0 : i32
      %dma_wait3A_308 = tpu.memref_slice %arg14[%dma_wait3A_306, %dma_wait3A_307] : memref<10000x32xbf16, #tpu.memory_space<vmem_shared>> -> memref<10000x32xbf16, #tpu.memory_space<vmem_shared>>
      tpu.wait_indirect_dma semaphore(%arg17 : memref<!tpu.dma_semaphore, #tpu.memory_space<semaphore_mem>>) src(%dma_wait3A_308 : memref<10000x32xbf16, #tpu.memory_space<vmem_shared>>) dst(%dma_wait3A_302 : memref<128x32xbf16, #tpu.memory_space<vmem>>)
      %dma_wait3A_309 = arith.constant 4 : i32
      %dma_wait3A_310 = arith.constant 4 : i32
      %dma_wait3A_311 = arith.constant 0 : i32
      %dma_wait3A_312 = arith.constant 0 : i32
      %dma_wait3A_313 = tpu.memref_slice %arg11[%dma_wait3A_310, %dma_wait3A_311, %dma_wait3A_312] : memref<8x128x32xbf16, #tpu.memory_space<vmem>> -> memref<1x128x32xbf16, #tpu.memory_space<vmem>>
      %dma_wait3A_314 = tpu.memref_squeeze %dma_wait3A_313 : memref<1x128x32xbf16, #tpu.memory_space<vmem>> -> memref<128x32xbf16, #tpu.memory_space<vmem>>
      %dma_wait3A_315 = arith.constant 0 : i32
      %dma_wait3A_316 = tpu.memref_slice %arg7[%dma_wait3A_309, %dma_wait3A_315] : memref<8x128xi32, #tpu.memory_space<vmem>> -> memref<1x128xi32, #tpu.memory_space<vmem>>
      %dma_wait3A_317 = tpu.memref_squeeze %dma_wait3A_316 : memref<1x128xi32, #tpu.memory_space<vmem>> -> memref<128xi32, #tpu.memory_space<vmem>>
      %dma_wait3A_318 = arith.constant 0 : i32
      %dma_wait3A_319 = arith.constant 0 : i32
      %dma_wait3A_320 = tpu.memref_slice %arg14[%dma_wait3A_318, %dma_wait3A_319] : memref<10000x32xbf16, #tpu.memory_space<vmem_shared>> -> memref<10000x32xbf16, #tpu.memory_space<vmem_shared>>
      tpu.wait_indirect_dma semaphore(%arg17 : memref<!tpu.dma_semaphore, #tpu.memory_space<semaphore_mem>>) src(%dma_wait3A_320 : memref<10000x32xbf16, #tpu.memory_space<vmem_shared>>) dst(%dma_wait3A_314 : memref<128x32xbf16, #tpu.memory_space<vmem>>)
      %dma_wait3A_321 = arith.constant 5 : i32
      %dma_wait3A_322 = arith.constant 5 : i32
      %dma_wait3A_323 = arith.constant 0 : i32
      %dma_wait3A_324 = arith.constant 0 : i32
      %dma_wait3A_325 = tpu.memref_slice %arg11[%dma_wait3A_322, %dma_wait3A_323, %dma_wait3A_324] : memref<8x128x32xbf16, #tpu.memory_space<vmem>> -> memref<1x128x32xbf16, #tpu.memory_space<vmem>>
      %dma_wait3A_326 = tpu.memref_squeeze %dma_wait3A_325 : memref<1x128x32xbf16, #tpu.memory_space<vmem>> -> memref<128x32xbf16, #tpu.memory_space<vmem>>
      %dma_wait3A_327 = arith.constant 0 : i32
      %dma_wait3A_328 = tpu.memref_slice %arg7[%dma_wait3A_321, %dma_wait3A_327] : memref<8x128xi32, #tpu.memory_space<vmem>> -> memref<1x128xi32, #tpu.memory_space<vmem>>
      %dma_wait3A_329 = tpu.memref_squeeze %dma_wait3A_328 : memref<1x128xi32, #tpu.memory_space<vmem>> -> memref<128xi32, #tpu.memory_space<vmem>>
      %dma_wait3A_330 = arith.constant 0 : i32
      %dma_wait3A_331 = arith.constant 0 : i32
      %dma_wait3A_332 = tpu.memref_slice %arg14[%dma_wait3A_330, %dma_wait3A_331] : memref<10000x32xbf16, #tpu.memory_space<vmem_shared>> -> memref<10000x32xbf16, #tpu.memory_space<vmem_shared>>
      tpu.wait_indirect_dma semaphore(%arg17 : memref<!tpu.dma_semaphore, #tpu.memory_space<semaphore_mem>>) src(%dma_wait3A_332 : memref<10000x32xbf16, #tpu.memory_space<vmem_shared>>) dst(%dma_wait3A_326 : memref<128x32xbf16, #tpu.memory_space<vmem>>)
      %dma_wait3A_333 = arith.constant 6 : i32
      %dma_wait3A_334 = arith.constant 6 : i32
      %dma_wait3A_335 = arith.constant 0 : i32
      %dma_wait3A_336 = arith.constant 0 : i32
      %dma_wait3A_337 = tpu.memref_slice %arg11[%dma_wait3A_334, %dma_wait3A_335, %dma_wait3A_336] : memref<8x128x32xbf16, #tpu.memory_space<vmem>> -> memref<1x128x32xbf16, #tpu.memory_space<vmem>>
      %dma_wait3A_338 = tpu.memref_squeeze %dma_wait3A_337 : memref<1x128x32xbf16, #tpu.memory_space<vmem>> -> memref<128x32xbf16, #tpu.memory_space<vmem>>
      %dma_wait3A_339 = arith.constant 0 : i32
      %dma_wait3A_340 = tpu.memref_slice %arg7[%dma_wait3A_333, %dma_wait3A_339] : memref<8x128xi32, #tpu.memory_space<vmem>> -> memref<1x128xi32, #tpu.memory_space<vmem>>
      %dma_wait3A_341 = tpu.memref_squeeze %dma_wait3A_340 : memref<1x128xi32, #tpu.memory_space<vmem>> -> memref<128xi32, #tpu.memory_space<vmem>>
      %dma_wait3A_342 = arith.constant 0 : i32
      %dma_wait3A_343 = arith.constant 0 : i32
      %dma_wait3A_344 = tpu.memref_slice %arg14[%dma_wait3A_342, %dma_wait3A_343] : memref<10000x32xbf16, #tpu.memory_space<vmem_shared>> -> memref<10000x32xbf16, #tpu.memory_space<vmem_shared>>
      tpu.wait_indirect_dma semaphore(%arg17 : memref<!tpu.dma_semaphore, #tpu.memory_space<semaphore_mem>>) src(%dma_wait3A_344 : memref<10000x32xbf16, #tpu.memory_space<vmem_shared>>) dst(%dma_wait3A_338 : memref<128x32xbf16, #tpu.memory_space<vmem>>)
      %dma_wait3A_345 = arith.constant 7 : i32
      %dma_wait3A_346 = arith.constant 7 : i32
      %dma_wait3A_347 = arith.constant 0 : i32
      %dma_wait3A_348 = arith.constant 0 : i32
      %dma_wait3A_349 = tpu.memref_slice %arg11[%dma_wait3A_346, %dma_wait3A_347, %dma_wait3A_348] : memref<8x128x32xbf16, #tpu.memory_space<vmem>> -> memref<1x128x32xbf16, #tpu.memory_space<vmem>>
      %dma_wait3A_350 = tpu.memref_squeeze %dma_wait3A_349 : memref<1x128x32xbf16, #tpu.memory_space<vmem>> -> memref<128x32xbf16, #tpu.memory_space<vmem>>
      %dma_wait3A_351 = arith.constant 0 : i32
      %dma_wait3A_352 = tpu.memref_slice %arg7[%dma_wait3A_345, %dma_wait3A_351] : memref<8x128xi32, #tpu.memory_space<vmem>> -> memref<1x128xi32, #tpu.memory_space<vmem>>
      %dma_wait3A_353 = tpu.memref_squeeze %dma_wait3A_352 : memref<1x128xi32, #tpu.memory_space<vmem>> -> memref<128xi32, #tpu.memory_space<vmem>>
      %dma_wait3A_354 = arith.constant 0 : i32
      %dma_wait3A_355 = arith.constant 0 : i32
      %dma_wait3A_356 = tpu.memref_slice %arg14[%dma_wait3A_354, %dma_wait3A_355] : memref<10000x32xbf16, #tpu.memory_space<vmem_shared>> -> memref<10000x32xbf16, #tpu.memory_space<vmem_shared>>
      tpu.wait_indirect_dma semaphore(%arg17 : memref<!tpu.dma_semaphore, #tpu.memory_space<semaphore_mem>>) src(%dma_wait3A_356 : memref<10000x32xbf16, #tpu.memory_space<vmem_shared>>) dst(%dma_wait3A_350 : memref<128x32xbf16, #tpu.memory_space<vmem>>)
      %dma_start3A_357 = arith.constant 0 : i32
      %dma_start3A_358 = arith.constant 0 : i32
      %dma_start3A_359 = arith.constant 0 : i32
      %dma_start3A_360 = arith.constant 0 : i32
      %dma_start3A_361 = tpu.memref_slice %arg11[%dma_start3A_357, %dma_start3A_359, %dma_start3A_360] : memref<8x128x32xbf16, #tpu.memory_space<vmem>> -> memref<1x128x32xbf16, #tpu.memory_space<vmem>>
      %dma_start3A_362 = tpu.memref_squeeze %dma_start3A_361 : memref<1x128x32xbf16, #tpu.memory_space<vmem>> -> memref<128x32xbf16, #tpu.memory_space<vmem>>
      %dma_start3A_363 = arith.constant 0 : i32
      %dma_start3A_364 = tpu.memref_slice %arg9[%dma_start3A_358, %dma_start3A_363] : memref<8x128xi32, #tpu.memory_space<vmem>> -> memref<1x128xi32, #tpu.memory_space<vmem>>
      %dma_start3A_365 = tpu.memref_squeeze %dma_start3A_364 : memref<1x128xi32, #tpu.memory_space<vmem>> -> memref<128xi32, #tpu.memory_space<vmem>>
      %dma_start3A_366 = arith.constant 0 : i32
      %dma_start3A_367 = arith.constant 0 : i32
      %dma_start3A_368 = tpu.memref_slice %arg13[%dma_start3A_366, %dma_start3A_367] : memref<10016x32xbf16, #tpu.memory_space<vmem_shared>> -> memref<10016x32xbf16, #tpu.memory_space<vmem_shared>>
      tpu.enqueue_indirect_dma source(%dma_start3A_362 : memref<128x32xbf16, #tpu.memory_space<vmem>>) target(%dma_start3A_368 : memref<10016x32xbf16, #tpu.memory_space<vmem_shared>>) offsets(%dma_start3A_365 : memref<128xi32, #tpu.memory_space<vmem>>) semaphore(%arg19 : memref<!tpu.dma_semaphore, #tpu.memory_space<semaphore_mem>>) {add = true}
      %dma_start3A_369 = arith.constant 1 : i32
      %dma_start3A_370 = arith.constant 1 : i32
      %dma_start3A_371 = arith.constant 0 : i32
      %dma_start3A_372 = arith.constant 0 : i32
      %dma_start3A_373 = tpu.memref_slice %arg11[%dma_start3A_369, %dma_start3A_371, %dma_start3A_372] : memref<8x128x32xbf16, #tpu.memory_space<vmem>> -> memref<1x128x32xbf16, #tpu.memory_space<vmem>>
      %dma_start3A_374 = tpu.memref_squeeze %dma_start3A_373 : memref<1x128x32xbf16, #tpu.memory_space<vmem>> -> memref<128x32xbf16, #tpu.memory_space<vmem>>
      %dma_start3A_375 = arith.constant 0 : i32
      %dma_start3A_376 = tpu.memref_slice %arg9[%dma_start3A_370, %dma_start3A_375] : memref<8x128xi32, #tpu.memory_space<vmem>> -> memref<1x128xi32, #tpu.memory_space<vmem>>
      %dma_start3A_377 = tpu.memref_squeeze %dma_start3A_376 : memref<1x128xi32, #tpu.memory_space<vmem>> -> memref<128xi32, #tpu.memory_space<vmem>>
      %dma_start3A_378 = arith.constant 0 : i32
      %dma_start3A_379 = arith.constant 0 : i32
      %dma_start3A_380 = tpu.memref_slice %arg13[%dma_start3A_378, %dma_start3A_379] : memref<10016x32xbf16, #tpu.memory_space<vmem_shared>> -> memref<10016x32xbf16, #tpu.memory_space<vmem_shared>>
      tpu.enqueue_indirect_dma source(%dma_start3A_374 : memref<128x32xbf16, #tpu.memory_space<vmem>>) target(%dma_start3A_380 : memref<10016x32xbf16, #tpu.memory_space<vmem_shared>>) offsets(%dma_start3A_377 : memref<128xi32, #tpu.memory_space<vmem>>) semaphore(%arg19 : memref<!tpu.dma_semaphore, #tpu.memory_space<semaphore_mem>>) {add = true}
      %dma_start3A_381 = arith.constant 2 : i32
      %dma_start3A_382 = arith.constant 2 : i32
      %dma_start3A_383 = arith.constant 0 : i32
      %dma_start3A_384 = arith.constant 0 : i32
      %dma_start3A_385 = tpu.memref_slice %arg11[%dma_start3A_381, %dma_start3A_383, %dma_start3A_384] : memref<8x128x32xbf16, #tpu.memory_space<vmem>> -> memref<1x128x32xbf16, #tpu.memory_space<vmem>>
      %dma_start3A_386 = tpu.memref_squeeze %dma_start3A_385 : memref<1x128x32xbf16, #tpu.memory_space<vmem>> -> memref<128x32xbf16, #tpu.memory_space<vmem>>
      %dma_start3A_387 = arith.constant 0 : i32
      %dma_start3A_388 = tpu.memref_slice %arg9[%dma_start3A_382, %dma_start3A_387] : memref<8x128xi32, #tpu.memory_space<vmem>> -> memref<1x128xi32, #tpu.memory_space<vmem>>
      %dma_start3A_389 = tpu.memref_squeeze %dma_start3A_388 : memref<1x128xi32, #tpu.memory_space<vmem>> -> memref<128xi32, #tpu.memory_space<vmem>>
      %dma_start3A_390 = arith.constant 0 : i32
      %dma_start3A_391 = arith.constant 0 : i32
      %dma_start3A_392 = tpu.memref_slice %arg13[%dma_start3A_390, %dma_start3A_391] : memref<10016x32xbf16, #tpu.memory_space<vmem_shared>> -> memref<10016x32xbf16, #tpu.memory_space<vmem_shared>>
      tpu.enqueue_indirect_dma source(%dma_start3A_386 : memref<128x32xbf16, #tpu.memory_space<vmem>>) target(%dma_start3A_392 : memref<10016x32xbf16, #tpu.memory_space<vmem_shared>>) offsets(%dma_start3A_389 : memref<128xi32, #tpu.memory_space<vmem>>) semaphore(%arg19 : memref<!tpu.dma_semaphore, #tpu.memory_space<semaphore_mem>>) {add = true}
      %dma_start3A_393 = arith.constant 3 : i32
      %dma_start3A_394 = arith.constant 3 : i32
      %dma_start3A_395 = arith.constant 0 : i32
      %dma_start3A_396 = arith.constant 0 : i32
      %dma_start3A_397 = tpu.memref_slice %arg11[%dma_start3A_393, %dma_start3A_395, %dma_start3A_396] : memref<8x128x32xbf16, #tpu.memory_space<vmem>> -> memref<1x128x32xbf16, #tpu.memory_space<vmem>>
      %dma_start3A_398 = tpu.memref_squeeze %dma_start3A_397 : memref<1x128x32xbf16, #tpu.memory_space<vmem>> -> memref<128x32xbf16, #tpu.memory_space<vmem>>
      %dma_start3A_399 = arith.constant 0 : i32
      %dma_start3A_400 = tpu.memref_slice %arg9[%dma_start3A_394, %dma_start3A_399] : memref<8x128xi32, #tpu.memory_space<vmem>> -> memref<1x128xi32, #tpu.memory_space<vmem>>
      %dma_start3A_401 = tpu.memref_squeeze %dma_start3A_400 : memref<1x128xi32, #tpu.memory_space<vmem>> -> memref<128xi32, #tpu.memory_space<vmem>>
      %dma_start3A_402 = arith.constant 0 : i32
      %dma_start3A_403 = arith.constant 0 : i32
      %dma_start3A_404 = tpu.memref_slice %arg13[%dma_start3A_402, %dma_start3A_403] : memref<10016x32xbf16, #tpu.memory_space<vmem_shared>> -> memref<10016x32xbf16, #tpu.memory_space<vmem_shared>>
      tpu.enqueue_indirect_dma source(%dma_start3A_398 : memref<128x32xbf16, #tpu.memory_space<vmem>>) target(%dma_start3A_404 : memref<10016x32xbf16, #tpu.memory_space<vmem_shared>>) offsets(%dma_start3A_401 : memref<128xi32, #tpu.memory_space<vmem>>) semaphore(%arg19 : memref<!tpu.dma_semaphore, #tpu.memory_space<semaphore_mem>>) {add = true}
      %dma_start3A_405 = arith.constant 4 : i32
      %dma_start3A_406 = arith.constant 4 : i32
      %dma_start3A_407 = arith.constant 0 : i32
      %dma_start3A_408 = arith.constant 0 : i32
      %dma_start3A_409 = tpu.memref_slice %arg11[%dma_start3A_405, %dma_start3A_407, %dma_start3A_408] : memref<8x128x32xbf16, #tpu.memory_space<vmem>> -> memref<1x128x32xbf16, #tpu.memory_space<vmem>>
      %dma_start3A_410 = tpu.memref_squeeze %dma_start3A_409 : memref<1x128x32xbf16, #tpu.memory_space<vmem>> -> memref<128x32xbf16, #tpu.memory_space<vmem>>
      %dma_start3A_411 = arith.constant 0 : i32
      %dma_start3A_412 = tpu.memref_slice %arg9[%dma_start3A_406, %dma_start3A_411] : memref<8x128xi32, #tpu.memory_space<vmem>> -> memref<1x128xi32, #tpu.memory_space<vmem>>
      %dma_start3A_413 = tpu.memref_squeeze %dma_start3A_412 : memref<1x128xi32, #tpu.memory_space<vmem>> -> memref<128xi32, #tpu.memory_space<vmem>>
      %dma_start3A_414 = arith.constant 0 : i32
      %dma_start3A_415 = arith.constant 0 : i32
      %dma_start3A_416 = tpu.memref_slice %arg13[%dma_start3A_414, %dma_start3A_415] : memref<10016x32xbf16, #tpu.memory_space<vmem_shared>> -> memref<10016x32xbf16, #tpu.memory_space<vmem_shared>>
      tpu.enqueue_indirect_dma source(%dma_start3A_410 : memref<128x32xbf16, #tpu.memory_space<vmem>>) target(%dma_start3A_416 : memref<10016x32xbf16, #tpu.memory_space<vmem_shared>>) offsets(%dma_start3A_413 : memref<128xi32, #tpu.memory_space<vmem>>) semaphore(%arg19 : memref<!tpu.dma_semaphore, #tpu.memory_space<semaphore_mem>>) {add = true}
      %dma_start3A_417 = arith.constant 5 : i32
      %dma_start3A_418 = arith.constant 5 : i32
      %dma_start3A_419 = arith.constant 0 : i32
      %dma_start3A_420 = arith.constant 0 : i32
      %dma_start3A_421 = tpu.memref_slice %arg11[%dma_start3A_417, %dma_start3A_419, %dma_start3A_420] : memref<8x128x32xbf16, #tpu.memory_space<vmem>> -> memref<1x128x32xbf16, #tpu.memory_space<vmem>>
      %dma_start3A_422 = tpu.memref_squeeze %dma_start3A_421 : memref<1x128x32xbf16, #tpu.memory_space<vmem>> -> memref<128x32xbf16, #tpu.memory_space<vmem>>
      %dma_start3A_423 = arith.constant 0 : i32
      %dma_start3A_424 = tpu.memref_slice %arg9[%dma_start3A_418, %dma_start3A_423] : memref<8x128xi32, #tpu.memory_space<vmem>> -> memref<1x128xi32, #tpu.memory_space<vmem>>
      %dma_start3A_425 = tpu.memref_squeeze %dma_start3A_424 : memref<1x128xi32, #tpu.memory_space<vmem>> -> memref<128xi32, #tpu.memory_space<vmem>>
      %dma_start3A_426 = arith.constant 0 : i32
      %dma_start3A_427 = arith.constant 0 : i32
      %dma_start3A_428 = tpu.memref_slice %arg13[%dma_start3A_426, %dma_start3A_427] : memref<10016x32xbf16, #tpu.memory_space<vmem_shared>> -> memref<10016x32xbf16, #tpu.memory_space<vmem_shared>>
      tpu.enqueue_indirect_dma source(%dma_start3A_422 : memref<128x32xbf16, #tpu.memory_space<vmem>>) target(%dma_start3A_428 : memref<10016x32xbf16, #tpu.memory_space<vmem_shared>>) offsets(%dma_start3A_425 : memref<128xi32, #tpu.memory_space<vmem>>) semaphore(%arg19 : memref<!tpu.dma_semaphore, #tpu.memory_space<semaphore_mem>>) {add = true}
      %dma_start3A_429 = arith.constant 6 : i32
      %dma_start3A_430 = arith.constant 6 : i32
      %dma_start3A_431 = arith.constant 0 : i32
      %dma_start3A_432 = arith.constant 0 : i32
      %dma_start3A_433 = tpu.memref_slice %arg11[%dma_start3A_429, %dma_start3A_431, %dma_start3A_432] : memref<8x128x32xbf16, #tpu.memory_space<vmem>> -> memref<1x128x32xbf16, #tpu.memory_space<vmem>>
      %dma_start3A_434 = tpu.memref_squeeze %dma_start3A_433 : memref<1x128x32xbf16, #tpu.memory_space<vmem>> -> memref<128x32xbf16, #tpu.memory_space<vmem>>
      %dma_start3A_435 = arith.constant 0 : i32
      %dma_start3A_436 = tpu.memref_slice %arg9[%dma_start3A_430, %dma_start3A_435] : memref<8x128xi32, #tpu.memory_space<vmem>> -> memref<1x128xi32, #tpu.memory_space<vmem>>
      %dma_start3A_437 = tpu.memref_squeeze %dma_start3A_436 : memref<1x128xi32, #tpu.memory_space<vmem>> -> memref<128xi32, #tpu.memory_space<vmem>>
      %dma_start3A_438 = arith.constant 0 : i32
      %dma_start3A_439 = arith.constant 0 : i32
      %dma_start3A_440 = tpu.memref_slice %arg13[%dma_start3A_438, %dma_start3A_439] : memref<10016x32xbf16, #tpu.memory_space<vmem_shared>> -> memref<10016x32xbf16, #tpu.memory_space<vmem_shared>>
      tpu.enqueue_indirect_dma source(%dma_start3A_434 : memref<128x32xbf16, #tpu.memory_space<vmem>>) target(%dma_start3A_440 : memref<10016x32xbf16, #tpu.memory_space<vmem_shared>>) offsets(%dma_start3A_437 : memref<128xi32, #tpu.memory_space<vmem>>) semaphore(%arg19 : memref<!tpu.dma_semaphore, #tpu.memory_space<semaphore_mem>>) {add = true}
      %dma_start3A_441 = arith.constant 7 : i32
      %dma_start3A_442 = arith.constant 7 : i32
      %dma_start3A_443 = arith.constant 0 : i32
      %dma_start3A_444 = arith.constant 0 : i32
      %dma_start3A_445 = tpu.memref_slice %arg11[%dma_start3A_441, %dma_start3A_443, %dma_start3A_444] : memref<8x128x32xbf16, #tpu.memory_space<vmem>> -> memref<1x128x32xbf16, #tpu.memory_space<vmem>>
      %dma_start3A_446 = tpu.memref_squeeze %dma_start3A_445 : memref<1x128x32xbf16, #tpu.memory_space<vmem>> -> memref<128x32xbf16, #tpu.memory_space<vmem>>
      %dma_start3A_447 = arith.constant 0 : i32
      %dma_start3A_448 = tpu.memref_slice %arg9[%dma_start3A_442, %dma_start3A_447] : memref<8x128xi32, #tpu.memory_space<vmem>> -> memref<1x128xi32, #tpu.memory_space<vmem>>
      %dma_start3A_449 = tpu.memref_squeeze %dma_start3A_448 : memref<1x128xi32, #tpu.memory_space<vmem>> -> memref<128xi32, #tpu.memory_space<vmem>>
      %dma_start3A_450 = arith.constant 0 : i32
      %dma_start3A_451 = arith.constant 0 : i32
      %dma_start3A_452 = tpu.memref_slice %arg13[%dma_start3A_450, %dma_start3A_451] : memref<10016x32xbf16, #tpu.memory_space<vmem_shared>> -> memref<10016x32xbf16, #tpu.memory_space<vmem_shared>>
      tpu.enqueue_indirect_dma source(%dma_start3A_446 : memref<128x32xbf16, #tpu.memory_space<vmem>>) target(%dma_start3A_452 : memref<10016x32xbf16, #tpu.memory_space<vmem_shared>>) offsets(%dma_start3A_449 : memref<128xi32, #tpu.memory_space<vmem>>) semaphore(%arg19 : memref<!tpu.dma_semaphore, #tpu.memory_space<semaphore_mem>>) {add = true}
      %dma_wait3A_453 = arith.constant 0 : i32
      %dma_wait3A_454 = arith.constant 0 : i32
      %dma_wait3A_455 = arith.constant 0 : i32
      %dma_wait3A_456 = arith.constant 0 : i32
      %dma_wait3A_457 = tpu.memref_slice %arg12[%dma_wait3A_454, %dma_wait3A_455, %dma_wait3A_456] : memref<8x128x32xbf16, #tpu.memory_space<vmem>> -> memref<1x128x32xbf16, #tpu.memory_space<vmem>>
      %dma_wait3A_458 = tpu.memref_squeeze %dma_wait3A_457 : memref<1x128x32xbf16, #tpu.memory_space<vmem>> -> memref<128x32xbf16, #tpu.memory_space<vmem>>
      %dma_wait3A_459 = arith.constant 0 : i32
      %dma_wait3A_460 = tpu.memref_slice %arg8[%dma_wait3A_453, %dma_wait3A_459] : memref<8x128xi32, #tpu.memory_space<vmem>> -> memref<1x128xi32, #tpu.memory_space<vmem>>
      %dma_wait3A_461 = tpu.memref_squeeze %dma_wait3A_460 : memref<1x128xi32, #tpu.memory_space<vmem>> -> memref<128xi32, #tpu.memory_space<vmem>>
      %dma_wait3A_462 = arith.constant 0 : i32
      %dma_wait3A_463 = arith.constant 0 : i32
      %dma_wait3A_464 = tpu.memref_slice %arg14[%dma_wait3A_462, %dma_wait3A_463] : memref<10000x32xbf16, #tpu.memory_space<vmem_shared>> -> memref<10000x32xbf16, #tpu.memory_space<vmem_shared>>
      tpu.wait_indirect_dma semaphore(%arg18 : memref<!tpu.dma_semaphore, #tpu.memory_space<semaphore_mem>>) src(%dma_wait3A_464 : memref<10000x32xbf16, #tpu.memory_space<vmem_shared>>) dst(%dma_wait3A_458 : memref<128x32xbf16, #tpu.memory_space<vmem>>)
      %dma_wait3A_465 = arith.constant 1 : i32
      %dma_wait3A_466 = arith.constant 1 : i32
      %dma_wait3A_467 = arith.constant 0 : i32
      %dma_wait3A_468 = arith.constant 0 : i32
      %dma_wait3A_469 = tpu.memref_slice %arg12[%dma_wait3A_466, %dma_wait3A_467, %dma_wait3A_468] : memref<8x128x32xbf16, #tpu.memory_space<vmem>> -> memref<1x128x32xbf16, #tpu.memory_space<vmem>>
      %dma_wait3A_470 = tpu.memref_squeeze %dma_wait3A_469 : memref<1x128x32xbf16, #tpu.memory_space<vmem>> -> memref<128x32xbf16, #tpu.memory_space<vmem>>
      %dma_wait3A_471 = arith.constant 0 : i32
      %dma_wait3A_472 = tpu.memref_slice %arg8[%dma_wait3A_465, %dma_wait3A_471] : memref<8x128xi32, #tpu.memory_space<vmem>> -> memref<1x128xi32, #tpu.memory_space<vmem>>
      %dma_wait3A_473 = tpu.memref_squeeze %dma_wait3A_472 : memref<1x128xi32, #tpu.memory_space<vmem>> -> memref<128xi32, #tpu.memory_space<vmem>>
      %dma_wait3A_474 = arith.constant 0 : i32
      %dma_wait3A_475 = arith.constant 0 : i32
      %dma_wait3A_476 = tpu.memref_slice %arg14[%dma_wait3A_474, %dma_wait3A_475] : memref<10000x32xbf16, #tpu.memory_space<vmem_shared>> -> memref<10000x32xbf16, #tpu.memory_space<vmem_shared>>
      tpu.wait_indirect_dma semaphore(%arg18 : memref<!tpu.dma_semaphore, #tpu.memory_space<semaphore_mem>>) src(%dma_wait3A_476 : memref<10000x32xbf16, #tpu.memory_space<vmem_shared>>) dst(%dma_wait3A_470 : memref<128x32xbf16, #tpu.memory_space<vmem>>)
      %dma_wait3A_477 = arith.constant 2 : i32
      %dma_wait3A_478 = arith.constant 2 : i32
      %dma_wait3A_479 = arith.constant 0 : i32
      %dma_wait3A_480 = arith.constant 0 : i32
      %dma_wait3A_481 = tpu.memref_slice %arg12[%dma_wait3A_478, %dma_wait3A_479, %dma_wait3A_480] : memref<8x128x32xbf16, #tpu.memory_space<vmem>> -> memref<1x128x32xbf16, #tpu.memory_space<vmem>>
      %dma_wait3A_482 = tpu.memref_squeeze %dma_wait3A_481 : memref<1x128x32xbf16, #tpu.memory_space<vmem>> -> memref<128x32xbf16, #tpu.memory_space<vmem>>
      %dma_wait3A_483 = arith.constant 0 : i32
      %dma_wait3A_484 = tpu.memref_slice %arg8[%dma_wait3A_477, %dma_wait3A_483] : memref<8x128xi32, #tpu.memory_space<vmem>> -> memref<1x128xi32, #tpu.memory_space<vmem>>
      %dma_wait3A_485 = tpu.memref_squeeze %dma_wait3A_484 : memref<1x128xi32, #tpu.memory_space<vmem>> -> memref<128xi32, #tpu.memory_space<vmem>>
      %dma_wait3A_486 = arith.constant 0 : i32
      %dma_wait3A_487 = arith.constant 0 : i32
      %dma_wait3A_488 = tpu.memref_slice %arg14[%dma_wait3A_486, %dma_wait3A_487] : memref<10000x32xbf16, #tpu.memory_space<vmem_shared>> -> memref<10000x32xbf16, #tpu.memory_space<vmem_shared>>
      tpu.wait_indirect_dma semaphore(%arg18 : memref<!tpu.dma_semaphore, #tpu.memory_space<semaphore_mem>>) src(%dma_wait3A_488 : memref<10000x32xbf16, #tpu.memory_space<vmem_shared>>) dst(%dma_wait3A_482 : memref<128x32xbf16, #tpu.memory_space<vmem>>)
      %dma_wait3A_489 = arith.constant 3 : i32
      %dma_wait3A_490 = arith.constant 3 : i32
      %dma_wait3A_491 = arith.constant 0 : i32
      %dma_wait3A_492 = arith.constant 0 : i32
      %dma_wait3A_493 = tpu.memref_slice %arg12[%dma_wait3A_490, %dma_wait3A_491, %dma_wait3A_492] : memref<8x128x32xbf16, #tpu.memory_space<vmem>> -> memref<1x128x32xbf16, #tpu.memory_space<vmem>>
      %dma_wait3A_494 = tpu.memref_squeeze %dma_wait3A_493 : memref<1x128x32xbf16, #tpu.memory_space<vmem>> -> memref<128x32xbf16, #tpu.memory_space<vmem>>
      %dma_wait3A_495 = arith.constant 0 : i32
      %dma_wait3A_496 = tpu.memref_slice %arg8[%dma_wait3A_489, %dma_wait3A_495] : memref<8x128xi32, #tpu.memory_space<vmem>> -> memref<1x128xi32, #tpu.memory_space<vmem>>
      %dma_wait3A_497 = tpu.memref_squeeze %dma_wait3A_496 : memref<1x128xi32, #tpu.memory_space<vmem>> -> memref<128xi32, #tpu.memory_space<vmem>>
      %dma_wait3A_498 = arith.constant 0 : i32
      %dma_wait3A_499 = arith.constant 0 : i32
      %dma_wait3A_500 = tpu.memref_slice %arg14[%dma_wait3A_498, %dma_wait3A_499] : memref<10000x32xbf16, #tpu.memory_space<vmem_shared>> -> memref<10000x32xbf16, #tpu.memory_space<vmem_shared>>
      tpu.wait_indirect_dma semaphore(%arg18 : memref<!tpu.dma_semaphore, #tpu.memory_space<semaphore_mem>>) src(%dma_wait3A_500 : memref<10000x32xbf16, #tpu.memory_space<vmem_shared>>) dst(%dma_wait3A_494 : memref<128x32xbf16, #tpu.memory_space<vmem>>)
      %dma_wait3A_501 = arith.constant 4 : i32
      %dma_wait3A_502 = arith.constant 4 : i32
      %dma_wait3A_503 = arith.constant 0 : i32
      %dma_wait3A_504 = arith.constant 0 : i32
      %dma_wait3A_505 = tpu.memref_slice %arg12[%dma_wait3A_502, %dma_wait3A_503, %dma_wait3A_504] : memref<8x128x32xbf16, #tpu.memory_space<vmem>> -> memref<1x128x32xbf16, #tpu.memory_space<vmem>>
      %dma_wait3A_506 = tpu.memref_squeeze %dma_wait3A_505 : memref<1x128x32xbf16, #tpu.memory_space<vmem>> -> memref<128x32xbf16, #tpu.memory_space<vmem>>
      %dma_wait3A_507 = arith.constant 0 : i32
      %dma_wait3A_508 = tpu.memref_slice %arg8[%dma_wait3A_501, %dma_wait3A_507] : memref<8x128xi32, #tpu.memory_space<vmem>> -> memref<1x128xi32, #tpu.memory_space<vmem>>
      %dma_wait3A_509 = tpu.memref_squeeze %dma_wait3A_508 : memref<1x128xi32, #tpu.memory_space<vmem>> -> memref<128xi32, #tpu.memory_space<vmem>>
      %dma_wait3A_510 = arith.constant 0 : i32
      %dma_wait3A_511 = arith.constant 0 : i32
      %dma_wait3A_512 = tpu.memref_slice %arg14[%dma_wait3A_510, %dma_wait3A_511] : memref<10000x32xbf16, #tpu.memory_space<vmem_shared>> -> memref<10000x32xbf16, #tpu.memory_space<vmem_shared>>
      tpu.wait_indirect_dma semaphore(%arg18 : memref<!tpu.dma_semaphore, #tpu.memory_space<semaphore_mem>>) src(%dma_wait3A_512 : memref<10000x32xbf16, #tpu.memory_space<vmem_shared>>) dst(%dma_wait3A_506 : memref<128x32xbf16, #tpu.memory_space<vmem>>)
      %dma_wait3A_513 = arith.constant 5 : i32
      %dma_wait3A_514 = arith.constant 5 : i32
      %dma_wait3A_515 = arith.constant 0 : i32
      %dma_wait3A_516 = arith.constant 0 : i32
      %dma_wait3A_517 = tpu.memref_slice %arg12[%dma_wait3A_514, %dma_wait3A_515, %dma_wait3A_516] : memref<8x128x32xbf16, #tpu.memory_space<vmem>> -> memref<1x128x32xbf16, #tpu.memory_space<vmem>>
      %dma_wait3A_518 = tpu.memref_squeeze %dma_wait3A_517 : memref<1x128x32xbf16, #tpu.memory_space<vmem>> -> memref<128x32xbf16, #tpu.memory_space<vmem>>
      %dma_wait3A_519 = arith.constant 0 : i32
      %dma_wait3A_520 = tpu.memref_slice %arg8[%dma_wait3A_513, %dma_wait3A_519] : memref<8x128xi32, #tpu.memory_space<vmem>> -> memref<1x128xi32, #tpu.memory_space<vmem>>
      %dma_wait3A_521 = tpu.memref_squeeze %dma_wait3A_520 : memref<1x128xi32, #tpu.memory_space<vmem>> -> memref<128xi32, #tpu.memory_space<vmem>>
      %dma_wait3A_522 = arith.constant 0 : i32
      %dma_wait3A_523 = arith.constant 0 : i32
      %dma_wait3A_524 = tpu.memref_slice %arg14[%dma_wait3A_522, %dma_wait3A_523] : memref<10000x32xbf16, #tpu.memory_space<vmem_shared>> -> memref<10000x32xbf16, #tpu.memory_space<vmem_shared>>
      tpu.wait_indirect_dma semaphore(%arg18 : memref<!tpu.dma_semaphore, #tpu.memory_space<semaphore_mem>>) src(%dma_wait3A_524 : memref<10000x32xbf16, #tpu.memory_space<vmem_shared>>) dst(%dma_wait3A_518 : memref<128x32xbf16, #tpu.memory_space<vmem>>)
      %dma_wait3A_525 = arith.constant 6 : i32
      %dma_wait3A_526 = arith.constant 6 : i32
      %dma_wait3A_527 = arith.constant 0 : i32
      %dma_wait3A_528 = arith.constant 0 : i32
      %dma_wait3A_529 = tpu.memref_slice %arg12[%dma_wait3A_526, %dma_wait3A_527, %dma_wait3A_528] : memref<8x128x32xbf16, #tpu.memory_space<vmem>> -> memref<1x128x32xbf16, #tpu.memory_space<vmem>>
      %dma_wait3A_530 = tpu.memref_squeeze %dma_wait3A_529 : memref<1x128x32xbf16, #tpu.memory_space<vmem>> -> memref<128x32xbf16, #tpu.memory_space<vmem>>
      %dma_wait3A_531 = arith.constant 0 : i32
      %dma_wait3A_532 = tpu.memref_slice %arg8[%dma_wait3A_525, %dma_wait3A_531] : memref<8x128xi32, #tpu.memory_space<vmem>> -> memref<1x128xi32, #tpu.memory_space<vmem>>
      %dma_wait3A_533 = tpu.memref_squeeze %dma_wait3A_532 : memref<1x128xi32, #tpu.memory_space<vmem>> -> memref<128xi32, #tpu.memory_space<vmem>>
      %dma_wait3A_534 = arith.constant 0 : i32
      %dma_wait3A_535 = arith.constant 0 : i32
      %dma_wait3A_536 = tpu.memref_slice %arg14[%dma_wait3A_534, %dma_wait3A_535] : memref<10000x32xbf16, #tpu.memory_space<vmem_shared>> -> memref<10000x32xbf16, #tpu.memory_space<vmem_shared>>
      tpu.wait_indirect_dma semaphore(%arg18 : memref<!tpu.dma_semaphore, #tpu.memory_space<semaphore_mem>>) src(%dma_wait3A_536 : memref<10000x32xbf16, #tpu.memory_space<vmem_shared>>) dst(%dma_wait3A_530 : memref<128x32xbf16, #tpu.memory_space<vmem>>)
      %dma_wait3A_537 = arith.constant 7 : i32
      %dma_wait3A_538 = arith.constant 7 : i32
      %dma_wait3A_539 = arith.constant 0 : i32
      %dma_wait3A_540 = arith.constant 0 : i32
      %dma_wait3A_541 = tpu.memref_slice %arg12[%dma_wait3A_538, %dma_wait3A_539, %dma_wait3A_540] : memref<8x128x32xbf16, #tpu.memory_space<vmem>> -> memref<1x128x32xbf16, #tpu.memory_space<vmem>>
      %dma_wait3A_542 = tpu.memref_squeeze %dma_wait3A_541 : memref<1x128x32xbf16, #tpu.memory_space<vmem>> -> memref<128x32xbf16, #tpu.memory_space<vmem>>
      %dma_wait3A_543 = arith.constant 0 : i32
      %dma_wait3A_544 = tpu.memref_slice %arg8[%dma_wait3A_537, %dma_wait3A_543] : memref<8x128xi32, #tpu.memory_space<vmem>> -> memref<1x128xi32, #tpu.memory_space<vmem>>
      %dma_wait3A_545 = tpu.memref_squeeze %dma_wait3A_544 : memref<1x128xi32, #tpu.memory_space<vmem>> -> memref<128xi32, #tpu.memory_space<vmem>>
      %dma_wait3A_546 = arith.constant 0 : i32
      %dma_wait3A_547 = arith.constant 0 : i32
      %dma_wait3A_548 = tpu.memref_slice %arg14[%dma_wait3A_546, %dma_wait3A_547] : memref<10000x32xbf16, #tpu.memory_space<vmem_shared>> -> memref<10000x32xbf16, #tpu.memory_space<vmem_shared>>
      tpu.wait_indirect_dma semaphore(%arg18 : memref<!tpu.dma_semaphore, #tpu.memory_space<semaphore_mem>>) src(%dma_wait3A_548 : memref<10000x32xbf16, #tpu.memory_space<vmem_shared>>) dst(%dma_wait3A_542 : memref<128x32xbf16, #tpu.memory_space<vmem>>)
      %dma_start3A_549 = arith.constant 0 : i32
      %dma_start3A_550 = arith.constant 0 : i32
      %dma_start3A_551 = arith.constant 0 : i32
      %dma_start3A_552 = arith.constant 0 : i32
      %dma_start3A_553 = tpu.memref_slice %arg12[%dma_start3A_549, %dma_start3A_551, %dma_start3A_552] : memref<8x128x32xbf16, #tpu.memory_space<vmem>> -> memref<1x128x32xbf16, #tpu.memory_space<vmem>>
      %dma_start3A_554 = tpu.memref_squeeze %dma_start3A_553 : memref<1x128x32xbf16, #tpu.memory_space<vmem>> -> memref<128x32xbf16, #tpu.memory_space<vmem>>
      %dma_start3A_555 = arith.constant 0 : i32
      %dma_start3A_556 = tpu.memref_slice %arg10[%dma_start3A_550, %dma_start3A_555] : memref<8x128xi32, #tpu.memory_space<vmem>> -> memref<1x128xi32, #tpu.memory_space<vmem>>
      %dma_start3A_557 = tpu.memref_squeeze %dma_start3A_556 : memref<1x128xi32, #tpu.memory_space<vmem>> -> memref<128xi32, #tpu.memory_space<vmem>>
      %dma_start3A_558 = arith.constant 0 : i32
      %dma_start3A_559 = arith.constant 0 : i32
      %dma_start3A_560 = tpu.memref_slice %arg13[%dma_start3A_558, %dma_start3A_559] : memref<10016x32xbf16, #tpu.memory_space<vmem_shared>> -> memref<10016x32xbf16, #tpu.memory_space<vmem_shared>>
      tpu.enqueue_indirect_dma source(%dma_start3A_554 : memref<128x32xbf16, #tpu.memory_space<vmem>>) target(%dma_start3A_560 : memref<10016x32xbf16, #tpu.memory_space<vmem_shared>>) offsets(%dma_start3A_557 : memref<128xi32, #tpu.memory_space<vmem>>) semaphore(%arg20 : memref<!tpu.dma_semaphore, #tpu.memory_space<semaphore_mem>>) {add = true}
      %dma_start3A_561 = arith.constant 1 : i32
      %dma_start3A_562 = arith.constant 1 : i32
      %dma_start3A_563 = arith.constant 0 : i32
      %dma_start3A_564 = arith.constant 0 : i32
      %dma_start3A_565 = tpu.memref_slice %arg12[%dma_start3A_561, %dma_start3A_563, %dma_start3A_564] : memref<8x128x32xbf16, #tpu.memory_space<vmem>> -> memref<1x128x32xbf16, #tpu.memory_space<vmem>>
      %dma_start3A_566 = tpu.memref_squeeze %dma_start3A_565 : memref<1x128x32xbf16, #tpu.memory_space<vmem>> -> memref<128x32xbf16, #tpu.memory_space<vmem>>
      %dma_start3A_567 = arith.constant 0 : i32
      %dma_start3A_568 = tpu.memref_slice %arg10[%dma_start3A_562, %dma_start3A_567] : memref<8x128xi32, #tpu.memory_space<vmem>> -> memref<1x128xi32, #tpu.memory_space<vmem>>
      %dma_start3A_569 = tpu.memref_squeeze %dma_start3A_568 : memref<1x128xi32, #tpu.memory_space<vmem>> -> memref<128xi32, #tpu.memory_space<vmem>>
      %dma_start3A_570 = arith.constant 0 : i32
      %dma_start3A_571 = arith.constant 0 : i32
      %dma_start3A_572 = tpu.memref_slice %arg13[%dma_start3A_570, %dma_start3A_571] : memref<10016x32xbf16, #tpu.memory_space<vmem_shared>> -> memref<10016x32xbf16, #tpu.memory_space<vmem_shared>>
      tpu.enqueue_indirect_dma source(%dma_start3A_566 : memref<128x32xbf16, #tpu.memory_space<vmem>>) target(%dma_start3A_572 : memref<10016x32xbf16, #tpu.memory_space<vmem_shared>>) offsets(%dma_start3A_569 : memref<128xi32, #tpu.memory_space<vmem>>) semaphore(%arg20 : memref<!tpu.dma_semaphore, #tpu.memory_space<semaphore_mem>>) {add = true}
      %dma_start3A_573 = arith.constant 2 : i32
      %dma_start3A_574 = arith.constant 2 : i32
      %dma_start3A_575 = arith.constant 0 : i32
      %dma_start3A_576 = arith.constant 0 : i32
      %dma_start3A_577 = tpu.memref_slice %arg12[%dma_start3A_573, %dma_start3A_575, %dma_start3A_576] : memref<8x128x32xbf16, #tpu.memory_space<vmem>> -> memref<1x128x32xbf16, #tpu.memory_space<vmem>>
      %dma_start3A_578 = tpu.memref_squeeze %dma_start3A_577 : memref<1x128x32xbf16, #tpu.memory_space<vmem>> -> memref<128x32xbf16, #tpu.memory_space<vmem>>
      %dma_start3A_579 = arith.constant 0 : i32
      %dma_start3A_580 = tpu.memref_slice %arg10[%dma_start3A_574, %dma_start3A_579] : memref<8x128xi32, #tpu.memory_space<vmem>> -> memref<1x128xi32, #tpu.memory_space<vmem>>
      %dma_start3A_581 = tpu.memref_squeeze %dma_start3A_580 : memref<1x128xi32, #tpu.memory_space<vmem>> -> memref<128xi32, #tpu.memory_space<vmem>>
      %dma_start3A_582 = arith.constant 0 : i32
      %dma_start3A_583 = arith.constant 0 : i32
      %dma_start3A_584 = tpu.memref_slice %arg13[%dma_start3A_582, %dma_start3A_583] : memref<10016x32xbf16, #tpu.memory_space<vmem_shared>> -> memref<10016x32xbf16, #tpu.memory_space<vmem_shared>>
      tpu.enqueue_indirect_dma source(%dma_start3A_578 : memref<128x32xbf16, #tpu.memory_space<vmem>>) target(%dma_start3A_584 : memref<10016x32xbf16, #tpu.memory_space<vmem_shared>>) offsets(%dma_start3A_581 : memref<128xi32, #tpu.memory_space<vmem>>) semaphore(%arg20 : memref<!tpu.dma_semaphore, #tpu.memory_space<semaphore_mem>>) {add = true}
      %dma_start3A_585 = arith.constant 3 : i32
      %dma_start3A_586 = arith.constant 3 : i32
      %dma_start3A_587 = arith.constant 0 : i32
      %dma_start3A_588 = arith.constant 0 : i32
      %dma_start3A_589 = tpu.memref_slice %arg12[%dma_start3A_585, %dma_start3A_587, %dma_start3A_588] : memref<8x128x32xbf16, #tpu.memory_space<vmem>> -> memref<1x128x32xbf16, #tpu.memory_space<vmem>>
      %dma_start3A_590 = tpu.memref_squeeze %dma_start3A_589 : memref<1x128x32xbf16, #tpu.memory_space<vmem>> -> memref<128x32xbf16, #tpu.memory_space<vmem>>
      %dma_start3A_591 = arith.constant 0 : i32
      %dma_start3A_592 = tpu.memref_slice %arg10[%dma_start3A_586, %dma_start3A_591] : memref<8x128xi32, #tpu.memory_space<vmem>> -> memref<1x128xi32, #tpu.memory_space<vmem>>
      %dma_start3A_593 = tpu.memref_squeeze %dma_start3A_592 : memref<1x128xi32, #tpu.memory_space<vmem>> -> memref<128xi32, #tpu.memory_space<vmem>>
      %dma_start3A_594 = arith.constant 0 : i32
      %dma_start3A_595 = arith.constant 0 : i32
      %dma_start3A_596 = tpu.memref_slice %arg13[%dma_start3A_594, %dma_start3A_595] : memref<10016x32xbf16, #tpu.memory_space<vmem_shared>> -> memref<10016x32xbf16, #tpu.memory_space<vmem_shared>>
      tpu.enqueue_indirect_dma source(%dma_start3A_590 : memref<128x32xbf16, #tpu.memory_space<vmem>>) target(%dma_start3A_596 : memref<10016x32xbf16, #tpu.memory_space<vmem_shared>>) offsets(%dma_start3A_593 : memref<128xi32, #tpu.memory_space<vmem>>) semaphore(%arg20 : memref<!tpu.dma_semaphore, #tpu.memory_space<semaphore_mem>>) {add = true}
      %dma_start3A_597 = arith.constant 4 : i32
      %dma_start3A_598 = arith.constant 4 : i32
      %dma_start3A_599 = arith.constant 0 : i32
      %dma_start3A_600 = arith.constant 0 : i32
      %dma_start3A_601 = tpu.memref_slice %arg12[%dma_start3A_597, %dma_start3A_599, %dma_start3A_600] : memref<8x128x32xbf16, #tpu.memory_space<vmem>> -> memref<1x128x32xbf16, #tpu.memory_space<vmem>>
      %dma_start3A_602 = tpu.memref_squeeze %dma_start3A_601 : memref<1x128x32xbf16, #tpu.memory_space<vmem>> -> memref<128x32xbf16, #tpu.memory_space<vmem>>
      %dma_start3A_603 = arith.constant 0 : i32
      %dma_start3A_604 = tpu.memref_slice %arg10[%dma_start3A_598, %dma_start3A_603] : memref<8x128xi32, #tpu.memory_space<vmem>> -> memref<1x128xi32, #tpu.memory_space<vmem>>
      %dma_start3A_605 = tpu.memref_squeeze %dma_start3A_604 : memref<1x128xi32, #tpu.memory_space<vmem>> -> memref<128xi32, #tpu.memory_space<vmem>>
      %dma_start3A_606 = arith.constant 0 : i32
      %dma_start3A_607 = arith.constant 0 : i32
      %dma_start3A_608 = tpu.memref_slice %arg13[%dma_start3A_606, %dma_start3A_607] : memref<10016x32xbf16, #tpu.memory_space<vmem_shared>> -> memref<10016x32xbf16, #tpu.memory_space<vmem_shared>>
      tpu.enqueue_indirect_dma source(%dma_start3A_602 : memref<128x32xbf16, #tpu.memory_space<vmem>>) target(%dma_start3A_608 : memref<10016x32xbf16, #tpu.memory_space<vmem_shared>>) offsets(%dma_start3A_605 : memref<128xi32, #tpu.memory_space<vmem>>) semaphore(%arg20 : memref<!tpu.dma_semaphore, #tpu.memory_space<semaphore_mem>>) {add = true}
      %dma_start3A_609 = arith.constant 5 : i32
      %dma_start3A_610 = arith.constant 5 : i32
      %dma_start3A_611 = arith.constant 0 : i32
      %dma_start3A_612 = arith.constant 0 : i32
      %dma_start3A_613 = tpu.memref_slice %arg12[%dma_start3A_609, %dma_start3A_611, %dma_start3A_612] : memref<8x128x32xbf16, #tpu.memory_space<vmem>> -> memref<1x128x32xbf16, #tpu.memory_space<vmem>>
      %dma_start3A_614 = tpu.memref_squeeze %dma_start3A_613 : memref<1x128x32xbf16, #tpu.memory_space<vmem>> -> memref<128x32xbf16, #tpu.memory_space<vmem>>
      %dma_start3A_615 = arith.constant 0 : i32
      %dma_start3A_616 = tpu.memref_slice %arg10[%dma_start3A_610, %dma_start3A_615] : memref<8x128xi32, #tpu.memory_space<vmem>> -> memref<1x128xi32, #tpu.memory_space<vmem>>
      %dma_start3A_617 = tpu.memref_squeeze %dma_start3A_616 : memref<1x128xi32, #tpu.memory_space<vmem>> -> memref<128xi32, #tpu.memory_space<vmem>>
      %dma_start3A_618 = arith.constant 0 : i32
      %dma_start3A_619 = arith.constant 0 : i32
      %dma_start3A_620 = tpu.memref_slice %arg13[%dma_start3A_618, %dma_start3A_619] : memref<10016x32xbf16, #tpu.memory_space<vmem_shared>> -> memref<10016x32xbf16, #tpu.memory_space<vmem_shared>>
      tpu.enqueue_indirect_dma source(%dma_start3A_614 : memref<128x32xbf16, #tpu.memory_space<vmem>>) target(%dma_start3A_620 : memref<10016x32xbf16, #tpu.memory_space<vmem_shared>>) offsets(%dma_start3A_617 : memref<128xi32, #tpu.memory_space<vmem>>) semaphore(%arg20 : memref<!tpu.dma_semaphore, #tpu.memory_space<semaphore_mem>>) {add = true}
      %dma_start3A_621 = arith.constant 6 : i32
      %dma_start3A_622 = arith.constant 6 : i32
      %dma_start3A_623 = arith.constant 0 : i32
      %dma_start3A_624 = arith.constant 0 : i32
      %dma_start3A_625 = tpu.memref_slice %arg12[%dma_start3A_621, %dma_start3A_623, %dma_start3A_624] : memref<8x128x32xbf16, #tpu.memory_space<vmem>> -> memref<1x128x32xbf16, #tpu.memory_space<vmem>>
      %dma_start3A_626 = tpu.memref_squeeze %dma_start3A_625 : memref<1x128x32xbf16, #tpu.memory_space<vmem>> -> memref<128x32xbf16, #tpu.memory_space<vmem>>
      %dma_start3A_627 = arith.constant 0 : i32
      %dma_start3A_628 = tpu.memref_slice %arg10[%dma_start3A_622, %dma_start3A_627] : memref<8x128xi32, #tpu.memory_space<vmem>> -> memref<1x128xi32, #tpu.memory_space<vmem>>
      %dma_start3A_629 = tpu.memref_squeeze %dma_start3A_628 : memref<1x128xi32, #tpu.memory_space<vmem>> -> memref<128xi32, #tpu.memory_space<vmem>>
      %dma_start3A_630 = arith.constant 0 : i32
      %dma_start3A_631 = arith.constant 0 : i32
      %dma_start3A_632 = tpu.memref_slice %arg13[%dma_start3A_630, %dma_start3A_631] : memref<10016x32xbf16, #tpu.memory_space<vmem_shared>> -> memref<10016x32xbf16, #tpu.memory_space<vmem_shared>>
      tpu.enqueue_indirect_dma source(%dma_start3A_626 : memref<128x32xbf16, #tpu.memory_space<vmem>>) target(%dma_start3A_632 : memref<10016x32xbf16, #tpu.memory_space<vmem_shared>>) offsets(%dma_start3A_629 : memref<128xi32, #tpu.memory_space<vmem>>) semaphore(%arg20 : memref<!tpu.dma_semaphore, #tpu.memory_space<semaphore_mem>>) {add = true}
      %dma_start3A_633 = arith.constant 7 : i32
      %dma_start3A_634 = arith.constant 7 : i32
      %dma_start3A_635 = arith.constant 0 : i32
      %dma_start3A_636 = arith.constant 0 : i32
      %dma_start3A_637 = tpu.memref_slice %arg12[%dma_start3A_633, %dma_start3A_635, %dma_start3A_636] : memref<8x128x32xbf16, #tpu.memory_space<vmem>> -> memref<1x128x32xbf16, #tpu.memory_space<vmem>>
      %dma_start3A_638 = tpu.memref_squeeze %dma_start3A_637 : memref<1x128x32xbf16, #tpu.memory_space<vmem>> -> memref<128x32xbf16, #tpu.memory_space<vmem>>
      %dma_start3A_639 = arith.constant 0 : i32
      %dma_start3A_640 = tpu.memref_slice %arg10[%dma_start3A_634, %dma_start3A_639] : memref<8x128xi32, #tpu.memory_space<vmem>> -> memref<1x128xi32, #tpu.memory_space<vmem>>
      %dma_start3A_641 = tpu.memref_squeeze %dma_start3A_640 : memref<1x128xi32, #tpu.memory_space<vmem>> -> memref<128xi32, #tpu.memory_space<vmem>>
      %dma_start3A_642 = arith.constant 0 : i32
      %dma_start3A_643 = arith.constant 0 : i32
      %dma_start3A_644 = tpu.memref_slice %arg13[%dma_start3A_642, %dma_start3A_643] : memref<10016x32xbf16, #tpu.memory_space<vmem_shared>> -> memref<10016x32xbf16, #tpu.memory_space<vmem_shared>>
      tpu.enqueue_indirect_dma source(%dma_start3A_638 : memref<128x32xbf16, #tpu.memory_space<vmem>>) target(%dma_start3A_644 : memref<10016x32xbf16, #tpu.memory_space<vmem_shared>>) offsets(%dma_start3A_641 : memref<128xi32, #tpu.memory_space<vmem>>) semaphore(%arg20 : memref<!tpu.dma_semaphore, #tpu.memory_space<semaphore_mem>>) {add = true}
      %dma_wait3A_645 = arith.constant 0 : i32
      %dma_wait3A_646 = arith.constant 0 : i32
      %dma_wait3A_647 = arith.constant 0 : i32
      %dma_wait3A_648 = arith.constant 0 : i32
      %dma_wait3A_649 = tpu.memref_slice %arg11[%dma_wait3A_645, %dma_wait3A_647, %dma_wait3A_648] : memref<8x128x32xbf16, #tpu.memory_space<vmem>> -> memref<1x128x32xbf16, #tpu.memory_space<vmem>>
      %dma_wait3A_650 = tpu.memref_squeeze %dma_wait3A_649 : memref<1x128x32xbf16, #tpu.memory_space<vmem>> -> memref<128x32xbf16, #tpu.memory_space<vmem>>
      %dma_wait3A_651 = arith.constant 0 : i32
      %dma_wait3A_652 = tpu.memref_slice %arg9[%dma_wait3A_646, %dma_wait3A_651] : memref<8x128xi32, #tpu.memory_space<vmem>> -> memref<1x128xi32, #tpu.memory_space<vmem>>
      %dma_wait3A_653 = tpu.memref_squeeze %dma_wait3A_652 : memref<1x128xi32, #tpu.memory_space<vmem>> -> memref<128xi32, #tpu.memory_space<vmem>>
      %dma_wait3A_654 = arith.constant 0 : i32
      %dma_wait3A_655 = arith.constant 0 : i32
      %dma_wait3A_656 = tpu.memref_slice %arg13[%dma_wait3A_654, %dma_wait3A_655] : memref<10016x32xbf16, #tpu.memory_space<vmem_shared>> -> memref<10016x32xbf16, #tpu.memory_space<vmem_shared>>
      tpu.wait_indirect_dma semaphore(%arg19 : memref<!tpu.dma_semaphore, #tpu.memory_space<semaphore_mem>>) src(%dma_wait3A_650 : memref<128x32xbf16, #tpu.memory_space<vmem>>) dst(%dma_wait3A_656 : memref<10016x32xbf16, #tpu.memory_space<vmem_shared>>)
      %dma_wait3A_657 = arith.constant 1 : i32
      %dma_wait3A_658 = arith.constant 1 : i32
      %dma_wait3A_659 = arith.constant 0 : i32
      %dma_wait3A_660 = arith.constant 0 : i32
      %dma_wait3A_661 = tpu.memref_slice %arg11[%dma_wait3A_657, %dma_wait3A_659, %dma_wait3A_660] : memref<8x128x32xbf16, #tpu.memory_space<vmem>> -> memref<1x128x32xbf16, #tpu.memory_space<vmem>>
      %dma_wait3A_662 = tpu.memref_squeeze %dma_wait3A_661 : memref<1x128x32xbf16, #tpu.memory_space<vmem>> -> memref<128x32xbf16, #tpu.memory_space<vmem>>
      %dma_wait3A_663 = arith.constant 0 : i32
      %dma_wait3A_664 = tpu.memref_slice %arg9[%dma_wait3A_658, %dma_wait3A_663] : memref<8x128xi32, #tpu.memory_space<vmem>> -> memref<1x128xi32, #tpu.memory_space<vmem>>
      %dma_wait3A_665 = tpu.memref_squeeze %dma_wait3A_664 : memref<1x128xi32, #tpu.memory_space<vmem>> -> memref<128xi32, #tpu.memory_space<vmem>>
      %dma_wait3A_666 = arith.constant 0 : i32
      %dma_wait3A_667 = arith.constant 0 : i32
      %dma_wait3A_668 = tpu.memref_slice %arg13[%dma_wait3A_666, %dma_wait3A_667] : memref<10016x32xbf16, #tpu.memory_space<vmem_shared>> -> memref<10016x32xbf16, #tpu.memory_space<vmem_shared>>
      tpu.wait_indirect_dma semaphore(%arg19 : memref<!tpu.dma_semaphore, #tpu.memory_space<semaphore_mem>>) src(%dma_wait3A_662 : memref<128x32xbf16, #tpu.memory_space<vmem>>) dst(%dma_wait3A_668 : memref<10016x32xbf16, #tpu.memory_space<vmem_shared>>)
      %dma_wait3A_669 = arith.constant 2 : i32
      %dma_wait3A_670 = arith.constant 2 : i32
      %dma_wait3A_671 = arith.constant 0 : i32
      %dma_wait3A_672 = arith.constant 0 : i32
      %dma_wait3A_673 = tpu.memref_slice %arg11[%dma_wait3A_669, %dma_wait3A_671, %dma_wait3A_672] : memref<8x128x32xbf16, #tpu.memory_space<vmem>> -> memref<1x128x32xbf16, #tpu.memory_space<vmem>>
      %dma_wait3A_674 = tpu.memref_squeeze %dma_wait3A_673 : memref<1x128x32xbf16, #tpu.memory_space<vmem>> -> memref<128x32xbf16, #tpu.memory_space<vmem>>
      %dma_wait3A_675 = arith.constant 0 : i32
      %dma_wait3A_676 = tpu.memref_slice %arg9[%dma_wait3A_670, %dma_wait3A_675] : memref<8x128xi32, #tpu.memory_space<vmem>> -> memref<1x128xi32, #tpu.memory_space<vmem>>
      %dma_wait3A_677 = tpu.memref_squeeze %dma_wait3A_676 : memref<1x128xi32, #tpu.memory_space<vmem>> -> memref<128xi32, #tpu.memory_space<vmem>>
      %dma_wait3A_678 = arith.constant 0 : i32
      %dma_wait3A_679 = arith.constant 0 : i32
      %dma_wait3A_680 = tpu.memref_slice %arg13[%dma_wait3A_678, %dma_wait3A_679] : memref<10016x32xbf16, #tpu.memory_space<vmem_shared>> -> memref<10016x32xbf16, #tpu.memory_space<vmem_shared>>
      tpu.wait_indirect_dma semaphore(%arg19 : memref<!tpu.dma_semaphore, #tpu.memory_space<semaphore_mem>>) src(%dma_wait3A_674 : memref<128x32xbf16, #tpu.memory_space<vmem>>) dst(%dma_wait3A_680 : memref<10016x32xbf16, #tpu.memory_space<vmem_shared>>)
      %dma_wait3A_681 = arith.constant 3 : i32
      %dma_wait3A_682 = arith.constant 3 : i32
      %dma_wait3A_683 = arith.constant 0 : i32
      %dma_wait3A_684 = arith.constant 0 : i32
      %dma_wait3A_685 = tpu.memref_slice %arg11[%dma_wait3A_681, %dma_wait3A_683, %dma_wait3A_684] : memref<8x128x32xbf16, #tpu.memory_space<vmem>> -> memref<1x128x32xbf16, #tpu.memory_space<vmem>>
      %dma_wait3A_686 = tpu.memref_squeeze %dma_wait3A_685 : memref<1x128x32xbf16, #tpu.memory_space<vmem>> -> memref<128x32xbf16, #tpu.memory_space<vmem>>
      %dma_wait3A_687 = arith.constant 0 : i32
      %dma_wait3A_688 = tpu.memref_slice %arg9[%dma_wait3A_682, %dma_wait3A_687] : memref<8x128xi32, #tpu.memory_space<vmem>> -> memref<1x128xi32, #tpu.memory_space<vmem>>
      %dma_wait3A_689 = tpu.memref_squeeze %dma_wait3A_688 : memref<1x128xi32, #tpu.memory_space<vmem>> -> memref<128xi32, #tpu.memory_space<vmem>>
      %dma_wait3A_690 = arith.constant 0 : i32
      %dma_wait3A_691 = arith.constant 0 : i32
      %dma_wait3A_692 = tpu.memref_slice %arg13[%dma_wait3A_690, %dma_wait3A_691] : memref<10016x32xbf16, #tpu.memory_space<vmem_shared>> -> memref<10016x32xbf16, #tpu.memory_space<vmem_shared>>
      tpu.wait_indirect_dma semaphore(%arg19 : memref<!tpu.dma_semaphore, #tpu.memory_space<semaphore_mem>>) src(%dma_wait3A_686 : memref<128x32xbf16, #tpu.memory_space<vmem>>) dst(%dma_wait3A_692 : memref<10016x32xbf16, #tpu.memory_space<vmem_shared>>)
      %dma_wait3A_693 = arith.constant 4 : i32
      %dma_wait3A_694 = arith.constant 4 : i32
      %dma_wait3A_695 = arith.constant 0 : i32
      %dma_wait3A_696 = arith.constant 0 : i32
      %dma_wait3A_697 = tpu.memref_slice %arg11[%dma_wait3A_693, %dma_wait3A_695, %dma_wait3A_696] : memref<8x128x32xbf16, #tpu.memory_space<vmem>> -> memref<1x128x32xbf16, #tpu.memory_space<vmem>>
      %dma_wait3A_698 = tpu.memref_squeeze %dma_wait3A_697 : memref<1x128x32xbf16, #tpu.memory_space<vmem>> -> memref<128x32xbf16, #tpu.memory_space<vmem>>
      %dma_wait3A_699 = arith.constant 0 : i32
      %dma_wait3A_700 = tpu.memref_slice %arg9[%dma_wait3A_694, %dma_wait3A_699] : memref<8x128xi32, #tpu.memory_space<vmem>> -> memref<1x128xi32, #tpu.memory_space<vmem>>
      %dma_wait3A_701 = tpu.memref_squeeze %dma_wait3A_700 : memref<1x128xi32, #tpu.memory_space<vmem>> -> memref<128xi32, #tpu.memory_space<vmem>>
      %dma_wait3A_702 = arith.constant 0 : i32
      %dma_wait3A_703 = arith.constant 0 : i32
      %dma_wait3A_704 = tpu.memref_slice %arg13[%dma_wait3A_702, %dma_wait3A_703] : memref<10016x32xbf16, #tpu.memory_space<vmem_shared>> -> memref<10016x32xbf16, #tpu.memory_space<vmem_shared>>
      tpu.wait_indirect_dma semaphore(%arg19 : memref<!tpu.dma_semaphore, #tpu.memory_space<semaphore_mem>>) src(%dma_wait3A_698 : memref<128x32xbf16, #tpu.memory_space<vmem>>) dst(%dma_wait3A_704 : memref<10016x32xbf16, #tpu.memory_space<vmem_shared>>)
      %dma_wait3A_705 = arith.constant 5 : i32
      %dma_wait3A_706 = arith.constant 5 : i32
      %dma_wait3A_707 = arith.constant 0 : i32
      %dma_wait3A_708 = arith.constant 0 : i32
      %dma_wait3A_709 = tpu.memref_slice %arg11[%dma_wait3A_705, %dma_wait3A_707, %dma_wait3A_708] : memref<8x128x32xbf16, #tpu.memory_space<vmem>> -> memref<1x128x32xbf16, #tpu.memory_space<vmem>>
      %dma_wait3A_710 = tpu.memref_squeeze %dma_wait3A_709 : memref<1x128x32xbf16, #tpu.memory_space<vmem>> -> memref<128x32xbf16, #tpu.memory_space<vmem>>
      %dma_wait3A_711 = arith.constant 0 : i32
      %dma_wait3A_712 = tpu.memref_slice %arg9[%dma_wait3A_706, %dma_wait3A_711] : memref<8x128xi32, #tpu.memory_space<vmem>> -> memref<1x128xi32, #tpu.memory_space<vmem>>
      %dma_wait3A_713 = tpu.memref_squeeze %dma_wait3A_712 : memref<1x128xi32, #tpu.memory_space<vmem>> -> memref<128xi32, #tpu.memory_space<vmem>>
      %dma_wait3A_714 = arith.constant 0 : i32
      %dma_wait3A_715 = arith.constant 0 : i32
      %dma_wait3A_716 = tpu.memref_slice %arg13[%dma_wait3A_714, %dma_wait3A_715] : memref<10016x32xbf16, #tpu.memory_space<vmem_shared>> -> memref<10016x32xbf16, #tpu.memory_space<vmem_shared>>
      tpu.wait_indirect_dma semaphore(%arg19 : memref<!tpu.dma_semaphore, #tpu.memory_space<semaphore_mem>>) src(%dma_wait3A_710 : memref<128x32xbf16, #tpu.memory_space<vmem>>) dst(%dma_wait3A_716 : memref<10016x32xbf16, #tpu.memory_space<vmem_shared>>)
      %dma_wait3A_717 = arith.constant 6 : i32
      %dma_wait3A_718 = arith.constant 6 : i32
      %dma_wait3A_719 = arith.constant 0 : i32
      %dma_wait3A_720 = arith.constant 0 : i32
      %dma_wait3A_721 = tpu.memref_slice %arg11[%dma_wait3A_717, %dma_wait3A_719, %dma_wait3A_720] : memref<8x128x32xbf16, #tpu.memory_space<vmem>> -> memref<1x128x32xbf16, #tpu.memory_space<vmem>>
      %dma_wait3A_722 = tpu.memref_squeeze %dma_wait3A_721 : memref<1x128x32xbf16, #tpu.memory_space<vmem>> -> memref<128x32xbf16, #tpu.memory_space<vmem>>
      %dma_wait3A_723 = arith.constant 0 : i32
      %dma_wait3A_724 = tpu.memref_slice %arg9[%dma_wait3A_718, %dma_wait3A_723] : memref<8x128xi32, #tpu.memory_space<vmem>> -> memref<1x128xi32, #tpu.memory_space<vmem>>
      %dma_wait3A_725 = tpu.memref_squeeze %dma_wait3A_724 : memref<1x128xi32, #tpu.memory_space<vmem>> -> memref<128xi32, #tpu.memory_space<vmem>>
      %dma_wait3A_726 = arith.constant 0 : i32
      %dma_wait3A_727 = arith.constant 0 : i32
      %dma_wait3A_728 = tpu.memref_slice %arg13[%dma_wait3A_726, %dma_wait3A_727] : memref<10016x32xbf16, #tpu.memory_space<vmem_shared>> -> memref<10016x32xbf16, #tpu.memory_space<vmem_shared>>
      tpu.wait_indirect_dma semaphore(%arg19 : memref<!tpu.dma_semaphore, #tpu.memory_space<semaphore_mem>>) src(%dma_wait3A_722 : memref<128x32xbf16, #tpu.memory_space<vmem>>) dst(%dma_wait3A_728 : memref<10016x32xbf16, #tpu.memory_space<vmem_shared>>)
      %dma_wait3A_729 = arith.constant 7 : i32
      %dma_wait3A_730 = arith.constant 7 : i32
      %dma_wait3A_731 = arith.constant 0 : i32
      %dma_wait3A_732 = arith.constant 0 : i32
      %dma_wait3A_733 = tpu.memref_slice %arg11[%dma_wait3A_729, %dma_wait3A_731, %dma_wait3A_732] : memref<8x128x32xbf16, #tpu.memory_space<vmem>> -> memref<1x128x32xbf16, #tpu.memory_space<vmem>>
      %dma_wait3A_734 = tpu.memref_squeeze %dma_wait3A_733 : memref<1x128x32xbf16, #tpu.memory_space<vmem>> -> memref<128x32xbf16, #tpu.memory_space<vmem>>
      %dma_wait3A_735 = arith.constant 0 : i32
      %dma_wait3A_736 = tpu.memref_slice %arg9[%dma_wait3A_730, %dma_wait3A_735] : memref<8x128xi32, #tpu.memory_space<vmem>> -> memref<1x128xi32, #tpu.memory_space<vmem>>
      %dma_wait3A_737 = tpu.memref_squeeze %dma_wait3A_736 : memref<1x128xi32, #tpu.memory_space<vmem>> -> memref<128xi32, #tpu.memory_space<vmem>>
      %dma_wait3A_738 = arith.constant 0 : i32
      %dma_wait3A_739 = arith.constant 0 : i32
      %dma_wait3A_740 = tpu.memref_slice %arg13[%dma_wait3A_738, %dma_wait3A_739] : memref<10016x32xbf16, #tpu.memory_space<vmem_shared>> -> memref<10016x32xbf16, #tpu.memory_space<vmem_shared>>
      tpu.wait_indirect_dma semaphore(%arg19 : memref<!tpu.dma_semaphore, #tpu.memory_space<semaphore_mem>>) src(%dma_wait3A_734 : memref<128x32xbf16, #tpu.memory_space<vmem>>) dst(%dma_wait3A_740 : memref<10016x32xbf16, #tpu.memory_space<vmem_shared>>)
      %add3A_741 = arith.constant 0 : i32
      %add3A_742 = arith.addi %mul3A_45, %add3A_741 : i32
      %add3A_743 = arith.constant 2 : i32
      %add3A_744 = arith.addi %add3A_742, %add3A_743 : i32
      %lt3A = arith.constant 10 : i32
      %lt3A_745 = arith.cmpi slt, %add3A_744, %lt3A : i32
      %convert_element_type3A = arith.extui %lt3A_745 : i1 to i32
      %cond3A = arith.constant 0 : i32
      %cond3A_746 = arith.cmpi ne, %convert_element_type3A, %cond3A : i32
      scf.if %cond3A_746 {
        %add3A_852 = arith.constant 0 : i32
        %add3A_853 = arith.addi %mul3A_45, %add3A_852 : i32
        %add3A_854 = arith.constant 2 : i32
        %add3A_855 = arith.addi %add3A_853, %add3A_854 : i32
        %mul3A_856 = arith.constant 8 : i32
        %mul3A_857 = arith.muli %add3A_855, %mul3A_856 : i32
        %add3A_858 = arith.addi %mul3A_2, %mul3A_857 : i32
        %dma_start3A_859 = arith.constant 0 : i32
        %dma_start3A_860 = tpu.memref_slice %arg3[%add3A_858, %dma_start3A_859] : memref<2560x128xi32, #tpu.memory_space<hbm>> -> memref<8x128xi32, #tpu.memory_space<hbm>>
        %dma_start3A_861 = arith.constant 0 : i32
        %dma_start3A_862 = tpu.memref_slice %arg3[%add3A_858, %dma_start3A_861] : memref<2560x128xi32, #tpu.memory_space<hbm>> -> memref<8x128xi32, #tpu.memory_space<hbm>>
        tpu.enqueue_dma source(%dma_start3A_862 : memref<8x128xi32, #tpu.memory_space<hbm>>) target(%arg7 : memref<8x128xi32, #tpu.memory_space<vmem>>) target_semaphore(%arg15 : memref<!tpu.dma_semaphore, #tpu.memory_space<semaphore_mem>>)
        %dma_start3A_863 = arith.constant 0 : i32
        %dma_start3A_864 = tpu.memref_slice %arg4[%add3A_858, %dma_start3A_863] : memref<2560x128xi32, #tpu.memory_space<hbm>> -> memref<8x128xi32, #tpu.memory_space<hbm>>
        %dma_start3A_865 = arith.constant 0 : i32
        %dma_start3A_866 = tpu.memref_slice %arg4[%add3A_858, %dma_start3A_865] : memref<2560x128xi32, #tpu.memory_space<hbm>> -> memref<8x128xi32, #tpu.memory_space<hbm>>
        tpu.enqueue_dma source(%dma_start3A_866 : memref<8x128xi32, #tpu.memory_space<hbm>>) target(%arg9 : memref<8x128xi32, #tpu.memory_space<vmem>>) target_semaphore(%arg15 : memref<!tpu.dma_semaphore, #tpu.memory_space<semaphore_mem>>)
      } else {
      }
      %dma_wait3A_747 = arith.constant 0 : i32
      %dma_wait3A_748 = arith.constant 0 : i32
      %dma_wait3A_749 = arith.constant 0 : i32
      %dma_wait3A_750 = arith.constant 0 : i32
      %dma_wait3A_751 = tpu.memref_slice %arg12[%dma_wait3A_747, %dma_wait3A_749, %dma_wait3A_750] : memref<8x128x32xbf16, #tpu.memory_space<vmem>> -> memref<1x128x32xbf16, #tpu.memory_space<vmem>>
      %dma_wait3A_752 = tpu.memref_squeeze %dma_wait3A_751 : memref<1x128x32xbf16, #tpu.memory_space<vmem>> -> memref<128x32xbf16, #tpu.memory_space<vmem>>
      %dma_wait3A_753 = arith.constant 0 : i32
      %dma_wait3A_754 = tpu.memref_slice %arg10[%dma_wait3A_748, %dma_wait3A_753] : memref<8x128xi32, #tpu.memory_space<vmem>> -> memref<1x128xi32, #tpu.memory_space<vmem>>
      %dma_wait3A_755 = tpu.memref_squeeze %dma_wait3A_754 : memref<1x128xi32, #tpu.memory_space<vmem>> -> memref<128xi32, #tpu.memory_space<vmem>>
      %dma_wait3A_756 = arith.constant 0 : i32
      %dma_wait3A_757 = arith.constant 0 : i32
      %dma_wait3A_758 = tpu.memref_slice %arg13[%dma_wait3A_756, %dma_wait3A_757] : memref<10016x32xbf16, #tpu.memory_space<vmem_shared>> -> memref<10016x32xbf16, #tpu.memory_space<vmem_shared>>
      tpu.wait_indirect_dma semaphore(%arg20 : memref<!tpu.dma_semaphore, #tpu.memory_space<semaphore_mem>>) src(%dma_wait3A_752 : memref<128x32xbf16, #tpu.memory_space<vmem>>) dst(%dma_wait3A_758 : memref<10016x32xbf16, #tpu.memory_space<vmem_shared>>)
      %dma_wait3A_759 = arith.constant 1 : i32
      %dma_wait3A_760 = arith.constant 1 : i32
      %dma_wait3A_761 = arith.constant 0 : i32
      %dma_wait3A_762 = arith.constant 0 : i32
      %dma_wait3A_763 = tpu.memref_slice %arg12[%dma_wait3A_759, %dma_wait3A_761, %dma_wait3A_762] : memref<8x128x32xbf16, #tpu.memory_space<vmem>> -> memref<1x128x32xbf16, #tpu.memory_space<vmem>>
      %dma_wait3A_764 = tpu.memref_squeeze %dma_wait3A_763 : memref<1x128x32xbf16, #tpu.memory_space<vmem>> -> memref<128x32xbf16, #tpu.memory_space<vmem>>
      %dma_wait3A_765 = arith.constant 0 : i32
      %dma_wait3A_766 = tpu.memref_slice %arg10[%dma_wait3A_760, %dma_wait3A_765] : memref<8x128xi32, #tpu.memory_space<vmem>> -> memref<1x128xi32, #tpu.memory_space<vmem>>
      %dma_wait3A_767 = tpu.memref_squeeze %dma_wait3A_766 : memref<1x128xi32, #tpu.memory_space<vmem>> -> memref<128xi32, #tpu.memory_space<vmem>>
      %dma_wait3A_768 = arith.constant 0 : i32
      %dma_wait3A_769 = arith.constant 0 : i32
      %dma_wait3A_770 = tpu.memref_slice %arg13[%dma_wait3A_768, %dma_wait3A_769] : memref<10016x32xbf16, #tpu.memory_space<vmem_shared>> -> memref<10016x32xbf16, #tpu.memory_space<vmem_shared>>
      tpu.wait_indirect_dma semaphore(%arg20 : memref<!tpu.dma_semaphore, #tpu.memory_space<semaphore_mem>>) src(%dma_wait3A_764 : memref<128x32xbf16, #tpu.memory_space<vmem>>) dst(%dma_wait3A_770 : memref<10016x32xbf16, #tpu.memory_space<vmem_shared>>)
      %dma_wait3A_771 = arith.constant 2 : i32
      %dma_wait3A_772 = arith.constant 2 : i32
      %dma_wait3A_773 = arith.constant 0 : i32
      %dma_wait3A_774 = arith.constant 0 : i32
      %dma_wait3A_775 = tpu.memref_slice %arg12[%dma_wait3A_771, %dma_wait3A_773, %dma_wait3A_774] : memref<8x128x32xbf16, #tpu.memory_space<vmem>> -> memref<1x128x32xbf16, #tpu.memory_space<vmem>>
      %dma_wait3A_776 = tpu.memref_squeeze %dma_wait3A_775 : memref<1x128x32xbf16, #tpu.memory_space<vmem>> -> memref<128x32xbf16, #tpu.memory_space<vmem>>
      %dma_wait3A_777 = arith.constant 0 : i32
      %dma_wait3A_778 = tpu.memref_slice %arg10[%dma_wait3A_772, %dma_wait3A_777] : memref<8x128xi32, #tpu.memory_space<vmem>> -> memref<1x128xi32, #tpu.memory_space<vmem>>
      %dma_wait3A_779 = tpu.memref_squeeze %dma_wait3A_778 : memref<1x128xi32, #tpu.memory_space<vmem>> -> memref<128xi32, #tpu.memory_space<vmem>>
      %dma_wait3A_780 = arith.constant 0 : i32
      %dma_wait3A_781 = arith.constant 0 : i32
      %dma_wait3A_782 = tpu.memref_slice %arg13[%dma_wait3A_780, %dma_wait3A_781] : memref<10016x32xbf16, #tpu.memory_space<vmem_shared>> -> memref<10016x32xbf16, #tpu.memory_space<vmem_shared>>
      tpu.wait_indirect_dma semaphore(%arg20 : memref<!tpu.dma_semaphore, #tpu.memory_space<semaphore_mem>>) src(%dma_wait3A_776 : memref<128x32xbf16, #tpu.memory_space<vmem>>) dst(%dma_wait3A_782 : memref<10016x32xbf16, #tpu.memory_space<vmem_shared>>)
      %dma_wait3A_783 = arith.constant 3 : i32
      %dma_wait3A_784 = arith.constant 3 : i32
      %dma_wait3A_785 = arith.constant 0 : i32
      %dma_wait3A_786 = arith.constant 0 : i32
      %dma_wait3A_787 = tpu.memref_slice %arg12[%dma_wait3A_783, %dma_wait3A_785, %dma_wait3A_786] : memref<8x128x32xbf16, #tpu.memory_space<vmem>> -> memref<1x128x32xbf16, #tpu.memory_space<vmem>>
      %dma_wait3A_788 = tpu.memref_squeeze %dma_wait3A_787 : memref<1x128x32xbf16, #tpu.memory_space<vmem>> -> memref<128x32xbf16, #tpu.memory_space<vmem>>
      %dma_wait3A_789 = arith.constant 0 : i32
      %dma_wait3A_790 = tpu.memref_slice %arg10[%dma_wait3A_784, %dma_wait3A_789] : memref<8x128xi32, #tpu.memory_space<vmem>> -> memref<1x128xi32, #tpu.memory_space<vmem>>
      %dma_wait3A_791 = tpu.memref_squeeze %dma_wait3A_790 : memref<1x128xi32, #tpu.memory_space<vmem>> -> memref<128xi32, #tpu.memory_space<vmem>>
      %dma_wait3A_792 = arith.constant 0 : i32
      %dma_wait3A_793 = arith.constant 0 : i32
      %dma_wait3A_794 = tpu.memref_slice %arg13[%dma_wait3A_792, %dma_wait3A_793] : memref<10016x32xbf16, #tpu.memory_space<vmem_shared>> -> memref<10016x32xbf16, #tpu.memory_space<vmem_shared>>
      tpu.wait_indirect_dma semaphore(%arg20 : memref<!tpu.dma_semaphore, #tpu.memory_space<semaphore_mem>>) src(%dma_wait3A_788 : memref<128x32xbf16, #tpu.memory_space<vmem>>) dst(%dma_wait3A_794 : memref<10016x32xbf16, #tpu.memory_space<vmem_shared>>)
      %dma_wait3A_795 = arith.constant 4 : i32
      %dma_wait3A_796 = arith.constant 4 : i32
      %dma_wait3A_797 = arith.constant 0 : i32
      %dma_wait3A_798 = arith.constant 0 : i32
      %dma_wait3A_799 = tpu.memref_slice %arg12[%dma_wait3A_795, %dma_wait3A_797, %dma_wait3A_798] : memref<8x128x32xbf16, #tpu.memory_space<vmem>> -> memref<1x128x32xbf16, #tpu.memory_space<vmem>>
      %dma_wait3A_800 = tpu.memref_squeeze %dma_wait3A_799 : memref<1x128x32xbf16, #tpu.memory_space<vmem>> -> memref<128x32xbf16, #tpu.memory_space<vmem>>
      %dma_wait3A_801 = arith.constant 0 : i32
      %dma_wait3A_802 = tpu.memref_slice %arg10[%dma_wait3A_796, %dma_wait3A_801] : memref<8x128xi32, #tpu.memory_space<vmem>> -> memref<1x128xi32, #tpu.memory_space<vmem>>
      %dma_wait3A_803 = tpu.memref_squeeze %dma_wait3A_802 : memref<1x128xi32, #tpu.memory_space<vmem>> -> memref<128xi32, #tpu.memory_space<vmem>>
      %dma_wait3A_804 = arith.constant 0 : i32
      %dma_wait3A_805 = arith.constant 0 : i32
      %dma_wait3A_806 = tpu.memref_slice %arg13[%dma_wait3A_804, %dma_wait3A_805] : memref<10016x32xbf16, #tpu.memory_space<vmem_shared>> -> memref<10016x32xbf16, #tpu.memory_space<vmem_shared>>
      tpu.wait_indirect_dma semaphore(%arg20 : memref<!tpu.dma_semaphore, #tpu.memory_space<semaphore_mem>>) src(%dma_wait3A_800 : memref<128x32xbf16, #tpu.memory_space<vmem>>) dst(%dma_wait3A_806 : memref<10016x32xbf16, #tpu.memory_space<vmem_shared>>)
      %dma_wait3A_807 = arith.constant 5 : i32
      %dma_wait3A_808 = arith.constant 5 : i32
      %dma_wait3A_809 = arith.constant 0 : i32
      %dma_wait3A_810 = arith.constant 0 : i32
      %dma_wait3A_811 = tpu.memref_slice %arg12[%dma_wait3A_807, %dma_wait3A_809, %dma_wait3A_810] : memref<8x128x32xbf16, #tpu.memory_space<vmem>> -> memref<1x128x32xbf16, #tpu.memory_space<vmem>>
      %dma_wait3A_812 = tpu.memref_squeeze %dma_wait3A_811 : memref<1x128x32xbf16, #tpu.memory_space<vmem>> -> memref<128x32xbf16, #tpu.memory_space<vmem>>
      %dma_wait3A_813 = arith.constant 0 : i32
      %dma_wait3A_814 = tpu.memref_slice %arg10[%dma_wait3A_808, %dma_wait3A_813] : memref<8x128xi32, #tpu.memory_space<vmem>> -> memref<1x128xi32, #tpu.memory_space<vmem>>
      %dma_wait3A_815 = tpu.memref_squeeze %dma_wait3A_814 : memref<1x128xi32, #tpu.memory_space<vmem>> -> memref<128xi32, #tpu.memory_space<vmem>>
      %dma_wait3A_816 = arith.constant 0 : i32
      %dma_wait3A_817 = arith.constant 0 : i32
      %dma_wait3A_818 = tpu.memref_slice %arg13[%dma_wait3A_816, %dma_wait3A_817] : memref<10016x32xbf16, #tpu.memory_space<vmem_shared>> -> memref<10016x32xbf16, #tpu.memory_space<vmem_shared>>
      tpu.wait_indirect_dma semaphore(%arg20 : memref<!tpu.dma_semaphore, #tpu.memory_space<semaphore_mem>>) src(%dma_wait3A_812 : memref<128x32xbf16, #tpu.memory_space<vmem>>) dst(%dma_wait3A_818 : memref<10016x32xbf16, #tpu.memory_space<vmem_shared>>)
      %dma_wait3A_819 = arith.constant 6 : i32
      %dma_wait3A_820 = arith.constant 6 : i32
      %dma_wait3A_821 = arith.constant 0 : i32
      %dma_wait3A_822 = arith.constant 0 : i32
      %dma_wait3A_823 = tpu.memref_slice %arg12[%dma_wait3A_819, %dma_wait3A_821, %dma_wait3A_822] : memref<8x128x32xbf16, #tpu.memory_space<vmem>> -> memref<1x128x32xbf16, #tpu.memory_space<vmem>>
      %dma_wait3A_824 = tpu.memref_squeeze %dma_wait3A_823 : memref<1x128x32xbf16, #tpu.memory_space<vmem>> -> memref<128x32xbf16, #tpu.memory_space<vmem>>
      %dma_wait3A_825 = arith.constant 0 : i32
      %dma_wait3A_826 = tpu.memref_slice %arg10[%dma_wait3A_820, %dma_wait3A_825] : memref<8x128xi32, #tpu.memory_space<vmem>> -> memref<1x128xi32, #tpu.memory_space<vmem>>
      %dma_wait3A_827 = tpu.memref_squeeze %dma_wait3A_826 : memref<1x128xi32, #tpu.memory_space<vmem>> -> memref<128xi32, #tpu.memory_space<vmem>>
      %dma_wait3A_828 = arith.constant 0 : i32
      %dma_wait3A_829 = arith.constant 0 : i32
      %dma_wait3A_830 = tpu.memref_slice %arg13[%dma_wait3A_828, %dma_wait3A_829] : memref<10016x32xbf16, #tpu.memory_space<vmem_shared>> -> memref<10016x32xbf16, #tpu.memory_space<vmem_shared>>
      tpu.wait_indirect_dma semaphore(%arg20 : memref<!tpu.dma_semaphore, #tpu.memory_space<semaphore_mem>>) src(%dma_wait3A_824 : memref<128x32xbf16, #tpu.memory_space<vmem>>) dst(%dma_wait3A_830 : memref<10016x32xbf16, #tpu.memory_space<vmem_shared>>)
      %dma_wait3A_831 = arith.constant 7 : i32
      %dma_wait3A_832 = arith.constant 7 : i32
      %dma_wait3A_833 = arith.constant 0 : i32
      %dma_wait3A_834 = arith.constant 0 : i32
      %dma_wait3A_835 = tpu.memref_slice %arg12[%dma_wait3A_831, %dma_wait3A_833, %dma_wait3A_834] : memref<8x128x32xbf16, #tpu.memory_space<vmem>> -> memref<1x128x32xbf16, #tpu.memory_space<vmem>>
      %dma_wait3A_836 = tpu.memref_squeeze %dma_wait3A_835 : memref<1x128x32xbf16, #tpu.memory_space<vmem>> -> memref<128x32xbf16, #tpu.memory_space<vmem>>
      %dma_wait3A_837 = arith.constant 0 : i32
      %dma_wait3A_838 = tpu.memref_slice %arg10[%dma_wait3A_832, %dma_wait3A_837] : memref<8x128xi32, #tpu.memory_space<vmem>> -> memref<1x128xi32, #tpu.memory_space<vmem>>
      %dma_wait3A_839 = tpu.memref_squeeze %dma_wait3A_838 : memref<1x128xi32, #tpu.memory_space<vmem>> -> memref<128xi32, #tpu.memory_space<vmem>>
      %dma_wait3A_840 = arith.constant 0 : i32
      %dma_wait3A_841 = arith.constant 0 : i32
      %dma_wait3A_842 = tpu.memref_slice %arg13[%dma_wait3A_840, %dma_wait3A_841] : memref<10016x32xbf16, #tpu.memory_space<vmem_shared>> -> memref<10016x32xbf16, #tpu.memory_space<vmem_shared>>
      tpu.wait_indirect_dma semaphore(%arg20 : memref<!tpu.dma_semaphore, #tpu.memory_space<semaphore_mem>>) src(%dma_wait3A_836 : memref<128x32xbf16, #tpu.memory_space<vmem>>) dst(%dma_wait3A_842 : memref<10016x32xbf16, #tpu.memory_space<vmem_shared>>)
      %add3A_843 = arith.constant 1 : i32
      %add3A_844 = arith.addi %mul3A_45, %add3A_843 : i32
      %add3A_845 = arith.constant 2 : i32
      %add3A_846 = arith.addi %add3A_844, %add3A_845 : i32
      %lt3A_847 = arith.constant 10 : i32
      %lt3A_848 = arith.cmpi slt, %add3A_846, %lt3A_847 : i32
      %convert_element_type3A_849 = arith.extui %lt3A_848 : i1 to i32
      %cond3A_850 = arith.constant 0 : i32
      %cond3A_851 = arith.cmpi ne, %convert_element_type3A_849, %cond3A_850 : i32
      scf.if %cond3A_851 {
        %add3A_852 = arith.constant 1 : i32
        %add3A_853 = arith.addi %mul3A_45, %add3A_852 : i32
        %add3A_854 = arith.constant 2 : i32
        %add3A_855 = arith.addi %add3A_853, %add3A_854 : i32
        %mul3A_856 = arith.constant 8 : i32
        %mul3A_857 = arith.muli %add3A_855, %mul3A_856 : i32
        %add3A_858 = arith.addi %mul3A_2, %mul3A_857 : i32
        %dma_start3A_859 = arith.constant 0 : i32
        %dma_start3A_860 = tpu.memref_slice %arg3[%add3A_858, %dma_start3A_859] : memref<2560x128xi32, #tpu.memory_space<hbm>> -> memref<8x128xi32, #tpu.memory_space<hbm>>
        %dma_start3A_861 = arith.constant 0 : i32
        %dma_start3A_862 = tpu.memref_slice %arg3[%add3A_858, %dma_start3A_861] : memref<2560x128xi32, #tpu.memory_space<hbm>> -> memref<8x128xi32, #tpu.memory_space<hbm>>
        tpu.enqueue_dma source(%dma_start3A_862 : memref<8x128xi32, #tpu.memory_space<hbm>>) target(%arg8 : memref<8x128xi32, #tpu.memory_space<vmem>>) target_semaphore(%arg16 : memref<!tpu.dma_semaphore, #tpu.memory_space<semaphore_mem>>)
        %dma_start3A_863 = arith.constant 0 : i32
        %dma_start3A_864 = tpu.memref_slice %arg4[%add3A_858, %dma_start3A_863] : memref<2560x128xi32, #tpu.memory_space<hbm>> -> memref<8x128xi32, #tpu.memory_space<hbm>>
        %dma_start3A_865 = arith.constant 0 : i32
        %dma_start3A_866 = tpu.memref_slice %arg4[%add3A_858, %dma_start3A_865] : memref<2560x128xi32, #tpu.memory_space<hbm>> -> memref<8x128xi32, #tpu.memory_space<hbm>>
        tpu.enqueue_dma source(%dma_start3A_866 : memref<8x128xi32, #tpu.memory_space<hbm>>) target(%arg10 : memref<8x128xi32, #tpu.memory_space<vmem>>) target_semaphore(%arg16 : memref<!tpu.dma_semaphore, #tpu.memory_space<semaphore_mem>>)
      } else {
      }
    }
    %scan3A_33 = arith.constant 5 : i32
    %barrier3A_34 = arith.constant 0 : index
    tpu.barrier barrier_id(%barrier3A_34)
    %mul3A_35 = arith.constant 625 : i32
    %mul3A_36 = arith.muli %arg1, %mul3A_35 : i32
    %mul3A_37 = arith.constant 625 : i32
    %mul3A_38 = arith.muli %arg1, %mul3A_37 : i32
    "tpu.region"() ({
      %run_scoped3A = tpu.sem_alloc : memref<!tpu.dma_semaphore, #tpu.memory_space<semaphore_mem>>
      %dma_start3A_39 = arith.constant 0 : i32
      %dma_start3A_40 = tpu.memref_slice %arg6[%arg0, %mul3A_38, %dma_start3A_39] : memref<2x10000x32xbf16, #tpu.memory_space<hbm>> -> memref<1x625x32xbf16, #tpu.memory_space<hbm>>
      %dma_start3A_41 = tpu.memref_squeeze %dma_start3A_40 : memref<1x625x32xbf16, #tpu.memory_space<hbm>> -> memref<625x32xbf16, #tpu.memory_space<hbm>>
      %dma_start3A_42 = arith.constant 0 : i32
      %dma_start3A_43 = tpu.memref_slice %arg13[%mul3A_36, %dma_start3A_42] : memref<10016x32xbf16, #tpu.memory_space<vmem_shared>> -> memref<625x32xbf16, #tpu.memory_space<vmem_shared>>
      tpu.enqueue_dma source(%dma_start3A_43 : memref<625x32xbf16, #tpu.memory_space<vmem_shared>>) target(%dma_start3A_41 : memref<625x32xbf16, #tpu.memory_space<hbm>>) target_semaphore(%run_scoped3A : memref<!tpu.dma_semaphore, #tpu.memory_space<semaphore_mem>>)
      %dma_wait3A = arith.constant 0 : i32
      %dma_wait3A_44 = tpu.memref_slice %arg6[%arg0, %mul3A_38, %dma_wait3A] : memref<2x10000x32xbf16, #tpu.memory_space<hbm>> -> memref<1x625x32xbf16, #tpu.memory_space<hbm>>
      %dma_wait3A_45 = tpu.memref_squeeze %dma_wait3A_44 : memref<1x625x32xbf16, #tpu.memory_space<hbm>> -> memref<625x32xbf16, #tpu.memory_space<hbm>>
      %dma_wait3A_46 = arith.constant 0 : i32
      %dma_wait3A_47 = tpu.memref_slice %arg13[%mul3A_36, %dma_wait3A_46] : memref<10016x32xbf16, #tpu.memory_space<vmem_shared>> -> memref<625x32xbf16, #tpu.memory_space<vmem_shared>>
      tpu.wait_dma2 semaphore(%run_scoped3A : memref<!tpu.dma_semaphore, #tpu.memory_space<semaphore_mem>>) src(%dma_wait3A_47 : memref<625x32xbf16, #tpu.memory_space<vmem_shared>>) dst(%dma_wait3A_45 : memref<625x32xbf16, #tpu.memory_space<hbm>>)
      tpu.yield
    }) : () -> ()
    return
  }
}

module attributes {stable_mosaic.version = 14 : i64} {
  func.func @_tc1_body(%arg0: i32, %arg1: memref<5000x128xf32, #tpu.memory_space<vmem>>, %arg2: memref<128x32xf32, #tpu.memory_space<vmem>>, %arg3: memref<5000x32xf32, #tpu.memory_space<vmem>>, %arg4: memref<5000x32xbf16, #tpu.memory_space<vmem>>, %arg5: memref<5000x1xf32, #tpu.memory_space<vmem>>) attributes {dimension_semantics = [#tpu.dimension_semantics<arbitrary>], iteration_bounds = array<i64: 2>, scalar_prefetch = 0 : i64, scratch_operands = 0 : i64, tpu.core_type = #tpu.core_type<tc>, window_params = [{transform_indices = @transform_0, window_bounds = array<i64: 5000, 128>}, {pipeline_mode = #tpu.pipeline_mode<synchronous>, transform_indices = @transform_1, window_bounds = array<i64: 128, 32>}, {transform_indices = @transform_2, window_bounds = array<i64: 5000, 32>}, {transform_indices = @transform_3, window_bounds = array<i64: 5000, 32>}, {transform_indices = @transform_4, window_bounds = array<i64: 5000, 1>}]} {
    %get3A = arith.constant 0 : index
    %get3A_0 = arith.constant 0 : index
    %get3A_1 = vector.load %arg3[%get3A, %get3A_0] : memref<5000x32xf32, #tpu.memory_space<vmem>>, vector<5000x32xf32>
    %reduce_sum3A = arith.constant dense<0.000000e+00> : vector<5000xf32>
    %reduce_sum3A_2 = vector.multi_reduction <add>, %get3A_1, %reduce_sum3A [1] : vector<5000x32xf32> to vector<5000xf32>
    %broadcast_in_dim3A = vector.shape_cast %reduce_sum3A_2 : vector<5000xf32> to vector<5000x1xf32>
    %add3A = arith.constant 1.000000e+00 : f32
    %add3A_3 = vector.broadcast %add3A : f32 to vector<5000x1xf32>
    %add3A_4 = arith.addf %broadcast_in_dim3A, %add3A_3 : vector<5000x1xf32>
    %rsqrt3A = math.rsqrt %add3A_4 : vector<5000x1xf32>
    %get3A_5 = arith.constant 0 : index
    %get3A_6 = arith.constant 0 : index
    %get3A_7 = vector.load %arg1[%get3A_5, %get3A_6] : memref<5000x128xf32, #tpu.memory_space<vmem>>, vector<5000x128xf32>
    %get3A_8 = arith.constant 0 : index
    %get3A_9 = arith.constant 0 : index
    %get3A_10 = vector.load %arg2[%get3A_8, %get3A_9] : memref<128x32xf32, #tpu.memory_space<vmem>>, vector<128x32xf32>
    %dot_general3A = arith.constant dense<0.000000e+00> : vector<5000x32xf32>
    %dot_general3A_11 = tpu.matmul %get3A_7, %get3A_10, %dot_general3A {dimension_numbers = #tpu.dot_dimension_numbers<[1], [0], [0], [1], [0, 0, 1, 1], [], []>, transpose_lhs_hint = false} : vector<5000x128xf32>, vector<128x32xf32>, vector<5000x32xf32> -> vector<5000x32xf32>
    %mul3A = vector.broadcast %rsqrt3A : vector<5000x1xf32> to vector<5000x32xf32>
    %mul3A_12 = arith.mulf %dot_general3A_11, %mul3A : vector<5000x32xf32>
    %convert_element_type3A = arith.truncf %mul3A_12 : vector<5000x32xf32> to vector<5000x32xbf16>
    %swap3A = arith.constant 0 : index
    %swap3A_13 = arith.constant 0 : index
    %swap3A_14 = vector.load %arg4[%swap3A, %swap3A_13] : memref<5000x32xbf16, #tpu.memory_space<vmem>>, vector<5000x32xbf16>
    tpu.vector_store %arg4[%swap3A, %swap3A_13], %convert_element_type3A {strides = array<i32>} : memref<5000x32xbf16, #tpu.memory_space<vmem>>, vector<5000x32xbf16>,
    %swap3A_15 = arith.constant 0 : index
    %swap3A_16 = arith.constant 0 : index
    %swap3A_17 = vector.load %arg5[%swap3A_15, %swap3A_16] : memref<5000x1xf32, #tpu.memory_space<vmem>>, vector<5000x1xf32>
    tpu.vector_store %arg5[%swap3A_15, %swap3A_16], %rsqrt3A {strides = array<i32>} : memref<5000x1xf32, #tpu.memory_space<vmem>>, vector<5000x1xf32>,
    return
  }
  func.func @transform_0(%arg0: i32) -> (i32, i32) {
    %c0_i32 = arith.constant 0 : i32
    %c0_i32_0 = arith.constant 0 : i32
    return %arg0, %c0_i32 : i32, i32
  }
  func.func @transform_1(%arg0: i32) -> (i32, i32) {
    %c0_i32 = arith.constant 0 : i32
    %c0_i32_0 = arith.constant 0 : i32
    %c0_i32_1 = arith.constant 0 : i32
    return %c0_i32, %c0_i32_0 : i32, i32
  }
  func.func @transform_2(%arg0: i32) -> (i32, i32) {
    %c0_i32 = arith.constant 0 : i32
    %c0_i32_0 = arith.constant 0 : i32
    return %arg0, %c0_i32 : i32, i32
  }
  func.func @transform_3(%arg0: i32) -> (i32, i32) {
    %c0_i32 = arith.constant 0 : i32
    %c0_i32_0 = arith.constant 0 : i32
    return %arg0, %c0_i32 : i32, i32
  }
  func.func @transform_4(%arg0: i32) -> (i32, i32) {
    %c0_i32 = arith.constant 0 : i32
    %c0_i32_0 = arith.constant 0 : i32
    return %arg0, %c0_i32 : i32, i32
  }
}

module attributes {stable_mosaic.version = 14 : i64} {
  func.func @_tc2_body(%arg0: i32, %arg1: memref<5000x32xbf16, #tpu.memory_space<vmem>>, %arg2: memref<5000x32xbf16, #tpu.memory_space<vmem>>, %arg3: memref<5000x32xbf16, #tpu.memory_space<vmem>>, %arg4: memref<5000x1xf32, #tpu.memory_space<vmem>>, %arg5: memref<1x32xf32, #tpu.memory_space<vmem>>, %arg6: memref<32x16xf32, #tpu.memory_space<vmem>>, %arg7: memref<5000x16xbf16, #tpu.memory_space<vmem>>) attributes {dimension_semantics = [#tpu.dimension_semantics<arbitrary>], iteration_bounds = array<i64: 2>, scalar_prefetch = 0 : i64, scratch_operands = 0 : i64, tpu.core_type = #tpu.core_type<tc>, window_params = [{transform_indices = @transform_0, window_bounds = array<i64: 5000, 32>}, {transform_indices = @transform_1, window_bounds = array<i64: 5000, 32>}, {transform_indices = @transform_2, window_bounds = array<i64: 5000, 32>}, {transform_indices = @transform_3, window_bounds = array<i64: 5000, 1>}, {pipeline_mode = #tpu.pipeline_mode<synchronous>, transform_indices = @transform_4, window_bounds = array<i64: 1, 32>}, {pipeline_mode = #tpu.pipeline_mode<synchronous>, transform_indices = @transform_5, window_bounds = array<i64: 32, 16>}, {transform_indices = @transform_6, window_bounds = array<i64: 5000, 16>}]} {
    %get3A = arith.constant 0 : index
    %get3A_0 = arith.constant 0 : index
    %get3A_1 = vector.load %arg1[%get3A, %get3A_0] : memref<5000x32xbf16, #tpu.memory_space<vmem>>, vector<5000x32xbf16>
    %convert_element_type3A = arith.extf %get3A_1 : vector<5000x32xbf16> to vector<5000x32xf32>
    %get3A_2 = arith.constant 0 : index
    %get3A_3 = arith.constant 0 : index
    %get3A_4 = vector.load %arg2[%get3A_2, %get3A_3] : memref<5000x32xbf16, #tpu.memory_space<vmem>>, vector<5000x32xbf16>
    %convert_element_type3A_5 = arith.extf %get3A_4 : vector<5000x32xbf16> to vector<5000x32xf32>
    %add3A = arith.addf %convert_element_type3A, %convert_element_type3A_5 : vector<5000x32xf32>
    %get3A_6 = arith.constant 0 : index
    %get3A_7 = arith.constant 0 : index
    %get3A_8 = vector.load %arg3[%get3A_6, %get3A_7] : memref<5000x32xbf16, #tpu.memory_space<vmem>>, vector<5000x32xbf16>
    %convert_element_type3A_9 = arith.extf %get3A_8 : vector<5000x32xbf16> to vector<5000x32xf32>
    %add3A_10 = arith.addf %add3A, %convert_element_type3A_9 : vector<5000x32xf32>
    %get3A_11 = arith.constant 0 : index
    %get3A_12 = arith.constant 0 : index
    %get3A_13 = vector.load %arg4[%get3A_11, %get3A_12] : memref<5000x1xf32, #tpu.memory_space<vmem>>, vector<5000x1xf32>
    %mul3A = vector.broadcast %get3A_13 : vector<5000x1xf32> to vector<5000x32xf32>
    %mul3A_14 = arith.mulf %add3A_10, %mul3A : vector<5000x32xf32>
    %get3A_15 = arith.constant 0 : index
    %get3A_16 = arith.constant 0 : index
    %get3A_17 = vector.load %arg5[%get3A_15, %get3A_16] : memref<1x32xf32, #tpu.memory_space<vmem>>, vector<1x32xf32>
    %add3A_18 = vector.broadcast %get3A_17 : vector<1x32xf32> to vector<5000x32xf32>
    %add3A_19 = arith.addf %mul3A_14, %add3A_18 : vector<5000x32xf32>
    %max3A = arith.constant 0.000000e+00 : f32
    %max3A_20 = vector.broadcast %max3A : f32 to vector<5000x32xf32>
    %max3A_21 = arith.maximumf %add3A_19, %max3A_20 : vector<5000x32xf32>
    %get3A_22 = arith.constant 0 : index
    %get3A_23 = arith.constant 0 : index
    %get3A_24 = vector.load %arg6[%get3A_22, %get3A_23] : memref<32x16xf32, #tpu.memory_space<vmem>>, vector<32x16xf32>
    %dot_general3A = arith.constant dense<0.000000e+00> : vector<5000x16xf32>
    %dot_general3A_25 = tpu.matmul %max3A_21, %get3A_24, %dot_general3A {dimension_numbers = #tpu.dot_dimension_numbers<[1], [0], [0], [1], [0, 0, 1, 1], [], []>, transpose_lhs_hint = false} : vector<5000x32xf32>, vector<32x16xf32>, vector<5000x16xf32> -> vector<5000x16xf32>
    %get3A_26 = arith.constant 0 : index
    %get3A_27 = arith.constant 0 : index
    %get3A_28 = vector.load %arg4[%get3A_26, %get3A_27] : memref<5000x1xf32, #tpu.memory_space<vmem>>, vector<5000x1xf32>
    %mul3A_29 = vector.broadcast %get3A_28 : vector<5000x1xf32> to vector<5000x16xf32>
    %mul3A_30 = arith.mulf %dot_general3A_25, %mul3A_29 : vector<5000x16xf32>
    %convert_element_type3A_31 = arith.truncf %mul3A_30 : vector<5000x16xf32> to vector<5000x16xbf16>
    %swap3A = arith.constant 0 : index
    %swap3A_32 = arith.constant 0 : index
    %swap3A_33 = vector.load %arg7[%swap3A, %swap3A_32] : memref<5000x16xbf16, #tpu.memory_space<vmem>>, vector<5000x16xbf16>
    tpu.vector_store %arg7[%swap3A, %swap3A_32], %convert_element_type3A_31 {strides = array<i32>} : memref<5000x16xbf16, #tpu.memory_space<vmem>>, vector<5000x16xbf16>,
    return
  }
  func.func @transform_0(%arg0: i32) -> (i32, i32) {
    %c0_i32 = arith.constant 0 : i32
    %c0_i32_0 = arith.constant 0 : i32
    return %arg0, %c0_i32 : i32, i32
  }
  func.func @transform_1(%arg0: i32) -> (i32, i32) {
    %c0_i32 = arith.constant 0 : i32
    %c0_i32_0 = arith.constant 0 : i32
    return %arg0, %c0_i32 : i32, i32
  }
  func.func @transform_2(%arg0: i32) -> (i32, i32) {
    %c0_i32 = arith.constant 0 : i32
    %c0_i32_0 = arith.constant 0 : i32
    return %arg0, %c0_i32 : i32, i32
  }
  func.func @transform_3(%arg0: i32) -> (i32, i32) {
    %c0_i32 = arith.constant 0 : i32
    %c0_i32_0 = arith.constant 0 : i32
    return %arg0, %c0_i32 : i32, i32
  }
  func.func @transform_4(%arg0: i32) -> (i32, i32) {
    %c0_i32 = arith.constant 0 : i32
    %c0_i32_0 = arith.constant 0 : i32
    %c0_i32_1 = arith.constant 0 : i32
    return %c0_i32, %c0_i32_0 : i32, i32
  }
  func.func @transform_5(%arg0: i32) -> (i32, i32) {
    %c0_i32 = arith.constant 0 : i32
    %c0_i32_0 = arith.constant 0 : i32
    %c0_i32_1 = arith.constant 0 : i32
    return %c0_i32, %c0_i32_0 : i32, i32
  }
  func.func @transform_6(%arg0: i32) -> (i32, i32) {
    %c0_i32 = arith.constant 0 : i32
    %c0_i32_0 = arith.constant 0 : i32
    return %arg0, %c0_i32 : i32, i32
  }
}

module attributes {stable_mosaic.version = 14 : i64} {
  func.func @_tc3_body(%arg0: i32, %arg1: memref<5000x16xbf16, #tpu.memory_space<vmem>>, %arg2: memref<5000x16xbf16, #tpu.memory_space<vmem>>, %arg3: memref<5000x16xbf16, #tpu.memory_space<vmem>>, %arg4: memref<5000x1xf32, #tpu.memory_space<vmem>>, %arg5: memref<1x16xf32, #tpu.memory_space<vmem>>, %arg6: memref<5000x16xf32, #tpu.memory_space<vmem>>) attributes {dimension_semantics = [#tpu.dimension_semantics<arbitrary>], iteration_bounds = array<i64: 2>, scalar_prefetch = 0 : i64, scratch_operands = 0 : i64, tpu.core_type = #tpu.core_type<tc>, window_params = [{transform_indices = @transform_0, window_bounds = array<i64: 5000, 16>}, {transform_indices = @transform_1, window_bounds = array<i64: 5000, 16>}, {transform_indices = @transform_2, window_bounds = array<i64: 5000, 16>}, {transform_indices = @transform_3, window_bounds = array<i64: 5000, 1>}, {pipeline_mode = #tpu.pipeline_mode<synchronous>, transform_indices = @transform_4, window_bounds = array<i64: 1, 16>}, {transform_indices = @transform_5, window_bounds = array<i64: 5000, 16>}]} {
    %get3A = arith.constant 0 : index
    %get3A_0 = arith.constant 0 : index
    %get3A_1 = vector.load %arg1[%get3A, %get3A_0] : memref<5000x16xbf16, #tpu.memory_space<vmem>>, vector<5000x16xbf16>
    %convert_element_type3A = arith.extf %get3A_1 : vector<5000x16xbf16> to vector<5000x16xf32>
    %get3A_2 = arith.constant 0 : index
    %get3A_3 = arith.constant 0 : index
    %get3A_4 = vector.load %arg2[%get3A_2, %get3A_3] : memref<5000x16xbf16, #tpu.memory_space<vmem>>, vector<5000x16xbf16>
    %convert_element_type3A_5 = arith.extf %get3A_4 : vector<5000x16xbf16> to vector<5000x16xf32>
    %add3A = arith.addf %convert_element_type3A, %convert_element_type3A_5 : vector<5000x16xf32>
    %get3A_6 = arith.constant 0 : index
    %get3A_7 = arith.constant 0 : index
    %get3A_8 = vector.load %arg3[%get3A_6, %get3A_7] : memref<5000x16xbf16, #tpu.memory_space<vmem>>, vector<5000x16xbf16>
    %convert_element_type3A_9 = arith.extf %get3A_8 : vector<5000x16xbf16> to vector<5000x16xf32>
    %add3A_10 = arith.addf %add3A, %convert_element_type3A_9 : vector<5000x16xf32>
    %get3A_11 = arith.constant 0 : index
    %get3A_12 = arith.constant 0 : index
    %get3A_13 = vector.load %arg4[%get3A_11, %get3A_12] : memref<5000x1xf32, #tpu.memory_space<vmem>>, vector<5000x1xf32>
    %mul3A = vector.broadcast %get3A_13 : vector<5000x1xf32> to vector<5000x16xf32>
    %mul3A_14 = arith.mulf %add3A_10, %mul3A : vector<5000x16xf32>
    %get3A_15 = arith.constant 0 : index
    %get3A_16 = arith.constant 0 : index
    %get3A_17 = vector.load %arg5[%get3A_15, %get3A_16] : memref<1x16xf32, #tpu.memory_space<vmem>>, vector<1x16xf32>
    %add3A_18 = vector.broadcast %get3A_17 : vector<1x16xf32> to vector<5000x16xf32>
    %add3A_19 = arith.addf %mul3A_14, %add3A_18 : vector<5000x16xf32>
    %reduce_max3A = arith.constant dense<0xFF800000> : vector<5000xf32>
    %reduce_max3A_20 = vector.multi_reduction <maximumf>, %add3A_19, %reduce_max3A [1] : vector<5000x16xf32> to vector<5000xf32>
    %broadcast_in_dim3A = vector.shape_cast %reduce_max3A_20 : vector<5000xf32> to vector<5000x1xf32>
    %sub3A = vector.broadcast %broadcast_in_dim3A : vector<5000x1xf32> to vector<5000x16xf32>
    %sub3A_21 = arith.subf %add3A_19, %sub3A : vector<5000x16xf32>
    %exp3A = math.exp %sub3A_21 : vector<5000x16xf32>
    %reduce_sum3A = arith.constant dense<0.000000e+00> : vector<5000xf32>
    %reduce_sum3A_22 = vector.multi_reduction <add>, %exp3A, %reduce_sum3A [1] : vector<5000x16xf32> to vector<5000xf32>
    %broadcast_in_dim3A_23 = vector.shape_cast %reduce_sum3A_22 : vector<5000xf32> to vector<5000x1xf32>
    %log3A = math.log %broadcast_in_dim3A_23 : vector<5000x1xf32>
    %add3A_24 = arith.addf %log3A, %broadcast_in_dim3A : vector<5000x1xf32>
    %sub3A_25 = vector.broadcast %add3A_24 : vector<5000x1xf32> to vector<5000x16xf32>
    %sub3A_26 = arith.subf %add3A_19, %sub3A_25 : vector<5000x16xf32>
    %swap3A = arith.constant 0 : index
    %swap3A_27 = arith.constant 0 : index
    %swap3A_28 = vector.load %arg6[%swap3A, %swap3A_27] : memref<5000x16xf32, #tpu.memory_space<vmem>>, vector<5000x16xf32>
    tpu.vector_store %arg6[%swap3A, %swap3A_27], %sub3A_26 {strides = array<i32>} : memref<5000x16xf32, #tpu.memory_space<vmem>>, vector<5000x16xf32>,
    return
  }
  func.func @transform_0(%arg0: i32) -> (i32, i32) {
    %c0_i32 = arith.constant 0 : i32
    %c0_i32_0 = arith.constant 0 : i32
    return %arg0, %c0_i32 : i32, i32
  }
  func.func @transform_1(%arg0: i32) -> (i32, i32) {
    %c0_i32 = arith.constant 0 : i32
    %c0_i32_0 = arith.constant 0 : i32
    return %arg0, %c0_i32 : i32, i32
  }
  func.func @transform_2(%arg0: i32) -> (i32, i32) {
    %c0_i32 = arith.constant 0 : i32
    %c0_i32_0 = arith.constant 0 : i32
    return %arg0, %c0_i32 : i32, i32
  }
  func.func @transform_3(%arg0: i32) -> (i32, i32) {
    %c0_i32 = arith.constant 0 : i32
    %c0_i32_0 = arith.constant 0 : i32
    return %arg0, %c0_i32 : i32, i32
  }
  func.func @transform_4(%arg0: i32) -> (i32, i32) {
    %c0_i32 = arith.constant 0 : i32
    %c0_i32_0 = arith.constant 0 : i32
    %c0_i32_1 = arith.constant 0 : i32
    return %c0_i32, %c0_i32_0 : i32, i32
  }
  func.func @transform_5(%arg0: i32) -> (i32, i32) {
    %c0_i32 = arith.constant 0 : i32
    %c0_i32_0 = arith.constant 0 : i32
    return %arg0, %c0_i32 : i32, i32
  }
}

</mosaic_0001>

<sc_bundles>
// kernel: kernel.11.cloned.1.call-start
scs
__scs_entry_jumppad:
0x0: {  	(pc) =	sbr.rel $0x88, $3  }
0x1: {  	(tag) =	ssettag $0x0;
	lr =	simm.s32 $0x1  }
0x2: {  	[smem:$0x3F9B] =	sst lr;
	_ =	strace $0xD0000000  }
0x3: {  	_ = 	snop  }
0x4: {  	_ = 	snop  }
0x5: {  	_ = 	snop  }
0x6: {  	_ = 	snop  }
0x7: {  	_ = 	snop  }
__scs_overlays_trampoline_lowered:
0x8: {  	[smem:$0x3FAA] =	sst s0  }
0x9: {  	[smem:$0x3FAB] =	sst s1  }
0xa: {  	[smem:$0x3FAC] =	sst s2  }
0xb: {  	[smem:$0x3FAD] =	sst s3  }
0xc: {  	[smem:$0x3FAE] =	sst s4  }
0xd: {  	[smem:$0x3FAF] =	sst s5  }
0xe: {  	[smem:$0x3FB0] =	sst s6  }
0xf: {  	[smem:$0x3FB1] =	sst s7  }
0x10: {  	[smem:$0x3FB2] =	sst s8  }
0x11: {  	[smem:$0x3FB3] =	sst s9;
	s0 =	simm.s32 @!p0 $0x0  }
0x12: {  	s1 =	sld [smem:$0x3F99];
	s0 =	simm.s32 @p0 $0x1  }
0x13: {  	[smem:$0x3FB4] =	sst s0;
	s0 =	simm.s32 @!p1 $0x0  }
0x14: {  	s2 =	sld [smem:$0x3F98];
	s0 =	simm.s32 @p1 $0x1  }
0x15: {  	[smem:$0x3FB5] =	sst s0;
	s0 =	simm.s32 @!p2 $0x0  }
0x16: {  	s3 =	sld [smem:$0x3FDB];
	s0 =	simm.s32 @p2 $0x1  }
0x17: {  	s4 =	simm.s32 $0x1BF5;
	[smem:$0x3FB7] =	sst s0  }
0x18: {  	s0 =	sld [smem:$0x3F9A];
	_ =	swait.ge [sflag:s4], $0x0  }
0x19: {  	s7 =	sld [smem:$0x3F9B]  }
0x1a: {  	s8 =	sadd.s32 $0xFFFFE003, lr  }
0x1b: {  	s9 =	sadd.s32 $0xFFFFFEF7, lr;
	s5 =	simm.s32 $0xFFFFFFFF;
	p2 =	slt.u32 s8, $0xFFFFF086  }
0x1c: {  	p1 =	slt.u32 s9, $0xF7A;
	s5 =	simm.s32 @!p2 $0x0  }
0x1d: {  	s5 =	simm.s32 @p1 $0x1;
	p0 =	seq.s32 s7, s2  }
0x1e: {  	s7 =	smul.u32 @!p0 $0xF7A, s2;
	p2 =	seq.s32 @!p0 s5, $0x0  }
0x1f: {  	s9 =	smul.u32 $0xF7A, s1;
	s8 =	simm.s32 @!p0 $0x1BF5;
	p2 =	por !p2, p0  }
0x20: {  	[sflag:s8] =	ssyncset.s32 @!p0 $0xFFFFF086;
	s6 =	sadd.s32 @!p0 s3, s7;
	s7 =	simm.s32 @!p0 $0x108  }
0x21: {  	s3 =	sadd.s32 s3, s9;
	s6 =	sadd.s32 @!p0 $0x88, s6;
	s7 =	simm.s32 @p2 $0x1082  }
0x22: {  	[simem:s7], [sflag:s8] =	dma.local @!p0 [hbm:s6], $0xF7A  }
0x23: {  	s9 =	sor.u32 $0xD0000000, s2;
	s6 =	simm.s32 $0x108;
	_ =	swait.ge @!p0 [sflag:s8], $0x0  }
0x24: {  	s3 =	sadd.s32 $0x88, s3;
	s6 =	simm.s32 @!p1 $0x1082;
	[sflag:s4] =	ssyncset.s32 $0xFFFFF086  }
0x25: {  	[simem:s6], [sflag:s4] =	dma.local [hbm:s3], $0xF7A  }
0x26: {  	[smem:$0x3F9B] =	sst s1;
	(tag) =	ssettag s2;
	_ =	strace s9  }
0x27: {  	s1 =	sld [smem:$0x3FAB]  }
0x28: {  	s2 =	sld [smem:$0x3FAC]  }
0x29: {  	s4 =	sld [smem:$0x3FAE]  }
0x2a: {  	p0 =	seq.s32 s5, $0x0;
	s5 =	sld [smem:$0x3FAF]  }
0x2b: {  	s6 =	sld [smem:$0x3FB0]  }
0x2c: {  	s7 =	sld [smem:$0x3FB1]  }
0x2d: {  	s3 =	simm.s32 $0x108;
	s8 =	sld [smem:$0x3FB2]  }
0x2e: {  	s3 =	simm.s32 @!p0 $0x1082;
	s9 =	sld [smem:$0x3FB3]  }
0x2f: {  	lr =	sadd.s32 s0, s3;
	s0 =	sld [smem:$0x3FAA]  }
0x30: {  	s3 =	sld [smem:$0x3FAD]  }
0x31: {  	[smem:$0x3FB6] =	sst s10  }
0x32: {  	s10 =	sld [smem:$0x3FB4];
	_ =	sdelay $0x3  }
0x33: {  	p0 =	seq.s32 s10, $0x1;
	s10 =	sld [smem:$0x3FB6];
	_ =	sdelay $0x3  }
0x34: {  	[smem:$0x3FB6] =	sst s10  }
0x35: {  	s10 =	sld [smem:$0x3FB5];
	_ =	sdelay $0x3  }
0x36: {  	p1 =	seq.s32 s10, $0x1;
	s10 =	sld [smem:$0x3FB6];
	_ =	sdelay $0x3  }
0x37: {  	[smem:$0x3FB6] =	sst s10  }
0x38: {  	s10 =	sld [smem:$0x3FB7]  }
0x39: {  	_ = 	snop;
	(pc) =	sbr.ind lr, $3  }
0x3a: {  	_ = 	snop  }
0x3b: {  	_ = 	snop  }
0x3c: {  	p2 =	seq.s32 s10, $0x1;
	s10 =	sld [smem:$0x3FB6]  }
0x3d: {  	_ =	shalt  }
0x3e: {  	_ =	shalt  }
0x3f: {  	_ =	shalt  }
0x40: {  	_ =	shalt  }
0x41: {  	_ =	shalt  }
0x42: {  	_ =	shalt  }
0x43: {  	_ =	shalt  }
0x44: {  	_ =	shalt  }
0x45: {  	_ =	shalt  }
0x46: {  	_ =	shalt  }
0x47: {  	_ =	shalt  }
0x48: {  	_ =	shalt  }
0x49: {  	_ =	shalt  }
0x4a: {  	_ =	shalt  }
0x4b: {  	_ =	shalt  }
0x4c: {  	_ =	shalt  }
0x4d: {  	_ =	shalt  }
0x4e: {  	_ =	shalt  }
0x4f: {  	_ =	shalt  }
0x50: {  	_ =	shalt  }
0x51: {  	_ =	shalt  }
0x52: {  	_ =	shalt  }
0x53: {  	_ =	shalt  }
0x54: {  	_ =	shalt  }
0x55: {  	_ =	shalt  }
0x56: {  	_ =	shalt  }
0x57: {  	_ =	shalt  }
0x58: {  	_ =	shalt  }
0x59: {  	_ =	shalt  }
0x5a: {  	_ =	shalt  }
0x5b: {  	_ =	shalt  }
0x5c: {  	_ =	shalt  }
0x5d: {  	_ =	shalt  }
0x5e: {  	_ =	shalt  }
0x5f: {  	_ =	shalt  }
0x60: {  	_ =	shalt  }
0x61: {  	_ =	shalt  }
0x62: {  	_ =	shalt  }
0x63: {  	_ =	shalt  }
0x64: {  	_ =	shalt  }
0x65: {  	_ =	shalt  }
0x66: {  	_ =	shalt  }
0x67: {  	_ =	shalt  }
0x68: {  	_ =	shalt  }
0x69: {  	_ =	shalt  }
0x6a: {  	_ =	shalt  }
0x6b: {  	_ =	shalt  }
0x6c: {  	_ =	shalt  }
0x6d: {  	_ =	shalt  }
0x6e: {  	_ =	shalt  }
0x6f: {  	_ =	shalt  }
0x70: {  	_ =	shalt  }
0x71: {  	_ =	shalt  }
0x72: {  	_ =	shalt  }
0x73: {  	_ =	shalt  }
0x74: {  	_ =	shalt  }
0x75: {  	_ =	shalt  }
0x76: {  	_ =	shalt  }
0x77: {  	_ =	shalt  }
0x78: {  	_ =	shalt  }
0x79: {  	_ =	shalt  }
0x7a: {  	_ =	shalt  }
0x7b: {  	_ =	shalt  }
0x7c: {  	_ =	shalt  }
0x7d: {  	_ =	shalt  }
0x7e: {  	_ =	shalt  }
0x7f: {  	_ =	shalt  }
0x80: {  	_ =	shalt  }
0x81: {  	_ =	shalt  }
0x82: {  	_ =	shalt  }
0x83: {  	_ =	shalt  }
0x84: {  	_ =	shalt  }
0x85: {  	_ =	shalt  }
0x86: {  	_ =	shalt  }
0x87: {  	_ =	shalt  }
.Lfunc_end0:
.L_simem_size_0:
called_computation.1_lowered:
.L_overlay_start_0:
0x88: {  	s2 =	sld [smem:$0x3FD9]  }
0x89: {  	s3 =	sld [smem:$0x3FFE];
	_ =	sdelay $0x1  }
0x8a: {  	s1 =	srdreg.scid  }
0x8b: {  	s0 =	sand.u32 $0x1, s1  }
0x8c: {  	s17 =	sshll.u32 s0, $0xA;
	s2 =	sadd.s32 s3, s2  }
0x8d: {  	s2 =	sadd.s32 s2, s17  }
0x8e: {  	[smem:$0x3FC2] =	sst s2  }
0x8f: {  	_ = 	snop  }
0x90: {  	s2 =	sld [smem:$0x3FD0];
	(tm) =	ssettm $0x1  }
0x91: {  	s18 =	sld [smem:$0x3FFB];
	_ =	sdelay $0x3  }
0x92: {  	_ =	strace s18  }
0x93: {  	s3 =	sld [smem:$0x3FFC];
	_ =	sdelay $0x3  }
0x94: {  	_ =	strace s3  }
0x95: {  	s3 =	sld [smem:$0x3FFD];
	_ =	sdelay $0x3  }
0x96: {  	_ =	strace s3  }
0x97: {  	_ =	strace $0x8FFFFFFF  }
0x98: {  	s19 =	sld [smem:$0x3FDB];
	_ =	sdelay $0x1  }
0x99: {  	s4 =	simm.s32 $_scs_section_size  }
0x9a: {  	s5 =	simm.s32 $_size__tile_overlayer_lowered;
	s6 =	simm.s32 $_tile_overlayer_lowered  }
0x9b: {  	s22 =	simm.s32 $0x1BFF;
	s21 =	sshll.u32 s6, $0x1;
	s3 =	sadd.s32 s4, s19  }
0x9c: {  	s7 =	simm.s32 $0x0;
	s20 =	sshll.u32 s5, $0x1;
	s5 =	sadd.s32 s21, s3  }
0x9d: {  	[timem:s7], [sflag:s22] =	dma.local [hbm:s5], s20  }
0x9e: {  	_ =	swait.ge [sflag:s22], s20  }
0x9f: {  	s4 =	ssub.s32 $0x0, s20;
	[sflag:s22] =	ssyncset.done $0x0  }
0xa0: {  	[sflag:s22] =	ssyncadd.s32 s4;
	_ =	sdelay $0x1  }
0xa1: {  	s23 =	simm.s32 $0x1B8B  }
0xa2: {  	_ =	swait.ge [sflag:s23], $0x1  }
0xa3: {  	[sflag:s23] =	ssyncset.done $0x0  }
0xa4: {  	s25 =	simm.s32 $0x1B8E;
	s24 =	sld [smem:$0x3FFE];
	[sflag:s23] =	ssyncadd.s32 $0xFFFFFFFF  }
0xa5: {  	s26 =	simm.s32 $execute0_lowered;
	[smem:$0x3FD2] =	sst s25  }
0xa6: {  	s5 =	sshll.u32 s26, $0x1;
	_ =	strace $0x80000049;
	[dreg:$0x1] =	wrdreg $0xFFFFFFFF  }
0xa7: {  	s28 =	simm.s32 $_size_execute0_lowered;
	s3 =	sadd.s32 s3, s5;
	[dreg:$0x0] =	wrdreg $0x0  }
0xa8: {  	s5 =	sshll.u32 s28, $0x1;
	[dreg:$0x2] =	wrdreg s3  }
0xa9: {  	[dreg:$0x3] =	wrdreg s5  }
0xaa: {  	[dreg:$0x4] =	wrdreg $0xC0  }
0xab: {  	_ =	task [dreg:s7], $0x5FFFF  }
0xac: {  	[dreg:$0x1] =	wrdreg $0xFFFFFFFF  }
0xad: {  	[dreg:$0x0] =	wrdreg $0x60  }
0xae: {  	[dreg:$0x2] =	wrdreg s2  }
0xaf: {  	[dreg:$0x3] =	wrdreg s24  }
0xb0: {  	[dreg:$0x4] =	wrdreg $0x90000  }
0xb1: {  	[dreg:$0x5] =	wrdreg $0xB7200  }
0xb2: {  	[dreg:$0x6] =	wrdreg $0x9  }
0xb3: {  	_ =	task.clear_ibuf [dreg:s7], $0x7FFFF;
	_ =	strace $0x90000049  }
0xb4: {  	s29 =	simm.s32 $0x9;
	_ =	strace $0x8000004B  }
0xb5: {  	_ =	swait.ge [sflag:s29], $0x1  }
0xb6: {  	[sflag:s29] =	ssyncadd.s32 $0xFFFFFFFF  }
0xb7: {  	_ =	strace $0x9000004B  }
0xb8: {  	_ =	sfence  }
0xb9: {  	s30 =	sld [smem:$0x0];
	_ =	sdelay $0x2  }
0xba: {  	s31 =	sshll.u32 s1, $0xD;
	s1 =	sshrl.u32 s1, $0x2  }
0xbb: {  	s3 =	sand.u32 $0x4000, s31;
	s1 =	sadd.s32 s1, s30  }
0xbc: {  	s0 =	sor.u32 s3, s0;
	s1 =	sshll.u32 s1, $0x11  }
0xbd: {  	s0 =	sor.u32 s1, s0  }
0xbe: {  	s0 =	sadd.s32 $0x8F2B, s0  }
0xbf: {  	[sflag:s0] =	ssyncadd.remote.s32 $0x1  }
0xc0: {  	_ =	sfence.sel $0xFFFF  }
0xc1: {  	[dreg:$0x0] =	wrdreg $0xFFFFFFFF;
	(pc) =	sbr.abs _section_cstart, $3  }
0xc2: {  	[dreg:$0x1] =	wrdreg $0xFFFFFFFF  }
0xc3: {  	_ =	task.clear_ibuf [dreg:s7], $0x2FFFF;
	_ =	strace $0x9FFFFFFF  }
0xc4: {  	(tm) =	ssettm $0x7FFFFFFF  }
0xc5: {  	_ =	shalt  }
tec
execute0_lowered:
.L_overlay_start_1:
0x0: {  	(tag) =	ssettag $0x1  }
0x1: {  	s0 =	rddreg [dreg:$0x0]  }
0x2: {  	s1 =	rddreg [dreg:$0x1]  }
0x3: {  	s2 =	rddreg [dreg:$0x2]  }
0x4: {  	s3 =	rddreg [dreg:$0x3];
	s4 =	simm.s32 $0x0;
	s13 =	stileid.u32  }
0x5: {  	s5 =	srdreg.scid;
	s28 =	simm.s32 $0x7;
	s31 =	simm.s32 $0x2000  }
0x6: {  	s30 =	simm.s32 $0x4;
	[smem:$0x7FF] =	sst s4;
	s6 =	smul.u32 $0x4E20, s13  }
0x7: {  	s5 =	sand.u32 $0x1, s5;
	s14 =	sadd.s32 $0x1A800, s1;
	s15 =	sadd.s32 $0x1A00, s1  }
0x8: {  	s16 =	smul.u32 $0x2800, s13;
	s20 =	sshll.u32 s13, $0x6;
	_ =	strace $0x8000004A  }
0x9: {  	s7 =	smul.u32 $0x4E200, s5;
	s9 =	sshll.u32 s5, $0x4;
	[dreg:$0x6] =	wrdreg s15  }
0xa: {  	s10 =	ssub.s32 $0x2, s5;
	s5 =	smul.u32 $0x28000, s5;
	[dreg:$0x5] =	wrdreg s14  }
0xb: {  	s8 =	sshrl.u32 s6, $0x4;
	s9 =	sor.u32 s13, s9;
	s11 =	sshrl.u32 s10, $0x1  }
0xc: {  	s13 =	simm.s32 $0x5800;
	s7 =	sadd.s32 s6, s7;
	s9 =	smul.u32 $0x500, s9  }
0xd: {  	s12 =	sadd.s32 s8, s1;
	s26 =	ssub.s32 s10, s11;
	s6 =	sshrl.u32 s6, $0x1  }
0xe: {  	s5 =	sadd.s32 s16, s5;
	s0 =	sadd.s32 s0, s8;
	s8 =	simm.s32 $0x3000  }
0xf: {  	s10 =	simm.s32 $0x3800;
	s16 =	simm.s32 $0x2;
	s7 =	sshrl.u32 s7, $0x4  }
0x10: {  	s18 =	sadd.s32 s6, s2;
	s19 =	sadd.s32 $0x15800, s12;
	s6 =	sadd.s32 s6, s3  }
0x11: {  	s21 =	sadd.s32 $0xC00, s5;
	[dreg:$0xe] =	wrdreg s0;
	s24 =	smax.u32 s26, $0x1  }
0x12: {  	s26 =	sadd.s32 $0x800, s5;
	s12 =	simm.s32 $0x4000;
	[dreg:$0xb] =	wrdreg s18  }
0x13: {  	s5 =	simm.s32 $0x6;
	s1 =	sadd.s32 s7, s1;
	[dreg:$0xc] =	wrdreg s19  }
0x14: {  	s29 =	sadd.s32 s14, s9;
	s11 =	sadd.s32 s15, s9;
	[dreg:$0x10] =	wrdreg s24  }
0x15: {  	s9 =	sor.u32 $0x80, s9;
	s23 =	sshrl.u32 s21, $0x3;
	[dreg:$0x13] =	wrdreg s26  }
0x16: {  	s21 =	simm.s32 $0x400;
	s26 =	simm.s32 $0x80;
	s19 =	simm.s32 $0x5000  }
0x17: {  	s7 =	simm.s32 $0x8800;
	s24 =	simm.s32 $0x5;
	[dreg:$0x7] =	wrdreg s29  }
0x18: {  	s18 =	simm.s32 $0x0;
	[dreg:$0x8] =	wrdreg s11;
	s17 =	sadd.s32 s14, s9  }
0x19: {  	s9 =	sadd.s32 s15, s9;
	s22 =	sadd.s32 $0xBA00, s1;
	s25 =	sadd.s32 s23, s15  }
0x1a: {  	s0 =	sadd.s32 s23, s14;
	s29 =	sshrl.u32 s6, $0x3;
	[dreg:$0x9] =	wrdreg s17  }
0x1b: {  	s1 =	simm.s32 $0x2800;
	s15 =	simm.s32 $0x4800;
	[dreg:$0xa] =	wrdreg s9  }
.Ltmp0:
0x1c: {  	s14 =	simm.s32 $0x7800;
	[dreg:$0xf] =	wrdreg s22;
	(pc) =	sbr.rel .LBB2_1-.Ltmp0, $4  }
0x1d: {  	s23 =	simm.s32 $0x8000;
	s11 =	simm.s32 $0x3;
	[dreg:$0x11] =	wrdreg s25  }
0x1e: {  	s17 =	sor.u32 $0x1C07, s20;
	[dreg:$0x12] =	wrdreg s0;
	s22 =	simm.s32 $0xC00  }
0x1f: {  	[dreg:$0x14] =	wrdreg s29;
	s25 =	simm.s32 $0x1;
	s20 =	simm.s32 $0x6000  }
0x20: {  	s0 =	simm.s32 $0x6800;
	s9 =	simm.s32 $0x7000;
	[dreg:$0xd] =	wrdreg s17  }
.LBB2_4:
0x21: {  	[bflag:$0x0] =	sbarrier.arrive $0xFFFF  }
0x22: {  	s17 =	rddreg [dreg:$0xd]  }
0x23: {  	s6 =	rddreg [dreg:$0xf]  }
0x24: {  	s28 =	simm.s32 $0x7;
	s18 =	rddreg [dreg:$0x16]  }
0x25: {  	[hbm:s6], [sflag:s17] =	dma.local [spmem:s18], $0x4E2  }
0x26: {  	_ =	swait.ge [sflag:s28], $0x4E2  }
0x27: {  	s22 =	rddreg [dreg:$0x15]  }
0x28: {  	s29 =	rddreg [dreg:$0x10];
	s18 =	sadd.s32 $0x1, s22  }
0x29: {  	p0 =	sne.s32 s18, s29  }
.Ltmp1:
0x2a: {  	_ = 	snop;
	(pc) =	sbr.rel @!p0 .LBB2_5-.Ltmp1, $3  }
0x2b: {  	_ =	sdelay $0x1  }
0x2c: {  	[sflag:s28] =	ssyncset.done $0x0  }
0x2d: {  	s21 =	simm.s32 $0x400;
	[sflag:s28] =	ssyncadd.s32 $0xFFFFFB1E;
	s22 =	simm.s32 $0xC00  }
.LBB2_1:
0x2e: {  	[dreg:$0x15] =	wrdreg s18  }
0x2f: {  	s6 =	rddreg [dreg:$0x7]  }
0x30: {  	[tilespmem:s4], [sflag:$0x1] =	stream.linear.gather [hbm4b:s6+s4], $0x400, $0x38;
	[tilespmem:$0xDE30] =	vst v63  }
0x31: {  	s18 =	rddreg [dreg:$0x8];
	s29 =	simm.s32 $0x800  }
0x32: {  	[tilespmem:s29], [sflag:$0x1] =	stream.linear.gather [hbm4b:s18+s4], $0x400, $0x38;
	[tilespmem:$0xDE30] =	vst v63  }
0x33: {  	s29 =	rddreg [dreg:$0x9]  }
0x34: {  	s18 =	rddreg [dreg:$0xa]  }
0x35: {  	[tilespmem:s21], [sflag:$0x2] =	stream.linear.gather [hbm4b:s29+s4], $0x400, $0x38;
	[tilespmem:$0xDE30] =	vst v63  }
0x36: {  	s29 =	rddreg [dreg:$0xb]  }
0x37: {  	s6 =	sshrl.u32 s29, $0x3;
	s29 =	rddreg [dreg:$0xc]  }
0x38: {  	[tilespmem:s22], [sflag:$0x2] =	stream.linear.gather [hbm4b:s18+s4], $0x400, $0x38;
	[tilespmem:$0xDE30] =	vst v63  }
0x39: {  	[dreg:$0x16] =	wrdreg s6  }
0x3a: {  	[spmem:s6], [sflag:s17] =	dma.local [hbm:s29], $0x4E2  }
0x3b: {  	_ =	swait.ge [sflag:s28], $0x4E2  }
0x3c: {  	[sflag:s28] =	ssyncset.done $0x0;
	s18 =	rddreg [dreg:$0xe]  }
0x3d: {  	s29 =	rddreg [dreg:$0x14];
	[sflag:s28] =	ssyncadd.s32 $0xFFFFFB1E  }
0x3e: {  	[spmem:s29], [sflag:s17] =	dma.local [hbm:s18], $0x4E2  }
0x3f: {  	_ =	swait.ge [sflag:s28], $0x4E2  }
0x40: {  	[sflag:s28] =	ssyncset.done $0x0  }
0x41: {  	[sflag:s28] =	ssyncadd.s32 $0xFFFFFB1E  }
0x42: {  	[bflag:$0x0] =	sbarrier.arrive $0xFFFF  }
0x43: {  	s17 =	simm.s32 $0x0;
	s6 =	rddreg [dreg:$0x13]  }
.LBB2_2:
0x44: {  	_ =	swait.ge [sflag:s25], $0x400  }
0x45: {  	[sflag:s25] =	ssyncset.done $0x0  }
0x46: {  	[sflag:s25] =	ssyncadd.s32 $0xFFFFFC00  }
0x47: {  	_ =	swait.ge [sflag:s25], $0x400  }
0x48: {  	[sflag:s25] =	ssyncset.done $0x0  }
0x49: {  	s28 =	simm.s32 $0x1000;
	[sflag:s25] =	ssyncadd.s32 $0xFFFFFC00  }
0x4a: {  	[tilespmem:s28], [sflag:$0x3] =	stream.indirect.gather [spmem:s3], $0x10, s4, s26, $0xb8;
	[tilespmem:$0xDE30] =	vst v63  }
0x4b: {  	s29 =	simm.s32 $0x1800  }
0x4c: {  	[tilespmem:s29], [sflag:$0x3] =	stream.indirect.gather [spmem:s3], $0x10, s26, s26, $0xb8;
	[tilespmem:$0xDE30] =	vst v63  }
0x4d: {  	s18 =	simm.s32 $0x100  }
0x4e: {  	[tilespmem:s31], [sflag:$0x3] =	stream.indirect.gather [spmem:s3], $0x10, s18, s26, $0xb8;
	[tilespmem:$0xDE30] =	vst v63  }
0x4f: {  	s18 =	simm.s32 $0x180  }
0x50: {  	[tilespmem:s1], [sflag:$0x3] =	stream.indirect.gather [spmem:s3], $0x10, s18, s26, $0xb8;
	[tilespmem:$0xDE30] =	vst v63  }
0x51: {  	s18 =	simm.s32 $0x200  }
0x52: {  	[tilespmem:s8], [sflag:$0x3] =	stream.indirect.gather [spmem:s3], $0x10, s18, s26, $0xb8;
	[tilespmem:$0xDE30] =	vst v63  }
0x53: {  	s18 =	simm.s32 $0x280  }
0x54: {  	[tilespmem:s10], [sflag:$0x3] =	stream.indirect.gather [spmem:s3], $0x10, s18, s26, $0xb8;
	[tilespmem:$0xDE30] =	vst v63  }
0x55: {  	s18 =	simm.s32 $0x300  }
0x56: {  	[tilespmem:s12], [sflag:$0x3] =	stream.indirect.gather [spmem:s3], $0x10, s18, s26, $0xb8;
	[tilespmem:$0xDE30] =	vst v63  }
0x57: {  	s18 =	simm.s32 $0x380  }
0x58: {  	[tilespmem:s15], [sflag:$0x3] =	stream.indirect.gather [spmem:s3], $0x10, s18, s26, $0xb8;
	[tilespmem:$0xDE30] =	vst v63  }
0x59: {  	_ =	swait.ge [sflag:s16], $0x400  }
0x5a: {  	[sflag:s16] =	ssyncset.done $0x0  }
0x5b: {  	[sflag:s16] =	ssyncadd.s32 $0xFFFFFC00  }
0x5c: {  	_ =	swait.ge [sflag:s16], $0x400  }
0x5d: {  	[sflag:s16] =	ssyncset.done $0x0  }
0x5e: {  	[sflag:s16] =	ssyncadd.s32 $0xFFFFFC00  }
0x5f: {  	[tilespmem:s19], [sflag:$0x4] =	stream.indirect.gather [spmem:s3], $0x10, s21, s26, $0xb8;
	[tilespmem:$0xDE30] =	vst v63  }
0x60: {  	s21 =	simm.s32 $0x480  }
0x61: {  	[tilespmem:s13], [sflag:$0x4] =	stream.indirect.gather [spmem:s3], $0x10, s21, s26, $0xb8;
	[tilespmem:$0xDE30] =	vst v63  }
0x62: {  	s21 =	simm.s32 $0x500  }
0x63: {  	[tilespmem:s20], [sflag:$0x4] =	stream.indirect.gather [spmem:s3], $0x10, s21, s26, $0xb8;
	[tilespmem:$0xDE30] =	vst v63  }
0x64: {  	s21 =	simm.s32 $0x580  }
0x65: {  	[tilespmem:s0], [sflag:$0x4] =	stream.indirect.gather [spmem:s3], $0x10, s21, s26, $0xb8;
	[tilespmem:$0xDE30] =	vst v63  }
0x66: {  	s21 =	simm.s32 $0x600  }
0x67: {  	[tilespmem:s9], [sflag:$0x4] =	stream.indirect.gather [spmem:s3], $0x10, s21, s26, $0xb8;
	[tilespmem:$0xDE30] =	vst v63  }
0x68: {  	s21 =	simm.s32 $0x680  }
0x69: {  	[tilespmem:s14], [sflag:$0x4] =	stream.indirect.gather [spmem:s3], $0x10, s21, s26, $0xb8;
	[tilespmem:$0xDE30] =	vst v63  }
0x6a: {  	s21 =	simm.s32 $0x700  }
0x6b: {  	[tilespmem:s23], [sflag:$0x4] =	stream.indirect.gather [spmem:s3], $0x10, s21, s26, $0xb8;
	[tilespmem:$0xDE30] =	vst v63  }
0x6c: {  	s21 =	simm.s32 $0x780  }
0x6d: {  	[tilespmem:s7], [sflag:$0x4] =	stream.indirect.gather [spmem:s3], $0x10, s21, s26, $0xb8;
	[tilespmem:$0xDE30] =	vst v63  }
0x6e: {  	_ =	swait.ge [sflag:s11], $0x800  }
0x6f: {  	[sflag:s11] =	ssyncset.done $0x0  }
0x70: {  	[sflag:s11] =	ssyncadd.s32 $0xFFFFF800  }
0x71: {  	_ =	swait.ge [sflag:s11], $0x800  }
0x72: {  	[sflag:s11] =	ssyncset.done $0x0  }
0x73: {  	[sflag:s11] =	ssyncadd.s32 $0xFFFFF800  }
0x74: {  	_ =	swait.ge [sflag:s11], $0x800  }
0x75: {  	[sflag:s11] =	ssyncset.done $0x0  }
0x76: {  	[sflag:s11] =	ssyncadd.s32 $0xFFFFF800  }
0x77: {  	_ =	swait.ge [sflag:s11], $0x800  }
0x78: {  	[sflag:s11] =	ssyncset.done $0x0  }
0x79: {  	[sflag:s11] =	ssyncadd.s32 $0xFFFFF800  }
0x7a: {  	_ =	swait.ge [sflag:s11], $0x800  }
0x7b: {  	[sflag:s11] =	ssyncset.done $0x0  }
0x7c: {  	[sflag:s11] =	ssyncadd.s32 $0xFFFFF800  }
0x7d: {  	_ =	swait.ge [sflag:s11], $0x800  }
0x7e: {  	[sflag:s11] =	ssyncset.done $0x0  }
0x7f: {  	[sflag:s11] =	ssyncadd.s32 $0xFFFFF800  }
0x80: {  	_ =	swait.ge [sflag:s11], $0x800  }
0x81: {  	[sflag:s11] =	ssyncset.done $0x0  }
0x82: {  	[sflag:s11] =	ssyncadd.s32 $0xFFFFF800  }
0x83: {  	_ =	swait.ge [sflag:s11], $0x800  }
0x84: {  	[sflag:s11] =	ssyncset.done $0x0  }
0x85: {  	s21 =	simm.s32 $0x800;
	[sflag:s11] =	ssyncadd.s32 $0xFFFFF800  }
0x86: {  	[spmem:s2] =	stream.indirect.scatter.add.bf16 [tilespmem:s28], [sflag:$0x5], $0x10, s21, s26, $0xb8;
	[tilespmem:$0xDE30] =	vst v63  }
0x87: {  	s21 =	simm.s32 $0x880  }
0x88: {  	[spmem:s2] =	stream.indirect.scatter.add.bf16 [tilespmem:s29], [sflag:$0x5], $0x10, s21, s26, $0xb8;
	[tilespmem:$0xDE30] =	vst v63  }
0x89: {  	s21 =	simm.s32 $0x900  }
0x8a: {  	[spmem:s2] =	stream.indirect.scatter.add.bf16 [tilespmem:s31], [sflag:$0x5], $0x10, s21, s26, $0xb8;
	[tilespmem:$0xDE30] =	vst v63  }
0x8b: {  	s21 =	simm.s32 $0x980  }
0x8c: {  	[spmem:s2] =	stream.indirect.scatter.add.bf16 [tilespmem:s1], [sflag:$0x5], $0x10, s21, s26, $0xb8;
	[tilespmem:$0xDE30] =	vst v63  }
0x8d: {  	s21 =	simm.s32 $0xA00  }
0x8e: {  	[spmem:s2] =	stream.indirect.scatter.add.bf16 [tilespmem:s8], [sflag:$0x5], $0x10, s21, s26, $0xb8;
	[tilespmem:$0xDE30] =	vst v63  }
0x8f: {  	s21 =	simm.s32 $0xA80  }
0x90: {  	[spmem:s2] =	stream.indirect.scatter.add.bf16 [tilespmem:s10], [sflag:$0x5], $0x10, s21, s26, $0xb8;
	[tilespmem:$0xDE30] =	vst v63  }
0x91: {  	s21 =	simm.s32 $0xB00  }
0x92: {  	[spmem:s2] =	stream.indirect.scatter.add.bf16 [tilespmem:s12], [sflag:$0x5], $0x10, s21, s26, $0xb8;
	[tilespmem:$0xDE30] =	vst v63  }
0x93: {  	s21 =	simm.s32 $0xB80  }
0x94: {  	[spmem:s2] =	stream.indirect.scatter.add.bf16 [tilespmem:s15], [sflag:$0x5], $0x10, s21, s26, $0xb8;
	[tilespmem:$0xDE30] =	vst v63  }
0x95: {  	_ =	swait.ge [sflag:s30], $0x800  }
0x96: {  	[sflag:s30] =	ssyncset.done $0x0  }
0x97: {  	[sflag:s30] =	ssyncadd.s32 $0xFFFFF800  }
0x98: {  	_ =	swait.ge [sflag:s30], $0x800  }
0x99: {  	[sflag:s30] =	ssyncset.done $0x0  }
0x9a: {  	[sflag:s30] =	ssyncadd.s32 $0xFFFFF800  }
0x9b: {  	_ =	swait.ge [sflag:s30], $0x800  }
0x9c: {  	[sflag:s30] =	ssyncset.done $0x0  }
0x9d: {  	[sflag:s30] =	ssyncadd.s32 $0xFFFFF800  }
0x9e: {  	_ =	swait.ge [sflag:s30], $0x800  }
0x9f: {  	[sflag:s30] =	ssyncset.done $0x0  }
0xa0: {  	[sflag:s30] =	ssyncadd.s32 $0xFFFFF800  }
0xa1: {  	_ =	swait.ge [sflag:s30], $0x800  }
0xa2: {  	[sflag:s30] =	ssyncset.done $0x0  }
0xa3: {  	[sflag:s30] =	ssyncadd.s32 $0xFFFFF800  }
0xa4: {  	_ =	swait.ge [sflag:s30], $0x800  }
0xa5: {  	[sflag:s30] =	ssyncset.done $0x0  }
0xa6: {  	[sflag:s30] =	ssyncadd.s32 $0xFFFFF800  }
0xa7: {  	_ =	swait.ge [sflag:s30], $0x800  }
0xa8: {  	[sflag:s30] =	ssyncset.done $0x0  }
0xa9: {  	[sflag:s30] =	ssyncadd.s32 $0xFFFFF800  }
0xaa: {  	_ =	swait.ge [sflag:s30], $0x800  }
0xab: {  	[sflag:s30] =	ssyncset.done $0x0  }
0xac: {  	[sflag:s30] =	ssyncadd.s32 $0xFFFFF800  }
0xad: {  	[spmem:s2] =	stream.indirect.scatter.add.bf16 [tilespmem:s19], [sflag:$0x6], $0x10, s22, s26, $0xb8;
	[tilespmem:$0xDE30] =	vst v63  }
0xae: {  	s22 =	simm.s32 $0xC80  }
0xaf: {  	[spmem:s2] =	stream.indirect.scatter.add.bf16 [tilespmem:s13], [sflag:$0x6], $0x10, s22, s26, $0xb8;
	[tilespmem:$0xDE30] =	vst v63  }
0xb0: {  	s21 =	simm.s32 $0xD00  }
0xb1: {  	[spmem:s2] =	stream.indirect.scatter.add.bf16 [tilespmem:s20], [sflag:$0x6], $0x10, s21, s26, $0xb8;
	[tilespmem:$0xDE30] =	vst v63  }
0xb2: {  	s22 =	simm.s32 $0xD80  }
0xb3: {  	[spmem:s2] =	stream.indirect.scatter.add.bf16 [tilespmem:s0], [sflag:$0x6], $0x10, s22, s26, $0xb8;
	[tilespmem:$0xDE30] =	vst v63  }
0xb4: {  	s21 =	simm.s32 $0xE00  }
0xb5: {  	[spmem:s2] =	stream.indirect.scatter.add.bf16 [tilespmem:s9], [sflag:$0x6], $0x10, s21, s26, $0xb8;
	[tilespmem:$0xDE30] =	vst v63  }
0xb6: {  	s22 =	simm.s32 $0xE80  }
0xb7: {  	[spmem:s2] =	stream.indirect.scatter.add.bf16 [tilespmem:s14], [sflag:$0x6], $0x10, s22, s26, $0xb8;
	[tilespmem:$0xDE30] =	vst v63  }
0xb8: {  	s21 =	simm.s32 $0xF00  }
0xb9: {  	[spmem:s2] =	stream.indirect.scatter.add.bf16 [tilespmem:s23], [sflag:$0x6], $0x10, s21, s26, $0xb8;
	[tilespmem:$0xDE30] =	vst v63  }
0xba: {  	s22 =	simm.s32 $0xF80  }
0xbb: {  	[spmem:s2] =	stream.indirect.scatter.add.bf16 [tilespmem:s7], [sflag:$0x6], $0x10, s22, s26, $0xb8;
	[tilespmem:$0xDE30] =	vst v63  }
0xbc: {  	_ =	swait.ge [sflag:s24], $0x800  }
0xbd: {  	[sflag:s24] =	ssyncset.done $0x0  }
0xbe: {  	[sflag:s24] =	ssyncadd.s32 $0xFFFFF800  }
0xbf: {  	_ =	swait.ge [sflag:s24], $0x800  }
0xc0: {  	[sflag:s24] =	ssyncset.done $0x0  }
0xc1: {  	[sflag:s24] =	ssyncadd.s32 $0xFFFFF800  }
0xc2: {  	_ =	swait.ge [sflag:s24], $0x800  }
0xc3: {  	[sflag:s24] =	ssyncset.done $0x0  }
0xc4: {  	[sflag:s24] =	ssyncadd.s32 $0xFFFFF800  }
0xc5: {  	_ =	swait.ge [sflag:s24], $0x800  }
0xc6: {  	[sflag:s24] =	ssyncset.done $0x0  }
0xc7: {  	[sflag:s24] =	ssyncadd.s32 $0xFFFFF800  }
0xc8: {  	_ =	swait.ge [sflag:s24], $0x800  }
0xc9: {  	[sflag:s24] =	ssyncset.done $0x0  }
0xca: {  	[sflag:s24] =	ssyncadd.s32 $0xFFFFF800  }
0xcb: {  	_ =	swait.ge [sflag:s24], $0x800  }
0xcc: {  	[sflag:s24] =	ssyncset.done $0x0  }
0xcd: {  	[sflag:s24] =	ssyncadd.s32 $0xFFFFF800  }
0xce: {  	_ =	swait.ge [sflag:s24], $0x800  }
0xcf: {  	[sflag:s24] =	ssyncset.done $0x0  }
0xd0: {  	[sflag:s24] =	ssyncadd.s32 $0xFFFFF800  }
0xd1: {  	p0 =	seq.s32 s17, $0x400;
	_ =	swait.ge [sflag:s24], $0x800  }
0xd2: {  	s18 =	sshrl.u32 @!p0 s6, $0x3;
	[sflag:s24] =	ssyncset.done $0x0;
	s21 =	rddreg [dreg:$0x5]  }
0xd3: {  	s22 =	simm.s32 @!p0 $0x0;
	[sflag:s24] =	ssyncadd.s32 $0xFFFFF800;
	s21 =	sadd.s32 @!p0 s21, s18  }
0xd4: {  	[tilespmem:s22], [sflag:$0x1] =	stream.linear.gather @!p0 [hbm4b:s21+s22], $0x400, $0x38;
	[tilespmem:$0xDE30] =	vst v63  }
0xd5: {  	s21 =	rddreg [dreg:$0x6]  }
0xd6: {  	s18 =	sadd.s32 @!p0 s21, s18;
	s21 =	simm.s32 @!p0 $0x800  }
0xd7: {  	[tilespmem:s21], [sflag:$0x1] =	stream.linear.gather @!p0 [hbm4b:s18+s22], $0x400, $0x38;
	[tilespmem:$0xDE30] =	vst v63  }
0xd8: {  	_ =	swait.ge [sflag:s5], $0x800  }
0xd9: {  	[sflag:s5] =	ssyncset.done $0x0  }
0xda: {  	[sflag:s5] =	ssyncadd.s32 $0xFFFFF800  }
0xdb: {  	_ =	swait.ge [sflag:s5], $0x800  }
0xdc: {  	[sflag:s5] =	ssyncset.done $0x0  }
0xdd: {  	[sflag:s5] =	ssyncadd.s32 $0xFFFFF800  }
0xde: {  	_ =	swait.ge [sflag:s5], $0x800  }
0xdf: {  	[sflag:s5] =	ssyncset.done $0x0  }
0xe0: {  	[sflag:s5] =	ssyncadd.s32 $0xFFFFF800  }
0xe1: {  	_ =	swait.ge [sflag:s5], $0x800  }
0xe2: {  	[sflag:s5] =	ssyncset.done $0x0  }
0xe3: {  	[sflag:s5] =	ssyncadd.s32 $0xFFFFF800  }
0xe4: {  	_ =	swait.ge [sflag:s5], $0x800  }
0xe5: {  	[sflag:s5] =	ssyncset.done $0x0  }
0xe6: {  	[sflag:s5] =	ssyncadd.s32 $0xFFFFF800  }
0xe7: {  	_ =	swait.ge [sflag:s5], $0x800  }
0xe8: {  	[sflag:s5] =	ssyncset.done $0x0  }
0xe9: {  	[sflag:s5] =	ssyncadd.s32 $0xFFFFF800  }
0xea: {  	_ =	swait.ge [sflag:s5], $0x800  }
.Ltmp2:
0xeb: {  	[sflag:s5] =	ssyncset.done $0x0;
	(pc) =	sbr.rel @p0 .LBB2_4-.Ltmp2, $4  }
0xec: {  	[sflag:s5] =	ssyncadd.s32 $0xFFFFF800  }
0xed: {  	_ =	swait.ge [sflag:s5], $0x800  }
0xee: {  	[sflag:s5] =	ssyncset.done $0x0  }
0xef: {  	s28 =	simm.s32 $0x400;
	s29 =	simm.s32 $0xC00;
	[sflag:s5] =	ssyncadd.s32 $0xFFFFF800  }
0xf0: {  	s18 =	rddreg [dreg:$0x12]  }
.Ltmp3:
0xf1: {  	s18 =	sadd.s32 s17, s18;
	(pc) =	sbr.rel .LBB2_2-.Ltmp3, $4  }
0xf2: {  	[tilespmem:s28], [sflag:$0x2] =	stream.linear.gather [hbm4b:s18+s4], $0x400, $0x38;
	[tilespmem:$0xDE30] =	vst v63  }
0xf3: {  	s6 =	sadd.s32 $0x800, s6;
	s21 =	simm.s32 $0x400;
	s28 =	rddreg [dreg:$0x11]  }
0xf4: {  	s22 =	simm.s32 $0xC00;
	s18 =	sadd.s32 s17, s28;
	s17 =	sadd.s32 $0x100, s17  }
0xf5: {  	[tilespmem:s29], [sflag:$0x2] =	stream.linear.gather [hbm4b:s18+s4], $0x400, $0x38;
	[tilespmem:$0xDE30] =	vst v63  }
.LBB2_5:
0xf6: {  	_ =	sfence.sel $0x180000  }
0xf7: {  	[bflag:$0x0] =	sbarrier.arrive $0xFFFF  }
0xf8: {  	_ =	strace $0x9000004A  }
0xf9: {  	s0 =	stileid.u32;
	[bflag:$0x2] =	sbarrier.arrive $0xFFFF  }
0xfa: {  	p0 =	sne.s32 s0, $0x0;
	s0 =	rddreg [dreg:$0x4]  }
0xfb: {  	s0 =	sadd.s32 @!p0 $0x100000, s0  }
0xfc: {  	[sflag:s0] =	ssyncadd.tile.s32 @!p0 $0x1;
	_ =	shalt  }
.Lfunc_end2:
_tile_overlayer_lowered:
.L_overlay_start_2:
0xfd: {  	(tag) =	ssettag $0x2  }
0xfe: {  	s0 =	rddreg [dreg:$0x0];
	s2 =	stileid.u32  }
0xff: {  	s1 =	rddreg [dreg:$0x1];
	p0 =	sne.s32 s2, $0x0  }
0x100: {  	s3 =	rddreg [dreg:$0x2];
	[bflag:$0x3] =	sbarrier.arrive $0xFFFF;
	s2 =	simm.s32 @!p0 $0x1C07  }
0x101: {  	[timem:s3], [sflag:s2] =	dma.local @!p0 [hbm:s0], s1  }
0x102: {  	s0 =	simm.s32 @!p0 $0x7  }
0x103: {  	_ =	swait.ge @!p0 [sflag:s0], s1  }
0x104: {  	s1 =	ssub.s32 @!p0 $0x0, s1;
	[sflag:s0] =	ssyncset.done @!p0 $0x0  }
0x105: {  	[sflag:s0] =	ssyncadd.s32 @!p0 s1  }
0x106: {  	[bflag:$0x3] =	sbarrier.arrive $0xFFFF  }
0x107: {  	_ =	shalt  }

// kernel: kernel.14.cloned.1.call-start
scs
__scs_entry_jumppad:
0x0: {  	(pc) =	sbr.rel $0x88, $3  }
0x1: {  	(tag) =	ssettag $0x0;
	lr =	simm.s32 $0x1  }
0x2: {  	[smem:$0x3F9B] =	sst lr;
	_ =	strace $0xD0000000  }
0x3: {  	_ = 	snop  }
0x4: {  	_ = 	snop  }
0x5: {  	_ = 	snop  }
0x6: {  	_ = 	snop  }
0x7: {  	_ = 	snop  }
__scs_overlays_trampoline_lowered:
0x8: {  	[smem:$0x3FAA] =	sst s0  }
0x9: {  	[smem:$0x3FAB] =	sst s1  }
0xa: {  	[smem:$0x3FAC] =	sst s2  }
0xb: {  	[smem:$0x3FAD] =	sst s3  }
0xc: {  	[smem:$0x3FAE] =	sst s4  }
0xd: {  	[smem:$0x3FAF] =	sst s5  }
0xe: {  	[smem:$0x3FB0] =	sst s6  }
0xf: {  	[smem:$0x3FB1] =	sst s7  }
0x10: {  	[smem:$0x3FB2] =	sst s8  }
0x11: {  	[smem:$0x3FB3] =	sst s9;
	s0 =	simm.s32 @!p0 $0x0  }
0x12: {  	s1 =	sld [smem:$0x3F99];
	s0 =	simm.s32 @p0 $0x1  }
0x13: {  	[smem:$0x3FB4] =	sst s0;
	s0 =	simm.s32 @!p1 $0x0  }
0x14: {  	s2 =	sld [smem:$0x3F98];
	s0 =	simm.s32 @p1 $0x1  }
0x15: {  	[smem:$0x3FB5] =	sst s0;
	s0 =	simm.s32 @!p2 $0x0  }
0x16: {  	s3 =	sld [smem:$0x3FDB];
	s0 =	simm.s32 @p2 $0x1  }
0x17: {  	s4 =	simm.s32 $0x1BF5;
	[smem:$0x3FB7] =	sst s0  }
0x18: {  	s0 =	sld [smem:$0x3F9A];
	_ =	swait.ge [sflag:s4], $0x0  }
0x19: {  	s7 =	sld [smem:$0x3F9B]  }
0x1a: {  	s8 =	sadd.s32 $0xFFFFE003, lr  }
0x1b: {  	s9 =	sadd.s32 $0xFFFFFEF7, lr;
	s5 =	simm.s32 $0xFFFFFFFF;
	p2 =	slt.u32 s8, $0xFFFFF086  }
0x1c: {  	p1 =	slt.u32 s9, $0xF7A;
	s5 =	simm.s32 @!p2 $0x0  }
0x1d: {  	s5 =	simm.s32 @p1 $0x1;
	p0 =	seq.s32 s7, s2  }
0x1e: {  	s7 =	smul.u32 @!p0 $0xF7A, s2;
	p2 =	seq.s32 @!p0 s5, $0x0  }
0x1f: {  	s9 =	smul.u32 $0xF7A, s1;
	s8 =	simm.s32 @!p0 $0x1BF5;
	p2 =	por !p2, p0  }
0x20: {  	[sflag:s8] =	ssyncset.s32 @!p0 $0xFFFFF086;
	s6 =	sadd.s32 @!p0 s3, s7;
	s7 =	simm.s32 @!p0 $0x108  }
0x21: {  	s3 =	sadd.s32 s3, s9;
	s6 =	sadd.s32 @!p0 $0x88, s6;
	s7 =	simm.s32 @p2 $0x1082  }
0x22: {  	[simem:s7], [sflag:s8] =	dma.local @!p0 [hbm:s6], $0xF7A  }
0x23: {  	s9 =	sor.u32 $0xD0000000, s2;
	s6 =	simm.s32 $0x108;
	_ =	swait.ge @!p0 [sflag:s8], $0x0  }
0x24: {  	s3 =	sadd.s32 $0x88, s3;
	s6 =	simm.s32 @!p1 $0x1082;
	[sflag:s4] =	ssyncset.s32 $0xFFFFF086  }
0x25: {  	[simem:s6], [sflag:s4] =	dma.local [hbm:s3], $0xF7A  }
0x26: {  	[smem:$0x3F9B] =	sst s1;
	(tag) =	ssettag s2;
	_ =	strace s9  }
0x27: {  	s1 =	sld [smem:$0x3FAB]  }
0x28: {  	s2 =	sld [smem:$0x3FAC]  }
0x29: {  	s4 =	sld [smem:$0x3FAE]  }
0x2a: {  	p0 =	seq.s32 s5, $0x0;
	s5 =	sld [smem:$0x3FAF]  }
0x2b: {  	s6 =	sld [smem:$0x3FB0]  }
0x2c: {  	s7 =	sld [smem:$0x3FB1]  }
0x2d: {  	s3 =	simm.s32 $0x108;
	s8 =	sld [smem:$0x3FB2]  }
0x2e: {  	s3 =	simm.s32 @!p0 $0x1082;
	s9 =	sld [smem:$0x3FB3]  }
0x2f: {  	lr =	sadd.s32 s0, s3;
	s0 =	sld [smem:$0x3FAA]  }
0x30: {  	s3 =	sld [smem:$0x3FAD]  }
0x31: {  	[smem:$0x3FB6] =	sst s10  }
0x32: {  	s10 =	sld [smem:$0x3FB4];
	_ =	sdelay $0x3  }
0x33: {  	p0 =	seq.s32 s10, $0x1;
	s10 =	sld [smem:$0x3FB6];
	_ =	sdelay $0x3  }
0x34: {  	[smem:$0x3FB6] =	sst s10  }
0x35: {  	s10 =	sld [smem:$0x3FB5];
	_ =	sdelay $0x3  }
0x36: {  	p1 =	seq.s32 s10, $0x1;
	s10 =	sld [smem:$0x3FB6];
	_ =	sdelay $0x3  }
0x37: {  	[smem:$0x3FB6] =	sst s10  }
0x38: {  	s10 =	sld [smem:$0x3FB7]  }
0x39: {  	_ = 	snop;
	(pc) =	sbr.ind lr, $3  }
0x3a: {  	_ = 	snop  }
0x3b: {  	_ = 	snop  }
0x3c: {  	p2 =	seq.s32 s10, $0x1;
	s10 =	sld [smem:$0x3FB6]  }
0x3d: {  	_ =	shalt  }
0x3e: {  	_ =	shalt  }
0x3f: {  	_ =	shalt  }
0x40: {  	_ =	shalt  }
0x41: {  	_ =	shalt  }
0x42: {  	_ =	shalt  }
0x43: {  	_ =	shalt  }
0x44: {  	_ =	shalt  }
0x45: {  	_ =	shalt  }
0x46: {  	_ =	shalt  }
0x47: {  	_ =	shalt  }
0x48: {  	_ =	shalt  }
0x49: {  	_ =	shalt  }
0x4a: {  	_ =	shalt  }
0x4b: {  	_ =	shalt  }
0x4c: {  	_ =	shalt  }
0x4d: {  	_ =	shalt  }
0x4e: {  	_ =	shalt  }
0x4f: {  	_ =	shalt  }
0x50: {  	_ =	shalt  }
0x51: {  	_ =	shalt  }
0x52: {  	_ =	shalt  }
0x53: {  	_ =	shalt  }
0x54: {  	_ =	shalt  }
0x55: {  	_ =	shalt  }
0x56: {  	_ =	shalt  }
0x57: {  	_ =	shalt  }
0x58: {  	_ =	shalt  }
0x59: {  	_ =	shalt  }
0x5a: {  	_ =	shalt  }
0x5b: {  	_ =	shalt  }
0x5c: {  	_ =	shalt  }
0x5d: {  	_ =	shalt  }
0x5e: {  	_ =	shalt  }
0x5f: {  	_ =	shalt  }
0x60: {  	_ =	shalt  }
0x61: {  	_ =	shalt  }
0x62: {  	_ =	shalt  }
0x63: {  	_ =	shalt  }
0x64: {  	_ =	shalt  }
0x65: {  	_ =	shalt  }
0x66: {  	_ =	shalt  }
0x67: {  	_ =	shalt  }
0x68: {  	_ =	shalt  }
0x69: {  	_ =	shalt  }
0x6a: {  	_ =	shalt  }
0x6b: {  	_ =	shalt  }
0x6c: {  	_ =	shalt  }
0x6d: {  	_ =	shalt  }
0x6e: {  	_ =	shalt  }
0x6f: {  	_ =	shalt  }
0x70: {  	_ =	shalt  }
0x71: {  	_ =	shalt  }
0x72: {  	_ =	shalt  }
0x73: {  	_ =	shalt  }
0x74: {  	_ =	shalt  }
0x75: {  	_ =	shalt  }
0x76: {  	_ =	shalt  }
0x77: {  	_ =	shalt  }
0x78: {  	_ =	shalt  }
0x79: {  	_ =	shalt  }
0x7a: {  	_ =	shalt  }
0x7b: {  	_ =	shalt  }
0x7c: {  	_ =	shalt  }
0x7d: {  	_ =	shalt  }
0x7e: {  	_ =	shalt  }
0x7f: {  	_ =	shalt  }
0x80: {  	_ =	shalt  }
0x81: {  	_ =	shalt  }
0x82: {  	_ =	shalt  }
0x83: {  	_ =	shalt  }
0x84: {  	_ =	shalt  }
0x85: {  	_ =	shalt  }
0x86: {  	_ =	shalt  }
0x87: {  	_ =	shalt  }
.Lfunc_end0:
.L_simem_size_0:
called_computation.2_lowered:
.L_overlay_start_0:
0x88: {  	s2 =	sld [smem:$0x3FD9]  }
0x89: {  	s3 =	sld [smem:$0x3FFE];
	_ =	sdelay $0x1  }
0x8a: {  	s1 =	srdreg.scid  }
0x8b: {  	s0 =	sand.u32 $0x1, s1  }
0x8c: {  	s17 =	sshll.u32 s0, $0xA;
	s2 =	sadd.s32 s3, s2  }
0x8d: {  	s2 =	sadd.s32 s2, s17  }
0x8e: {  	[smem:$0x3FC2] =	sst s2  }
0x8f: {  	_ = 	snop  }
0x90: {  	s2 =	sld [smem:$0x3FD0];
	(tm) =	ssettm $0x1  }
0x91: {  	s18 =	sld [smem:$0x3FFB];
	_ =	sdelay $0x3  }
0x92: {  	_ =	strace s18  }
0x93: {  	s3 =	sld [smem:$0x3FFC];
	_ =	sdelay $0x3  }
0x94: {  	_ =	strace s3  }
0x95: {  	s3 =	sld [smem:$0x3FFD];
	_ =	sdelay $0x3  }
0x96: {  	_ =	strace s3  }
0x97: {  	_ =	strace $0x8FFFFFFF  }
0x98: {  	s19 =	sld [smem:$0x3FDB];
	_ =	sdelay $0x1  }
0x99: {  	s4 =	simm.s32 $_scs_section_size  }
0x9a: {  	s5 =	simm.s32 $_size__tile_overlayer_lowered;
	s6 =	simm.s32 $_tile_overlayer_lowered  }
0x9b: {  	s22 =	simm.s32 $0x1BFF;
	s21 =	sshll.u32 s6, $0x1;
	s3 =	sadd.s32 s4, s19  }
0x9c: {  	s7 =	simm.s32 $0x0;
	s20 =	sshll.u32 s5, $0x1;
	s5 =	sadd.s32 s21, s3  }
0x9d: {  	[timem:s7], [sflag:s22] =	dma.local [hbm:s5], s20  }
0x9e: {  	_ =	swait.ge [sflag:s22], s20  }
0x9f: {  	s4 =	ssub.s32 $0x0, s20;
	[sflag:s22] =	ssyncset.done $0x0  }
0xa0: {  	[sflag:s22] =	ssyncadd.s32 s4;
	_ =	sdelay $0x1  }
0xa1: {  	s23 =	simm.s32 $0x1B8B  }
0xa2: {  	_ =	swait.ge [sflag:s23], $0x1  }
0xa3: {  	[sflag:s23] =	ssyncset.done $0x0  }
0xa4: {  	s25 =	simm.s32 $0x1B8E;
	s24 =	sld [smem:$0x3FFE];
	[sflag:s23] =	ssyncadd.s32 $0xFFFFFFFF  }
0xa5: {  	s26 =	simm.s32 $execute0_lowered;
	[smem:$0x3FD2] =	sst s25  }
0xa6: {  	s5 =	sshll.u32 s26, $0x1;
	_ =	strace $0x8000004C;
	[dreg:$0x1] =	wrdreg $0xFFFFFFFF  }
0xa7: {  	s28 =	simm.s32 $_size_execute0_lowered;
	s3 =	sadd.s32 s3, s5;
	[dreg:$0x0] =	wrdreg $0x0  }
0xa8: {  	s5 =	sshll.u32 s28, $0x1;
	[dreg:$0x2] =	wrdreg s3  }
0xa9: {  	[dreg:$0x3] =	wrdreg s5  }
0xaa: {  	[dreg:$0x4] =	wrdreg $0xC0  }
0xab: {  	_ =	task [dreg:s7], $0x5FFFF  }
0xac: {  	[dreg:$0x1] =	wrdreg $0xFFFFFFFF  }
0xad: {  	[dreg:$0x0] =	wrdreg $0x60  }
0xae: {  	[dreg:$0x2] =	wrdreg s24  }
0xaf: {  	[dreg:$0x3] =	wrdreg s2  }
0xb0: {  	[dreg:$0x4] =	wrdreg $0x50000  }
0xb1: {  	[dreg:$0x5] =	wrdreg $0x63900  }
0xb2: {  	[dreg:$0x6] =	wrdreg $0x9  }
0xb3: {  	_ =	task.clear_ibuf [dreg:s7], $0x7FFFF;
	_ =	strace $0x9000004C  }
0xb4: {  	s29 =	simm.s32 $0x9;
	_ =	strace $0x8000004E  }
0xb5: {  	_ =	swait.ge [sflag:s29], $0x1  }
0xb6: {  	[sflag:s29] =	ssyncadd.s32 $0xFFFFFFFF  }
0xb7: {  	_ =	strace $0x9000004E  }
0xb8: {  	_ =	sfence  }
0xb9: {  	s30 =	sld [smem:$0x0];
	_ =	sdelay $0x2  }
0xba: {  	s31 =	sshll.u32 s1, $0xD;
	s1 =	sshrl.u32 s1, $0x2  }
0xbb: {  	s3 =	sand.u32 $0x4000, s31;
	s1 =	sadd.s32 s1, s30  }
0xbc: {  	s0 =	sor.u32 s3, s0;
	s1 =	sshll.u32 s1, $0x11  }
0xbd: {  	s0 =	sor.u32 s1, s0  }
0xbe: {  	s0 =	sadd.s32 $0x8F2B, s0  }
0xbf: {  	[sflag:s0] =	ssyncadd.remote.s32 $0x1  }
0xc0: {  	_ =	sfence.sel $0xFFFF  }
0xc1: {  	[dreg:$0x0] =	wrdreg $0xFFFFFFFF;
	(pc) =	sbr.abs _section_cstart, $3  }
0xc2: {  	[dreg:$0x1] =	wrdreg $0xFFFFFFFF  }
0xc3: {  	_ =	task.clear_ibuf [dreg:s7], $0x2FFFF;
	_ =	strace $0x9FFFFFFF  }
0xc4: {  	(tm) =	ssettm $0x7FFFFFFF  }
0xc5: {  	_ =	shalt  }
tec
execute0_lowered:
.L_overlay_start_1:
0x0: {  	(tag) =	ssettag $0x1  }
0x1: {  	s0 =	rddreg [dreg:$0x0]  }
0x2: {  	s1 =	rddreg [dreg:$0x1]  }
0x3: {  	s2 =	rddreg [dreg:$0x2]  }
0x4: {  	s3 =	rddreg [dreg:$0x3];
	s4 =	simm.s32 $0x0  }
0x5: {  	s11 =	stileid.u32;
	s5 =	srdreg.scid;
	s28 =	simm.s32 $0x7  }
0x6: {  	s31 =	simm.s32 $0x1800;
	s30 =	simm.s32 $0x4;
	[smem:$0x7FF] =	sst s4  }
0x7: {  	s6 =	smul.u32 $0x2710, s11;
	s5 =	sand.u32 $0x1, s5;
	s12 =	sadd.s32 $0x1A800, s0  }
0x8: {  	s13 =	sadd.s32 $0x1A00, s0;
	s21 =	smul.u32 $0x2800, s11;
	_ =	strace $0x8000004D  }
0x9: {  	s7 =	sshll.u32 s5, $0x4;
	s16 =	smul.u32 $0x27100, s5;
	[dreg:$0x6] =	wrdreg s13  }
0xa: {  	s9 =	ssub.s32 $0x2, s5;
	s5 =	smul.u32 $0x28000, s5;
	[dreg:$0x5] =	wrdreg s12  }
0xb: {  	s8 =	sshrl.u32 s6, $0x4;
	s7 =	sor.u32 s11, s7;
	s10 =	sshrl.u32 s9, $0x1  }
0xc: {  	s20 =	sshrl.u32 s6, $0x1;
	s11 =	sshll.u32 s11, $0x6;
	s8 =	sadd.s32 s8, s0  }
0xd: {  	s7 =	smul.u32 $0x500, s7;
	s29 =	ssub.s32 s9, s10;
	s17 =	sor.u32 $0x1C07, s11  }
0xe: {  	s6 =	sadd.s32 s6, s16;
	s5 =	sadd.s32 s21, s5;
	s21 =	simm.s32 $0x400  }
0xf: {  	s10 =	simm.s32 $0x2400;
	s16 =	simm.s32 $0x2;
	s11 =	simm.s32 $0x3  }
0x10: {  	s22 =	sadd.s32 $0x24800, s8;
	s6 =	sshrl.u32 s6, $0x4;
	s9 =	sadd.s32 $0xC00, s5  }
0x11: {  	s8 =	sadd.s32 $0xBA00, s8;
	s0 =	smax.u32 s29, $0x1;
	[dreg:$0xd] =	wrdreg s17  }
0x12: {  	s26 =	sadd.s32 $0x800, s5;
	s5 =	simm.s32 $0x6;
	[dreg:$0xc] =	wrdreg s22  }
0x13: {  	s14 =	sadd.s32 s12, s7;
	s15 =	sor.u32 $0x80, s7;
	[dreg:$0xe] =	wrdreg s8  }
0x14: {  	s7 =	sadd.s32 s13, s7;
	s1 =	sadd.s32 s1, s6;
	[dreg:$0x10] =	wrdreg s0  }
0x15: {  	s23 =	sshrl.u32 s9, $0x3;
	[dreg:$0x13] =	wrdreg s26;
	s22 =	simm.s32 $0xC00  }
0x16: {  	s26 =	simm.s32 $0x80;
	s8 =	simm.s32 $0x2000;
	[dreg:$0x7] =	wrdreg s14  }
0x17: {  	s0 =	simm.s32 $0x3C00;
	s9 =	simm.s32 $0x4000;
	[dreg:$0x8] =	wrdreg s7  }
0x18: {  	s18 =	sadd.s32 s12, s15;
	s19 =	sadd.s32 s13, s15;
	s14 =	sadd.s32 s20, s2  }
0x19: {  	s7 =	sadd.s32 s20, s3;
	[dreg:$0xf] =	wrdreg s1;
	s24 =	sadd.s32 s23, s13  }
0x1a: {  	s25 =	sadd.s32 s23, s12;
	s1 =	simm.s32 $0x1C00;
	[dreg:$0x9] =	wrdreg s18  }
0x1b: {  	s12 =	simm.s32 $0x2800;
	s15 =	simm.s32 $0x2C00;
	[dreg:$0xa] =	wrdreg s19  }
.Ltmp0:
0x1c: {  	s13 =	simm.s32 $0x3400;
	[dreg:$0xb] =	wrdreg s14;
	(pc) =	sbr.rel .LBB2_1-.Ltmp0, $4  }
0x1d: {  	s20 =	simm.s32 $0x3800;
	s23 =	simm.s32 $0x4800;
	[dreg:$0x11] =	wrdreg s24  }
0x1e: {  	[dreg:$0x12] =	wrdreg s25;
	s29 =	sshrl.u32 s7, $0x3;
	s25 =	simm.s32 $0x1  }
0x1f: {  	s19 =	simm.s32 $0x3000;
	s14 =	simm.s32 $0x4400;
	s7 =	simm.s32 $0x4C00  }
0x20: {  	s24 =	simm.s32 $0x5;
	s18 =	simm.s32 $0x0;
	[dreg:$0x14] =	wrdreg s29  }
.LBB2_4:
0x21: {  	[bflag:$0x0] =	sbarrier.arrive $0xFFFF  }
0x22: {  	s17 =	rddreg [dreg:$0xd]  }
0x23: {  	s6 =	rddreg [dreg:$0xf]  }
0x24: {  	s28 =	simm.s32 $0x7;
	s18 =	rddreg [dreg:$0x16]  }
0x25: {  	[hbm:s6], [sflag:s17] =	dma.local [spmem:s18], $0x271  }
0x26: {  	_ =	swait.ge [sflag:s28], $0x271  }
0x27: {  	s22 =	rddreg [dreg:$0x15]  }
0x28: {  	s29 =	rddreg [dreg:$0x10];
	s18 =	sadd.s32 $0x1, s22  }
0x29: {  	p0 =	sne.s32 s18, s29  }
.Ltmp1:
0x2a: {  	_ = 	snop;
	(pc) =	sbr.rel @!p0 .LBB2_5-.Ltmp1, $3  }
0x2b: {  	_ =	sdelay $0x1  }
0x2c: {  	[sflag:s28] =	ssyncset.done $0x0  }
0x2d: {  	s21 =	simm.s32 $0x400;
	[sflag:s28] =	ssyncadd.s32 $0xFFFFFD8F;
	s22 =	simm.s32 $0xC00  }
.LBB2_1:
0x2e: {  	[dreg:$0x15] =	wrdreg s18  }
0x2f: {  	s6 =	rddreg [dreg:$0x7]  }
0x30: {  	[tilespmem:s4], [sflag:$0x1] =	stream.linear.gather [hbm4b:s6+s4], $0x400, $0x38;
	[tilespmem:$0x7718] =	vst v63  }
0x31: {  	s18 =	rddreg [dreg:$0x8];
	s29 =	simm.s32 $0x800  }
0x32: {  	[tilespmem:s29], [sflag:$0x1] =	stream.linear.gather [hbm4b:s18+s4], $0x400, $0x38;
	[tilespmem:$0x7718] =	vst v63  }
0x33: {  	s29 =	rddreg [dreg:$0x9]  }
0x34: {  	s18 =	rddreg [dreg:$0xa]  }
0x35: {  	[tilespmem:s21], [sflag:$0x2] =	stream.linear.gather [hbm4b:s29+s4], $0x400, $0x38;
	[tilespmem:$0x7718] =	vst v63  }
0x36: {  	s29 =	rddreg [dreg:$0xb]  }
0x37: {  	s6 =	sshrl.u32 s29, $0x3;
	s29 =	rddreg [dreg:$0xc]  }
0x38: {  	[tilespmem:s22], [sflag:$0x2] =	stream.linear.gather [hbm4b:s18+s4], $0x400, $0x38;
	[tilespmem:$0x7718] =	vst v63  }
0x39: {  	[dreg:$0x16] =	wrdreg s6  }
0x3a: {  	[spmem:s6], [sflag:s17] =	dma.local [hbm:s29], $0x271  }
0x3b: {  	_ =	swait.ge [sflag:s28], $0x271  }
0x3c: {  	[sflag:s28] =	ssyncset.done $0x0;
	s18 =	rddreg [dreg:$0xe]  }
0x3d: {  	s29 =	rddreg [dreg:$0x14];
	[sflag:s28] =	ssyncadd.s32 $0xFFFFFD8F  }
0x3e: {  	[spmem:s29], [sflag:s17] =	dma.local [hbm:s18], $0x271  }
0x3f: {  	_ =	swait.ge [sflag:s28], $0x271  }
0x40: {  	[sflag:s28] =	ssyncset.done $0x0  }
0x41: {  	[sflag:s28] =	ssyncadd.s32 $0xFFFFFD8F  }
0x42: {  	[bflag:$0x0] =	sbarrier.arrive $0xFFFF  }
0x43: {  	s17 =	simm.s32 $0x0;
	s6 =	rddreg [dreg:$0x13]  }
.LBB2_2:
0x44: {  	_ =	swait.ge [sflag:s25], $0x400  }
0x45: {  	[sflag:s25] =	ssyncset.done $0x0  }
0x46: {  	[sflag:s25] =	ssyncadd.s32 $0xFFFFFC00  }
0x47: {  	_ =	swait.ge [sflag:s25], $0x400  }
0x48: {  	[sflag:s25] =	ssyncset.done $0x0  }
0x49: {  	s28 =	simm.s32 $0x1000;
	[sflag:s25] =	ssyncadd.s32 $0xFFFFFC00  }
0x4a: {  	[tilespmem:s28], [sflag:$0x3] =	stream.indirect.gather [spmem:s3], $0x8, s4, s26, $0xb8;
	[tilespmem:$0x7718] =	vst v63  }
0x4b: {  	s29 =	simm.s32 $0x1400  }
0x4c: {  	[tilespmem:s29], [sflag:$0x3] =	stream.indirect.gather [spmem:s3], $0x8, s26, s26, $0xb8;
	[tilespmem:$0x7718] =	vst v63  }
0x4d: {  	s18 =	simm.s32 $0x100  }
0x4e: {  	[tilespmem:s31], [sflag:$0x3] =	stream.indirect.gather [spmem:s3], $0x8, s18, s26, $0xb8;
	[tilespmem:$0x7718] =	vst v63  }
0x4f: {  	s18 =	simm.s32 $0x180  }
0x50: {  	[tilespmem:s1], [sflag:$0x3] =	stream.indirect.gather [spmem:s3], $0x8, s18, s26, $0xb8;
	[tilespmem:$0x7718] =	vst v63  }
0x51: {  	s18 =	simm.s32 $0x200  }
0x52: {  	[tilespmem:s8], [sflag:$0x3] =	stream.indirect.gather [spmem:s3], $0x8, s18, s26, $0xb8;
	[tilespmem:$0x7718] =	vst v63  }
0x53: {  	s18 =	simm.s32 $0x280  }
0x54: {  	[tilespmem:s10], [sflag:$0x3] =	stream.indirect.gather [spmem:s3], $0x8, s18, s26, $0xb8;
	[tilespmem:$0x7718] =	vst v63  }
0x55: {  	s18 =	simm.s32 $0x300  }
0x56: {  	[tilespmem:s12], [sflag:$0x3] =	stream.indirect.gather [spmem:s3], $0x8, s18, s26, $0xb8;
	[tilespmem:$0x7718] =	vst v63  }
0x57: {  	s18 =	simm.s32 $0x380  }
0x58: {  	[tilespmem:s15], [sflag:$0x3] =	stream.indirect.gather [spmem:s3], $0x8, s18, s26, $0xb8;
	[tilespmem:$0x7718] =	vst v63  }
0x59: {  	_ =	swait.ge [sflag:s16], $0x400  }
0x5a: {  	[sflag:s16] =	ssyncset.done $0x0  }
0x5b: {  	[sflag:s16] =	ssyncadd.s32 $0xFFFFFC00  }
0x5c: {  	_ =	swait.ge [sflag:s16], $0x400  }
0x5d: {  	[sflag:s16] =	ssyncset.done $0x0  }
0x5e: {  	[sflag:s16] =	ssyncadd.s32 $0xFFFFFC00  }
0x5f: {  	[tilespmem:s19], [sflag:$0x4] =	stream.indirect.gather [spmem:s3], $0x8, s21, s26, $0xb8;
	[tilespmem:$0x7718] =	vst v63  }
0x60: {  	s21 =	simm.s32 $0x480  }
0x61: {  	[tilespmem:s13], [sflag:$0x4] =	stream.indirect.gather [spmem:s3], $0x8, s21, s26, $0xb8;
	[tilespmem:$0x7718] =	vst v63  }
0x62: {  	s21 =	simm.s32 $0x500  }
0x63: {  	[tilespmem:s20], [sflag:$0x4] =	stream.indirect.gather [spmem:s3], $0x8, s21, s26, $0xb8;
	[tilespmem:$0x7718] =	vst v63  }
0x64: {  	s21 =	simm.s32 $0x580  }
0x65: {  	[tilespmem:s0], [sflag:$0x4] =	stream.indirect.gather [spmem:s3], $0x8, s21, s26, $0xb8;
	[tilespmem:$0x7718] =	vst v63  }
0x66: {  	s21 =	simm.s32 $0x600  }
0x67: {  	[tilespmem:s9], [sflag:$0x4] =	stream.indirect.gather [spmem:s3], $0x8, s21, s26, $0xb8;
	[tilespmem:$0x7718] =	vst v63  }
0x68: {  	s21 =	simm.s32 $0x680  }
0x69: {  	[tilespmem:s14], [sflag:$0x4] =	stream.indirect.gather [spmem:s3], $0x8, s21, s26, $0xb8;
	[tilespmem:$0x7718] =	vst v63  }
0x6a: {  	s21 =	simm.s32 $0x700  }
0x6b: {  	[tilespmem:s23], [sflag:$0x4] =	stream.indirect.gather [spmem:s3], $0x8, s21, s26, $0xb8;
	[tilespmem:$0x7718] =	vst v63  }
0x6c: {  	s21 =	simm.s32 $0x780  }
0x6d: {  	[tilespmem:s7], [sflag:$0x4] =	stream.indirect.gather [spmem:s3], $0x8, s21, s26, $0xb8;
	[tilespmem:$0x7718] =	vst v63  }
0x6e: {  	_ =	swait.ge [sflag:s11], $0x400  }
0x6f: {  	[sflag:s11] =	ssyncset.done $0x0  }
0x70: {  	[sflag:s11] =	ssyncadd.s32 $0xFFFFFC00  }
0x71: {  	_ =	swait.ge [sflag:s11], $0x400  }
0x72: {  	[sflag:s11] =	ssyncset.done $0x0  }
0x73: {  	[sflag:s11] =	ssyncadd.s32 $0xFFFFFC00  }
0x74: {  	_ =	swait.ge [sflag:s11], $0x400  }
0x75: {  	[sflag:s11] =	ssyncset.done $0x0  }
0x76: {  	[sflag:s11] =	ssyncadd.s32 $0xFFFFFC00  }
0x77: {  	_ =	swait.ge [sflag:s11], $0x400  }
0x78: {  	[sflag:s11] =	ssyncset.done $0x0  }
0x79: {  	[sflag:s11] =	ssyncadd.s32 $0xFFFFFC00  }
0x7a: {  	_ =	swait.ge [sflag:s11], $0x400  }
0x7b: {  	[sflag:s11] =	ssyncset.done $0x0  }
0x7c: {  	[sflag:s11] =	ssyncadd.s32 $0xFFFFFC00  }
0x7d: {  	_ =	swait.ge [sflag:s11], $0x400  }
0x7e: {  	[sflag:s11] =	ssyncset.done $0x0  }
0x7f: {  	[sflag:s11] =	ssyncadd.s32 $0xFFFFFC00  }
0x80: {  	_ =	swait.ge [sflag:s11], $0x400  }
0x81: {  	[sflag:s11] =	ssyncset.done $0x0  }
0x82: {  	[sflag:s11] =	ssyncadd.s32 $0xFFFFFC00  }
0x83: {  	_ =	swait.ge [sflag:s11], $0x400  }
0x84: {  	[sflag:s11] =	ssyncset.done $0x0  }
0x85: {  	s21 =	simm.s32 $0x800;
	[sflag:s11] =	ssyncadd.s32 $0xFFFFFC00  }
0x86: {  	[spmem:s2] =	stream.indirect.scatter.add.bf16 [tilespmem:s28], [sflag:$0x5], $0x8, s21, s26, $0xb8;
	[tilespmem:$0x7718] =	vst v63  }
0x87: {  	s21 =	simm.s32 $0x880  }
0x88: {  	[spmem:s2] =	stream.indirect.scatter.add.bf16 [tilespmem:s29], [sflag:$0x5], $0x8, s21, s26, $0xb8;
	[tilespmem:$0x7718] =	vst v63  }
0x89: {  	s21 =	simm.s32 $0x900  }
0x8a: {  	[spmem:s2] =	stream.indirect.scatter.add.bf16 [tilespmem:s31], [sflag:$0x5], $0x8, s21, s26, $0xb8;
	[tilespmem:$0x7718] =	vst v63  }
0x8b: {  	s21 =	simm.s32 $0x980  }
0x8c: {  	[spmem:s2] =	stream.indirect.scatter.add.bf16 [tilespmem:s1], [sflag:$0x5], $0x8, s21, s26, $0xb8;
	[tilespmem:$0x7718] =	vst v63  }
0x8d: {  	s21 =	simm.s32 $0xA00  }
0x8e: {  	[spmem:s2] =	stream.indirect.scatter.add.bf16 [tilespmem:s8], [sflag:$0x5], $0x8, s21, s26, $0xb8;
	[tilespmem:$0x7718] =	vst v63  }
0x8f: {  	s21 =	simm.s32 $0xA80  }
0x90: {  	[spmem:s2] =	stream.indirect.scatter.add.bf16 [tilespmem:s10], [sflag:$0x5], $0x8, s21, s26, $0xb8;
	[tilespmem:$0x7718] =	vst v63  }
0x91: {  	s21 =	simm.s32 $0xB00  }
0x92: {  	[spmem:s2] =	stream.indirect.scatter.add.bf16 [tilespmem:s12], [sflag:$0x5], $0x8, s21, s26, $0xb8;
	[tilespmem:$0x7718] =	vst v63  }
0x93: {  	s21 =	simm.s32 $0xB80  }
0x94: {  	[spmem:s2] =	stream.indirect.scatter.add.bf16 [tilespmem:s15], [sflag:$0x5], $0x8, s21, s26, $0xb8;
	[tilespmem:$0x7718] =	vst v63  }
0x95: {  	_ =	swait.ge [sflag:s30], $0x400  }
0x96: {  	[sflag:s30] =	ssyncset.done $0x0  }
0x97: {  	[sflag:s30] =	ssyncadd.s32 $0xFFFFFC00  }
0x98: {  	_ =	swait.ge [sflag:s30], $0x400  }
0x99: {  	[sflag:s30] =	ssyncset.done $0x0  }
0x9a: {  	[sflag:s30] =	ssyncadd.s32 $0xFFFFFC00  }
0x9b: {  	_ =	swait.ge [sflag:s30], $0x400  }
0x9c: {  	[sflag:s30] =	ssyncset.done $0x0  }
0x9d: {  	[sflag:s30] =	ssyncadd.s32 $0xFFFFFC00  }
0x9e: {  	_ =	swait.ge [sflag:s30], $0x400  }
0x9f: {  	[sflag:s30] =	ssyncset.done $0x0  }
0xa0: {  	[sflag:s30] =	ssyncadd.s32 $0xFFFFFC00  }
0xa1: {  	_ =	swait.ge [sflag:s30], $0x400  }
0xa2: {  	[sflag:s30] =	ssyncset.done $0x0  }
0xa3: {  	[sflag:s30] =	ssyncadd.s32 $0xFFFFFC00  }
0xa4: {  	_ =	swait.ge [sflag:s30], $0x400  }
0xa5: {  	[sflag:s30] =	ssyncset.done $0x0  }
0xa6: {  	[sflag:s30] =	ssyncadd.s32 $0xFFFFFC00  }
0xa7: {  	_ =	swait.ge [sflag:s30], $0x400  }
0xa8: {  	[sflag:s30] =	ssyncset.done $0x0  }
0xa9: {  	[sflag:s30] =	ssyncadd.s32 $0xFFFFFC00  }
0xaa: {  	_ =	swait.ge [sflag:s30], $0x400  }
0xab: {  	[sflag:s30] =	ssyncset.done $0x0  }
0xac: {  	[sflag:s30] =	ssyncadd.s32 $0xFFFFFC00  }
0xad: {  	[spmem:s2] =	stream.indirect.scatter.add.bf16 [tilespmem:s19], [sflag:$0x6], $0x8, s22, s26, $0xb8;
	[tilespmem:$0x7718] =	vst v63  }
0xae: {  	s22 =	simm.s32 $0xC80  }
0xaf: {  	[spmem:s2] =	stream.indirect.scatter.add.bf16 [tilespmem:s13], [sflag:$0x6], $0x8, s22, s26, $0xb8;
	[tilespmem:$0x7718] =	vst v63  }
0xb0: {  	s21 =	simm.s32 $0xD00  }
0xb1: {  	[spmem:s2] =	stream.indirect.scatter.add.bf16 [tilespmem:s20], [sflag:$0x6], $0x8, s21, s26, $0xb8;
	[tilespmem:$0x7718] =	vst v63  }
0xb2: {  	s22 =	simm.s32 $0xD80  }
0xb3: {  	[spmem:s2] =	stream.indirect.scatter.add.bf16 [tilespmem:s0], [sflag:$0x6], $0x8, s22, s26, $0xb8;
	[tilespmem:$0x7718] =	vst v63  }
0xb4: {  	s21 =	simm.s32 $0xE00  }
0xb5: {  	[spmem:s2] =	stream.indirect.scatter.add.bf16 [tilespmem:s9], [sflag:$0x6], $0x8, s21, s26, $0xb8;
	[tilespmem:$0x7718] =	vst v63  }
0xb6: {  	s22 =	simm.s32 $0xE80  }
0xb7: {  	[spmem:s2] =	stream.indirect.scatter.add.bf16 [tilespmem:s14], [sflag:$0x6], $0x8, s22, s26, $0xb8;
	[tilespmem:$0x7718] =	vst v63  }
0xb8: {  	s21 =	simm.s32 $0xF00  }
0xb9: {  	[spmem:s2] =	stream.indirect.scatter.add.bf16 [tilespmem:s23], [sflag:$0x6], $0x8, s21, s26, $0xb8;
	[tilespmem:$0x7718] =	vst v63  }
0xba: {  	s22 =	simm.s32 $0xF80  }
0xbb: {  	[spmem:s2] =	stream.indirect.scatter.add.bf16 [tilespmem:s7], [sflag:$0x6], $0x8, s22, s26, $0xb8;
	[tilespmem:$0x7718] =	vst v63  }
0xbc: {  	_ =	swait.ge [sflag:s24], $0x400  }
0xbd: {  	[sflag:s24] =	ssyncset.done $0x0  }
0xbe: {  	[sflag:s24] =	ssyncadd.s32 $0xFFFFFC00  }
0xbf: {  	_ =	swait.ge [sflag:s24], $0x400  }
0xc0: {  	[sflag:s24] =	ssyncset.done $0x0  }
0xc1: {  	[sflag:s24] =	ssyncadd.s32 $0xFFFFFC00  }
0xc2: {  	_ =	swait.ge [sflag:s24], $0x400  }
0xc3: {  	[sflag:s24] =	ssyncset.done $0x0  }
0xc4: {  	[sflag:s24] =	ssyncadd.s32 $0xFFFFFC00  }
0xc5: {  	_ =	swait.ge [sflag:s24], $0x400  }
0xc6: {  	[sflag:s24] =	ssyncset.done $0x0  }
0xc7: {  	[sflag:s24] =	ssyncadd.s32 $0xFFFFFC00  }
0xc8: {  	_ =	swait.ge [sflag:s24], $0x400  }
0xc9: {  	[sflag:s24] =	ssyncset.done $0x0  }
0xca: {  	[sflag:s24] =	ssyncadd.s32 $0xFFFFFC00  }
0xcb: {  	_ =	swait.ge [sflag:s24], $0x400  }
0xcc: {  	[sflag:s24] =	ssyncset.done $0x0  }
0xcd: {  	[sflag:s24] =	ssyncadd.s32 $0xFFFFFC00  }
0xce: {  	_ =	swait.ge [sflag:s24], $0x400  }
0xcf: {  	[sflag:s24] =	ssyncset.done $0x0  }
0xd0: {  	[sflag:s24] =	ssyncadd.s32 $0xFFFFFC00  }
0xd1: {  	p0 =	seq.s32 s17, $0x400;
	_ =	swait.ge [sflag:s24], $0x400  }
0xd2: {  	s18 =	sshrl.u32 @!p0 s6, $0x3;
	[sflag:s24] =	ssyncset.done $0x0;
	s21 =	rddreg [dreg:$0x5]  }
0xd3: {  	s22 =	simm.s32 @!p0 $0x0;
	[sflag:s24] =	ssyncadd.s32 $0xFFFFFC00;
	s21 =	sadd.s32 @!p0 s21, s18  }
0xd4: {  	[tilespmem:s22], [sflag:$0x1] =	stream.linear.gather @!p0 [hbm4b:s21+s22], $0x400, $0x38;
	[tilespmem:$0x7718] =	vst v63  }
0xd5: {  	s21 =	rddreg [dreg:$0x6]  }
0xd6: {  	s18 =	sadd.s32 @!p0 s21, s18;
	s21 =	simm.s32 @!p0 $0x800  }
0xd7: {  	[tilespmem:s21], [sflag:$0x1] =	stream.linear.gather @!p0 [hbm4b:s18+s22], $0x400, $0x38;
	[tilespmem:$0x7718] =	vst v63  }
0xd8: {  	_ =	swait.ge [sflag:s5], $0x400  }
0xd9: {  	[sflag:s5] =	ssyncset.done $0x0  }
0xda: {  	[sflag:s5] =	ssyncadd.s32 $0xFFFFFC00  }
0xdb: {  	_ =	swait.ge [sflag:s5], $0x400  }
0xdc: {  	[sflag:s5] =	ssyncset.done $0x0  }
0xdd: {  	[sflag:s5] =	ssyncadd.s32 $0xFFFFFC00  }
0xde: {  	_ =	swait.ge [sflag:s5], $0x400  }
0xdf: {  	[sflag:s5] =	ssyncset.done $0x0  }
0xe0: {  	[sflag:s5] =	ssyncadd.s32 $0xFFFFFC00  }
0xe1: {  	_ =	swait.ge [sflag:s5], $0x400  }
0xe2: {  	[sflag:s5] =	ssyncset.done $0x0  }
0xe3: {  	[sflag:s5] =	ssyncadd.s32 $0xFFFFFC00  }
0xe4: {  	_ =	swait.ge [sflag:s5], $0x400  }
0xe5: {  	[sflag:s5] =	ssyncset.done $0x0  }
0xe6: {  	[sflag:s5] =	ssyncadd.s32 $0xFFFFFC00  }
0xe7: {  	_ =	swait.ge [sflag:s5], $0x400  }
0xe8: {  	[sflag:s5] =	ssyncset.done $0x0  }
0xe9: {  	[sflag:s5] =	ssyncadd.s32 $0xFFFFFC00  }
0xea: {  	_ =	swait.ge [sflag:s5], $0x400  }
.Ltmp2:
0xeb: {  	[sflag:s5] =	ssyncset.done $0x0;
	(pc) =	sbr.rel @p0 .LBB2_4-.Ltmp2, $4  }
0xec: {  	[sflag:s5] =	ssyncadd.s32 $0xFFFFFC00  }
0xed: {  	_ =	swait.ge [sflag:s5], $0x400  }
0xee: {  	[sflag:s5] =	ssyncset.done $0x0  }
0xef: {  	s28 =	simm.s32 $0x400;
	s29 =	simm.s32 $0xC00;
	[sflag:s5] =	ssyncadd.s32 $0xFFFFFC00  }
0xf0: {  	s18 =	rddreg [dreg:$0x12]  }
.Ltmp3:
0xf1: {  	s18 =	sadd.s32 s17, s18;
	(pc) =	sbr.rel .LBB2_2-.Ltmp3, $4  }
0xf2: {  	[tilespmem:s28], [sflag:$0x2] =	stream.linear.gather [hbm4b:s18+s4], $0x400, $0x38;
	[tilespmem:$0x7718] =	vst v63  }
0xf3: {  	s6 =	sadd.s32 $0x800, s6;
	s21 =	simm.s32 $0x400;
	s28 =	rddreg [dreg:$0x11]  }
0xf4: {  	s22 =	simm.s32 $0xC00;
	s18 =	sadd.s32 s17, s28;
	s17 =	sadd.s32 $0x100, s17  }
0xf5: {  	[tilespmem:s29], [sflag:$0x2] =	stream.linear.gather [hbm4b:s18+s4], $0x400, $0x38;
	[tilespmem:$0x7718] =	vst v63  }
.LBB2_5:
0xf6: {  	_ =	sfence.sel $0x180000  }
0xf7: {  	[bflag:$0x0] =	sbarrier.arrive $0xFFFF  }
0xf8: {  	_ =	strace $0x9000004D  }
0xf9: {  	s0 =	stileid.u32;
	[bflag:$0x2] =	sbarrier.arrive $0xFFFF  }
0xfa: {  	p0 =	sne.s32 s0, $0x0;
	s0 =	rddreg [dreg:$0x4]  }
0xfb: {  	s0 =	sadd.s32 @!p0 $0x100000, s0  }
0xfc: {  	[sflag:s0] =	ssyncadd.tile.s32 @!p0 $0x1;
	_ =	shalt  }
.Lfunc_end2:
_tile_overlayer_lowered:
.L_overlay_start_2:
0xfd: {  	(tag) =	ssettag $0x2  }
0xfe: {  	s0 =	rddreg [dreg:$0x0];
	s2 =	stileid.u32  }
0xff: {  	s1 =	rddreg [dreg:$0x1];
	p0 =	sne.s32 s2, $0x0  }
0x100: {  	s3 =	rddreg [dreg:$0x2];
	[bflag:$0x3] =	sbarrier.arrive $0xFFFF;
	s2 =	simm.s32 @!p0 $0x1C07  }
0x101: {  	[timem:s3], [sflag:s2] =	dma.local @!p0 [hbm:s0], s1  }
0x102: {  	s0 =	simm.s32 @!p0 $0x7  }
0x103: {  	_ =	swait.ge @!p0 [sflag:s0], s1  }
0x104: {  	s1 =	ssub.s32 @!p0 $0x0, s1;
	[sflag:s0] =	ssyncset.done @!p0 $0x0  }
0x105: {  	[sflag:s0] =	ssyncadd.s32 @!p0 s1  }
0x106: {  	[bflag:$0x3] =	sbarrier.arrive $0xFFFF  }
0x107: {  	_ =	shalt  }

// kernel: kernel.8.cloned.1.call-start
scs
__scs_entry_jumppad:
0x0: {  	(pc) =	sbr.rel $0x88, $3  }
0x1: {  	(tag) =	ssettag $0x0;
	lr =	simm.s32 $0x1  }
0x2: {  	[smem:$0x3F9B] =	sst lr;
	_ =	strace $0xD0000000  }
0x3: {  	_ = 	snop  }
0x4: {  	_ = 	snop  }
0x5: {  	_ = 	snop  }
0x6: {  	_ = 	snop  }
0x7: {  	_ = 	snop  }
__scs_overlays_trampoline_lowered:
0x8: {  	[smem:$0x3FAA] =	sst s0  }
0x9: {  	[smem:$0x3FAB] =	sst s1  }
0xa: {  	[smem:$0x3FAC] =	sst s2  }
0xb: {  	[smem:$0x3FAD] =	sst s3  }
0xc: {  	[smem:$0x3FAE] =	sst s4  }
0xd: {  	[smem:$0x3FAF] =	sst s5  }
0xe: {  	[smem:$0x3FB0] =	sst s6  }
0xf: {  	[smem:$0x3FB1] =	sst s7  }
0x10: {  	[smem:$0x3FB2] =	sst s8  }
0x11: {  	[smem:$0x3FB3] =	sst s9;
	s0 =	simm.s32 @!p0 $0x0  }
0x12: {  	s1 =	sld [smem:$0x3F99];
	s0 =	simm.s32 @p0 $0x1  }
0x13: {  	[smem:$0x3FB4] =	sst s0;
	s0 =	simm.s32 @!p1 $0x0  }
0x14: {  	s2 =	sld [smem:$0x3F98];
	s0 =	simm.s32 @p1 $0x1  }
0x15: {  	[smem:$0x3FB5] =	sst s0;
	s0 =	simm.s32 @!p2 $0x0  }
0x16: {  	s3 =	sld [smem:$0x3FDB];
	s0 =	simm.s32 @p2 $0x1  }
0x17: {  	s4 =	simm.s32 $0x1BF5;
	[smem:$0x3FB7] =	sst s0  }
0x18: {  	s0 =	sld [smem:$0x3F9A];
	_ =	swait.ge [sflag:s4], $0x0  }
0x19: {  	s7 =	sld [smem:$0x3F9B]  }
0x1a: {  	s8 =	sadd.s32 $0xFFFFE003, lr  }
0x1b: {  	s9 =	sadd.s32 $0xFFFFFEF7, lr;
	s5 =	simm.s32 $0xFFFFFFFF;
	p2 =	slt.u32 s8, $0xFFFFF086  }
0x1c: {  	p1 =	slt.u32 s9, $0xF7A;
	s5 =	simm.s32 @!p2 $0x0  }
0x1d: {  	s5 =	simm.s32 @p1 $0x1;
	p0 =	seq.s32 s7, s2  }
0x1e: {  	s7 =	smul.u32 @!p0 $0xF7A, s2;
	p2 =	seq.s32 @!p0 s5, $0x0  }
0x1f: {  	s9 =	smul.u32 $0xF7A, s1;
	s8 =	simm.s32 @!p0 $0x1BF5;
	p2 =	por !p2, p0  }
0x20: {  	[sflag:s8] =	ssyncset.s32 @!p0 $0xFFFFF086;
	s6 =	sadd.s32 @!p0 s3, s7;
	s7 =	simm.s32 @!p0 $0x108  }
0x21: {  	s3 =	sadd.s32 s3, s9;
	s6 =	sadd.s32 @!p0 $0x88, s6;
	s7 =	simm.s32 @p2 $0x1082  }
0x22: {  	[simem:s7], [sflag:s8] =	dma.local @!p0 [hbm:s6], $0xF7A  }
0x23: {  	s9 =	sor.u32 $0xD0000000, s2;
	s6 =	simm.s32 $0x108;
	_ =	swait.ge @!p0 [sflag:s8], $0x0  }
0x24: {  	s3 =	sadd.s32 $0x88, s3;
	s6 =	simm.s32 @!p1 $0x1082;
	[sflag:s4] =	ssyncset.s32 $0xFFFFF086  }
0x25: {  	[simem:s6], [sflag:s4] =	dma.local [hbm:s3], $0xF7A  }
0x26: {  	[smem:$0x3F9B] =	sst s1;
	(tag) =	ssettag s2;
	_ =	strace s9  }
0x27: {  	s1 =	sld [smem:$0x3FAB]  }
0x28: {  	s2 =	sld [smem:$0x3FAC]  }
0x29: {  	s4 =	sld [smem:$0x3FAE]  }
0x2a: {  	p0 =	seq.s32 s5, $0x0;
	s5 =	sld [smem:$0x3FAF]  }
0x2b: {  	s6 =	sld [smem:$0x3FB0]  }
0x2c: {  	s7 =	sld [smem:$0x3FB1]  }
0x2d: {  	s3 =	simm.s32 $0x108;
	s8 =	sld [smem:$0x3FB2]  }
0x2e: {  	s3 =	simm.s32 @!p0 $0x1082;
	s9 =	sld [smem:$0x3FB3]  }
0x2f: {  	lr =	sadd.s32 s0, s3;
	s0 =	sld [smem:$0x3FAA]  }
0x30: {  	s3 =	sld [smem:$0x3FAD]  }
0x31: {  	[smem:$0x3FB6] =	sst s10  }
0x32: {  	s10 =	sld [smem:$0x3FB4];
	_ =	sdelay $0x3  }
0x33: {  	p0 =	seq.s32 s10, $0x1;
	s10 =	sld [smem:$0x3FB6];
	_ =	sdelay $0x3  }
0x34: {  	[smem:$0x3FB6] =	sst s10  }
0x35: {  	s10 =	sld [smem:$0x3FB5];
	_ =	sdelay $0x3  }
0x36: {  	p1 =	seq.s32 s10, $0x1;
	s10 =	sld [smem:$0x3FB6];
	_ =	sdelay $0x3  }
0x37: {  	[smem:$0x3FB6] =	sst s10  }
0x38: {  	s10 =	sld [smem:$0x3FB7]  }
0x39: {  	_ = 	snop;
	(pc) =	sbr.ind lr, $3  }
0x3a: {  	_ = 	snop  }
0x3b: {  	_ = 	snop  }
0x3c: {  	p2 =	seq.s32 s10, $0x1;
	s10 =	sld [smem:$0x3FB6]  }
0x3d: {  	_ =	shalt  }
0x3e: {  	_ =	shalt  }
0x3f: {  	_ =	shalt  }
0x40: {  	_ =	shalt  }
0x41: {  	_ =	shalt  }
0x42: {  	_ =	shalt  }
0x43: {  	_ =	shalt  }
0x44: {  	_ =	shalt  }
0x45: {  	_ =	shalt  }
0x46: {  	_ =	shalt  }
0x47: {  	_ =	shalt  }
0x48: {  	_ =	shalt  }
0x49: {  	_ =	shalt  }
0x4a: {  	_ =	shalt  }
0x4b: {  	_ =	shalt  }
0x4c: {  	_ =	shalt  }
0x4d: {  	_ =	shalt  }
0x4e: {  	_ =	shalt  }
0x4f: {  	_ =	shalt  }
0x50: {  	_ =	shalt  }
0x51: {  	_ =	shalt  }
0x52: {  	_ =	shalt  }
0x53: {  	_ =	shalt  }
0x54: {  	_ =	shalt  }
0x55: {  	_ =	shalt  }
0x56: {  	_ =	shalt  }
0x57: {  	_ =	shalt  }
0x58: {  	_ =	shalt  }
0x59: {  	_ =	shalt  }
0x5a: {  	_ =	shalt  }
0x5b: {  	_ =	shalt  }
0x5c: {  	_ =	shalt  }
0x5d: {  	_ =	shalt  }
0x5e: {  	_ =	shalt  }
0x5f: {  	_ =	shalt  }
0x60: {  	_ =	shalt  }
0x61: {  	_ =	shalt  }
0x62: {  	_ =	shalt  }
0x63: {  	_ =	shalt  }
0x64: {  	_ =	shalt  }
0x65: {  	_ =	shalt  }
0x66: {  	_ =	shalt  }
0x67: {  	_ =	shalt  }
0x68: {  	_ =	shalt  }
0x69: {  	_ =	shalt  }
0x6a: {  	_ =	shalt  }
0x6b: {  	_ =	shalt  }
0x6c: {  	_ =	shalt  }
0x6d: {  	_ =	shalt  }
0x6e: {  	_ =	shalt  }
0x6f: {  	_ =	shalt  }
0x70: {  	_ =	shalt  }
0x71: {  	_ =	shalt  }
0x72: {  	_ =	shalt  }
0x73: {  	_ =	shalt  }
0x74: {  	_ =	shalt  }
0x75: {  	_ =	shalt  }
0x76: {  	_ =	shalt  }
0x77: {  	_ =	shalt  }
0x78: {  	_ =	shalt  }
0x79: {  	_ =	shalt  }
0x7a: {  	_ =	shalt  }
0x7b: {  	_ =	shalt  }
0x7c: {  	_ =	shalt  }
0x7d: {  	_ =	shalt  }
0x7e: {  	_ =	shalt  }
0x7f: {  	_ =	shalt  }
0x80: {  	_ =	shalt  }
0x81: {  	_ =	shalt  }
0x82: {  	_ =	shalt  }
0x83: {  	_ =	shalt  }
0x84: {  	_ =	shalt  }
0x85: {  	_ =	shalt  }
0x86: {  	_ =	shalt  }
0x87: {  	_ =	shalt  }
.Lfunc_end0:
.L_simem_size_0:
called_computation_lowered:
.L_overlay_start_0:
0x88: {  	s2 =	sld [smem:$0x3FD9]  }
0x89: {  	s3 =	sld [smem:$0x3FFE];
	_ =	sdelay $0x1  }
0x8a: {  	s1 =	srdreg.scid  }
0x8b: {  	s0 =	sand.u32 $0x1, s1  }
0x8c: {  	s16 =	sshll.u32 s0, $0xA;
	s2 =	sadd.s32 s3, s2  }
0x8d: {  	s2 =	sadd.s32 s2, s16  }
0x8e: {  	[smem:$0x3FC2] =	sst s2  }
0x8f: {  	_ = 	snop  }
0x90: {  	(tm) =	ssettm $0x1  }
0x91: {  	s17 =	sld [smem:$0x3FFB];
	_ =	sdelay $0x3  }
0x92: {  	_ =	strace s17  }
0x93: {  	s2 =	sld [smem:$0x3FFC];
	_ =	sdelay $0x3  }
0x94: {  	_ =	strace s2  }
0x95: {  	s2 =	sld [smem:$0x3FFD];
	_ =	sdelay $0x3  }
0x96: {  	_ =	strace s2  }
0x97: {  	_ =	strace $0x8FFFFFFF  }
0x98: {  	s18 =	sld [smem:$0x3FDB];
	_ =	sdelay $0x1  }
0x99: {  	s19 =	simm.s32 $_scs_section_size  }
0x9a: {  	s4 =	simm.s32 $_size__tile_overlayer_lowered;
	s5 =	simm.s32 $_tile_overlayer_lowered  }
0x9b: {  	s22 =	simm.s32 $0x1BFF;
	s21 =	sshll.u32 s5, $0x1;
	s2 =	sadd.s32 s19, s18  }
0x9c: {  	s6 =	simm.s32 $0x0;
	s20 =	sshll.u32 s4, $0x1;
	s4 =	sadd.s32 s21, s2  }
0x9d: {  	[timem:s6], [sflag:s22] =	dma.local [hbm:s4], s20  }
0x9e: {  	_ =	swait.ge [sflag:s22], s20  }
0x9f: {  	s3 =	ssub.s32 $0x0, s20;
	[sflag:s22] =	ssyncset.done $0x0  }
0xa0: {  	[sflag:s22] =	ssyncadd.s32 s3;
	_ =	sdelay $0x1  }
0xa1: {  	s23 =	simm.s32 $0x1B8B  }
0xa2: {  	_ =	swait.ge [sflag:s23], $0x1  }
0xa3: {  	[sflag:s23] =	ssyncset.done $0x0  }
0xa4: {  	s25 =	simm.s32 $0x1B8E;
	s24 =	sld [smem:$0x3FFE];
	[sflag:s23] =	ssyncadd.s32 $0xFFFFFFFF  }
0xa5: {  	s26 =	simm.s32 $execute0_lowered;
	[smem:$0x3FD2] =	sst s25  }
0xa6: {  	s4 =	sshll.u32 s26, $0x1;
	_ =	strace $0x80000046;
	[dreg:$0x1] =	wrdreg $0xFFFFFFFF  }
0xa7: {  	s28 =	simm.s32 $_size_execute0_lowered;
	s2 =	sadd.s32 s2, s4;
	[dreg:$0x0] =	wrdreg $0x0  }
0xa8: {  	s4 =	sshll.u32 s28, $0x1;
	[dreg:$0x2] =	wrdreg s2  }
0xa9: {  	[dreg:$0x3] =	wrdreg s4  }
0xaa: {  	[dreg:$0x4] =	wrdreg $0xC0  }
0xab: {  	_ =	task [dreg:s6], $0x5FFFF  }
0xac: {  	[dreg:$0x1] =	wrdreg $0xFFFFFFFF  }
0xad: {  	[dreg:$0x0] =	wrdreg $0x60  }
0xae: {  	[dreg:$0x2] =	wrdreg s24  }
0xaf: {  	[dreg:$0x3] =	wrdreg $0x9  }
0xb0: {  	_ =	task.clear_ibuf [dreg:s6], $0x4FFFF;
	_ =	strace $0x90000046  }
0xb1: {  	s29 =	simm.s32 $0x9;
	_ =	strace $0x80000048  }
0xb2: {  	_ =	swait.ge [sflag:s29], $0x1  }
0xb3: {  	[sflag:s29] =	ssyncadd.s32 $0xFFFFFFFF  }
0xb4: {  	_ =	strace $0x90000048  }
0xb5: {  	_ =	sfence  }
0xb6: {  	s30 =	sld [smem:$0x0];
	_ =	sdelay $0x2  }
0xb7: {  	s31 =	sshll.u32 s1, $0xD;
	s1 =	sshrl.u32 s1, $0x2  }
0xb8: {  	s3 =	sand.u32 $0x4000, s31;
	s1 =	sadd.s32 s1, s30  }
0xb9: {  	s0 =	sor.u32 s3, s0;
	s1 =	sshll.u32 s1, $0x11  }
0xba: {  	s0 =	sor.u32 s1, s0  }
0xbb: {  	s0 =	sadd.s32 $0x8F2B, s0  }
0xbc: {  	[sflag:s0] =	ssyncadd.remote.s32 $0x1  }
0xbd: {  	_ =	sfence.sel $0xFFFF  }
0xbe: {  	[dreg:$0x0] =	wrdreg $0xFFFFFFFF;
	(pc) =	sbr.abs _section_cstart, $3  }
0xbf: {  	[dreg:$0x1] =	wrdreg $0xFFFFFFFF  }
0xc0: {  	_ =	task.clear_ibuf [dreg:s6], $0x2FFFF;
	_ =	strace $0x9FFFFFFF  }
0xc1: {  	(tm) =	ssettm $0x7FFFFFFF  }
tec
execute0_lowered:
.L_overlay_start_1:
0x0: {  	(tag) =	ssettag $0x1  }
0x1: {  	s0 =	srdreg.scid;
	s5 =	rddreg [dreg:$0x0]  }
0x2: {  	s2 =	simm.s32 $0x0;
	s11 =	simm.s32 $0x2B20;
	s12 =	simm.s32 $0x1  }
0x3: {  	s13 =	simm.s32 $0x2;
	s14 =	simm.s32 $0x3;
	s4 =	sand.u32 $0x1, s0  }
0x4: {  	s0 =	stileid.u32;
	s1 =	sshll.u32 s4, $0x4;
	s8 =	smul.u32 $0x28000, s4  }
0x5: {  	s15 =	simm.s32 $0x0;
	s9 =	smul.u32 $0x2800, s0;
	s6 =	sor.u32 s0, s1  }
0x6: {  	[smem:$0x7FF] =	sst s2;
	s3 =	sadd.s32 $0x1A00, s5;
	s7 =	smul.u32 $0x4E2, s6  }
0x7: {  	s4 =	ssub.s32 $0x2, s4;
	s1 =	rddreg [dreg:$0x1];
	s6 =	smul.u32 $0x500, s6  }
.Ltmp0:
0x8: {  	s30 =	sshrl.u32 s4, $0x1;
	s9 =	sadd.s32 s9, s8;
	(pc) =	sbr.rel .LBB2_1-.Ltmp0, $4  }
0x9: {  	_ =	strace $0x80000047;
	s31 =	ssub.s32 s4, s30;
	s10 =	sadd.s32 $0xC00, s9  }
0xa: {  	s9 =	sadd.s32 $0x800, s9;
	s7 =	sadd.s32 s7, s5;
	s4 =	sadd.s32 s3, s6  }
0xb: {  	s10 =	sshrl.u32 s10, $0x3;
	s5 =	sadd.s32 $0x80, s4;
	s6 =	sadd.s32 $0xBA00, s7  }
0xc: {  	v0 =	vimm.f32 $0.0e+00;
	v1 =	vimm.f32 $1.000000000e+00;
	s7 =	smax.u32 s31, $0x1;
	s8 =	sadd.s32 s10, s3;
	s10 =	simm.s32 $0x2720  }
.LBB2_6:
0xd: {  	s15 =	sadd.s32 $0x1, s15  }
0xe: {  	p0 =	sne.s32 s15, s7  }
.Ltmp1:
0xf: {  	_ = 	snop;
	(pc) =	sbr.rel @!p0 .LBB2_7-.Ltmp1, $4  }
0x10: {  	[hbm4b:s6+s2] =	stream.linear.scatter [tilespmem:s2], [sflag:$0x3], $0x2710, $0x38;
	[tilespmem:$0x2F20] =	vst v63  }
0x11: {  	_ =	swait.ge [sflag:s14], $0x2710  }
0x12: {  	[sflag:s14] =	ssyncset.done $0x0  }
0x13: {  	[sflag:s14] =	ssyncadd.s32 $0xFFFFD8F0  }
.LBB2_1:
0x14: {  	[tilespmem:s10], [sflag:$0x1] =	stream.linear.gather [hbm4b:s4+s2], $0x400, $0x38;
	[tilespmem:$0x2F20] =	vst v63  }
0x15: {  	s16 =	simm.s32 $0x0  }
0x16: {  	[tilespmem:s11], [sflag:$0x2] =	stream.linear.gather [hbm4b:s5+s2], $0x400, $0x38;
	[tilespmem:$0x2F20] =	vst v63  }
.LBB2_2:
0x17: {  	p0 =	sne.s32 s16, $0x9C40  }
.Ltmp2:
0x18: {  	_ = 	snop;
	(pc) =	sbr.rel @p0 .LBB2_2-.Ltmp2, $3  }
0x19: {  	_ =	sdelay $0x1  }
0x1a: {  	s17 =	sshra.s32 s16, $0x2  }
0x1b: {  	s16 =	sadd.s32 $0x40, s16;
	[tilespmem:s17+$0x0] =	vst v0  }
0x1c: {  	s16 =	simm.s32 $0x0;
	s17 =	smov.u32 s9  }
.LBB2_4:
0x1d: {  	_ =	swait.ge [sflag:s12], $0x400  }
0x1e: {  	[sflag:s12] =	ssyncset.done $0x0  }
0x1f: {  	[sflag:s12] =	ssyncadd.s32 $0xFFFFFC00  }
0x20: {  	v2 =	vld [tilespmem:$0x2720];
	_ =	sdelay $0x7  }
0x21: {  	[tilespmem:v2+s2+$0x0] =	vst.idx.add.f32.msk $0xffff, v1  }
0x22: {  	v2 =	vld [tilespmem:$0x2730];
	_ =	sdelay $0x7  }
0x23: {  	[tilespmem:v2+s2+$0x0] =	vst.idx.add.f32.msk $0xffff, v1  }
0x24: {  	v2 =	vld [tilespmem:$0x2740];
	_ =	sdelay $0x7  }
0x25: {  	[tilespmem:v2+s2+$0x0] =	vst.idx.add.f32.msk $0xffff, v1  }
0x26: {  	v2 =	vld [tilespmem:$0x2750];
	_ =	sdelay $0x7  }
0x27: {  	[tilespmem:v2+s2+$0x0] =	vst.idx.add.f32.msk $0xffff, v1  }
0x28: {  	v2 =	vld [tilespmem:$0x2760];
	_ =	sdelay $0x7  }
0x29: {  	[tilespmem:v2+s2+$0x0] =	vst.idx.add.f32.msk $0xffff, v1  }
0x2a: {  	v2 =	vld [tilespmem:$0x2770];
	_ =	sdelay $0x7  }
0x2b: {  	[tilespmem:v2+s2+$0x0] =	vst.idx.add.f32.msk $0xffff, v1  }
0x2c: {  	v2 =	vld [tilespmem:$0x2780];
	_ =	sdelay $0x7  }
0x2d: {  	[tilespmem:v2+s2+$0x0] =	vst.idx.add.f32.msk $0xffff, v1  }
0x2e: {  	v2 =	vld [tilespmem:$0x2790];
	_ =	sdelay $0x7  }
0x2f: {  	[tilespmem:v2+s2+$0x0] =	vst.idx.add.f32.msk $0xffff, v1  }
0x30: {  	v2 =	vld [tilespmem:$0x27A0];
	_ =	sdelay $0x7  }
0x31: {  	[tilespmem:v2+s2+$0x0] =	vst.idx.add.f32.msk $0xffff, v1  }
0x32: {  	v2 =	vld [tilespmem:$0x27B0];
	_ =	sdelay $0x7  }
0x33: {  	[tilespmem:v2+s2+$0x0] =	vst.idx.add.f32.msk $0xffff, v1  }
0x34: {  	v2 =	vld [tilespmem:$0x27C0];
	_ =	sdelay $0x7  }
0x35: {  	[tilespmem:v2+s2+$0x0] =	vst.idx.add.f32.msk $0xffff, v1  }
0x36: {  	v2 =	vld [tilespmem:$0x27D0];
	_ =	sdelay $0x7  }
0x37: {  	[tilespmem:v2+s2+$0x0] =	vst.idx.add.f32.msk $0xffff, v1  }
0x38: {  	v2 =	vld [tilespmem:$0x27E0];
	_ =	sdelay $0x7  }
0x39: {  	[tilespmem:v2+s2+$0x0] =	vst.idx.add.f32.msk $0xffff, v1  }
0x3a: {  	v2 =	vld [tilespmem:$0x27F0];
	_ =	sdelay $0x7  }
0x3b: {  	[tilespmem:v2+s2+$0x0] =	vst.idx.add.f32.msk $0xffff, v1  }
0x3c: {  	v2 =	vld [tilespmem:$0x2800];
	_ =	sdelay $0x7  }
0x3d: {  	[tilespmem:v2+s2+$0x0] =	vst.idx.add.f32.msk $0xffff, v1  }
0x3e: {  	v2 =	vld [tilespmem:$0x2810];
	_ =	sdelay $0x7  }
0x3f: {  	[tilespmem:v2+s2+$0x0] =	vst.idx.add.f32.msk $0xffff, v1  }
0x40: {  	v2 =	vld [tilespmem:$0x2820];
	_ =	sdelay $0x7  }
0x41: {  	[tilespmem:v2+s2+$0x0] =	vst.idx.add.f32.msk $0xffff, v1  }
0x42: {  	v2 =	vld [tilespmem:$0x2830];
	_ =	sdelay $0x7  }
0x43: {  	[tilespmem:v2+s2+$0x0] =	vst.idx.add.f32.msk $0xffff, v1  }
0x44: {  	v2 =	vld [tilespmem:$0x2840];
	_ =	sdelay $0x7  }
0x45: {  	[tilespmem:v2+s2+$0x0] =	vst.idx.add.f32.msk $0xffff, v1  }
0x46: {  	v2 =	vld [tilespmem:$0x2850];
	_ =	sdelay $0x7  }
0x47: {  	[tilespmem:v2+s2+$0x0] =	vst.idx.add.f32.msk $0xffff, v1  }
0x48: {  	v2 =	vld [tilespmem:$0x2860];
	_ =	sdelay $0x7  }
0x49: {  	[tilespmem:v2+s2+$0x0] =	vst.idx.add.f32.msk $0xffff, v1  }
0x4a: {  	v2 =	vld [tilespmem:$0x2870];
	_ =	sdelay $0x7  }
0x4b: {  	[tilespmem:v2+s2+$0x0] =	vst.idx.add.f32.msk $0xffff, v1  }
0x4c: {  	v2 =	vld [tilespmem:$0x2880];
	_ =	sdelay $0x7  }
0x4d: {  	[tilespmem:v2+s2+$0x0] =	vst.idx.add.f32.msk $0xffff, v1  }
0x4e: {  	v2 =	vld [tilespmem:$0x2890];
	_ =	sdelay $0x7  }
0x4f: {  	[tilespmem:v2+s2+$0x0] =	vst.idx.add.f32.msk $0xffff, v1  }
0x50: {  	v2 =	vld [tilespmem:$0x28A0];
	_ =	sdelay $0x7  }
0x51: {  	[tilespmem:v2+s2+$0x0] =	vst.idx.add.f32.msk $0xffff, v1  }
0x52: {  	v2 =	vld [tilespmem:$0x28B0];
	_ =	sdelay $0x7  }
0x53: {  	[tilespmem:v2+s2+$0x0] =	vst.idx.add.f32.msk $0xffff, v1  }
0x54: {  	v2 =	vld [tilespmem:$0x28C0];
	_ =	sdelay $0x7  }
0x55: {  	[tilespmem:v2+s2+$0x0] =	vst.idx.add.f32.msk $0xffff, v1  }
0x56: {  	v2 =	vld [tilespmem:$0x28D0];
	_ =	sdelay $0x7  }
0x57: {  	[tilespmem:v2+s2+$0x0] =	vst.idx.add.f32.msk $0xffff, v1  }
0x58: {  	v2 =	vld [tilespmem:$0x28E0];
	_ =	sdelay $0x7  }
0x59: {  	[tilespmem:v2+s2+$0x0] =	vst.idx.add.f32.msk $0xffff, v1  }
0x5a: {  	v2 =	vld [tilespmem:$0x28F0];
	_ =	sdelay $0x7  }
0x5b: {  	[tilespmem:v2+s2+$0x0] =	vst.idx.add.f32.msk $0xffff, v1  }
0x5c: {  	v2 =	vld [tilespmem:$0x2900];
	_ =	sdelay $0x7  }
0x5d: {  	[tilespmem:v2+s2+$0x0] =	vst.idx.add.f32.msk $0xffff, v1  }
0x5e: {  	v2 =	vld [tilespmem:$0x2910];
	_ =	sdelay $0x7  }
0x5f: {  	[tilespmem:v2+s2+$0x0] =	vst.idx.add.f32.msk $0xffff, v1  }
0x60: {  	v2 =	vld [tilespmem:$0x2920];
	_ =	sdelay $0x7  }
0x61: {  	[tilespmem:v2+s2+$0x0] =	vst.idx.add.f32.msk $0xffff, v1  }
0x62: {  	v2 =	vld [tilespmem:$0x2930];
	_ =	sdelay $0x7  }
0x63: {  	[tilespmem:v2+s2+$0x0] =	vst.idx.add.f32.msk $0xffff, v1  }
0x64: {  	v2 =	vld [tilespmem:$0x2940];
	_ =	sdelay $0x7  }
0x65: {  	[tilespmem:v2+s2+$0x0] =	vst.idx.add.f32.msk $0xffff, v1  }
0x66: {  	v2 =	vld [tilespmem:$0x2950];
	_ =	sdelay $0x7  }
0x67: {  	[tilespmem:v2+s2+$0x0] =	vst.idx.add.f32.msk $0xffff, v1  }
0x68: {  	v2 =	vld [tilespmem:$0x2960];
	_ =	sdelay $0x7  }
0x69: {  	[tilespmem:v2+s2+$0x0] =	vst.idx.add.f32.msk $0xffff, v1  }
0x6a: {  	v2 =	vld [tilespmem:$0x2970];
	_ =	sdelay $0x7  }
0x6b: {  	[tilespmem:v2+s2+$0x0] =	vst.idx.add.f32.msk $0xffff, v1  }
0x6c: {  	v2 =	vld [tilespmem:$0x2980];
	_ =	sdelay $0x7  }
0x6d: {  	[tilespmem:v2+s2+$0x0] =	vst.idx.add.f32.msk $0xffff, v1  }
0x6e: {  	v2 =	vld [tilespmem:$0x2990];
	_ =	sdelay $0x7  }
0x6f: {  	[tilespmem:v2+s2+$0x0] =	vst.idx.add.f32.msk $0xffff, v1  }
0x70: {  	v2 =	vld [tilespmem:$0x29A0];
	_ =	sdelay $0x7  }
0x71: {  	[tilespmem:v2+s2+$0x0] =	vst.idx.add.f32.msk $0xffff, v1  }
0x72: {  	v2 =	vld [tilespmem:$0x29B0];
	_ =	sdelay $0x7  }
0x73: {  	[tilespmem:v2+s2+$0x0] =	vst.idx.add.f32.msk $0xffff, v1  }
0x74: {  	v2 =	vld [tilespmem:$0x29C0];
	_ =	sdelay $0x7  }
0x75: {  	[tilespmem:v2+s2+$0x0] =	vst.idx.add.f32.msk $0xffff, v1  }
0x76: {  	v2 =	vld [tilespmem:$0x29D0];
	_ =	sdelay $0x7  }
0x77: {  	[tilespmem:v2+s2+$0x0] =	vst.idx.add.f32.msk $0xffff, v1  }
0x78: {  	v2 =	vld [tilespmem:$0x29E0];
	_ =	sdelay $0x7  }
0x79: {  	[tilespmem:v2+s2+$0x0] =	vst.idx.add.f32.msk $0xffff, v1  }
0x7a: {  	v2 =	vld [tilespmem:$0x29F0];
	_ =	sdelay $0x7  }
0x7b: {  	[tilespmem:v2+s2+$0x0] =	vst.idx.add.f32.msk $0xffff, v1  }
0x7c: {  	v2 =	vld [tilespmem:$0x2A00];
	_ =	sdelay $0x7  }
0x7d: {  	[tilespmem:v2+s2+$0x0] =	vst.idx.add.f32.msk $0xffff, v1  }
0x7e: {  	v2 =	vld [tilespmem:$0x2A10];
	_ =	sdelay $0x7  }
0x7f: {  	[tilespmem:v2+s2+$0x0] =	vst.idx.add.f32.msk $0xffff, v1  }
0x80: {  	v2 =	vld [tilespmem:$0x2A20];
	_ =	sdelay $0x7  }
0x81: {  	[tilespmem:v2+s2+$0x0] =	vst.idx.add.f32.msk $0xffff, v1  }
0x82: {  	v2 =	vld [tilespmem:$0x2A30];
	_ =	sdelay $0x7  }
0x83: {  	[tilespmem:v2+s2+$0x0] =	vst.idx.add.f32.msk $0xffff, v1  }
0x84: {  	v2 =	vld [tilespmem:$0x2A40];
	_ =	sdelay $0x7  }
0x85: {  	[tilespmem:v2+s2+$0x0] =	vst.idx.add.f32.msk $0xffff, v1  }
0x86: {  	v2 =	vld [tilespmem:$0x2A50];
	_ =	sdelay $0x7  }
0x87: {  	[tilespmem:v2+s2+$0x0] =	vst.idx.add.f32.msk $0xffff, v1  }
0x88: {  	v2 =	vld [tilespmem:$0x2A60];
	_ =	sdelay $0x7  }
0x89: {  	[tilespmem:v2+s2+$0x0] =	vst.idx.add.f32.msk $0xffff, v1  }
0x8a: {  	v2 =	vld [tilespmem:$0x2A70];
	_ =	sdelay $0x7  }
0x8b: {  	[tilespmem:v2+s2+$0x0] =	vst.idx.add.f32.msk $0xffff, v1  }
0x8c: {  	v2 =	vld [tilespmem:$0x2A80];
	_ =	sdelay $0x7  }
0x8d: {  	[tilespmem:v2+s2+$0x0] =	vst.idx.add.f32.msk $0xffff, v1  }
0x8e: {  	v2 =	vld [tilespmem:$0x2A90];
	_ =	sdelay $0x7  }
0x8f: {  	[tilespmem:v2+s2+$0x0] =	vst.idx.add.f32.msk $0xffff, v1  }
0x90: {  	v2 =	vld [tilespmem:$0x2AA0];
	_ =	sdelay $0x7  }
0x91: {  	[tilespmem:v2+s2+$0x0] =	vst.idx.add.f32.msk $0xffff, v1  }
0x92: {  	v2 =	vld [tilespmem:$0x2AB0];
	_ =	sdelay $0x7  }
0x93: {  	[tilespmem:v2+s2+$0x0] =	vst.idx.add.f32.msk $0xffff, v1  }
0x94: {  	v2 =	vld [tilespmem:$0x2AC0];
	_ =	sdelay $0x7  }
0x95: {  	[tilespmem:v2+s2+$0x0] =	vst.idx.add.f32.msk $0xffff, v1  }
0x96: {  	v2 =	vld [tilespmem:$0x2AD0];
	_ =	sdelay $0x7  }
0x97: {  	[tilespmem:v2+s2+$0x0] =	vst.idx.add.f32.msk $0xffff, v1  }
0x98: {  	v2 =	vld [tilespmem:$0x2AE0];
	_ =	sdelay $0x7  }
0x99: {  	[tilespmem:v2+s2+$0x0] =	vst.idx.add.f32.msk $0xffff, v1  }
0x9a: {  	v2 =	vld [tilespmem:$0x2AF0];
	_ =	sdelay $0x7  }
0x9b: {  	[tilespmem:v2+s2+$0x0] =	vst.idx.add.f32.msk $0xffff, v1  }
0x9c: {  	v2 =	vld [tilespmem:$0x2B00];
	_ =	sdelay $0x7  }
0x9d: {  	[tilespmem:v2+s2+$0x0] =	vst.idx.add.f32.msk $0xffff, v1  }
0x9e: {  	v2 =	vld [tilespmem:$0x2B10];
	_ =	sdelay $0x5  }
0x9f: {  	p0 =	seq.s32 s16, $0x400  }
0xa0: {  	s18 =	sshrl.u32 @!p0 s17, $0x3  }
0xa1: {  	s19 =	simm.s32 @!p0 $0x0;
	s20 =	simm.s32 @!p0 $0x2720;
	s18 =	sadd.s32 @!p0 s3, s18;
	[tilespmem:v2+s2+$0x0] =	vst.idx.add.f32.msk $0xffff, v1  }
0xa2: {  	[tilespmem:s20], [sflag:$0x1] =	stream.linear.gather @!p0 [hbm4b:s18+s19], $0x400, $0x38;
	[tilespmem:$0x2F20] =	vst v63  }
0xa3: {  	_ =	swait.ge [sflag:s13], $0x400  }
0xa4: {  	[sflag:s13] =	ssyncset.done $0x0  }
0xa5: {  	[sflag:s13] =	ssyncadd.s32 $0xFFFFFC00  }
0xa6: {  	v2 =	vld [tilespmem:$0x2B20];
	_ =	sdelay $0x7  }
0xa7: {  	[tilespmem:v2+s2+$0x0] =	vst.idx.add.f32.msk $0xffff, v1  }
0xa8: {  	v2 =	vld [tilespmem:$0x2B30];
	_ =	sdelay $0x7  }
0xa9: {  	[tilespmem:v2+s2+$0x0] =	vst.idx.add.f32.msk $0xffff, v1  }
0xaa: {  	v2 =	vld [tilespmem:$0x2B40];
	_ =	sdelay $0x7  }
0xab: {  	[tilespmem:v2+s2+$0x0] =	vst.idx.add.f32.msk $0xffff, v1  }
0xac: {  	v2 =	vld [tilespmem:$0x2B50];
	_ =	sdelay $0x7  }
0xad: {  	[tilespmem:v2+s2+$0x0] =	vst.idx.add.f32.msk $0xffff, v1  }
0xae: {  	v2 =	vld [tilespmem:$0x2B60];
	_ =	sdelay $0x7  }
0xaf: {  	[tilespmem:v2+s2+$0x0] =	vst.idx.add.f32.msk $0xffff, v1  }
0xb0: {  	v2 =	vld [tilespmem:$0x2B70];
	_ =	sdelay $0x7  }
0xb1: {  	[tilespmem:v2+s2+$0x0] =	vst.idx.add.f32.msk $0xffff, v1  }
0xb2: {  	v2 =	vld [tilespmem:$0x2B80];
	_ =	sdelay $0x7  }
0xb3: {  	[tilespmem:v2+s2+$0x0] =	vst.idx.add.f32.msk $0xffff, v1  }
0xb4: {  	v2 =	vld [tilespmem:$0x2B90];
	_ =	sdelay $0x7  }
0xb5: {  	[tilespmem:v2+s2+$0x0] =	vst.idx.add.f32.msk $0xffff, v1  }
0xb6: {  	v2 =	vld [tilespmem:$0x2BA0];
	_ =	sdelay $0x7  }
0xb7: {  	[tilespmem:v2+s2+$0x0] =	vst.idx.add.f32.msk $0xffff, v1  }
0xb8: {  	v2 =	vld [tilespmem:$0x2BB0];
	_ =	sdelay $0x7  }
0xb9: {  	[tilespmem:v2+s2+$0x0] =	vst.idx.add.f32.msk $0xffff, v1  }
0xba: {  	v2 =	vld [tilespmem:$0x2BC0];
	_ =	sdelay $0x7  }
0xbb: {  	[tilespmem:v2+s2+$0x0] =	vst.idx.add.f32.msk $0xffff, v1  }
0xbc: {  	v2 =	vld [tilespmem:$0x2BD0];
	_ =	sdelay $0x7  }
0xbd: {  	[tilespmem:v2+s2+$0x0] =	vst.idx.add.f32.msk $0xffff, v1  }
0xbe: {  	v2 =	vld [tilespmem:$0x2BE0];
	_ =	sdelay $0x7  }
0xbf: {  	[tilespmem:v2+s2+$0x0] =	vst.idx.add.f32.msk $0xffff, v1  }
0xc0: {  	v2 =	vld [tilespmem:$0x2BF0];
	_ =	sdelay $0x7  }
0xc1: {  	[tilespmem:v2+s2+$0x0] =	vst.idx.add.f32.msk $0xffff, v1  }
0xc2: {  	v2 =	vld [tilespmem:$0x2C00];
	_ =	sdelay $0x7  }
0xc3: {  	[tilespmem:v2+s2+$0x0] =	vst.idx.add.f32.msk $0xffff, v1  }
0xc4: {  	v2 =	vld [tilespmem:$0x2C10];
	_ =	sdelay $0x7  }
0xc5: {  	[tilespmem:v2+s2+$0x0] =	vst.idx.add.f32.msk $0xffff, v1  }
0xc6: {  	v2 =	vld [tilespmem:$0x2C20];
	_ =	sdelay $0x7  }
0xc7: {  	[tilespmem:v2+s2+$0x0] =	vst.idx.add.f32.msk $0xffff, v1  }
0xc8: {  	v2 =	vld [tilespmem:$0x2C30];
	_ =	sdelay $0x7  }
0xc9: {  	[tilespmem:v2+s2+$0x0] =	vst.idx.add.f32.msk $0xffff, v1  }
0xca: {  	v2 =	vld [tilespmem:$0x2C40];
	_ =	sdelay $0x7  }
0xcb: {  	[tilespmem:v2+s2+$0x0] =	vst.idx.add.f32.msk $0xffff, v1  }
0xcc: {  	v2 =	vld [tilespmem:$0x2C50];
	_ =	sdelay $0x7  }
0xcd: {  	[tilespmem:v2+s2+$0x0] =	vst.idx.add.f32.msk $0xffff, v1  }
0xce: {  	v2 =	vld [tilespmem:$0x2C60];
	_ =	sdelay $0x7  }
0xcf: {  	[tilespmem:v2+s2+$0x0] =	vst.idx.add.f32.msk $0xffff, v1  }
0xd0: {  	v2 =	vld [tilespmem:$0x2C70];
	_ =	sdelay $0x7  }
0xd1: {  	[tilespmem:v2+s2+$0x0] =	vst.idx.add.f32.msk $0xffff, v1  }
0xd2: {  	v2 =	vld [tilespmem:$0x2C80];
	_ =	sdelay $0x7  }
0xd3: {  	[tilespmem:v2+s2+$0x0] =	vst.idx.add.f32.msk $0xffff, v1  }
0xd4: {  	v2 =	vld [tilespmem:$0x2C90];
	_ =	sdelay $0x7  }
0xd5: {  	[tilespmem:v2+s2+$0x0] =	vst.idx.add.f32.msk $0xffff, v1  }
0xd6: {  	v2 =	vld [tilespmem:$0x2CA0];
	_ =	sdelay $0x7  }
0xd7: {  	[tilespmem:v2+s2+$0x0] =	vst.idx.add.f32.msk $0xffff, v1  }
0xd8: {  	v2 =	vld [tilespmem:$0x2CB0];
	_ =	sdelay $0x7  }
0xd9: {  	[tilespmem:v2+s2+$0x0] =	vst.idx.add.f32.msk $0xffff, v1  }
0xda: {  	v2 =	vld [tilespmem:$0x2CC0];
	_ =	sdelay $0x7  }
0xdb: {  	[tilespmem:v2+s2+$0x0] =	vst.idx.add.f32.msk $0xffff, v1  }
0xdc: {  	v2 =	vld [tilespmem:$0x2CD0];
	_ =	sdelay $0x7  }
0xdd: {  	[tilespmem:v2+s2+$0x0] =	vst.idx.add.f32.msk $0xffff, v1  }
0xde: {  	v2 =	vld [tilespmem:$0x2CE0];
	_ =	sdelay $0x7  }
0xdf: {  	[tilespmem:v2+s2+$0x0] =	vst.idx.add.f32.msk $0xffff, v1  }
0xe0: {  	v2 =	vld [tilespmem:$0x2CF0];
	_ =	sdelay $0x7  }
0xe1: {  	[tilespmem:v2+s2+$0x0] =	vst.idx.add.f32.msk $0xffff, v1  }
0xe2: {  	v2 =	vld [tilespmem:$0x2D00];
	_ =	sdelay $0x7  }
0xe3: {  	[tilespmem:v2+s2+$0x0] =	vst.idx.add.f32.msk $0xffff, v1  }
0xe4: {  	v2 =	vld [tilespmem:$0x2D10];
	_ =	sdelay $0x7  }
0xe5: {  	[tilespmem:v2+s2+$0x0] =	vst.idx.add.f32.msk $0xffff, v1  }
0xe6: {  	v2 =	vld [tilespmem:$0x2D20];
	_ =	sdelay $0x7  }
0xe7: {  	[tilespmem:v2+s2+$0x0] =	vst.idx.add.f32.msk $0xffff, v1  }
0xe8: {  	v2 =	vld [tilespmem:$0x2D30];
	_ =	sdelay $0x7  }
0xe9: {  	[tilespmem:v2+s2+$0x0] =	vst.idx.add.f32.msk $0xffff, v1  }
0xea: {  	v2 =	vld [tilespmem:$0x2D40];
	_ =	sdelay $0x7  }
0xeb: {  	[tilespmem:v2+s2+$0x0] =	vst.idx.add.f32.msk $0xffff, v1  }
0xec: {  	v2 =	vld [tilespmem:$0x2D50];
	_ =	sdelay $0x7  }
0xed: {  	[tilespmem:v2+s2+$0x0] =	vst.idx.add.f32.msk $0xffff, v1  }
0xee: {  	v2 =	vld [tilespmem:$0x2D60];
	_ =	sdelay $0x7  }
0xef: {  	[tilespmem:v2+s2+$0x0] =	vst.idx.add.f32.msk $0xffff, v1  }
0xf0: {  	v2 =	vld [tilespmem:$0x2D70];
	_ =	sdelay $0x7  }
0xf1: {  	[tilespmem:v2+s2+$0x0] =	vst.idx.add.f32.msk $0xffff, v1  }
0xf2: {  	v2 =	vld [tilespmem:$0x2D80];
	_ =	sdelay $0x7  }
0xf3: {  	[tilespmem:v2+s2+$0x0] =	vst.idx.add.f32.msk $0xffff, v1  }
0xf4: {  	v2 =	vld [tilespmem:$0x2D90];
	_ =	sdelay $0x7  }
0xf5: {  	[tilespmem:v2+s2+$0x0] =	vst.idx.add.f32.msk $0xffff, v1  }
0xf6: {  	v2 =	vld [tilespmem:$0x2DA0];
	_ =	sdelay $0x7  }
0xf7: {  	[tilespmem:v2+s2+$0x0] =	vst.idx.add.f32.msk $0xffff, v1  }
0xf8: {  	v2 =	vld [tilespmem:$0x2DB0];
	_ =	sdelay $0x7  }
0xf9: {  	[tilespmem:v2+s2+$0x0] =	vst.idx.add.f32.msk $0xffff, v1  }
0xfa: {  	v2 =	vld [tilespmem:$0x2DC0];
	_ =	sdelay $0x7  }
0xfb: {  	[tilespmem:v2+s2+$0x0] =	vst.idx.add.f32.msk $0xffff, v1  }
0xfc: {  	v2 =	vld [tilespmem:$0x2DD0];
	_ =	sdelay $0x7  }
0xfd: {  	[tilespmem:v2+s2+$0x0] =	vst.idx.add.f32.msk $0xffff, v1  }
0xfe: {  	v2 =	vld [tilespmem:$0x2DE0];
	_ =	sdelay $0x7  }
0xff: {  	[tilespmem:v2+s2+$0x0] =	vst.idx.add.f32.msk $0xffff, v1  }
0x100: {  	v2 =	vld [tilespmem:$0x2DF0];
	_ =	sdelay $0x7  }
0x101: {  	[tilespmem:v2+s2+$0x0] =	vst.idx.add.f32.msk $0xffff, v1  }
0x102: {  	v2 =	vld [tilespmem:$0x2E00];
	_ =	sdelay $0x7  }
0x103: {  	[tilespmem:v2+s2+$0x0] =	vst.idx.add.f32.msk $0xffff, v1  }
0x104: {  	v2 =	vld [tilespmem:$0x2E10];
	_ =	sdelay $0x7  }
0x105: {  	[tilespmem:v2+s2+$0x0] =	vst.idx.add.f32.msk $0xffff, v1  }
0x106: {  	v2 =	vld [tilespmem:$0x2E20];
	_ =	sdelay $0x7  }
0x107: {  	[tilespmem:v2+s2+$0x0] =	vst.idx.add.f32.msk $0xffff, v1  }
0x108: {  	v2 =	vld [tilespmem:$0x2E30];
	_ =	sdelay $0x7  }
0x109: {  	[tilespmem:v2+s2+$0x0] =	vst.idx.add.f32.msk $0xffff, v1  }
0x10a: {  	v2 =	vld [tilespmem:$0x2E40];
	_ =	sdelay $0x7  }
0x10b: {  	[tilespmem:v2+s2+$0x0] =	vst.idx.add.f32.msk $0xffff, v1  }
0x10c: {  	v2 =	vld [tilespmem:$0x2E50];
	_ =	sdelay $0x7  }
0x10d: {  	[tilespmem:v2+s2+$0x0] =	vst.idx.add.f32.msk $0xffff, v1  }
0x10e: {  	v2 =	vld [tilespmem:$0x2E60];
	_ =	sdelay $0x7  }
0x10f: {  	[tilespmem:v2+s2+$0x0] =	vst.idx.add.f32.msk $0xffff, v1  }
0x110: {  	v2 =	vld [tilespmem:$0x2E70];
	_ =	sdelay $0x7  }
0x111: {  	[tilespmem:v2+s2+$0x0] =	vst.idx.add.f32.msk $0xffff, v1  }
0x112: {  	v2 =	vld [tilespmem:$0x2E80];
	_ =	sdelay $0x7  }
0x113: {  	[tilespmem:v2+s2+$0x0] =	vst.idx.add.f32.msk $0xffff, v1  }
0x114: {  	v2 =	vld [tilespmem:$0x2E90];
	_ =	sdelay $0x7  }
0x115: {  	[tilespmem:v2+s2+$0x0] =	vst.idx.add.f32.msk $0xffff, v1  }
0x116: {  	v2 =	vld [tilespmem:$0x2EA0];
	_ =	sdelay $0x7  }
0x117: {  	[tilespmem:v2+s2+$0x0] =	vst.idx.add.f32.msk $0xffff, v1  }
0x118: {  	v2 =	vld [tilespmem:$0x2EB0];
	_ =	sdelay $0x7  }
0x119: {  	[tilespmem:v2+s2+$0x0] =	vst.idx.add.f32.msk $0xffff, v1  }
0x11a: {  	v2 =	vld [tilespmem:$0x2EC0];
	_ =	sdelay $0x7  }
0x11b: {  	[tilespmem:v2+s2+$0x0] =	vst.idx.add.f32.msk $0xffff, v1  }
0x11c: {  	v2 =	vld [tilespmem:$0x2ED0];
	_ =	sdelay $0x7  }
0x11d: {  	[tilespmem:v2+s2+$0x0] =	vst.idx.add.f32.msk $0xffff, v1  }
0x11e: {  	v2 =	vld [tilespmem:$0x2EE0];
	_ =	sdelay $0x7  }
0x11f: {  	[tilespmem:v2+s2+$0x0] =	vst.idx.add.f32.msk $0xffff, v1  }
0x120: {  	v2 =	vld [tilespmem:$0x2EF0];
	_ =	sdelay $0x7  }
0x121: {  	[tilespmem:v2+s2+$0x0] =	vst.idx.add.f32.msk $0xffff, v1  }
0x122: {  	v2 =	vld [tilespmem:$0x2F00];
	_ =	sdelay $0x7  }
0x123: {  	[tilespmem:v2+s2+$0x0] =	vst.idx.add.f32.msk $0xffff, v1  }
0x124: {  	v2 =	vld [tilespmem:$0x2F10];
	_ =	sdelay $0x3  }
.Ltmp3:
0x125: {  	_ = 	snop;
	(pc) =	sbr.rel @p0 .LBB2_6-.Ltmp3, $2  }
0x126: {  	_ =	sdelay $0x2  }
0x127: {  	[tilespmem:v2+s2+$0x0] =	vst.idx.add.f32.msk $0xffff, v1  }
.Ltmp4:
0x128: {  	(pc) =	sbr.rel .LBB2_4-.Ltmp4, $3  }
0x129: {  	_ =	sdelay $0x1  }
0x12a: {  	s18 =	sadd.s32 s16, s8;
	s16 =	sadd.s32 $0x100, s16;
	s17 =	sadd.s32 $0x800, s17  }
0x12b: {  	[tilespmem:s11], [sflag:$0x2] =	stream.linear.gather [hbm4b:s18+s2], $0x400, $0x38;
	[tilespmem:$0x2F20] =	vst v63  }
.LBB2_7:
0x12c: {  	_ =	sfence.sel $0x180000  }
0x12d: {  	[bflag:$0x0] =	sbarrier.arrive $0xFFFF  }
0x12e: {  	p0 =	sne.s32 s0, $0x0;
	_ =	strace $0x90000047  }
0x12f: {  	s0 =	sadd.s32 @!p0 $0x100000, s1;
	[bflag:$0x2] =	sbarrier.arrive $0xFFFF  }
0x130: {  	[sflag:s0] =	ssyncadd.tile.s32 @!p0 $0x1;
	_ =	shalt  }
.Lfunc_end2:
_tile_overlayer_lowered:
.L_overlay_start_2:
0x131: {  	(tag) =	ssettag $0x2  }
0x132: {  	s0 =	rddreg [dreg:$0x0];
	s2 =	stileid.u32  }
0x133: {  	s1 =	rddreg [dreg:$0x1];
	p0 =	sne.s32 s2, $0x0  }
0x134: {  	s3 =	rddreg [dreg:$0x2];
	[bflag:$0x3] =	sbarrier.arrive $0xFFFF;
	s2 =	simm.s32 @!p0 $0x1C03  }
0x135: {  	[timem:s3], [sflag:s2] =	dma.local @!p0 [hbm:s0], s1  }
0x136: {  	s0 =	simm.s32 @!p0 $0x3  }
0x137: {  	_ =	swait.ge @!p0 [sflag:s0], s1  }
0x138: {  	s1 =	ssub.s32 @!p0 $0x0, s1;
	[sflag:s0] =	ssyncset.done @!p0 $0x0  }
0x139: {  	[sflag:s0] =	ssyncadd.s32 @!p0 s1  }
0x13a: {  	[bflag:$0x3] =	sbarrier.arrive $0xFFFF  }
0x13b: {  	_ =	shalt  }

</sc_bundles>
